<compile_context>
chip_gen: v7x
topology: tpu7x:2x2x1
jax: 0.10.2.dev20260603
libtpu: 0.0.44.dev20260713+nightly
codegen_flags: <defaults>
</compile_context>

<pallas_src>
import functools
import math

import jax
import jax.numpy as jnp
from jax import lax
from jax.experimental import pallas as pl
from jax.experimental.pallas import tpu as pltpu
from jax.experimental.pallas import tpu_sc as plsc

N = 10000
NPAD = 10240
E = 320000
EPAD = 327680
B = 16
NW = 32
EBLK = 80
EW = 128
EHALF = EBLK // 2
RPT = NPAD // 16

_HI = lax.Precision.HIGHEST
_IMIN = -2147483648


def _dot(a, b, dims):
    return lax.dot_general(a, b, (dims, ((), ())), precision=_HI,
                           preferred_element_type=jnp.float32)



RB = 1280
NB = NPAD // RB


def _mm_body(h_ref, w_ref, o_ref):
    o_ref[...] = _dot(h_ref[...], w_ref[...], ((1,), (0,)))


def _mm(h, W):
    return pl.pallas_call(
        _mm_body,
        out_shape=jax.ShapeDtypeStruct((h.shape[0], W.shape[1]), jnp.float32),
    )(h, W)


def _mm_scaled_body(h_ref, sm_ref, w_ref, o_ref):
    o_ref[...] = _dot(sm_ref[...] * h_ref[...], w_ref[...], ((1,), (0,)))


def _mm_scaled(h, sm, W):
    return pl.pallas_call(
        _mm_scaled_body,
        out_shape=jax.ShapeDtypeStruct((h.shape[0], W.shape[1]), jnp.float32),
    )(h, sm, W)


def _prep_body(f, degp_ref, mb_ref, xw_ref, y_ref, ds_ref, dis2_ref):
    deg = 1.0 + jnp.sum(degp_ref[...], axis=1, keepdims=True)
    dis = lax.rsqrt(deg)
    ds = dis * mb_ref[:, 0:1]
    ds_ref[...] = ds
    dis2_ref[...] = dis * dis
    y_ref[:, :f] = ds * xw_ref[...]
    if f < 128:
        y_ref[:, f:] = jnp.zeros((NPAD, 128 - f), jnp.float32)


def _prep(degp_t, mb, xw):
    f = xw.shape[1]
    return pl.pallas_call(
        functools.partial(_prep_body, f),
        out_shape=(
            jax.ShapeDtypeStruct((NPAD, 128), jnp.float32),
            jax.ShapeDtypeStruct((NPAD, 1), jnp.float32),
            jax.ShapeDtypeStruct((NPAD, 1), jnp.float32),
        ),
    )(degp_t, mb, xw)


def _conv_out(aggp_ref, xw_ref, ds_ref, dis2_ref, b_ref):
    a = aggp_ref[...]
    agg = (ds_ref[...] * (a[0] + a[1]) + xw_ref[...] * dis2_ref[...]
           + b_ref[...])
    return jnp.maximum(agg, 0.0)


def _count(pred):
    return jnp.sum(jnp.where(pred, 1, 0))


def _conv_score_body(aggp_ref, xw_ref, ds_ref, dis2_ref, b_ref, pw_ref,
                     h_ref, s_ref):
    h1 = _conv_out(aggp_ref, xw_ref, ds_ref, dis2_ref, b_ref)
    h_ref[...] = h1
    s_ref[...] = _dot(h1, pw_ref[...], ((1,), (0,)))


def _conv_score(aggp, xw, ds, dis2, b, pw):
    f = xw.shape[1]
    return pl.pallas_call(
        _conv_score_body,
        grid=(NB,),
        in_specs=[
            pl.BlockSpec((2, RB, f), lambda i: (0, i, 0)),
            pl.BlockSpec((RB, f), lambda i: (i, 0)),
            pl.BlockSpec((RB, 1), lambda i: (i, 0)),
            pl.BlockSpec((RB, 1), lambda i: (i, 0)),
            pl.BlockSpec((1, f), lambda i: (0, 0)),
            pl.BlockSpec((f, 1), lambda i: (0, 0)),
        ],
        out_specs=[
            pl.BlockSpec((RB, f), lambda i: (i, 0)),
            pl.BlockSpec((RB, 1), lambda i: (i, 0)),
        ],
        out_shape=(
            jax.ShapeDtypeStruct((NPAD, f), jnp.float32),
            jax.ShapeDtypeStruct((NPAD, 1), jnp.float32),
        ),
    )(aggp, xw, ds, dis2, b.reshape(1, f), pw.reshape(f, 1))


def _select_body(k, s_ref, mb_ref, pw_ref, sm_ref, mb_out_ref):
    pw = pw_ref[...]
    pwn = jnp.sqrt(jnp.sum(pw * pw)) + 1e-16
    score = jnp.tanh(s_ref[...] / pwn)

    valid = mb_ref[:, 0:1] > 0.0
    bk = lax.bitcast_convert_type(score, jnp.int32)
    key = jnp.where(bk >= 0, bk, bk ^ jnp.int32(0x7FFFFFFF))
    key = jnp.where(valid, key, jnp.int32(_IMIN))

    nonneg = _count(key >= 0)
    lo = jnp.where(nonneg >= k, jnp.int32(0), jnp.int32(_IMIN))
    hi = jnp.where(nonneg >= k, jnp.int32(2147483647), jnp.int32(-1))

    def bis(_, lh):
        lo, hi = lh
        mid = lo + ((hi - lo) >> 1)
        down = _count(key > mid) < k
        return (jnp.where(down, lo, mid + 1), jnp.where(down, mid, hi))

    lo, _hi = lax.fori_loop(0, 31, bis, (lo, hi))
    t = lo
    need = k - _count(key > t)
    idx = lax.broadcasted_iota(jnp.int32, (NPAD, 1), 0)
    eq = key == t

    def bis2(_, lh):
        lo, hi = lh
        mid = lo + ((hi - lo) >> 1)
        down = _count(eq & (idx <= mid)) >= need
        return (jnp.where(down, lo, mid + 1), jnp.where(down, mid, hi))

    j, _ = lax.fori_loop(0, 14, bis2, (jnp.int32(0), jnp.int32(NPAD - 1)))
    sel = (key > t) | (eq & (idx <= j))
    mnew = jnp.where(sel, 1.0, 0.0)
    sm_ref[...] = score * mnew
    mb_out_ref[...] = jnp.broadcast_to(mnew, (NPAD, 16))


def _select(s, mb, pw, k):
    f = pw.shape[0]
    return pl.pallas_call(
        functools.partial(_select_body, k),
        out_shape=(
            jax.ShapeDtypeStruct((NPAD, 1), jnp.float32),
            jax.ShapeDtypeStruct((NPAD, 16), jnp.float32),
        ),
    )(s, mb, pw.reshape(f, 1))


def _final_body(aggp_ref, xw_ref, ds_ref, dis2_ref, mb_ref, bt_ref, b_ref,
                lw_ref, lb_ref, o_ref, acc_s, acc_c):
    i = pl.program_id(0)
    h1 = _conv_out(aggp_ref, xw_ref, ds_ref, dis2_ref, b_ref)
    mcol = mb_ref[:, 0:1]
    hm = h1 * mcol
    cols = lax.broadcasted_iota(jnp.int32, (RB, B), 1)
    oh = jnp.where((bt_ref[...] == cols) & (mcol > 0.0), 1.0, 0.0)
    bs = _dot(oh, hm, ((0,), (0,)))
    bc = _dot(oh, jnp.ones((RB, 1), jnp.float32), ((0,), (0,)))

    @pl.when(i == 0)
    def _():
        acc_s[...] = bs
        acc_c[...] = bc

    @pl.when(i != 0)
    def _():
        acc_s[...] += bs
        acc_c[...] += bc

    @pl.when(i == NB - 1)
    def _():
        mean = acc_s[...] / jnp.maximum(acc_c[...], 1.0)
        o_ref[...] = ((_dot(mean, lw_ref[...], ((1,), (0,))) + lb_ref[...])
                      * 100.0)


def _final(aggp, xw, ds, dis2, mb, bt, b, lw, lb):
    return pl.pallas_call(
        _final_body,
        grid=(NB,),
        in_specs=[
            pl.BlockSpec((2, RB, 16), lambda i: (0, i, 0)),
            pl.BlockSpec((RB, 16), lambda i: (i, 0)),
            pl.BlockSpec((RB, 1), lambda i: (i, 0)),
            pl.BlockSpec((RB, 1), lambda i: (i, 0)),
            pl.BlockSpec((RB, 16), lambda i: (i, 0)),
            pl.BlockSpec((RB, 1), lambda i: (i, 0)),
            pl.BlockSpec((1, 16), lambda i: (0, 0)),
            pl.BlockSpec((16, 1), lambda i: (0, 0)),
            pl.BlockSpec((1, 1), lambda i: (0, 0)),
        ],
        out_specs=pl.BlockSpec((B, 1), lambda i: (0, 0)),
        out_shape=jax.ShapeDtypeStruct((B, 1), jnp.float32),
        scratch_shapes=[
            pltpu.VMEM((B, 16), jnp.float32),
            pltpu.VMEM((B, 1), jnp.float32),
        ],
    )(aggp, xw, ds, dis2, mb, bt, b.reshape(1, 16), lw, lb.reshape(1, 1))



def _gs(y, src_b, dst_b):
    f = 128
    mesh = plsc.VectorSubcoreMesh(core_axis_name="c", subcore_axis_name="s")

    @functools.partial(
        pl.kernel,
        out_type=jax.ShapeDtypeStruct((2 * NPAD, f), jnp.float32),
        mesh=mesh,
        scratch_types=[
            pltpu.VMEM((EHALF, EW), jnp.int32),
            pltpu.VMEM((EHALF, EW), jnp.int32),
            pltpu.VMEM((EW, f), jnp.float32),
            pltpu.VMEM((EW, f), jnp.float32),
            pltpu.VMEM_SHARED((NPAD, f), jnp.float32),
            pltpu.SemaphoreType.DMA,
            pltpu.SemaphoreType.DMA,
            pltpu.SemaphoreType.DMA,
            pltpu.SemaphoreType.DMA,
        ],
    )
    def k(y_hbm, src_hbm, dst_hbm, out_hbm, src_v, dst_v, buf0, buf1,
          acc_sh, sem0, sem1, ssem0, ssem1):
        cid = lax.axis_index("c")
        sid = lax.axis_index("s")
        wid = cid * 16 + sid
        y_from = y_hbm

        @pl.loop(0, EW)
        def _(i):
            @pl.loop(0, f, step=16)
            def _(j):
                buf0[i, pl.ds(j, 16)] = jnp.zeros((16,), jnp.float32)

        @pl.loop(0, RPT, step=EW)
        def _(r):
            pltpu.sync_copy(buf0, acc_sh.at[pl.ds(sid * RPT + r, EW)])

        plsc.subcore_barrier()

        for half in range(2):
            pltpu.sync_copy(src_hbm.at[wid, pl.ds(half * EHALF, EHALF)],
                            src_v)
            pltpu.sync_copy(dst_hbm.at[wid, pl.ds(half * EHALF, EHALF)],
                            dst_v)
            pltpu.async_copy(y_from.at[src_v.at[0]], buf0, sem0)
            pltpu.async_copy(y_from.at[src_v.at[1]], buf1, sem1)

            @pl.loop(0, EHALF, step=2)
            def _(i):
                pltpu.make_async_copy(y_from.at[src_v.at[i]], buf0,
                                      sem0).wait()
                pltpu.async_copy(buf0, acc_sh.at[dst_v.at[i]], ssem0,
                                 add=True)
                pltpu.make_async_copy(y_from.at[src_v.at[i + 1]], buf1,
                                      sem1).wait()
                pltpu.async_copy(buf1, acc_sh.at[dst_v.at[i + 1]], ssem1,
                                 add=True)
                pltpu.make_async_copy(buf0, acc_sh.at[dst_v.at[i]],
                                      ssem0).wait()

                @pl.when(i + 2 < EHALF)
                def _():
                    pltpu.async_copy(y_from.at[src_v.at[i + 2]], buf0, sem0)

                pltpu.make_async_copy(buf1, acc_sh.at[dst_v.at[i + 1]],
                                      ssem1).wait()

                @pl.when(i + 3 < EHALF)
                def _():
                    pltpu.async_copy(y_from.at[src_v.at[i + 3]], buf1, sem1)

        plsc.subcore_barrier()
        pltpu.sync_copy(acc_sh.at[pl.ds(sid * RPT, RPT)],
                        out_hbm.at[pl.ds(cid * NPAD + sid * RPT, RPT)])

    return k(y, src_b, dst_b).reshape(2, NPAD, f)


EPT = EPAD // NW


def _deg_sc(m1, src_f, dst_f):
    mesh = plsc.VectorSubcoreMesh(core_axis_name="c", subcore_axis_name="s")

    @functools.partial(
        pl.kernel,
        out_type=jax.ShapeDtypeStruct((NW, NPAD), jnp.float32),
        mesh=mesh,
        compiler_params=pltpu.CompilerParams(needs_layout_passes=False),
        scratch_types=[
            pltpu.VMEM((EPT,), jnp.int32),
            pltpu.VMEM((EPT,), jnp.int32),
            pltpu.VMEM((NPAD,), jnp.float32),
            pltpu.VMEM((NPAD,), jnp.float32),
        ],
    )
    def k(m_hbm, src_hbm, dst_hbm, out_hbm, src_v, dst_v, m_v, deg_v):
        cid = lax.axis_index("c")
        sid = lax.axis_index("s")
        wid = cid * 16 + sid

        @pl.loop(0, NPAD, step=16)
        def _(i):
            deg_v[pl.ds(i, 16)] = jnp.zeros((16,), jnp.float32)

        pltpu.sync_copy(m_hbm, m_v)
        pltpu.sync_copy(src_hbm.at[wid], src_v)
        pltpu.sync_copy(dst_hbm.at[wid], dst_v)

        @pl.loop(0, EPT, step=16)
        def _(i):
            sv = src_v[pl.ds(i, 16)]
            dv = dst_v[pl.ds(i, 16)]
            mv = plsc.load_gather(m_v, [sv])
            plsc.addupdate_scatter(deg_v, [dv], mv)

        pltpu.sync_copy(deg_v, out_hbm.at[wid])

    return k(m1, src_f, dst_f)



def kernel(x, edge_index, batch, W1, b1, pw1, W2, b2, pw2, W3, b3, pw3,
           W4, b4, lw, lb):
    xp = jnp.pad(x, ((0, NPAD - N), (0, 0)))
    src = jnp.pad(edge_index[0], (0, EPAD - E), constant_values=NPAD - 1)
    dst = jnp.pad(edge_index[1], (0, EPAD - E), constant_values=NPAD - 1)
    src_b = src.reshape(NW, EBLK, EW)
    dst_b = dst.reshape(NW, EBLK, EW)
    src_f = src.reshape(NW, EPT)
    dst_f = dst.reshape(NW, EPT)
    mb = jnp.pad(jnp.ones((N, 16), jnp.float32), ((0, NPAD - N), (0, 0)))
    bt = jnp.pad(batch, (0, NPAD - N)).reshape(NPAD, 1)

    h = xp
    sm = None
    kk = N
    for W, b, pw in ((W1, b1, pw1), (W2, b2, pw2), (W3, b3, pw3)):
        kk = int(math.ceil(0.5 * kk))
        f = W.shape[1]
        xw = _mm(h, W) if sm is None else _mm_scaled(h, sm, W)
        degp = _deg_sc(mb[:, 0], src_f, dst_f)
        y, ds, dis2 = _prep(degp.T, mb, xw)
        aggp = _gs(y, src_b, dst_b)
        h, s = _conv_score(aggp[:, :, :f], xw, ds, dis2, b, pw)
        sm, mb = _select(s, mb, pw, kk)

    xw = _mm_scaled(h, sm, W4)
    degp = _deg_sc(mb[:, 0], src_f, dst_f)
    y, ds, dis2 = _prep(degp.T, mb, xw)
    aggp = _gs(y, src_b, dst_b)
    out = _final(aggp[:, :, :16], xw, ds, dis2, mb, bt, b4, lw, lb)
    return out[:, 0]

# --- scband reference (transcript-rebuilt; emitter-appended) ---
"""Pipeline reference for scband-gcn-12524124635296 (READ-ONLY COPY).

The authoritative reference and input builder live on the scoring server;
editing this copy changes nothing except your own understanding.
"""

import jax
import jax.numpy as jnp
import numpy as np
import math

N = 10000
E = 320000
B = 16
D = 128
H = 128


def _init(key, shape, fan_in):
    return (jax.random.uniform(key, shape, dtype=jnp.float32) * 2.0 - 1.0) / math.sqrt(fan_in)


def setup_inputs(seed: int = 0):
    key = jax.random.key(seed)
    ks = jax.random.split(key, 12)
    x = jax.random.normal(ks[0], (N, D), dtype=jnp.float32)
    edge_index = jax.random.randint(ks[1], (2, E), 0, N, dtype=jnp.int32)
    batch = jnp.sort(jax.random.randint(ks[2], (N,), 0, B, dtype=jnp.int32))
    W1 = _init(ks[3], (D, H), D)
    b1 = jnp.zeros((H,), jnp.float32)
    pw1 = _init(ks[4], (H,), H)
    W2 = _init(ks[5], (H, H // 2), H)
    b2 = jnp.zeros((H // 2,), jnp.float32)
    pw2 = _init(ks[6], (H // 2,), H // 2)
    W3 = _init(ks[7], (H // 2, H // 4), H // 2)
    b3 = jnp.zeros((H // 4,), jnp.float32)
    pw3 = _init(ks[8], (H // 4,), H // 4)
    W4 = _init(ks[9], (H // 4, H // 8), H // 4)
    b4 = jnp.zeros((H // 8,), jnp.float32)
    lw = _init(ks[10], (H // 8, 1), H // 8)
    lb = jnp.zeros((1,), jnp.float32)
    return {"x": x, "edge_index": edge_index, "batch": batch,
            "W1": W1, "b1": b1, "pw1": pw1, "W2": W2, "b2": b2, "pw2": pw2,
            "W3": W3, "b3": b3, "pw3": pw3, "W4": W4, "b4": b4, "lw": lw, "lb": lb}


def _gcn_conv(x, src, dst, ew, W, b):
    # GCNConv with self-loops and symmetric D^{-1/2} A D^{-1/2} normalization.
    # Masked (weight-0) edges contribute nothing to degree or aggregation.
    deg = jnp.zeros((x.shape[0],), x.dtype).at[dst].add(ew) + 1.0
    dis = jax.lax.rsqrt(deg)
    norm = dis[src] * ew * dis[dst]
    xw = x @ W
    agg = jnp.zeros_like(xw).at[dst].add(xw[src] * norm[:, None])
    agg = agg + xw * (dis * dis)[:, None]  # self-loop term
    return agg + b


def _topk_pool(x, src, dst, ew, batch, pw, ratio=0.5):
    # TopKPooling: score = tanh(x.w/||w||), keep top ceil(ratio*N) nodes,
    # multiply kept features by their score, relabel edges; edges touching
    # dropped nodes are masked out via edge weight 0 (static shapes).
    n = x.shape[0]
    k = int(math.ceil(ratio * n))
    score = jnp.tanh((x @ pw) / (jnp.linalg.norm(pw) + 1e-16))
    topv, perm = jax.lax.top_k(score, k)
    x2 = x[perm] * topv[:, None]
    batch2 = batch[perm]
    mapping = jnp.full((n,), -1, dtype=jnp.int32).at[perm].set(jnp.arange(k, dtype=jnp.int32))
    ns = mapping[src]
    nd = mapping[dst]
    valid = (ns >= 0) & (nd >= 0) & (ew > 0.0)
    ew2 = jnp.where(valid, ew, 0.0)
    ns = jnp.where(valid, ns, 0)
    nd = jnp.where(valid, nd, 0)
    return x2, ns, nd, ew2, batch2


def reference(x, edge_index, batch, W1, b1, pw1, W2, b2, pw2, W3, b3, pw3, W4, b4, lw, lb):
    src = edge_index[0]
    dst = edge_index[1]
    ew = jnp.ones((src.shape[0],), jnp.float32)
    bat = batch
    h = jax.nn.relu(_gcn_conv(x, src, dst, ew, W1, b1))
    # dropout is identity in eval mode
    h, src, dst, ew, bat = _topk_pool(h, src, dst, ew, bat, pw1)
    h = jax.nn.relu(_gcn_conv(h, src, dst, ew, W2, b2))
    h, src, dst, ew, bat = _topk_pool(h, src, dst, ew, bat, pw2)
    h = jax.nn.relu(_gcn_conv(h, src, dst, ew, W3, b3))
    h, src, dst, ew, bat = _topk_pool(h, src, dst, ew, bat, pw3)
    h = jax.nn.relu(_gcn_conv(h, src, dst, ew, W4, b4))
    sums = jax.ops.segment_sum(h, bat, num_segments=B)
    cnts = jax.ops.segment_sum(jnp.ones((h.shape[0],), h.dtype), bat, num_segments=B)
    mean = sums / jnp.maximum(cnts, 1.0)[:, None]
    out = (mean @ lw + lb)[:, 0] * 100.0
    return out

if __name__ == "__main__":
    import jax
    _d = setup_inputs()
    print(jax.jit(kernel)(*tuple(_d.values())))

</pallas_src>

<mosaic_0001>
#map = affine_map<(d0, d1) -> (0)>
#map1 = affine_map<(d0, d1) -> (0, 0)>
module attributes {stable_mosaic.version = 14 : i64} {
  func.func @k(%arg0: i32, %arg1: i32, %arg2: memref<10240xf32, #tpu.memory_space<hbm>>, %arg3: memref<32x10240xi32, #tpu.memory_space<hbm>>, %arg4: memref<32x10240xi32, #tpu.memory_space<hbm>>, %arg5: memref<32x10240xf32, #tpu.memory_space<hbm>>, %arg6: memref<10240xi32, #tpu.memory_space<vmem>>, %arg7: memref<10240xi32, #tpu.memory_space<vmem>>, %arg8: memref<10240xf32, #tpu.memory_space<vmem>>, %arg9: memref<10240xf32, #tpu.memory_space<vmem>>) attributes {dimension_semantics = [#tpu.dimension_semantics<core_parallel>, #tpu.dimension_semantics<subcore_parallel>], iteration_bounds = array<i64: 2, 16>, scalar_prefetch = 0 : i64, scratch_operands = 4 : i64, tpu.core_type = #tpu.core_type<sc_vector_subcore>, window_params = [{transform_indices = #map}, {transform_indices = #map1}, {transform_indices = #map1}, {transform_indices = #map1}]} {
    %mul3A = arith.constant 16 : i32
    %mul3A_0 = arith.muli %arg0, %mul3A : i32
    %add3A = arith.addi %mul3A_0, %arg1 : i32
    %scan3A = arith.constant 0 : i32
    %scan3A_1 = arith.constant 640 : i32
    %scan3A_2 = arith.addi %scan3A, %scan3A_1 : i32
    %scan3A_3 = arith.constant 1 : i32
    scf.for %scan3A_10 = %scan3A to %scan3A_2 step %scan3A_3  : i32 {
      %mul3A_11 = arith.constant 16 : i32
      %mul3A_12 = arith.muli %scan3A_10, %mul3A_11 : i32
      %add3A_13 = arith.constant 0 : i32
      %add3A_14 = arith.addi %add3A_13, %mul3A_12 : i32
      %broadcast_in_dim3A = arith.constant 0.000000e+00 : f32
      %broadcast_in_dim3A_15 = vector.broadcast %broadcast_in_dim3A : f32 to vector<16xf32>
      %swap3A = arith.index_cast %add3A_14 : i32 to index
      %swap3A_16 = tpu.vector_load %arg9[%swap3A] {strides = array<i32>} : memref<10240xf32, #tpu.memory_space<vmem>>, vector<16xf32>,
      tpu.vector_store %arg9[%swap3A], %broadcast_in_dim3A_15 {strides = array<i32>} : memref<10240xf32, #tpu.memory_space<vmem>>, vector<16xf32>,
    }
    %scan3A_4 = arith.constant 640 : i32
    "tpu.region"() ({
      %run_scoped3A = tpu.sem_alloc : memref<!tpu.dma_semaphore, #tpu.memory_space<semaphore_mem>>
      tpu.enqueue_dma source(%arg2 : memref<10240xf32, #tpu.memory_space<hbm>>) target(%arg8 : memref<10240xf32, #tpu.memory_space<vmem>>) target_semaphore(%run_scoped3A : memref<!tpu.dma_semaphore, #tpu.memory_space<semaphore_mem>>)
      tpu.wait_dma2 semaphore(%run_scoped3A : memref<!tpu.dma_semaphore, #tpu.memory_space<semaphore_mem>>) src(%arg2 : memref<10240xf32, #tpu.memory_space<hbm>>) dst(%arg8 : memref<10240xf32, #tpu.memory_space<vmem>>)
      tpu.yield
    }) : () -> ()
    "tpu.region"() ({
      %run_scoped3A = tpu.sem_alloc : memref<!tpu.dma_semaphore, #tpu.memory_space<semaphore_mem>>
      %dma_start3A = arith.constant 0 : i32
      %dma_start3A_10 = tpu.memref_slice %arg3[%add3A, %dma_start3A] : memref<32x10240xi32, #tpu.memory_space<hbm>> -> memref<1x10240xi32, #tpu.memory_space<hbm>>
      %dma_start3A_11 = tpu.memref_squeeze %dma_start3A_10 : memref<1x10240xi32, #tpu.memory_space<hbm>> -> memref<10240xi32, #tpu.memory_space<hbm>>
      %dma_start3A_12 = arith.constant 0 : i32
      %dma_start3A_13 = tpu.memref_slice %arg3[%add3A, %dma_start3A_12] : memref<32x10240xi32, #tpu.memory_space<hbm>> -> memref<1x10240xi32, #tpu.memory_space<hbm>>
      %dma_start3A_14 = tpu.memref_squeeze %dma_start3A_13 : memref<1x10240xi32, #tpu.memory_space<hbm>> -> memref<10240xi32, #tpu.memory_space<hbm>>
      tpu.enqueue_dma source(%dma_start3A_14 : memref<10240xi32, #tpu.memory_space<hbm>>) target(%arg6 : memref<10240xi32, #tpu.memory_space<vmem>>) target_semaphore(%run_scoped3A : memref<!tpu.dma_semaphore, #tpu.memory_space<semaphore_mem>>)
      %dma_wait3A = arith.constant 0 : i32
      %dma_wait3A_15 = tpu.memref_slice %arg3[%add3A, %dma_wait3A] : memref<32x10240xi32, #tpu.memory_space<hbm>> -> memref<1x10240xi32, #tpu.memory_space<hbm>>
      %dma_wait3A_16 = tpu.memref_squeeze %dma_wait3A_15 : memref<1x10240xi32, #tpu.memory_space<hbm>> -> memref<10240xi32, #tpu.memory_space<hbm>>
      %dma_wait3A_17 = arith.constant 0 : i32
      %dma_wait3A_18 = tpu.memref_slice %arg3[%add3A, %dma_wait3A_17] : memref<32x10240xi32, #tpu.memory_space<hbm>> -> memref<1x10240xi32, #tpu.memory_space<hbm>>
      %dma_wait3A_19 = tpu.memref_squeeze %dma_wait3A_18 : memref<1x10240xi32, #tpu.memory_space<hbm>> -> memref<10240xi32, #tpu.memory_space<hbm>>
      tpu.wait_dma2 semaphore(%run_scoped3A : memref<!tpu.dma_semaphore, #tpu.memory_space<semaphore_mem>>) src(%dma_wait3A_19 : memref<10240xi32, #tpu.memory_space<hbm>>) dst(%arg6 : memref<10240xi32, #tpu.memory_space<vmem>>)
      tpu.yield
    }) : () -> ()
    "tpu.region"() ({
      %run_scoped3A = tpu.sem_alloc : memref<!tpu.dma_semaphore, #tpu.memory_space<semaphore_mem>>
      %dma_start3A = arith.constant 0 : i32
      %dma_start3A_10 = tpu.memref_slice %arg4[%add3A, %dma_start3A] : memref<32x10240xi32, #tpu.memory_space<hbm>> -> memref<1x10240xi32, #tpu.memory_space<hbm>>
      %dma_start3A_11 = tpu.memref_squeeze %dma_start3A_10 : memref<1x10240xi32, #tpu.memory_space<hbm>> -> memref<10240xi32, #tpu.memory_space<hbm>>
      %dma_start3A_12 = arith.constant 0 : i32
      %dma_start3A_13 = tpu.memref_slice %arg4[%add3A, %dma_start3A_12] : memref<32x10240xi32, #tpu.memory_space<hbm>> -> memref<1x10240xi32, #tpu.memory_space<hbm>>
      %dma_start3A_14 = tpu.memref_squeeze %dma_start3A_13 : memref<1x10240xi32, #tpu.memory_space<hbm>> -> memref<10240xi32, #tpu.memory_space<hbm>>
      tpu.enqueue_dma source(%dma_start3A_14 : memref<10240xi32, #tpu.memory_space<hbm>>) target(%arg7 : memref<10240xi32, #tpu.memory_space<vmem>>) target_semaphore(%run_scoped3A : memref<!tpu.dma_semaphore, #tpu.memory_space<semaphore_mem>>)
      %dma_wait3A = arith.constant 0 : i32
      %dma_wait3A_15 = tpu.memref_slice %arg4[%add3A, %dma_wait3A] : memref<32x10240xi32, #tpu.memory_space<hbm>> -> memref<1x10240xi32, #tpu.memory_space<hbm>>
      %dma_wait3A_16 = tpu.memref_squeeze %dma_wait3A_15 : memref<1x10240xi32, #tpu.memory_space<hbm>> -> memref<10240xi32, #tpu.memory_space<hbm>>
      %dma_wait3A_17 = arith.constant 0 : i32
      %dma_wait3A_18 = tpu.memref_slice %arg4[%add3A, %dma_wait3A_17] : memref<32x10240xi32, #tpu.memory_space<hbm>> -> memref<1x10240xi32, #tpu.memory_space<hbm>>
      %dma_wait3A_19 = tpu.memref_squeeze %dma_wait3A_18 : memref<1x10240xi32, #tpu.memory_space<hbm>> -> memref<10240xi32, #tpu.memory_space<hbm>>
      tpu.wait_dma2 semaphore(%run_scoped3A : memref<!tpu.dma_semaphore, #tpu.memory_space<semaphore_mem>>) src(%dma_wait3A_19 : memref<10240xi32, #tpu.memory_space<hbm>>) dst(%arg7 : memref<10240xi32, #tpu.memory_space<vmem>>)
      tpu.yield
    }) : () -> ()
    %scan3A_5 = arith.constant 0 : i32
    %scan3A_6 = arith.constant 640 : i32
    %scan3A_7 = arith.addi %scan3A_5, %scan3A_6 : i32
    %scan3A_8 = arith.constant 1 : i32
    scf.for %scan3A_10 = %scan3A_5 to %scan3A_7 step %scan3A_8  : i32 {
      %mul3A_11 = arith.constant 16 : i32
      %mul3A_12 = arith.muli %scan3A_10, %mul3A_11 : i32
      %add3A_13 = arith.constant 0 : i32
      %add3A_14 = arith.addi %add3A_13, %mul3A_12 : i32
      %get3A = arith.index_cast %add3A_14 : i32 to index
      %get3A_15 = tpu.vector_load %arg6[%get3A] {strides = array<i32>} : memref<10240xi32, #tpu.memory_space<vmem>>, vector<16xi32>,
      %get3A_16 = arith.index_cast %add3A_14 : i32 to index
      %get3A_17 = tpu.vector_load %arg7[%get3A_16] {strides = array<i32>} : memref<10240xi32, #tpu.memory_space<vmem>>, vector<16xi32>,
      %gather3A = tpu.vector_load_idx %arg8[%get3A_15] : memref<10240xf32, #tpu.memory_space<vmem>>[vector<16xi32>], vector<16xf32>,
      tpu.vector_store_idx %arg9[%get3A_17], %gather3A {add = true} : memref<10240xf32, #tpu.memory_space<vmem>>[vector<16xi32>], vector<16xf32>,
    }
    %scan3A_9 = arith.constant 640 : i32
    "tpu.region"() ({
      %run_scoped3A = tpu.sem_alloc : memref<!tpu.dma_semaphore, #tpu.memory_space<semaphore_mem>>
      %dma_start3A = arith.constant 0 : i32
      %dma_start3A_10 = tpu.memref_slice %arg5[%add3A, %dma_start3A] : memref<32x10240xf32, #tpu.memory_space<hbm>> -> memref<1x10240xf32, #tpu.memory_space<hbm>>
      %dma_start3A_11 = tpu.memref_squeeze %dma_start3A_10 : memref<1x10240xf32, #tpu.memory_space<hbm>> -> memref<10240xf32, #tpu.memory_space<hbm>>
      %dma_start3A_12 = arith.constant 0 : i32
      %dma_start3A_13 = tpu.memref_slice %arg5[%add3A, %dma_start3A_12] : memref<32x10240xf32, #tpu.memory_space<hbm>> -> memref<1x10240xf32, #tpu.memory_space<hbm>>
      %dma_start3A_14 = tpu.memref_squeeze %dma_start3A_13 : memref<1x10240xf32, #tpu.memory_space<hbm>> -> memref<10240xf32, #tpu.memory_space<hbm>>
      tpu.enqueue_dma source(%arg9 : memref<10240xf32, #tpu.memory_space<vmem>>) target(%dma_start3A_14 : memref<10240xf32, #tpu.memory_space<hbm>>) target_semaphore(%run_scoped3A : memref<!tpu.dma_semaphore, #tpu.memory_space<semaphore_mem>>)
      %dma_wait3A = arith.constant 0 : i32
      %dma_wait3A_15 = tpu.memref_slice %arg5[%add3A, %dma_wait3A] : memref<32x10240xf32, #tpu.memory_space<hbm>> -> memref<1x10240xf32, #tpu.memory_space<hbm>>
      %dma_wait3A_16 = tpu.memref_squeeze %dma_wait3A_15 : memref<1x10240xf32, #tpu.memory_space<hbm>> -> memref<10240xf32, #tpu.memory_space<hbm>>
      %dma_wait3A_17 = arith.constant 0 : i32
      %dma_wait3A_18 = tpu.memref_slice %arg5[%add3A, %dma_wait3A_17] : memref<32x10240xf32, #tpu.memory_space<hbm>> -> memref<1x10240xf32, #tpu.memory_space<hbm>>
      %dma_wait3A_19 = tpu.memref_squeeze %dma_wait3A_18 : memref<1x10240xf32, #tpu.memory_space<hbm>> -> memref<10240xf32, #tpu.memory_space<hbm>>
      tpu.wait_dma2 semaphore(%run_scoped3A : memref<!tpu.dma_semaphore, #tpu.memory_space<semaphore_mem>>) src(%arg9 : memref<10240xf32, #tpu.memory_space<vmem>>) dst(%dma_wait3A_19 : memref<10240xf32, #tpu.memory_space<hbm>>)
      tpu.yield
    }) : () -> ()
    return
  }
}

#map = affine_map<(d0, d1) -> (0, 0)>
#map1 = affine_map<(d0, d1) -> (0, 0, 0)>
module attributes {stable_mosaic.version = 14 : i64} {
  func.func @k(%arg0: i32, %arg1: i32, %arg2: memref<10240x128xf32, #tpu.memory_space<hbm>>, %arg3: memref<32x80x128xi32, #tpu.memory_space<hbm>>, %arg4: memref<32x80x128xi32, #tpu.memory_space<hbm>>, %arg5: memref<20480x128xf32, #tpu.memory_space<hbm>>, %arg6: memref<40x128xi32, #tpu.memory_space<vmem>>, %arg7: memref<40x128xi32, #tpu.memory_space<vmem>>, %arg8: memref<128x128xf32, #tpu.memory_space<vmem>>, %arg9: memref<128x128xf32, #tpu.memory_space<vmem>>, %arg10: memref<10240x128xf32, #tpu.memory_space<vmem_shared>>, %arg11: memref<!tpu.dma_semaphore, #tpu.memory_space<semaphore_mem>>, %arg12: memref<!tpu.dma_semaphore, #tpu.memory_space<semaphore_mem>>, %arg13: memref<!tpu.dma_semaphore, #tpu.memory_space<semaphore_mem>>, %arg14: memref<!tpu.dma_semaphore, #tpu.memory_space<semaphore_mem>>) attributes {dimension_semantics = [#tpu.dimension_semantics<core_parallel>, #tpu.dimension_semantics<subcore_parallel>], iteration_bounds = array<i64: 2, 16>, scalar_prefetch = 0 : i64, scratch_operands = 9 : i64, tpu.core_type = #tpu.core_type<sc_vector_subcore>, window_params = [{transform_indices = #map}, {transform_indices = #map1}, {transform_indices = #map1}, {transform_indices = #map}]} {
    %mul3A = arith.constant 16 : i32
    %mul3A_0 = arith.muli %arg0, %mul3A : i32
    %add3A = arith.addi %mul3A_0, %arg1 : i32
    %scan3A = arith.constant 0 : i32
    %scan3A_1 = arith.constant 128 : i32
    %scan3A_2 = arith.addi %scan3A, %scan3A_1 : i32
    %scan3A_3 = arith.constant 1 : i32
    scf.for %scan3A_55 = %scan3A to %scan3A_2 step %scan3A_3  : i32 {
      %mul3A_56 = arith.constant 1 : i32
      %mul3A_57 = arith.muli %scan3A_55, %mul3A_56 : i32
      %add3A_58 = arith.constant 0 : i32
      %add3A_59 = arith.addi %add3A_58, %mul3A_57 : i32
      %scan3A_60 = arith.constant 0 : i32
      %scan3A_61 = arith.constant 8 : i32
      %scan3A_62 = arith.addi %scan3A_60, %scan3A_61 : i32
      %scan3A_63 = arith.constant 1 : i32
      scf.for %scan3A_65 = %scan3A_60 to %scan3A_62 step %scan3A_63  : i32 {
        %mul3A_66 = arith.constant 16 : i32
        %mul3A_67 = arith.muli %scan3A_65, %mul3A_66 : i32
        %add3A_68 = arith.constant 0 : i32
        %add3A_69 = arith.addi %add3A_68, %mul3A_67 : i32
        %broadcast_in_dim3A = arith.constant 0.000000e+00 : f32
        %broadcast_in_dim3A_70 = vector.broadcast %broadcast_in_dim3A : f32 to vector<16xf32>
        %swap3A = arith.index_cast %add3A_59 : i32 to index
        %swap3A_71 = arith.index_cast %add3A_69 : i32 to index
        %swap3A_72 = tpu.vector_load %arg8[%swap3A, %swap3A_71] {strides = array<i32>} : memref<128x128xf32, #tpu.memory_space<vmem>>, vector<1x16xf32>,
        %swap3A_73 = vector.shape_cast %swap3A_72 : vector<1x16xf32> to vector<16xf32>
        %swap3A_74 = vector.shape_cast %broadcast_in_dim3A_70 : vector<16xf32> to vector<1x16xf32>
        tpu.vector_store %arg8[%swap3A, %swap3A_71], %swap3A_74 {strides = array<i32>} : memref<128x128xf32, #tpu.memory_space<vmem>>, vector<1x16xf32>,
      }
      %scan3A_64 = arith.constant 8 : i32
    }
    %scan3A_4 = arith.constant 128 : i32
    %scan3A_5 = arith.constant 0 : i32
    %scan3A_6 = arith.constant 5 : i32
    %scan3A_7 = arith.addi %scan3A_5, %scan3A_6 : i32
    %scan3A_8 = arith.constant 1 : i32
    scf.for %scan3A_55 = %scan3A_5 to %scan3A_7 step %scan3A_8  : i32 {
      %mul3A_56 = arith.constant 128 : i32
      %mul3A_57 = arith.muli %scan3A_55, %mul3A_56 : i32
      %add3A_58 = arith.constant 0 : i32
      %add3A_59 = arith.addi %add3A_58, %mul3A_57 : i32
      %mul3A_60 = arith.constant 640 : i32
      %mul3A_61 = arith.muli %arg1, %mul3A_60 : i32
      %add3A_62 = arith.addi %mul3A_61, %add3A_59 : i32
      "tpu.region"() ({
        %run_scoped3A = tpu.sem_alloc : memref<!tpu.dma_semaphore, #tpu.memory_space<semaphore_mem>>
        %dma_start3A_63 = arith.constant 0 : i32
        %dma_start3A_64 = tpu.memref_slice %arg10[%add3A_62, %dma_start3A_63] : memref<10240x128xf32, #tpu.memory_space<vmem_shared>> -> memref<128x128xf32, #tpu.memory_space<vmem_shared>>
        %dma_start3A_65 = arith.constant 0 : i32
        %dma_start3A_66 = tpu.memref_slice %arg10[%add3A_62, %dma_start3A_65] : memref<10240x128xf32, #tpu.memory_space<vmem_shared>> -> memref<128x128xf32, #tpu.memory_space<vmem_shared>>
        tpu.enqueue_dma source(%arg8 : memref<128x128xf32, #tpu.memory_space<vmem>>) target(%dma_start3A_66 : memref<128x128xf32, #tpu.memory_space<vmem_shared>>) target_semaphore(%run_scoped3A : memref<!tpu.dma_semaphore, #tpu.memory_space<semaphore_mem>>)
        %dma_wait3A = arith.constant 0 : i32
        %dma_wait3A_67 = tpu.memref_slice %arg10[%add3A_62, %dma_wait3A] : memref<10240x128xf32, #tpu.memory_space<vmem_shared>> -> memref<128x128xf32, #tpu.memory_space<vmem_shared>>
        %dma_wait3A_68 = arith.constant 0 : i32
        %dma_wait3A_69 = tpu.memref_slice %arg10[%add3A_62, %dma_wait3A_68] : memref<10240x128xf32, #tpu.memory_space<vmem_shared>> -> memref<128x128xf32, #tpu.memory_space<vmem_shared>>
        tpu.wait_dma2 semaphore(%run_scoped3A : memref<!tpu.dma_semaphore, #tpu.memory_space<semaphore_mem>>) src(%arg8 : memref<128x128xf32, #tpu.memory_space<vmem>>) dst(%dma_wait3A_69 : memref<128x128xf32, #tpu.memory_space<vmem_shared>>)
        tpu.yield
      }) : () -> ()
    }
    %scan3A_9 = arith.constant 5 : i32
    %barrier3A = arith.constant 0 : index
    tpu.barrier barrier_id(%barrier3A)
    "tpu.region"() ({
      %run_scoped3A = tpu.sem_alloc : memref<!tpu.dma_semaphore, #tpu.memory_space<semaphore_mem>>
      %dma_start3A_55 = arith.constant 0 : i32
      %dma_start3A_56 = arith.constant 0 : i32
      %dma_start3A_57 = tpu.memref_slice %arg3[%add3A, %dma_start3A_55, %dma_start3A_56] : memref<32x80x128xi32, #tpu.memory_space<hbm>> -> memref<1x40x128xi32, #tpu.memory_space<hbm>>
      %dma_start3A_58 = tpu.memref_squeeze %dma_start3A_57 : memref<1x40x128xi32, #tpu.memory_space<hbm>> -> memref<40x128xi32, #tpu.memory_space<hbm>>
      %dma_start3A_59 = arith.constant 0 : i32
      %dma_start3A_60 = arith.constant 0 : i32
      %dma_start3A_61 = tpu.memref_slice %arg3[%add3A, %dma_start3A_59, %dma_start3A_60] : memref<32x80x128xi32, #tpu.memory_space<hbm>> -> memref<1x40x128xi32, #tpu.memory_space<hbm>>
      %dma_start3A_62 = tpu.memref_squeeze %dma_start3A_61 : memref<1x40x128xi32, #tpu.memory_space<hbm>> -> memref<40x128xi32, #tpu.memory_space<hbm>>
      tpu.enqueue_dma source(%dma_start3A_62 : memref<40x128xi32, #tpu.memory_space<hbm>>) target(%arg6 : memref<40x128xi32, #tpu.memory_space<vmem>>) target_semaphore(%run_scoped3A : memref<!tpu.dma_semaphore, #tpu.memory_space<semaphore_mem>>)
      %dma_wait3A = arith.constant 0 : i32
      %dma_wait3A_63 = arith.constant 0 : i32
      %dma_wait3A_64 = tpu.memref_slice %arg3[%add3A, %dma_wait3A, %dma_wait3A_63] : memref<32x80x128xi32, #tpu.memory_space<hbm>> -> memref<1x40x128xi32, #tpu.memory_space<hbm>>
      %dma_wait3A_65 = tpu.memref_squeeze %dma_wait3A_64 : memref<1x40x128xi32, #tpu.memory_space<hbm>> -> memref<40x128xi32, #tpu.memory_space<hbm>>
      %dma_wait3A_66 = arith.constant 0 : i32
      %dma_wait3A_67 = arith.constant 0 : i32
      %dma_wait3A_68 = tpu.memref_slice %arg3[%add3A, %dma_wait3A_66, %dma_wait3A_67] : memref<32x80x128xi32, #tpu.memory_space<hbm>> -> memref<1x40x128xi32, #tpu.memory_space<hbm>>
      %dma_wait3A_69 = tpu.memref_squeeze %dma_wait3A_68 : memref<1x40x128xi32, #tpu.memory_space<hbm>> -> memref<40x128xi32, #tpu.memory_space<hbm>>
      tpu.wait_dma2 semaphore(%run_scoped3A : memref<!tpu.dma_semaphore, #tpu.memory_space<semaphore_mem>>) src(%dma_wait3A_69 : memref<40x128xi32, #tpu.memory_space<hbm>>) dst(%arg6 : memref<40x128xi32, #tpu.memory_space<vmem>>)
      tpu.yield
    }) : () -> ()
    "tpu.region"() ({
      %run_scoped3A = tpu.sem_alloc : memref<!tpu.dma_semaphore, #tpu.memory_space<semaphore_mem>>
      %dma_start3A_55 = arith.constant 0 : i32
      %dma_start3A_56 = arith.constant 0 : i32
      %dma_start3A_57 = tpu.memref_slice %arg4[%add3A, %dma_start3A_55, %dma_start3A_56] : memref<32x80x128xi32, #tpu.memory_space<hbm>> -> memref<1x40x128xi32, #tpu.memory_space<hbm>>
      %dma_start3A_58 = tpu.memref_squeeze %dma_start3A_57 : memref<1x40x128xi32, #tpu.memory_space<hbm>> -> memref<40x128xi32, #tpu.memory_space<hbm>>
      %dma_start3A_59 = arith.constant 0 : i32
      %dma_start3A_60 = arith.constant 0 : i32
      %dma_start3A_61 = tpu.memref_slice %arg4[%add3A, %dma_start3A_59, %dma_start3A_60] : memref<32x80x128xi32, #tpu.memory_space<hbm>> -> memref<1x40x128xi32, #tpu.memory_space<hbm>>
      %dma_start3A_62 = tpu.memref_squeeze %dma_start3A_61 : memref<1x40x128xi32, #tpu.memory_space<hbm>> -> memref<40x128xi32, #tpu.memory_space<hbm>>
      tpu.enqueue_dma source(%dma_start3A_62 : memref<40x128xi32, #tpu.memory_space<hbm>>) target(%arg7 : memref<40x128xi32, #tpu.memory_space<vmem>>) target_semaphore(%run_scoped3A : memref<!tpu.dma_semaphore, #tpu.memory_space<semaphore_mem>>)
      %dma_wait3A = arith.constant 0 : i32
      %dma_wait3A_63 = arith.constant 0 : i32
      %dma_wait3A_64 = tpu.memref_slice %arg4[%add3A, %dma_wait3A, %dma_wait3A_63] : memref<32x80x128xi32, #tpu.memory_space<hbm>> -> memref<1x40x128xi32, #tpu.memory_space<hbm>>
      %dma_wait3A_65 = tpu.memref_squeeze %dma_wait3A_64 : memref<1x40x128xi32, #tpu.memory_space<hbm>> -> memref<40x128xi32, #tpu.memory_space<hbm>>
      %dma_wait3A_66 = arith.constant 0 : i32
      %dma_wait3A_67 = arith.constant 0 : i32
      %dma_wait3A_68 = tpu.memref_slice %arg4[%add3A, %dma_wait3A_66, %dma_wait3A_67] : memref<32x80x128xi32, #tpu.memory_space<hbm>> -> memref<1x40x128xi32, #tpu.memory_space<hbm>>
      %dma_wait3A_69 = tpu.memref_squeeze %dma_wait3A_68 : memref<1x40x128xi32, #tpu.memory_space<hbm>> -> memref<40x128xi32, #tpu.memory_space<hbm>>
      tpu.wait_dma2 semaphore(%run_scoped3A : memref<!tpu.dma_semaphore, #tpu.memory_space<semaphore_mem>>) src(%dma_wait3A_69 : memref<40x128xi32, #tpu.memory_space<hbm>>) dst(%arg7 : memref<40x128xi32, #tpu.memory_space<vmem>>)
      tpu.yield
    }) : () -> ()
    %dma_start3A = arith.constant 0 : i32
    %dma_start3A_10 = arith.constant 0 : i32
    %dma_start3A_11 = tpu.memref_slice %arg6[%dma_start3A, %dma_start3A_10] : memref<40x128xi32, #tpu.memory_space<vmem>> -> memref<1x128xi32, #tpu.memory_space<vmem>>
    %dma_start3A_12 = tpu.memref_squeeze %dma_start3A_11 : memref<1x128xi32, #tpu.memory_space<vmem>> -> memref<128xi32, #tpu.memory_space<vmem>>
    %dma_start3A_13 = arith.constant 0 : i32
    %dma_start3A_14 = arith.constant 0 : i32
    %dma_start3A_15 = tpu.memref_slice %arg2[%dma_start3A_13, %dma_start3A_14] : memref<10240x128xf32, #tpu.memory_space<hbm>> -> memref<10240x128xf32, #tpu.memory_space<hbm>>
    tpu.enqueue_indirect_dma source(%dma_start3A_15 : memref<10240x128xf32, #tpu.memory_space<hbm>>) target(%arg8 : memref<128x128xf32, #tpu.memory_space<vmem>>) offsets(%dma_start3A_12 : memref<128xi32, #tpu.memory_space<vmem>>) semaphore(%arg11 : memref<!tpu.dma_semaphore, #tpu.memory_space<semaphore_mem>>)
    %dma_start3A_16 = arith.constant 1 : i32
    %dma_start3A_17 = arith.constant 0 : i32
    %dma_start3A_18 = tpu.memref_slice %arg6[%dma_start3A_16, %dma_start3A_17] : memref<40x128xi32, #tpu.memory_space<vmem>> -> memref<1x128xi32, #tpu.memory_space<vmem>>
    %dma_start3A_19 = tpu.memref_squeeze %dma_start3A_18 : memref<1x128xi32, #tpu.memory_space<vmem>> -> memref<128xi32, #tpu.memory_space<vmem>>
    %dma_start3A_20 = arith.constant 0 : i32
    %dma_start3A_21 = arith.constant 0 : i32
    %dma_start3A_22 = tpu.memref_slice %arg2[%dma_start3A_20, %dma_start3A_21] : memref<10240x128xf32, #tpu.memory_space<hbm>> -> memref<10240x128xf32, #tpu.memory_space<hbm>>
    tpu.enqueue_indirect_dma source(%dma_start3A_22 : memref<10240x128xf32, #tpu.memory_space<hbm>>) target(%arg9 : memref<128x128xf32, #tpu.memory_space<vmem>>) offsets(%dma_start3A_19 : memref<128xi32, #tpu.memory_space<vmem>>) semaphore(%arg12 : memref<!tpu.dma_semaphore, #tpu.memory_space<semaphore_mem>>)
    %scan3A_23 = arith.constant 0 : i32
    %scan3A_24 = arith.constant 20 : i32
    %scan3A_25 = arith.addi %scan3A_23, %scan3A_24 : i32
    %scan3A_26 = arith.constant 1 : i32
    scf.for %scan3A_55 = %scan3A_23 to %scan3A_25 step %scan3A_26  : i32 {
      %mul3A_56 = arith.constant 2 : i32
      %mul3A_57 = arith.muli %scan3A_55, %mul3A_56 : i32
      %add3A_58 = arith.constant 0 : i32
      %add3A_59 = arith.addi %add3A_58, %mul3A_57 : i32
      %dma_wait3A = arith.constant 0 : i32
      %dma_wait3A_60 = tpu.memref_slice %arg6[%add3A_59, %dma_wait3A] : memref<40x128xi32, #tpu.memory_space<vmem>> -> memref<1x128xi32, #tpu.memory_space<vmem>>
      %dma_wait3A_61 = tpu.memref_squeeze %dma_wait3A_60 : memref<1x128xi32, #tpu.memory_space<vmem>> -> memref<128xi32, #tpu.memory_space<vmem>>
      %dma_wait3A_62 = arith.constant 0 : i32
      %dma_wait3A_63 = arith.constant 0 : i32
      %dma_wait3A_64 = tpu.memref_slice %arg2[%dma_wait3A_62, %dma_wait3A_63] : memref<10240x128xf32, #tpu.memory_space<hbm>> -> memref<10240x128xf32, #tpu.memory_space<hbm>>
      tpu.wait_indirect_dma semaphore(%arg11 : memref<!tpu.dma_semaphore, #tpu.memory_space<semaphore_mem>>) src(%dma_wait3A_64 : memref<10240x128xf32, #tpu.memory_space<hbm>>) dst(%arg8 : memref<128x128xf32, #tpu.memory_space<vmem>>)
      %dma_start3A_65 = arith.constant 0 : i32
      %dma_start3A_66 = tpu.memref_slice %arg7[%add3A_59, %dma_start3A_65] : memref<40x128xi32, #tpu.memory_space<vmem>> -> memref<1x128xi32, #tpu.memory_space<vmem>>
      %dma_start3A_67 = tpu.memref_squeeze %dma_start3A_66 : memref<1x128xi32, #tpu.memory_space<vmem>> -> memref<128xi32, #tpu.memory_space<vmem>>
      %dma_start3A_68 = arith.constant 0 : i32
      %dma_start3A_69 = arith.constant 0 : i32
      %dma_start3A_70 = tpu.memref_slice %arg10[%dma_start3A_68, %dma_start3A_69] : memref<10240x128xf32, #tpu.memory_space<vmem_shared>> -> memref<10240x128xf32, #tpu.memory_space<vmem_shared>>
      tpu.enqueue_indirect_dma source(%arg8 : memref<128x128xf32, #tpu.memory_space<vmem>>) target(%dma_start3A_70 : memref<10240x128xf32, #tpu.memory_space<vmem_shared>>) offsets(%dma_start3A_67 : memref<128xi32, #tpu.memory_space<vmem>>) semaphore(%arg13 : memref<!tpu.dma_semaphore, #tpu.memory_space<semaphore_mem>>) {add = true}
      %add3A_71 = arith.constant 1 : i32
      %add3A_72 = arith.addi %add3A_59, %add3A_71 : i32
      %dma_wait3A_73 = arith.constant 0 : i32
      %dma_wait3A_74 = tpu.memref_slice %arg6[%add3A_72, %dma_wait3A_73] : memref<40x128xi32, #tpu.memory_space<vmem>> -> memref<1x128xi32, #tpu.memory_space<vmem>>
      %dma_wait3A_75 = tpu.memref_squeeze %dma_wait3A_74 : memref<1x128xi32, #tpu.memory_space<vmem>> -> memref<128xi32, #tpu.memory_space<vmem>>
      %dma_wait3A_76 = arith.constant 0 : i32
      %dma_wait3A_77 = arith.constant 0 : i32
      %dma_wait3A_78 = tpu.memref_slice %arg2[%dma_wait3A_76, %dma_wait3A_77] : memref<10240x128xf32, #tpu.memory_space<hbm>> -> memref<10240x128xf32, #tpu.memory_space<hbm>>
      tpu.wait_indirect_dma semaphore(%arg12 : memref<!tpu.dma_semaphore, #tpu.memory_space<semaphore_mem>>) src(%dma_wait3A_78 : memref<10240x128xf32, #tpu.memory_space<hbm>>) dst(%arg9 : memref<128x128xf32, #tpu.memory_space<vmem>>)
      %add3A_79 = arith.constant 1 : i32
      %add3A_80 = arith.addi %add3A_59, %add3A_79 : i32
      %dma_start3A_81 = arith.constant 0 : i32
      %dma_start3A_82 = tpu.memref_slice %arg7[%add3A_80, %dma_start3A_81] : memref<40x128xi32, #tpu.memory_space<vmem>> -> memref<1x128xi32, #tpu.memory_space<vmem>>
      %dma_start3A_83 = tpu.memref_squeeze %dma_start3A_82 : memref<1x128xi32, #tpu.memory_space<vmem>> -> memref<128xi32, #tpu.memory_space<vmem>>
      %dma_start3A_84 = arith.constant 0 : i32
      %dma_start3A_85 = arith.constant 0 : i32
      %dma_start3A_86 = tpu.memref_slice %arg10[%dma_start3A_84, %dma_start3A_85] : memref<10240x128xf32, #tpu.memory_space<vmem_shared>> -> memref<10240x128xf32, #tpu.memory_space<vmem_shared>>
      tpu.enqueue_indirect_dma source(%arg9 : memref<128x128xf32, #tpu.memory_space<vmem>>) target(%dma_start3A_86 : memref<10240x128xf32, #tpu.memory_space<vmem_shared>>) offsets(%dma_start3A_83 : memref<128xi32, #tpu.memory_space<vmem>>) semaphore(%arg14 : memref<!tpu.dma_semaphore, #tpu.memory_space<semaphore_mem>>) {add = true}
      %dma_wait3A_87 = arith.constant 0 : i32
      %dma_wait3A_88 = tpu.memref_slice %arg7[%add3A_59, %dma_wait3A_87] : memref<40x128xi32, #tpu.memory_space<vmem>> -> memref<1x128xi32, #tpu.memory_space<vmem>>
      %dma_wait3A_89 = tpu.memref_squeeze %dma_wait3A_88 : memref<1x128xi32, #tpu.memory_space<vmem>> -> memref<128xi32, #tpu.memory_space<vmem>>
      %dma_wait3A_90 = arith.constant 0 : i32
      %dma_wait3A_91 = arith.constant 0 : i32
      %dma_wait3A_92 = tpu.memref_slice %arg10[%dma_wait3A_90, %dma_wait3A_91] : memref<10240x128xf32, #tpu.memory_space<vmem_shared>> -> memref<10240x128xf32, #tpu.memory_space<vmem_shared>>
      tpu.wait_indirect_dma semaphore(%arg13 : memref<!tpu.dma_semaphore, #tpu.memory_space<semaphore_mem>>) src(%arg8 : memref<128x128xf32, #tpu.memory_space<vmem>>) dst(%dma_wait3A_92 : memref<10240x128xf32, #tpu.memory_space<vmem_shared>>)
      %add3A_93 = arith.constant 2 : i32
      %add3A_94 = arith.addi %add3A_59, %add3A_93 : i32
      %lt3A = arith.constant 40 : i32
      %lt3A_95 = arith.cmpi slt, %add3A_94, %lt3A : i32
      %convert_element_type3A = arith.extui %lt3A_95 : i1 to i32
      %cond3A = arith.constant 0 : i32
      %cond3A_96 = arith.cmpi ne, %convert_element_type3A, %cond3A : i32
      scf.if %cond3A_96 {
        %add3A_112 = arith.constant 2 : i32
        %add3A_113 = arith.addi %add3A_59, %add3A_112 : i32
        %dma_start3A_114 = arith.constant 0 : i32
        %dma_start3A_115 = tpu.memref_slice %arg6[%add3A_113, %dma_start3A_114] : memref<40x128xi32, #tpu.memory_space<vmem>> -> memref<1x128xi32, #tpu.memory_space<vmem>>
        %dma_start3A_116 = tpu.memref_squeeze %dma_start3A_115 : memref<1x128xi32, #tpu.memory_space<vmem>> -> memref<128xi32, #tpu.memory_space<vmem>>
        %dma_start3A_117 = arith.constant 0 : i32
        %dma_start3A_118 = arith.constant 0 : i32
        %dma_start3A_119 = tpu.memref_slice %arg2[%dma_start3A_117, %dma_start3A_118] : memref<10240x128xf32, #tpu.memory_space<hbm>> -> memref<10240x128xf32, #tpu.memory_space<hbm>>
        tpu.enqueue_indirect_dma source(%dma_start3A_119 : memref<10240x128xf32, #tpu.memory_space<hbm>>) target(%arg8 : memref<128x128xf32, #tpu.memory_space<vmem>>) offsets(%dma_start3A_116 : memref<128xi32, #tpu.memory_space<vmem>>) semaphore(%arg11 : memref<!tpu.dma_semaphore, #tpu.memory_space<semaphore_mem>>)
      } else {
      }
      %add3A_97 = arith.constant 1 : i32
      %add3A_98 = arith.addi %add3A_59, %add3A_97 : i32
      %dma_wait3A_99 = arith.constant 0 : i32
      %dma_wait3A_100 = tpu.memref_slice %arg7[%add3A_98, %dma_wait3A_99] : memref<40x128xi32, #tpu.memory_space<vmem>> -> memref<1x128xi32, #tpu.memory_space<vmem>>
      %dma_wait3A_101 = tpu.memref_squeeze %dma_wait3A_100 : memref<1x128xi32, #tpu.memory_space<vmem>> -> memref<128xi32, #tpu.memory_space<vmem>>
      %dma_wait3A_102 = arith.constant 0 : i32
      %dma_wait3A_103 = arith.constant 0 : i32
      %dma_wait3A_104 = tpu.memref_slice %arg10[%dma_wait3A_102, %dma_wait3A_103] : memref<10240x128xf32, #tpu.memory_space<vmem_shared>> -> memref<10240x128xf32, #tpu.memory_space<vmem_shared>>
      tpu.wait_indirect_dma semaphore(%arg14 : memref<!tpu.dma_semaphore, #tpu.memory_space<semaphore_mem>>) src(%arg9 : memref<128x128xf32, #tpu.memory_space<vmem>>) dst(%dma_wait3A_104 : memref<10240x128xf32, #tpu.memory_space<vmem_shared>>)
      %add3A_105 = arith.constant 3 : i32
      %add3A_106 = arith.addi %add3A_59, %add3A_105 : i32
      %lt3A_107 = arith.constant 40 : i32
      %lt3A_108 = arith.cmpi slt, %add3A_106, %lt3A_107 : i32
      %convert_element_type3A_109 = arith.extui %lt3A_108 : i1 to i32
      %cond3A_110 = arith.constant 0 : i32
      %cond3A_111 = arith.cmpi ne, %convert_element_type3A_109, %cond3A_110 : i32
      scf.if %cond3A_111 {
        %add3A_112 = arith.constant 3 : i32
        %add3A_113 = arith.addi %add3A_59, %add3A_112 : i32
        %dma_start3A_114 = arith.constant 0 : i32
        %dma_start3A_115 = tpu.memref_slice %arg6[%add3A_113, %dma_start3A_114] : memref<40x128xi32, #tpu.memory_space<vmem>> -> memref<1x128xi32, #tpu.memory_space<vmem>>
        %dma_start3A_116 = tpu.memref_squeeze %dma_start3A_115 : memref<1x128xi32, #tpu.memory_space<vmem>> -> memref<128xi32, #tpu.memory_space<vmem>>
        %dma_start3A_117 = arith.constant 0 : i32
        %dma_start3A_118 = arith.constant 0 : i32
        %dma_start3A_119 = tpu.memref_slice %arg2[%dma_start3A_117, %dma_start3A_118] : memref<10240x128xf32, #tpu.memory_space<hbm>> -> memref<10240x128xf32, #tpu.memory_space<hbm>>
        tpu.enqueue_indirect_dma source(%dma_start3A_119 : memref<10240x128xf32, #tpu.memory_space<hbm>>) target(%arg9 : memref<128x128xf32, #tpu.memory_space<vmem>>) offsets(%dma_start3A_116 : memref<128xi32, #tpu.memory_space<vmem>>) semaphore(%arg12 : memref<!tpu.dma_semaphore, #tpu.memory_space<semaphore_mem>>)
      } else {
      }
    }
    %scan3A_27 = arith.constant 20 : i32
    "tpu.region"() ({
      %run_scoped3A = tpu.sem_alloc : memref<!tpu.dma_semaphore, #tpu.memory_space<semaphore_mem>>
      %dma_start3A_55 = arith.constant 40 : i32
      %dma_start3A_56 = arith.constant 0 : i32
      %dma_start3A_57 = tpu.memref_slice %arg3[%add3A, %dma_start3A_55, %dma_start3A_56] : memref<32x80x128xi32, #tpu.memory_space<hbm>> -> memref<1x40x128xi32, #tpu.memory_space<hbm>>
      %dma_start3A_58 = tpu.memref_squeeze %dma_start3A_57 : memref<1x40x128xi32, #tpu.memory_space<hbm>> -> memref<40x128xi32, #tpu.memory_space<hbm>>
      %dma_start3A_59 = arith.constant 40 : i32
      %dma_start3A_60 = arith.constant 0 : i32
      %dma_start3A_61 = tpu.memref_slice %arg3[%add3A, %dma_start3A_59, %dma_start3A_60] : memref<32x80x128xi32, #tpu.memory_space<hbm>> -> memref<1x40x128xi32, #tpu.memory_space<hbm>>
      %dma_start3A_62 = tpu.memref_squeeze %dma_start3A_61 : memref<1x40x128xi32, #tpu.memory_space<hbm>> -> memref<40x128xi32, #tpu.memory_space<hbm>>
      tpu.enqueue_dma source(%dma_start3A_62 : memref<40x128xi32, #tpu.memory_space<hbm>>) target(%arg6 : memref<40x128xi32, #tpu.memory_space<vmem>>) target_semaphore(%run_scoped3A : memref<!tpu.dma_semaphore, #tpu.memory_space<semaphore_mem>>)
      %dma_wait3A = arith.constant 40 : i32
      %dma_wait3A_63 = arith.constant 0 : i32
      %dma_wait3A_64 = tpu.memref_slice %arg3[%add3A, %dma_wait3A, %dma_wait3A_63] : memref<32x80x128xi32, #tpu.memory_space<hbm>> -> memref<1x40x128xi32, #tpu.memory_space<hbm>>
      %dma_wait3A_65 = tpu.memref_squeeze %dma_wait3A_64 : memref<1x40x128xi32, #tpu.memory_space<hbm>> -> memref<40x128xi32, #tpu.memory_space<hbm>>
      %dma_wait3A_66 = arith.constant 40 : i32
      %dma_wait3A_67 = arith.constant 0 : i32
      %dma_wait3A_68 = tpu.memref_slice %arg3[%add3A, %dma_wait3A_66, %dma_wait3A_67] : memref<32x80x128xi32, #tpu.memory_space<hbm>> -> memref<1x40x128xi32, #tpu.memory_space<hbm>>
      %dma_wait3A_69 = tpu.memref_squeeze %dma_wait3A_68 : memref<1x40x128xi32, #tpu.memory_space<hbm>> -> memref<40x128xi32, #tpu.memory_space<hbm>>
      tpu.wait_dma2 semaphore(%run_scoped3A : memref<!tpu.dma_semaphore, #tpu.memory_space<semaphore_mem>>) src(%dma_wait3A_69 : memref<40x128xi32, #tpu.memory_space<hbm>>) dst(%arg6 : memref<40x128xi32, #tpu.memory_space<vmem>>)
      tpu.yield
    }) : () -> ()
    "tpu.region"() ({
      %run_scoped3A = tpu.sem_alloc : memref<!tpu.dma_semaphore, #tpu.memory_space<semaphore_mem>>
      %dma_start3A_55 = arith.constant 40 : i32
      %dma_start3A_56 = arith.constant 0 : i32
      %dma_start3A_57 = tpu.memref_slice %arg4[%add3A, %dma_start3A_55, %dma_start3A_56] : memref<32x80x128xi32, #tpu.memory_space<hbm>> -> memref<1x40x128xi32, #tpu.memory_space<hbm>>
      %dma_start3A_58 = tpu.memref_squeeze %dma_start3A_57 : memref<1x40x128xi32, #tpu.memory_space<hbm>> -> memref<40x128xi32, #tpu.memory_space<hbm>>
      %dma_start3A_59 = arith.constant 40 : i32
      %dma_start3A_60 = arith.constant 0 : i32
      %dma_start3A_61 = tpu.memref_slice %arg4[%add3A, %dma_start3A_59, %dma_start3A_60] : memref<32x80x128xi32, #tpu.memory_space<hbm>> -> memref<1x40x128xi32, #tpu.memory_space<hbm>>
      %dma_start3A_62 = tpu.memref_squeeze %dma_start3A_61 : memref<1x40x128xi32, #tpu.memory_space<hbm>> -> memref<40x128xi32, #tpu.memory_space<hbm>>
      tpu.enqueue_dma source(%dma_start3A_62 : memref<40x128xi32, #tpu.memory_space<hbm>>) target(%arg7 : memref<40x128xi32, #tpu.memory_space<vmem>>) target_semaphore(%run_scoped3A : memref<!tpu.dma_semaphore, #tpu.memory_space<semaphore_mem>>)
      %dma_wait3A = arith.constant 40 : i32
      %dma_wait3A_63 = arith.constant 0 : i32
      %dma_wait3A_64 = tpu.memref_slice %arg4[%add3A, %dma_wait3A, %dma_wait3A_63] : memref<32x80x128xi32, #tpu.memory_space<hbm>> -> memref<1x40x128xi32, #tpu.memory_space<hbm>>
      %dma_wait3A_65 = tpu.memref_squeeze %dma_wait3A_64 : memref<1x40x128xi32, #tpu.memory_space<hbm>> -> memref<40x128xi32, #tpu.memory_space<hbm>>
      %dma_wait3A_66 = arith.constant 40 : i32
      %dma_wait3A_67 = arith.constant 0 : i32
      %dma_wait3A_68 = tpu.memref_slice %arg4[%add3A, %dma_wait3A_66, %dma_wait3A_67] : memref<32x80x128xi32, #tpu.memory_space<hbm>> -> memref<1x40x128xi32, #tpu.memory_space<hbm>>
      %dma_wait3A_69 = tpu.memref_squeeze %dma_wait3A_68 : memref<1x40x128xi32, #tpu.memory_space<hbm>> -> memref<40x128xi32, #tpu.memory_space<hbm>>
      tpu.wait_dma2 semaphore(%run_scoped3A : memref<!tpu.dma_semaphore, #tpu.memory_space<semaphore_mem>>) src(%dma_wait3A_69 : memref<40x128xi32, #tpu.memory_space<hbm>>) dst(%arg7 : memref<40x128xi32, #tpu.memory_space<vmem>>)
      tpu.yield
    }) : () -> ()
    %dma_start3A_28 = arith.constant 0 : i32
    %dma_start3A_29 = arith.constant 0 : i32
    %dma_start3A_30 = tpu.memref_slice %arg6[%dma_start3A_28, %dma_start3A_29] : memref<40x128xi32, #tpu.memory_space<vmem>> -> memref<1x128xi32, #tpu.memory_space<vmem>>
    %dma_start3A_31 = tpu.memref_squeeze %dma_start3A_30 : memref<1x128xi32, #tpu.memory_space<vmem>> -> memref<128xi32, #tpu.memory_space<vmem>>
    %dma_start3A_32 = arith.constant 0 : i32
    %dma_start3A_33 = arith.constant 0 : i32
    %dma_start3A_34 = tpu.memref_slice %arg2[%dma_start3A_32, %dma_start3A_33] : memref<10240x128xf32, #tpu.memory_space<hbm>> -> memref<10240x128xf32, #tpu.memory_space<hbm>>
    tpu.enqueue_indirect_dma source(%dma_start3A_34 : memref<10240x128xf32, #tpu.memory_space<hbm>>) target(%arg8 : memref<128x128xf32, #tpu.memory_space<vmem>>) offsets(%dma_start3A_31 : memref<128xi32, #tpu.memory_space<vmem>>) semaphore(%arg11 : memref<!tpu.dma_semaphore, #tpu.memory_space<semaphore_mem>>)
    %dma_start3A_35 = arith.constant 1 : i32
    %dma_start3A_36 = arith.constant 0 : i32
    %dma_start3A_37 = tpu.memref_slice %arg6[%dma_start3A_35, %dma_start3A_36] : memref<40x128xi32, #tpu.memory_space<vmem>> -> memref<1x128xi32, #tpu.memory_space<vmem>>
    %dma_start3A_38 = tpu.memref_squeeze %dma_start3A_37 : memref<1x128xi32, #tpu.memory_space<vmem>> -> memref<128xi32, #tpu.memory_space<vmem>>
    %dma_start3A_39 = arith.constant 0 : i32
    %dma_start3A_40 = arith.constant 0 : i32
    %dma_start3A_41 = tpu.memref_slice %arg2[%dma_start3A_39, %dma_start3A_40] : memref<10240x128xf32, #tpu.memory_space<hbm>> -> memref<10240x128xf32, #tpu.memory_space<hbm>>
    tpu.enqueue_indirect_dma source(%dma_start3A_41 : memref<10240x128xf32, #tpu.memory_space<hbm>>) target(%arg9 : memref<128x128xf32, #tpu.memory_space<vmem>>) offsets(%dma_start3A_38 : memref<128xi32, #tpu.memory_space<vmem>>) semaphore(%arg12 : memref<!tpu.dma_semaphore, #tpu.memory_space<semaphore_mem>>)
    %scan3A_42 = arith.constant 0 : i32
    %scan3A_43 = arith.constant 20 : i32
    %scan3A_44 = arith.addi %scan3A_42, %scan3A_43 : i32
    %scan3A_45 = arith.constant 1 : i32
    scf.for %scan3A_55 = %scan3A_42 to %scan3A_44 step %scan3A_45  : i32 {
      %mul3A_56 = arith.constant 2 : i32
      %mul3A_57 = arith.muli %scan3A_55, %mul3A_56 : i32
      %add3A_58 = arith.constant 0 : i32
      %add3A_59 = arith.addi %add3A_58, %mul3A_57 : i32
      %dma_wait3A = arith.constant 0 : i32
      %dma_wait3A_60 = tpu.memref_slice %arg6[%add3A_59, %dma_wait3A] : memref<40x128xi32, #tpu.memory_space<vmem>> -> memref<1x128xi32, #tpu.memory_space<vmem>>
      %dma_wait3A_61 = tpu.memref_squeeze %dma_wait3A_60 : memref<1x128xi32, #tpu.memory_space<vmem>> -> memref<128xi32, #tpu.memory_space<vmem>>
      %dma_wait3A_62 = arith.constant 0 : i32
      %dma_wait3A_63 = arith.constant 0 : i32
      %dma_wait3A_64 = tpu.memref_slice %arg2[%dma_wait3A_62, %dma_wait3A_63] : memref<10240x128xf32, #tpu.memory_space<hbm>> -> memref<10240x128xf32, #tpu.memory_space<hbm>>
      tpu.wait_indirect_dma semaphore(%arg11 : memref<!tpu.dma_semaphore, #tpu.memory_space<semaphore_mem>>) src(%dma_wait3A_64 : memref<10240x128xf32, #tpu.memory_space<hbm>>) dst(%arg8 : memref<128x128xf32, #tpu.memory_space<vmem>>)
      %dma_start3A_65 = arith.constant 0 : i32
      %dma_start3A_66 = tpu.memref_slice %arg7[%add3A_59, %dma_start3A_65] : memref<40x128xi32, #tpu.memory_space<vmem>> -> memref<1x128xi32, #tpu.memory_space<vmem>>
      %dma_start3A_67 = tpu.memref_squeeze %dma_start3A_66 : memref<1x128xi32, #tpu.memory_space<vmem>> -> memref<128xi32, #tpu.memory_space<vmem>>
      %dma_start3A_68 = arith.constant 0 : i32
      %dma_start3A_69 = arith.constant 0 : i32
      %dma_start3A_70 = tpu.memref_slice %arg10[%dma_start3A_68, %dma_start3A_69] : memref<10240x128xf32, #tpu.memory_space<vmem_shared>> -> memref<10240x128xf32, #tpu.memory_space<vmem_shared>>
      tpu.enqueue_indirect_dma source(%arg8 : memref<128x128xf32, #tpu.memory_space<vmem>>) target(%dma_start3A_70 : memref<10240x128xf32, #tpu.memory_space<vmem_shared>>) offsets(%dma_start3A_67 : memref<128xi32, #tpu.memory_space<vmem>>) semaphore(%arg13 : memref<!tpu.dma_semaphore, #tpu.memory_space<semaphore_mem>>) {add = true}
      %add3A_71 = arith.constant 1 : i32
      %add3A_72 = arith.addi %add3A_59, %add3A_71 : i32
      %dma_wait3A_73 = arith.constant 0 : i32
      %dma_wait3A_74 = tpu.memref_slice %arg6[%add3A_72, %dma_wait3A_73] : memref<40x128xi32, #tpu.memory_space<vmem>> -> memref<1x128xi32, #tpu.memory_space<vmem>>
      %dma_wait3A_75 = tpu.memref_squeeze %dma_wait3A_74 : memref<1x128xi32, #tpu.memory_space<vmem>> -> memref<128xi32, #tpu.memory_space<vmem>>
      %dma_wait3A_76 = arith.constant 0 : i32
      %dma_wait3A_77 = arith.constant 0 : i32
      %dma_wait3A_78 = tpu.memref_slice %arg2[%dma_wait3A_76, %dma_wait3A_77] : memref<10240x128xf32, #tpu.memory_space<hbm>> -> memref<10240x128xf32, #tpu.memory_space<hbm>>
      tpu.wait_indirect_dma semaphore(%arg12 : memref<!tpu.dma_semaphore, #tpu.memory_space<semaphore_mem>>) src(%dma_wait3A_78 : memref<10240x128xf32, #tpu.memory_space<hbm>>) dst(%arg9 : memref<128x128xf32, #tpu.memory_space<vmem>>)
      %add3A_79 = arith.constant 1 : i32
      %add3A_80 = arith.addi %add3A_59, %add3A_79 : i32
      %dma_start3A_81 = arith.constant 0 : i32
      %dma_start3A_82 = tpu.memref_slice %arg7[%add3A_80, %dma_start3A_81] : memref<40x128xi32, #tpu.memory_space<vmem>> -> memref<1x128xi32, #tpu.memory_space<vmem>>
      %dma_start3A_83 = tpu.memref_squeeze %dma_start3A_82 : memref<1x128xi32, #tpu.memory_space<vmem>> -> memref<128xi32, #tpu.memory_space<vmem>>
      %dma_start3A_84 = arith.constant 0 : i32
      %dma_start3A_85 = arith.constant 0 : i32
      %dma_start3A_86 = tpu.memref_slice %arg10[%dma_start3A_84, %dma_start3A_85] : memref<10240x128xf32, #tpu.memory_space<vmem_shared>> -> memref<10240x128xf32, #tpu.memory_space<vmem_shared>>
      tpu.enqueue_indirect_dma source(%arg9 : memref<128x128xf32, #tpu.memory_space<vmem>>) target(%dma_start3A_86 : memref<10240x128xf32, #tpu.memory_space<vmem_shared>>) offsets(%dma_start3A_83 : memref<128xi32, #tpu.memory_space<vmem>>) semaphore(%arg14 : memref<!tpu.dma_semaphore, #tpu.memory_space<semaphore_mem>>) {add = true}
      %dma_wait3A_87 = arith.constant 0 : i32
      %dma_wait3A_88 = tpu.memref_slice %arg7[%add3A_59, %dma_wait3A_87] : memref<40x128xi32, #tpu.memory_space<vmem>> -> memref<1x128xi32, #tpu.memory_space<vmem>>
      %dma_wait3A_89 = tpu.memref_squeeze %dma_wait3A_88 : memref<1x128xi32, #tpu.memory_space<vmem>> -> memref<128xi32, #tpu.memory_space<vmem>>
      %dma_wait3A_90 = arith.constant 0 : i32
      %dma_wait3A_91 = arith.constant 0 : i32
      %dma_wait3A_92 = tpu.memref_slice %arg10[%dma_wait3A_90, %dma_wait3A_91] : memref<10240x128xf32, #tpu.memory_space<vmem_shared>> -> memref<10240x128xf32, #tpu.memory_space<vmem_shared>>
      tpu.wait_indirect_dma semaphore(%arg13 : memref<!tpu.dma_semaphore, #tpu.memory_space<semaphore_mem>>) src(%arg8 : memref<128x128xf32, #tpu.memory_space<vmem>>) dst(%dma_wait3A_92 : memref<10240x128xf32, #tpu.memory_space<vmem_shared>>)
      %add3A_93 = arith.constant 2 : i32
      %add3A_94 = arith.addi %add3A_59, %add3A_93 : i32
      %lt3A = arith.constant 40 : i32
      %lt3A_95 = arith.cmpi slt, %add3A_94, %lt3A : i32
      %convert_element_type3A = arith.extui %lt3A_95 : i1 to i32
      %cond3A = arith.constant 0 : i32
      %cond3A_96 = arith.cmpi ne, %convert_element_type3A, %cond3A : i32
      scf.if %cond3A_96 {
        %add3A_112 = arith.constant 2 : i32
        %add3A_113 = arith.addi %add3A_59, %add3A_112 : i32
        %dma_start3A_114 = arith.constant 0 : i32
        %dma_start3A_115 = tpu.memref_slice %arg6[%add3A_113, %dma_start3A_114] : memref<40x128xi32, #tpu.memory_space<vmem>> -> memref<1x128xi32, #tpu.memory_space<vmem>>
        %dma_start3A_116 = tpu.memref_squeeze %dma_start3A_115 : memref<1x128xi32, #tpu.memory_space<vmem>> -> memref<128xi32, #tpu.memory_space<vmem>>
        %dma_start3A_117 = arith.constant 0 : i32
        %dma_start3A_118 = arith.constant 0 : i32
        %dma_start3A_119 = tpu.memref_slice %arg2[%dma_start3A_117, %dma_start3A_118] : memref<10240x128xf32, #tpu.memory_space<hbm>> -> memref<10240x128xf32, #tpu.memory_space<hbm>>
        tpu.enqueue_indirect_dma source(%dma_start3A_119 : memref<10240x128xf32, #tpu.memory_space<hbm>>) target(%arg8 : memref<128x128xf32, #tpu.memory_space<vmem>>) offsets(%dma_start3A_116 : memref<128xi32, #tpu.memory_space<vmem>>) semaphore(%arg11 : memref<!tpu.dma_semaphore, #tpu.memory_space<semaphore_mem>>)
      } else {
      }
      %add3A_97 = arith.constant 1 : i32
      %add3A_98 = arith.addi %add3A_59, %add3A_97 : i32
      %dma_wait3A_99 = arith.constant 0 : i32
      %dma_wait3A_100 = tpu.memref_slice %arg7[%add3A_98, %dma_wait3A_99] : memref<40x128xi32, #tpu.memory_space<vmem>> -> memref<1x128xi32, #tpu.memory_space<vmem>>
      %dma_wait3A_101 = tpu.memref_squeeze %dma_wait3A_100 : memref<1x128xi32, #tpu.memory_space<vmem>> -> memref<128xi32, #tpu.memory_space<vmem>>
      %dma_wait3A_102 = arith.constant 0 : i32
      %dma_wait3A_103 = arith.constant 0 : i32
      %dma_wait3A_104 = tpu.memref_slice %arg10[%dma_wait3A_102, %dma_wait3A_103] : memref<10240x128xf32, #tpu.memory_space<vmem_shared>> -> memref<10240x128xf32, #tpu.memory_space<vmem_shared>>
      tpu.wait_indirect_dma semaphore(%arg14 : memref<!tpu.dma_semaphore, #tpu.memory_space<semaphore_mem>>) src(%arg9 : memref<128x128xf32, #tpu.memory_space<vmem>>) dst(%dma_wait3A_104 : memref<10240x128xf32, #tpu.memory_space<vmem_shared>>)
      %add3A_105 = arith.constant 3 : i32
      %add3A_106 = arith.addi %add3A_59, %add3A_105 : i32
      %lt3A_107 = arith.constant 40 : i32
      %lt3A_108 = arith.cmpi slt, %add3A_106, %lt3A_107 : i32
      %convert_element_type3A_109 = arith.extui %lt3A_108 : i1 to i32
      %cond3A_110 = arith.constant 0 : i32
      %cond3A_111 = arith.cmpi ne, %convert_element_type3A_109, %cond3A_110 : i32
      scf.if %cond3A_111 {
        %add3A_112 = arith.constant 3 : i32
        %add3A_113 = arith.addi %add3A_59, %add3A_112 : i32
        %dma_start3A_114 = arith.constant 0 : i32
        %dma_start3A_115 = tpu.memref_slice %arg6[%add3A_113, %dma_start3A_114] : memref<40x128xi32, #tpu.memory_space<vmem>> -> memref<1x128xi32, #tpu.memory_space<vmem>>
        %dma_start3A_116 = tpu.memref_squeeze %dma_start3A_115 : memref<1x128xi32, #tpu.memory_space<vmem>> -> memref<128xi32, #tpu.memory_space<vmem>>
        %dma_start3A_117 = arith.constant 0 : i32
        %dma_start3A_118 = arith.constant 0 : i32
        %dma_start3A_119 = tpu.memref_slice %arg2[%dma_start3A_117, %dma_start3A_118] : memref<10240x128xf32, #tpu.memory_space<hbm>> -> memref<10240x128xf32, #tpu.memory_space<hbm>>
        tpu.enqueue_indirect_dma source(%dma_start3A_119 : memref<10240x128xf32, #tpu.memory_space<hbm>>) target(%arg9 : memref<128x128xf32, #tpu.memory_space<vmem>>) offsets(%dma_start3A_116 : memref<128xi32, #tpu.memory_space<vmem>>) semaphore(%arg12 : memref<!tpu.dma_semaphore, #tpu.memory_space<semaphore_mem>>)
      } else {
      }
    }
    %scan3A_46 = arith.constant 20 : i32
    %barrier3A_47 = arith.constant 0 : index
    tpu.barrier barrier_id(%barrier3A_47)
    %mul3A_48 = arith.constant 640 : i32
    %mul3A_49 = arith.muli %arg1, %mul3A_48 : i32
    %mul3A_50 = arith.constant 10240 : i32
    %mul3A_51 = arith.muli %arg0, %mul3A_50 : i32
    %mul3A_52 = arith.constant 640 : i32
    %mul3A_53 = arith.muli %arg1, %mul3A_52 : i32
    %add3A_54 = arith.addi %mul3A_51, %mul3A_53 : i32
    "tpu.region"() ({
      %run_scoped3A = tpu.sem_alloc : memref<!tpu.dma_semaphore, #tpu.memory_space<semaphore_mem>>
      %dma_start3A_55 = arith.constant 0 : i32
      %dma_start3A_56 = tpu.memref_slice %arg5[%add3A_54, %dma_start3A_55] : memref<20480x128xf32, #tpu.memory_space<hbm>> -> memref<640x128xf32, #tpu.memory_space<hbm>>
      %dma_start3A_57 = arith.constant 0 : i32
      %dma_start3A_58 = tpu.memref_slice %arg10[%mul3A_49, %dma_start3A_57] : memref<10240x128xf32, #tpu.memory_space<vmem_shared>> -> memref<640x128xf32, #tpu.memory_space<vmem_shared>>
      tpu.enqueue_dma source(%dma_start3A_58 : memref<640x128xf32, #tpu.memory_space<vmem_shared>>) target(%dma_start3A_56 : memref<640x128xf32, #tpu.memory_space<hbm>>) target_semaphore(%run_scoped3A : memref<!tpu.dma_semaphore, #tpu.memory_space<semaphore_mem>>)
      %dma_wait3A = arith.constant 0 : i32
      %dma_wait3A_59 = tpu.memref_slice %arg5[%add3A_54, %dma_wait3A] : memref<20480x128xf32, #tpu.memory_space<hbm>> -> memref<640x128xf32, #tpu.memory_space<hbm>>
      %dma_wait3A_60 = arith.constant 0 : i32
      %dma_wait3A_61 = tpu.memref_slice %arg10[%mul3A_49, %dma_wait3A_60] : memref<10240x128xf32, #tpu.memory_space<vmem_shared>> -> memref<640x128xf32, #tpu.memory_space<vmem_shared>>
      tpu.wait_dma2 semaphore(%run_scoped3A : memref<!tpu.dma_semaphore, #tpu.memory_space<semaphore_mem>>) src(%dma_wait3A_61 : memref<640x128xf32, #tpu.memory_space<vmem_shared>>) dst(%dma_wait3A_59 : memref<640x128xf32, #tpu.memory_space<hbm>>)
      tpu.yield
    }) : () -> ()
    return
  }
}

#map = affine_map<(d0, d1) -> (0, 0)>
#map1 = affine_map<(d0, d1) -> (0, 0, 0)>
module attributes {stable_mosaic.version = 14 : i64} {
  func.func @k(%arg0: i32, %arg1: i32, %arg2: memref<10240x128xf32, #tpu.memory_space<hbm>>, %arg3: memref<32x80x128xi32, #tpu.memory_space<hbm>>, %arg4: memref<32x80x128xi32, #tpu.memory_space<hbm>>, %arg5: memref<20480x128xf32, #tpu.memory_space<hbm>>, %arg6: memref<40x128xi32, #tpu.memory_space<vmem>>, %arg7: memref<40x128xi32, #tpu.memory_space<vmem>>, %arg8: memref<128x128xf32, #tpu.memory_space<vmem>>, %arg9: memref<128x128xf32, #tpu.memory_space<vmem>>, %arg10: memref<10240x128xf32, #tpu.memory_space<vmem_shared>>, %arg11: memref<!tpu.dma_semaphore, #tpu.memory_space<semaphore_mem>>, %arg12: memref<!tpu.dma_semaphore, #tpu.memory_space<semaphore_mem>>, %arg13: memref<!tpu.dma_semaphore, #tpu.memory_space<semaphore_mem>>, %arg14: memref<!tpu.dma_semaphore, #tpu.memory_space<semaphore_mem>>) attributes {dimension_semantics = [#tpu.dimension_semantics<core_parallel>, #tpu.dimension_semantics<subcore_parallel>], iteration_bounds = array<i64: 2, 16>, scalar_prefetch = 0 : i64, scratch_operands = 9 : i64, tpu.core_type = #tpu.core_type<sc_vector_subcore>, window_params = [{transform_indices = #map}, {transform_indices = #map1}, {transform_indices = #map1}, {transform_indices = #map}]} {
    %mul3A = arith.constant 16 : i32
    %mul3A_0 = arith.muli %arg0, %mul3A : i32
    %add3A = arith.addi %mul3A_0, %arg1 : i32
    %scan3A = arith.constant 0 : i32
    %scan3A_1 = arith.constant 128 : i32
    %scan3A_2 = arith.addi %scan3A, %scan3A_1 : i32
    %scan3A_3 = arith.constant 1 : i32
    scf.for %scan3A_55 = %scan3A to %scan3A_2 step %scan3A_3  : i32 {
      %mul3A_56 = arith.constant 1 : i32
      %mul3A_57 = arith.muli %scan3A_55, %mul3A_56 : i32
      %add3A_58 = arith.constant 0 : i32
      %add3A_59 = arith.addi %add3A_58, %mul3A_57 : i32
      %scan3A_60 = arith.constant 0 : i32
      %scan3A_61 = arith.constant 8 : i32
      %scan3A_62 = arith.addi %scan3A_60, %scan3A_61 : i32
      %scan3A_63 = arith.constant 1 : i32
      scf.for %scan3A_65 = %scan3A_60 to %scan3A_62 step %scan3A_63  : i32 {
        %mul3A_66 = arith.constant 16 : i32
        %mul3A_67 = arith.muli %scan3A_65, %mul3A_66 : i32
        %add3A_68 = arith.constant 0 : i32
        %add3A_69 = arith.addi %add3A_68, %mul3A_67 : i32
        %broadcast_in_dim3A = arith.constant 0.000000e+00 : f32
        %broadcast_in_dim3A_70 = vector.broadcast %broadcast_in_dim3A : f32 to vector<16xf32>
        %swap3A = arith.index_cast %add3A_59 : i32 to index
        %swap3A_71 = arith.index_cast %add3A_69 : i32 to index
        %swap3A_72 = tpu.vector_load %arg8[%swap3A, %swap3A_71] {strides = array<i32>} : memref<128x128xf32, #tpu.memory_space<vmem>>, vector<1x16xf32>,
        %swap3A_73 = vector.shape_cast %swap3A_72 : vector<1x16xf32> to vector<16xf32>
        %swap3A_74 = vector.shape_cast %broadcast_in_dim3A_70 : vector<16xf32> to vector<1x16xf32>
        tpu.vector_store %arg8[%swap3A, %swap3A_71], %swap3A_74 {strides = array<i32>} : memref<128x128xf32, #tpu.memory_space<vmem>>, vector<1x16xf32>,
      }
      %scan3A_64 = arith.constant 8 : i32
    }
    %scan3A_4 = arith.constant 128 : i32
    %scan3A_5 = arith.constant 0 : i32
    %scan3A_6 = arith.constant 5 : i32
    %scan3A_7 = arith.addi %scan3A_5, %scan3A_6 : i32
    %scan3A_8 = arith.constant 1 : i32
    scf.for %scan3A_55 = %scan3A_5 to %scan3A_7 step %scan3A_8  : i32 {
      %mul3A_56 = arith.constant 128 : i32
      %mul3A_57 = arith.muli %scan3A_55, %mul3A_56 : i32
      %add3A_58 = arith.constant 0 : i32
      %add3A_59 = arith.addi %add3A_58, %mul3A_57 : i32
      %mul3A_60 = arith.constant 640 : i32
      %mul3A_61 = arith.muli %arg1, %mul3A_60 : i32
      %add3A_62 = arith.addi %mul3A_61, %add3A_59 : i32
      "tpu.region"() ({
        %run_scoped3A = tpu.sem_alloc : memref<!tpu.dma_semaphore, #tpu.memory_space<semaphore_mem>>
        %dma_start3A_63 = arith.constant 0 : i32
        %dma_start3A_64 = tpu.memref_slice %arg10[%add3A_62, %dma_start3A_63] : memref<10240x128xf32, #tpu.memory_space<vmem_shared>> -> memref<128x128xf32, #tpu.memory_space<vmem_shared>>
        %dma_start3A_65 = arith.constant 0 : i32
        %dma_start3A_66 = tpu.memref_slice %arg10[%add3A_62, %dma_start3A_65] : memref<10240x128xf32, #tpu.memory_space<vmem_shared>> -> memref<128x128xf32, #tpu.memory_space<vmem_shared>>
        tpu.enqueue_dma source(%arg8 : memref<128x128xf32, #tpu.memory_space<vmem>>) target(%dma_start3A_66 : memref<128x128xf32, #tpu.memory_space<vmem_shared>>) target_semaphore(%run_scoped3A : memref<!tpu.dma_semaphore, #tpu.memory_space<semaphore_mem>>)
        %dma_wait3A = arith.constant 0 : i32
        %dma_wait3A_67 = tpu.memref_slice %arg10[%add3A_62, %dma_wait3A] : memref<10240x128xf32, #tpu.memory_space<vmem_shared>> -> memref<128x128xf32, #tpu.memory_space<vmem_shared>>
        %dma_wait3A_68 = arith.constant 0 : i32
        %dma_wait3A_69 = tpu.memref_slice %arg10[%add3A_62, %dma_wait3A_68] : memref<10240x128xf32, #tpu.memory_space<vmem_shared>> -> memref<128x128xf32, #tpu.memory_space<vmem_shared>>
        tpu.wait_dma2 semaphore(%run_scoped3A : memref<!tpu.dma_semaphore, #tpu.memory_space<semaphore_mem>>) src(%arg8 : memref<128x128xf32, #tpu.memory_space<vmem>>) dst(%dma_wait3A_69 : memref<128x128xf32, #tpu.memory_space<vmem_shared>>)
        tpu.yield
      }) : () -> ()
    }
    %scan3A_9 = arith.constant 5 : i32
    %barrier3A = arith.constant 0 : index
    tpu.barrier barrier_id(%barrier3A)
    "tpu.region"() ({
      %run_scoped3A = tpu.sem_alloc : memref<!tpu.dma_semaphore, #tpu.memory_space<semaphore_mem>>
      %dma_start3A_55 = arith.constant 0 : i32
      %dma_start3A_56 = arith.constant 0 : i32
      %dma_start3A_57 = tpu.memref_slice %arg3[%add3A, %dma_start3A_55, %dma_start3A_56] : memref<32x80x128xi32, #tpu.memory_space<hbm>> -> memref<1x40x128xi32, #tpu.memory_space<hbm>>
      %dma_start3A_58 = tpu.memref_squeeze %dma_start3A_57 : memref<1x40x128xi32, #tpu.memory_space<hbm>> -> memref<40x128xi32, #tpu.memory_space<hbm>>
      %dma_start3A_59 = arith.constant 0 : i32
      %dma_start3A_60 = arith.constant 0 : i32
      %dma_start3A_61 = tpu.memref_slice %arg3[%add3A, %dma_start3A_59, %dma_start3A_60] : memref<32x80x128xi32, #tpu.memory_space<hbm>> -> memref<1x40x128xi32, #tpu.memory_space<hbm>>
      %dma_start3A_62 = tpu.memref_squeeze %dma_start3A_61 : memref<1x40x128xi32, #tpu.memory_space<hbm>> -> memref<40x128xi32, #tpu.memory_space<hbm>>
      tpu.enqueue_dma source(%dma_start3A_62 : memref<40x128xi32, #tpu.memory_space<hbm>>) target(%arg6 : memref<40x128xi32, #tpu.memory_space<vmem>>) target_semaphore(%run_scoped3A : memref<!tpu.dma_semaphore, #tpu.memory_space<semaphore_mem>>)
      %dma_wait3A = arith.constant 0 : i32
      %dma_wait3A_63 = arith.constant 0 : i32
      %dma_wait3A_64 = tpu.memref_slice %arg3[%add3A, %dma_wait3A, %dma_wait3A_63] : memref<32x80x128xi32, #tpu.memory_space<hbm>> -> memref<1x40x128xi32, #tpu.memory_space<hbm>>
      %dma_wait3A_65 = tpu.memref_squeeze %dma_wait3A_64 : memref<1x40x128xi32, #tpu.memory_space<hbm>> -> memref<40x128xi32, #tpu.memory_space<hbm>>
      %dma_wait3A_66 = arith.constant 0 : i32
      %dma_wait3A_67 = arith.constant 0 : i32
      %dma_wait3A_68 = tpu.memref_slice %arg3[%add3A, %dma_wait3A_66, %dma_wait3A_67] : memref<32x80x128xi32, #tpu.memory_space<hbm>> -> memref<1x40x128xi32, #tpu.memory_space<hbm>>
      %dma_wait3A_69 = tpu.memref_squeeze %dma_wait3A_68 : memref<1x40x128xi32, #tpu.memory_space<hbm>> -> memref<40x128xi32, #tpu.memory_space<hbm>>
      tpu.wait_dma2 semaphore(%run_scoped3A : memref<!tpu.dma_semaphore, #tpu.memory_space<semaphore_mem>>) src(%dma_wait3A_69 : memref<40x128xi32, #tpu.memory_space<hbm>>) dst(%arg6 : memref<40x128xi32, #tpu.memory_space<vmem>>)
      tpu.yield
    }) : () -> ()
    "tpu.region"() ({
      %run_scoped3A = tpu.sem_alloc : memref<!tpu.dma_semaphore, #tpu.memory_space<semaphore_mem>>
      %dma_start3A_55 = arith.constant 0 : i32
      %dma_start3A_56 = arith.constant 0 : i32
      %dma_start3A_57 = tpu.memref_slice %arg4[%add3A, %dma_start3A_55, %dma_start3A_56] : memref<32x80x128xi32, #tpu.memory_space<hbm>> -> memref<1x40x128xi32, #tpu.memory_space<hbm>>
      %dma_start3A_58 = tpu.memref_squeeze %dma_start3A_57 : memref<1x40x128xi32, #tpu.memory_space<hbm>> -> memref<40x128xi32, #tpu.memory_space<hbm>>
      %dma_start3A_59 = arith.constant 0 : i32
      %dma_start3A_60 = arith.constant 0 : i32
      %dma_start3A_61 = tpu.memref_slice %arg4[%add3A, %dma_start3A_59, %dma_start3A_60] : memref<32x80x128xi32, #tpu.memory_space<hbm>> -> memref<1x40x128xi32, #tpu.memory_space<hbm>>
      %dma_start3A_62 = tpu.memref_squeeze %dma_start3A_61 : memref<1x40x128xi32, #tpu.memory_space<hbm>> -> memref<40x128xi32, #tpu.memory_space<hbm>>
      tpu.enqueue_dma source(%dma_start3A_62 : memref<40x128xi32, #tpu.memory_space<hbm>>) target(%arg7 : memref<40x128xi32, #tpu.memory_space<vmem>>) target_semaphore(%run_scoped3A : memref<!tpu.dma_semaphore, #tpu.memory_space<semaphore_mem>>)
      %dma_wait3A = arith.constant 0 : i32
      %dma_wait3A_63 = arith.constant 0 : i32
      %dma_wait3A_64 = tpu.memref_slice %arg4[%add3A, %dma_wait3A, %dma_wait3A_63] : memref<32x80x128xi32, #tpu.memory_space<hbm>> -> memref<1x40x128xi32, #tpu.memory_space<hbm>>
      %dma_wait3A_65 = tpu.memref_squeeze %dma_wait3A_64 : memref<1x40x128xi32, #tpu.memory_space<hbm>> -> memref<40x128xi32, #tpu.memory_space<hbm>>
      %dma_wait3A_66 = arith.constant 0 : i32
      %dma_wait3A_67 = arith.constant 0 : i32
      %dma_wait3A_68 = tpu.memref_slice %arg4[%add3A, %dma_wait3A_66, %dma_wait3A_67] : memref<32x80x128xi32, #tpu.memory_space<hbm>> -> memref<1x40x128xi32, #tpu.memory_space<hbm>>
      %dma_wait3A_69 = tpu.memref_squeeze %dma_wait3A_68 : memref<1x40x128xi32, #tpu.memory_space<hbm>> -> memref<40x128xi32, #tpu.memory_space<hbm>>
      tpu.wait_dma2 semaphore(%run_scoped3A : memref<!tpu.dma_semaphore, #tpu.memory_space<semaphore_mem>>) src(%dma_wait3A_69 : memref<40x128xi32, #tpu.memory_space<hbm>>) dst(%arg7 : memref<40x128xi32, #tpu.memory_space<vmem>>)
      tpu.yield
    }) : () -> ()
    %dma_start3A = arith.constant 0 : i32
    %dma_start3A_10 = arith.constant 0 : i32
    %dma_start3A_11 = tpu.memref_slice %arg6[%dma_start3A, %dma_start3A_10] : memref<40x128xi32, #tpu.memory_space<vmem>> -> memref<1x128xi32, #tpu.memory_space<vmem>>
    %dma_start3A_12 = tpu.memref_squeeze %dma_start3A_11 : memref<1x128xi32, #tpu.memory_space<vmem>> -> memref<128xi32, #tpu.memory_space<vmem>>
    %dma_start3A_13 = arith.constant 0 : i32
    %dma_start3A_14 = arith.constant 0 : i32
    %dma_start3A_15 = tpu.memref_slice %arg2[%dma_start3A_13, %dma_start3A_14] : memref<10240x128xf32, #tpu.memory_space<hbm>> -> memref<10240x128xf32, #tpu.memory_space<hbm>>
    tpu.enqueue_indirect_dma source(%dma_start3A_15 : memref<10240x128xf32, #tpu.memory_space<hbm>>) target(%arg8 : memref<128x128xf32, #tpu.memory_space<vmem>>) offsets(%dma_start3A_12 : memref<128xi32, #tpu.memory_space<vmem>>) semaphore(%arg11 : memref<!tpu.dma_semaphore, #tpu.memory_space<semaphore_mem>>)
    %dma_start3A_16 = arith.constant 1 : i32
    %dma_start3A_17 = arith.constant 0 : i32
    %dma_start3A_18 = tpu.memref_slice %arg6[%dma_start3A_16, %dma_start3A_17] : memref<40x128xi32, #tpu.memory_space<vmem>> -> memref<1x128xi32, #tpu.memory_space<vmem>>
    %dma_start3A_19 = tpu.memref_squeeze %dma_start3A_18 : memref<1x128xi32, #tpu.memory_space<vmem>> -> memref<128xi32, #tpu.memory_space<vmem>>
    %dma_start3A_20 = arith.constant 0 : i32
    %dma_start3A_21 = arith.constant 0 : i32
    %dma_start3A_22 = tpu.memref_slice %arg2[%dma_start3A_20, %dma_start3A_21] : memref<10240x128xf32, #tpu.memory_space<hbm>> -> memref<10240x128xf32, #tpu.memory_space<hbm>>
    tpu.enqueue_indirect_dma source(%dma_start3A_22 : memref<10240x128xf32, #tpu.memory_space<hbm>>) target(%arg9 : memref<128x128xf32, #tpu.memory_space<vmem>>) offsets(%dma_start3A_19 : memref<128xi32, #tpu.memory_space<vmem>>) semaphore(%arg12 : memref<!tpu.dma_semaphore, #tpu.memory_space<semaphore_mem>>)
    %scan3A_23 = arith.constant 0 : i32
    %scan3A_24 = arith.constant 20 : i32
    %scan3A_25 = arith.addi %scan3A_23, %scan3A_24 : i32
    %scan3A_26 = arith.constant 1 : i32
    scf.for %scan3A_55 = %scan3A_23 to %scan3A_25 step %scan3A_26  : i32 {
      %mul3A_56 = arith.constant 2 : i32
      %mul3A_57 = arith.muli %scan3A_55, %mul3A_56 : i32
      %add3A_58 = arith.constant 0 : i32
      %add3A_59 = arith.addi %add3A_58, %mul3A_57 : i32
      %dma_wait3A = arith.constant 0 : i32
      %dma_wait3A_60 = tpu.memref_slice %arg6[%add3A_59, %dma_wait3A] : memref<40x128xi32, #tpu.memory_space<vmem>> -> memref<1x128xi32, #tpu.memory_space<vmem>>
      %dma_wait3A_61 = tpu.memref_squeeze %dma_wait3A_60 : memref<1x128xi32, #tpu.memory_space<vmem>> -> memref<128xi32, #tpu.memory_space<vmem>>
      %dma_wait3A_62 = arith.constant 0 : i32
      %dma_wait3A_63 = arith.constant 0 : i32
      %dma_wait3A_64 = tpu.memref_slice %arg2[%dma_wait3A_62, %dma_wait3A_63] : memref<10240x128xf32, #tpu.memory_space<hbm>> -> memref<10240x128xf32, #tpu.memory_space<hbm>>
      tpu.wait_indirect_dma semaphore(%arg11 : memref<!tpu.dma_semaphore, #tpu.memory_space<semaphore_mem>>) src(%dma_wait3A_64 : memref<10240x128xf32, #tpu.memory_space<hbm>>) dst(%arg8 : memref<128x128xf32, #tpu.memory_space<vmem>>)
      %dma_start3A_65 = arith.constant 0 : i32
      %dma_start3A_66 = tpu.memref_slice %arg7[%add3A_59, %dma_start3A_65] : memref<40x128xi32, #tpu.memory_space<vmem>> -> memref<1x128xi32, #tpu.memory_space<vmem>>
      %dma_start3A_67 = tpu.memref_squeeze %dma_start3A_66 : memref<1x128xi32, #tpu.memory_space<vmem>> -> memref<128xi32, #tpu.memory_space<vmem>>
      %dma_start3A_68 = arith.constant 0 : i32
      %dma_start3A_69 = arith.constant 0 : i32
      %dma_start3A_70 = tpu.memref_slice %arg10[%dma_start3A_68, %dma_start3A_69] : memref<10240x128xf32, #tpu.memory_space<vmem_shared>> -> memref<10240x128xf32, #tpu.memory_space<vmem_shared>>
      tpu.enqueue_indirect_dma source(%arg8 : memref<128x128xf32, #tpu.memory_space<vmem>>) target(%dma_start3A_70 : memref<10240x128xf32, #tpu.memory_space<vmem_shared>>) offsets(%dma_start3A_67 : memref<128xi32, #tpu.memory_space<vmem>>) semaphore(%arg13 : memref<!tpu.dma_semaphore, #tpu.memory_space<semaphore_mem>>) {add = true}
      %add3A_71 = arith.constant 1 : i32
      %add3A_72 = arith.addi %add3A_59, %add3A_71 : i32
      %dma_wait3A_73 = arith.constant 0 : i32
      %dma_wait3A_74 = tpu.memref_slice %arg6[%add3A_72, %dma_wait3A_73] : memref<40x128xi32, #tpu.memory_space<vmem>> -> memref<1x128xi32, #tpu.memory_space<vmem>>
      %dma_wait3A_75 = tpu.memref_squeeze %dma_wait3A_74 : memref<1x128xi32, #tpu.memory_space<vmem>> -> memref<128xi32, #tpu.memory_space<vmem>>
      %dma_wait3A_76 = arith.constant 0 : i32
      %dma_wait3A_77 = arith.constant 0 : i32
      %dma_wait3A_78 = tpu.memref_slice %arg2[%dma_wait3A_76, %dma_wait3A_77] : memref<10240x128xf32, #tpu.memory_space<hbm>> -> memref<10240x128xf32, #tpu.memory_space<hbm>>
      tpu.wait_indirect_dma semaphore(%arg12 : memref<!tpu.dma_semaphore, #tpu.memory_space<semaphore_mem>>) src(%dma_wait3A_78 : memref<10240x128xf32, #tpu.memory_space<hbm>>) dst(%arg9 : memref<128x128xf32, #tpu.memory_space<vmem>>)
      %add3A_79 = arith.constant 1 : i32
      %add3A_80 = arith.addi %add3A_59, %add3A_79 : i32
      %dma_start3A_81 = arith.constant 0 : i32
      %dma_start3A_82 = tpu.memref_slice %arg7[%add3A_80, %dma_start3A_81] : memref<40x128xi32, #tpu.memory_space<vmem>> -> memref<1x128xi32, #tpu.memory_space<vmem>>
      %dma_start3A_83 = tpu.memref_squeeze %dma_start3A_82 : memref<1x128xi32, #tpu.memory_space<vmem>> -> memref<128xi32, #tpu.memory_space<vmem>>
      %dma_start3A_84 = arith.constant 0 : i32
      %dma_start3A_85 = arith.constant 0 : i32
      %dma_start3A_86 = tpu.memref_slice %arg10[%dma_start3A_84, %dma_start3A_85] : memref<10240x128xf32, #tpu.memory_space<vmem_shared>> -> memref<10240x128xf32, #tpu.memory_space<vmem_shared>>
      tpu.enqueue_indirect_dma source(%arg9 : memref<128x128xf32, #tpu.memory_space<vmem>>) target(%dma_start3A_86 : memref<10240x128xf32, #tpu.memory_space<vmem_shared>>) offsets(%dma_start3A_83 : memref<128xi32, #tpu.memory_space<vmem>>) semaphore(%arg14 : memref<!tpu.dma_semaphore, #tpu.memory_space<semaphore_mem>>) {add = true}
      %dma_wait3A_87 = arith.constant 0 : i32
      %dma_wait3A_88 = tpu.memref_slice %arg7[%add3A_59, %dma_wait3A_87] : memref<40x128xi32, #tpu.memory_space<vmem>> -> memref<1x128xi32, #tpu.memory_space<vmem>>
      %dma_wait3A_89 = tpu.memref_squeeze %dma_wait3A_88 : memref<1x128xi32, #tpu.memory_space<vmem>> -> memref<128xi32, #tpu.memory_space<vmem>>
      %dma_wait3A_90 = arith.constant 0 : i32
      %dma_wait3A_91 = arith.constant 0 : i32
      %dma_wait3A_92 = tpu.memref_slice %arg10[%dma_wait3A_90, %dma_wait3A_91] : memref<10240x128xf32, #tpu.memory_space<vmem_shared>> -> memref<10240x128xf32, #tpu.memory_space<vmem_shared>>
      tpu.wait_indirect_dma semaphore(%arg13 : memref<!tpu.dma_semaphore, #tpu.memory_space<semaphore_mem>>) src(%arg8 : memref<128x128xf32, #tpu.memory_space<vmem>>) dst(%dma_wait3A_92 : memref<10240x128xf32, #tpu.memory_space<vmem_shared>>)
      %add3A_93 = arith.constant 2 : i32
      %add3A_94 = arith.addi %add3A_59, %add3A_93 : i32
      %lt3A = arith.constant 40 : i32
      %lt3A_95 = arith.cmpi slt, %add3A_94, %lt3A : i32
      %convert_element_type3A = arith.extui %lt3A_95 : i1 to i32
      %cond3A = arith.constant 0 : i32
      %cond3A_96 = arith.cmpi ne, %convert_element_type3A, %cond3A : i32
      scf.if %cond3A_96 {
        %add3A_112 = arith.constant 2 : i32
        %add3A_113 = arith.addi %add3A_59, %add3A_112 : i32
        %dma_start3A_114 = arith.constant 0 : i32
        %dma_start3A_115 = tpu.memref_slice %arg6[%add3A_113, %dma_start3A_114] : memref<40x128xi32, #tpu.memory_space<vmem>> -> memref<1x128xi32, #tpu.memory_space<vmem>>
        %dma_start3A_116 = tpu.memref_squeeze %dma_start3A_115 : memref<1x128xi32, #tpu.memory_space<vmem>> -> memref<128xi32, #tpu.memory_space<vmem>>
        %dma_start3A_117 = arith.constant 0 : i32
        %dma_start3A_118 = arith.constant 0 : i32
        %dma_start3A_119 = tpu.memref_slice %arg2[%dma_start3A_117, %dma_start3A_118] : memref<10240x128xf32, #tpu.memory_space<hbm>> -> memref<10240x128xf32, #tpu.memory_space<hbm>>
        tpu.enqueue_indirect_dma source(%dma_start3A_119 : memref<10240x128xf32, #tpu.memory_space<hbm>>) target(%arg8 : memref<128x128xf32, #tpu.memory_space<vmem>>) offsets(%dma_start3A_116 : memref<128xi32, #tpu.memory_space<vmem>>) semaphore(%arg11 : memref<!tpu.dma_semaphore, #tpu.memory_space<semaphore_mem>>)
      } else {
      }
      %add3A_97 = arith.constant 1 : i32
      %add3A_98 = arith.addi %add3A_59, %add3A_97 : i32
      %dma_wait3A_99 = arith.constant 0 : i32
      %dma_wait3A_100 = tpu.memref_slice %arg7[%add3A_98, %dma_wait3A_99] : memref<40x128xi32, #tpu.memory_space<vmem>> -> memref<1x128xi32, #tpu.memory_space<vmem>>
      %dma_wait3A_101 = tpu.memref_squeeze %dma_wait3A_100 : memref<1x128xi32, #tpu.memory_space<vmem>> -> memref<128xi32, #tpu.memory_space<vmem>>
      %dma_wait3A_102 = arith.constant 0 : i32
      %dma_wait3A_103 = arith.constant 0 : i32
      %dma_wait3A_104 = tpu.memref_slice %arg10[%dma_wait3A_102, %dma_wait3A_103] : memref<10240x128xf32, #tpu.memory_space<vmem_shared>> -> memref<10240x128xf32, #tpu.memory_space<vmem_shared>>
      tpu.wait_indirect_dma semaphore(%arg14 : memref<!tpu.dma_semaphore, #tpu.memory_space<semaphore_mem>>) src(%arg9 : memref<128x128xf32, #tpu.memory_space<vmem>>) dst(%dma_wait3A_104 : memref<10240x128xf32, #tpu.memory_space<vmem_shared>>)
      %add3A_105 = arith.constant 3 : i32
      %add3A_106 = arith.addi %add3A_59, %add3A_105 : i32
      %lt3A_107 = arith.constant 40 : i32
      %lt3A_108 = arith.cmpi slt, %add3A_106, %lt3A_107 : i32
      %convert_element_type3A_109 = arith.extui %lt3A_108 : i1 to i32
      %cond3A_110 = arith.constant 0 : i32
      %cond3A_111 = arith.cmpi ne, %convert_element_type3A_109, %cond3A_110 : i32
      scf.if %cond3A_111 {
        %add3A_112 = arith.constant 3 : i32
        %add3A_113 = arith.addi %add3A_59, %add3A_112 : i32
        %dma_start3A_114 = arith.constant 0 : i32
        %dma_start3A_115 = tpu.memref_slice %arg6[%add3A_113, %dma_start3A_114] : memref<40x128xi32, #tpu.memory_space<vmem>> -> memref<1x128xi32, #tpu.memory_space<vmem>>
        %dma_start3A_116 = tpu.memref_squeeze %dma_start3A_115 : memref<1x128xi32, #tpu.memory_space<vmem>> -> memref<128xi32, #tpu.memory_space<vmem>>
        %dma_start3A_117 = arith.constant 0 : i32
        %dma_start3A_118 = arith.constant 0 : i32
        %dma_start3A_119 = tpu.memref_slice %arg2[%dma_start3A_117, %dma_start3A_118] : memref<10240x128xf32, #tpu.memory_space<hbm>> -> memref<10240x128xf32, #tpu.memory_space<hbm>>
        tpu.enqueue_indirect_dma source(%dma_start3A_119 : memref<10240x128xf32, #tpu.memory_space<hbm>>) target(%arg9 : memref<128x128xf32, #tpu.memory_space<vmem>>) offsets(%dma_start3A_116 : memref<128xi32, #tpu.memory_space<vmem>>) semaphore(%arg12 : memref<!tpu.dma_semaphore, #tpu.memory_space<semaphore_mem>>)
      } else {
      }
    }
    %scan3A_27 = arith.constant 20 : i32
    "tpu.region"() ({
      %run_scoped3A = tpu.sem_alloc : memref<!tpu.dma_semaphore, #tpu.memory_space<semaphore_mem>>
      %dma_start3A_55 = arith.constant 40 : i32
      %dma_start3A_56 = arith.constant 0 : i32
      %dma_start3A_57 = tpu.memref_slice %arg3[%add3A, %dma_start3A_55, %dma_start3A_56] : memref<32x80x128xi32, #tpu.memory_space<hbm>> -> memref<1x40x128xi32, #tpu.memory_space<hbm>>
      %dma_start3A_58 = tpu.memref_squeeze %dma_start3A_57 : memref<1x40x128xi32, #tpu.memory_space<hbm>> -> memref<40x128xi32, #tpu.memory_space<hbm>>
      %dma_start3A_59 = arith.constant 40 : i32
      %dma_start3A_60 = arith.constant 0 : i32
      %dma_start3A_61 = tpu.memref_slice %arg3[%add3A, %dma_start3A_59, %dma_start3A_60] : memref<32x80x128xi32, #tpu.memory_space<hbm>> -> memref<1x40x128xi32, #tpu.memory_space<hbm>>
      %dma_start3A_62 = tpu.memref_squeeze %dma_start3A_61 : memref<1x40x128xi32, #tpu.memory_space<hbm>> -> memref<40x128xi32, #tpu.memory_space<hbm>>
      tpu.enqueue_dma source(%dma_start3A_62 : memref<40x128xi32, #tpu.memory_space<hbm>>) target(%arg6 : memref<40x128xi32, #tpu.memory_space<vmem>>) target_semaphore(%run_scoped3A : memref<!tpu.dma_semaphore, #tpu.memory_space<semaphore_mem>>)
      %dma_wait3A = arith.constant 40 : i32
      %dma_wait3A_63 = arith.constant 0 : i32
      %dma_wait3A_64 = tpu.memref_slice %arg3[%add3A, %dma_wait3A, %dma_wait3A_63] : memref<32x80x128xi32, #tpu.memory_space<hbm>> -> memref<1x40x128xi32, #tpu.memory_space<hbm>>
      %dma_wait3A_65 = tpu.memref_squeeze %dma_wait3A_64 : memref<1x40x128xi32, #tpu.memory_space<hbm>> -> memref<40x128xi32, #tpu.memory_space<hbm>>
      %dma_wait3A_66 = arith.constant 40 : i32
      %dma_wait3A_67 = arith.constant 0 : i32
      %dma_wait3A_68 = tpu.memref_slice %arg3[%add3A, %dma_wait3A_66, %dma_wait3A_67] : memref<32x80x128xi32, #tpu.memory_space<hbm>> -> memref<1x40x128xi32, #tpu.memory_space<hbm>>
      %dma_wait3A_69 = tpu.memref_squeeze %dma_wait3A_68 : memref<1x40x128xi32, #tpu.memory_space<hbm>> -> memref<40x128xi32, #tpu.memory_space<hbm>>
      tpu.wait_dma2 semaphore(%run_scoped3A : memref<!tpu.dma_semaphore, #tpu.memory_space<semaphore_mem>>) src(%dma_wait3A_69 : memref<40x128xi32, #tpu.memory_space<hbm>>) dst(%arg6 : memref<40x128xi32, #tpu.memory_space<vmem>>)
      tpu.yield
    }) : () -> ()
    "tpu.region"() ({
      %run_scoped3A = tpu.sem_alloc : memref<!tpu.dma_semaphore, #tpu.memory_space<semaphore_mem>>
      %dma_start3A_55 = arith.constant 40 : i32
      %dma_start3A_56 = arith.constant 0 : i32
      %dma_start3A_57 = tpu.memref_slice %arg4[%add3A, %dma_start3A_55, %dma_start3A_56] : memref<32x80x128xi32, #tpu.memory_space<hbm>> -> memref<1x40x128xi32, #tpu.memory_space<hbm>>
      %dma_start3A_58 = tpu.memref_squeeze %dma_start3A_57 : memref<1x40x128xi32, #tpu.memory_space<hbm>> -> memref<40x128xi32, #tpu.memory_space<hbm>>
      %dma_start3A_59 = arith.constant 40 : i32
      %dma_start3A_60 = arith.constant 0 : i32
      %dma_start3A_61 = tpu.memref_slice %arg4[%add3A, %dma_start3A_59, %dma_start3A_60] : memref<32x80x128xi32, #tpu.memory_space<hbm>> -> memref<1x40x128xi32, #tpu.memory_space<hbm>>
      %dma_start3A_62 = tpu.memref_squeeze %dma_start3A_61 : memref<1x40x128xi32, #tpu.memory_space<hbm>> -> memref<40x128xi32, #tpu.memory_space<hbm>>
      tpu.enqueue_dma source(%dma_start3A_62 : memref<40x128xi32, #tpu.memory_space<hbm>>) target(%arg7 : memref<40x128xi32, #tpu.memory_space<vmem>>) target_semaphore(%run_scoped3A : memref<!tpu.dma_semaphore, #tpu.memory_space<semaphore_mem>>)
      %dma_wait3A = arith.constant 40 : i32
      %dma_wait3A_63 = arith.constant 0 : i32
      %dma_wait3A_64 = tpu.memref_slice %arg4[%add3A, %dma_wait3A, %dma_wait3A_63] : memref<32x80x128xi32, #tpu.memory_space<hbm>> -> memref<1x40x128xi32, #tpu.memory_space<hbm>>
      %dma_wait3A_65 = tpu.memref_squeeze %dma_wait3A_64 : memref<1x40x128xi32, #tpu.memory_space<hbm>> -> memref<40x128xi32, #tpu.memory_space<hbm>>
      %dma_wait3A_66 = arith.constant 40 : i32
      %dma_wait3A_67 = arith.constant 0 : i32
      %dma_wait3A_68 = tpu.memref_slice %arg4[%add3A, %dma_wait3A_66, %dma_wait3A_67] : memref<32x80x128xi32, #tpu.memory_space<hbm>> -> memref<1x40x128xi32, #tpu.memory_space<hbm>>
      %dma_wait3A_69 = tpu.memref_squeeze %dma_wait3A_68 : memref<1x40x128xi32, #tpu.memory_space<hbm>> -> memref<40x128xi32, #tpu.memory_space<hbm>>
      tpu.wait_dma2 semaphore(%run_scoped3A : memref<!tpu.dma_semaphore, #tpu.memory_space<semaphore_mem>>) src(%dma_wait3A_69 : memref<40x128xi32, #tpu.memory_space<hbm>>) dst(%arg7 : memref<40x128xi32, #tpu.memory_space<vmem>>)
      tpu.yield
    }) : () -> ()
    %dma_start3A_28 = arith.constant 0 : i32
    %dma_start3A_29 = arith.constant 0 : i32
    %dma_start3A_30 = tpu.memref_slice %arg6[%dma_start3A_28, %dma_start3A_29] : memref<40x128xi32, #tpu.memory_space<vmem>> -> memref<1x128xi32, #tpu.memory_space<vmem>>
    %dma_start3A_31 = tpu.memref_squeeze %dma_start3A_30 : memref<1x128xi32, #tpu.memory_space<vmem>> -> memref<128xi32, #tpu.memory_space<vmem>>
    %dma_start3A_32 = arith.constant 0 : i32
    %dma_start3A_33 = arith.constant 0 : i32
    %dma_start3A_34 = tpu.memref_slice %arg2[%dma_start3A_32, %dma_start3A_33] : memref<10240x128xf32, #tpu.memory_space<hbm>> -> memref<10240x128xf32, #tpu.memory_space<hbm>>
    tpu.enqueue_indirect_dma source(%dma_start3A_34 : memref<10240x128xf32, #tpu.memory_space<hbm>>) target(%arg8 : memref<128x128xf32, #tpu.memory_space<vmem>>) offsets(%dma_start3A_31 : memref<128xi32, #tpu.memory_space<vmem>>) semaphore(%arg11 : memref<!tpu.dma_semaphore, #tpu.memory_space<semaphore_mem>>)
    %dma_start3A_35 = arith.constant 1 : i32
    %dma_start3A_36 = arith.constant 0 : i32
    %dma_start3A_37 = tpu.memref_slice %arg6[%dma_start3A_35, %dma_start3A_36] : memref<40x128xi32, #tpu.memory_space<vmem>> -> memref<1x128xi32, #tpu.memory_space<vmem>>
    %dma_start3A_38 = tpu.memref_squeeze %dma_start3A_37 : memref<1x128xi32, #tpu.memory_space<vmem>> -> memref<128xi32, #tpu.memory_space<vmem>>
    %dma_start3A_39 = arith.constant 0 : i32
    %dma_start3A_40 = arith.constant 0 : i32
    %dma_start3A_41 = tpu.memref_slice %arg2[%dma_start3A_39, %dma_start3A_40] : memref<10240x128xf32, #tpu.memory_space<hbm>> -> memref<10240x128xf32, #tpu.memory_space<hbm>>
    tpu.enqueue_indirect_dma source(%dma_start3A_41 : memref<10240x128xf32, #tpu.memory_space<hbm>>) target(%arg9 : memref<128x128xf32, #tpu.memory_space<vmem>>) offsets(%dma_start3A_38 : memref<128xi32, #tpu.memory_space<vmem>>) semaphore(%arg12 : memref<!tpu.dma_semaphore, #tpu.memory_space<semaphore_mem>>)
    %scan3A_42 = arith.constant 0 : i32
    %scan3A_43 = arith.constant 20 : i32
    %scan3A_44 = arith.addi %scan3A_42, %scan3A_43 : i32
    %scan3A_45 = arith.constant 1 : i32
    scf.for %scan3A_55 = %scan3A_42 to %scan3A_44 step %scan3A_45  : i32 {
      %mul3A_56 = arith.constant 2 : i32
      %mul3A_57 = arith.muli %scan3A_55, %mul3A_56 : i32
      %add3A_58 = arith.constant 0 : i32
      %add3A_59 = arith.addi %add3A_58, %mul3A_57 : i32
      %dma_wait3A = arith.constant 0 : i32
      %dma_wait3A_60 = tpu.memref_slice %arg6[%add3A_59, %dma_wait3A] : memref<40x128xi32, #tpu.memory_space<vmem>> -> memref<1x128xi32, #tpu.memory_space<vmem>>
      %dma_wait3A_61 = tpu.memref_squeeze %dma_wait3A_60 : memref<1x128xi32, #tpu.memory_space<vmem>> -> memref<128xi32, #tpu.memory_space<vmem>>
      %dma_wait3A_62 = arith.constant 0 : i32
      %dma_wait3A_63 = arith.constant 0 : i32
      %dma_wait3A_64 = tpu.memref_slice %arg2[%dma_wait3A_62, %dma_wait3A_63] : memref<10240x128xf32, #tpu.memory_space<hbm>> -> memref<10240x128xf32, #tpu.memory_space<hbm>>
      tpu.wait_indirect_dma semaphore(%arg11 : memref<!tpu.dma_semaphore, #tpu.memory_space<semaphore_mem>>) src(%dma_wait3A_64 : memref<10240x128xf32, #tpu.memory_space<hbm>>) dst(%arg8 : memref<128x128xf32, #tpu.memory_space<vmem>>)
      %dma_start3A_65 = arith.constant 0 : i32
      %dma_start3A_66 = tpu.memref_slice %arg7[%add3A_59, %dma_start3A_65] : memref<40x128xi32, #tpu.memory_space<vmem>> -> memref<1x128xi32, #tpu.memory_space<vmem>>
      %dma_start3A_67 = tpu.memref_squeeze %dma_start3A_66 : memref<1x128xi32, #tpu.memory_space<vmem>> -> memref<128xi32, #tpu.memory_space<vmem>>
      %dma_start3A_68 = arith.constant 0 : i32
      %dma_start3A_69 = arith.constant 0 : i32
      %dma_start3A_70 = tpu.memref_slice %arg10[%dma_start3A_68, %dma_start3A_69] : memref<10240x128xf32, #tpu.memory_space<vmem_shared>> -> memref<10240x128xf32, #tpu.memory_space<vmem_shared>>
      tpu.enqueue_indirect_dma source(%arg8 : memref<128x128xf32, #tpu.memory_space<vmem>>) target(%dma_start3A_70 : memref<10240x128xf32, #tpu.memory_space<vmem_shared>>) offsets(%dma_start3A_67 : memref<128xi32, #tpu.memory_space<vmem>>) semaphore(%arg13 : memref<!tpu.dma_semaphore, #tpu.memory_space<semaphore_mem>>) {add = true}
      %add3A_71 = arith.constant 1 : i32
      %add3A_72 = arith.addi %add3A_59, %add3A_71 : i32
      %dma_wait3A_73 = arith.constant 0 : i32
      %dma_wait3A_74 = tpu.memref_slice %arg6[%add3A_72, %dma_wait3A_73] : memref<40x128xi32, #tpu.memory_space<vmem>> -> memref<1x128xi32, #tpu.memory_space<vmem>>
      %dma_wait3A_75 = tpu.memref_squeeze %dma_wait3A_74 : memref<1x128xi32, #tpu.memory_space<vmem>> -> memref<128xi32, #tpu.memory_space<vmem>>
      %dma_wait3A_76 = arith.constant 0 : i32
      %dma_wait3A_77 = arith.constant 0 : i32
      %dma_wait3A_78 = tpu.memref_slice %arg2[%dma_wait3A_76, %dma_wait3A_77] : memref<10240x128xf32, #tpu.memory_space<hbm>> -> memref<10240x128xf32, #tpu.memory_space<hbm>>
      tpu.wait_indirect_dma semaphore(%arg12 : memref<!tpu.dma_semaphore, #tpu.memory_space<semaphore_mem>>) src(%dma_wait3A_78 : memref<10240x128xf32, #tpu.memory_space<hbm>>) dst(%arg9 : memref<128x128xf32, #tpu.memory_space<vmem>>)
      %add3A_79 = arith.constant 1 : i32
      %add3A_80 = arith.addi %add3A_59, %add3A_79 : i32
      %dma_start3A_81 = arith.constant 0 : i32
      %dma_start3A_82 = tpu.memref_slice %arg7[%add3A_80, %dma_start3A_81] : memref<40x128xi32, #tpu.memory_space<vmem>> -> memref<1x128xi32, #tpu.memory_space<vmem>>
      %dma_start3A_83 = tpu.memref_squeeze %dma_start3A_82 : memref<1x128xi32, #tpu.memory_space<vmem>> -> memref<128xi32, #tpu.memory_space<vmem>>
      %dma_start3A_84 = arith.constant 0 : i32
      %dma_start3A_85 = arith.constant 0 : i32
      %dma_start3A_86 = tpu.memref_slice %arg10[%dma_start3A_84, %dma_start3A_85] : memref<10240x128xf32, #tpu.memory_space<vmem_shared>> -> memref<10240x128xf32, #tpu.memory_space<vmem_shared>>
      tpu.enqueue_indirect_dma source(%arg9 : memref<128x128xf32, #tpu.memory_space<vmem>>) target(%dma_start3A_86 : memref<10240x128xf32, #tpu.memory_space<vmem_shared>>) offsets(%dma_start3A_83 : memref<128xi32, #tpu.memory_space<vmem>>) semaphore(%arg14 : memref<!tpu.dma_semaphore, #tpu.memory_space<semaphore_mem>>) {add = true}
      %dma_wait3A_87 = arith.constant 0 : i32
      %dma_wait3A_88 = tpu.memref_slice %arg7[%add3A_59, %dma_wait3A_87] : memref<40x128xi32, #tpu.memory_space<vmem>> -> memref<1x128xi32, #tpu.memory_space<vmem>>
      %dma_wait3A_89 = tpu.memref_squeeze %dma_wait3A_88 : memref<1x128xi32, #tpu.memory_space<vmem>> -> memref<128xi32, #tpu.memory_space<vmem>>
      %dma_wait3A_90 = arith.constant 0 : i32
      %dma_wait3A_91 = arith.constant 0 : i32
      %dma_wait3A_92 = tpu.memref_slice %arg10[%dma_wait3A_90, %dma_wait3A_91] : memref<10240x128xf32, #tpu.memory_space<vmem_shared>> -> memref<10240x128xf32, #tpu.memory_space<vmem_shared>>
      tpu.wait_indirect_dma semaphore(%arg13 : memref<!tpu.dma_semaphore, #tpu.memory_space<semaphore_mem>>) src(%arg8 : memref<128x128xf32, #tpu.memory_space<vmem>>) dst(%dma_wait3A_92 : memref<10240x128xf32, #tpu.memory_space<vmem_shared>>)
      %add3A_93 = arith.constant 2 : i32
      %add3A_94 = arith.addi %add3A_59, %add3A_93 : i32
      %lt3A = arith.constant 40 : i32
      %lt3A_95 = arith.cmpi slt, %add3A_94, %lt3A : i32
      %convert_element_type3A = arith.extui %lt3A_95 : i1 to i32
      %cond3A = arith.constant 0 : i32
      %cond3A_96 = arith.cmpi ne, %convert_element_type3A, %cond3A : i32
      scf.if %cond3A_96 {
        %add3A_112 = arith.constant 2 : i32
        %add3A_113 = arith.addi %add3A_59, %add3A_112 : i32
        %dma_start3A_114 = arith.constant 0 : i32
        %dma_start3A_115 = tpu.memref_slice %arg6[%add3A_113, %dma_start3A_114] : memref<40x128xi32, #tpu.memory_space<vmem>> -> memref<1x128xi32, #tpu.memory_space<vmem>>
        %dma_start3A_116 = tpu.memref_squeeze %dma_start3A_115 : memref<1x128xi32, #tpu.memory_space<vmem>> -> memref<128xi32, #tpu.memory_space<vmem>>
        %dma_start3A_117 = arith.constant 0 : i32
        %dma_start3A_118 = arith.constant 0 : i32
        %dma_start3A_119 = tpu.memref_slice %arg2[%dma_start3A_117, %dma_start3A_118] : memref<10240x128xf32, #tpu.memory_space<hbm>> -> memref<10240x128xf32, #tpu.memory_space<hbm>>
        tpu.enqueue_indirect_dma source(%dma_start3A_119 : memref<10240x128xf32, #tpu.memory_space<hbm>>) target(%arg8 : memref<128x128xf32, #tpu.memory_space<vmem>>) offsets(%dma_start3A_116 : memref<128xi32, #tpu.memory_space<vmem>>) semaphore(%arg11 : memref<!tpu.dma_semaphore, #tpu.memory_space<semaphore_mem>>)
      } else {
      }
      %add3A_97 = arith.constant 1 : i32
      %add3A_98 = arith.addi %add3A_59, %add3A_97 : i32
      %dma_wait3A_99 = arith.constant 0 : i32
      %dma_wait3A_100 = tpu.memref_slice %arg7[%add3A_98, %dma_wait3A_99] : memref<40x128xi32, #tpu.memory_space<vmem>> -> memref<1x128xi32, #tpu.memory_space<vmem>>
      %dma_wait3A_101 = tpu.memref_squeeze %dma_wait3A_100 : memref<1x128xi32, #tpu.memory_space<vmem>> -> memref<128xi32, #tpu.memory_space<vmem>>
      %dma_wait3A_102 = arith.constant 0 : i32
      %dma_wait3A_103 = arith.constant 0 : i32
      %dma_wait3A_104 = tpu.memref_slice %arg10[%dma_wait3A_102, %dma_wait3A_103] : memref<10240x128xf32, #tpu.memory_space<vmem_shared>> -> memref<10240x128xf32, #tpu.memory_space<vmem_shared>>
      tpu.wait_indirect_dma semaphore(%arg14 : memref<!tpu.dma_semaphore, #tpu.memory_space<semaphore_mem>>) src(%arg9 : memref<128x128xf32, #tpu.memory_space<vmem>>) dst(%dma_wait3A_104 : memref<10240x128xf32, #tpu.memory_space<vmem_shared>>)
      %add3A_105 = arith.constant 3 : i32
      %add3A_106 = arith.addi %add3A_59, %add3A_105 : i32
      %lt3A_107 = arith.constant 40 : i32
      %lt3A_108 = arith.cmpi slt, %add3A_106, %lt3A_107 : i32
      %convert_element_type3A_109 = arith.extui %lt3A_108 : i1 to i32
      %cond3A_110 = arith.constant 0 : i32
      %cond3A_111 = arith.cmpi ne, %convert_element_type3A_109, %cond3A_110 : i32
      scf.if %cond3A_111 {
        %add3A_112 = arith.constant 3 : i32
        %add3A_113 = arith.addi %add3A_59, %add3A_112 : i32
        %dma_start3A_114 = arith.constant 0 : i32
        %dma_start3A_115 = tpu.memref_slice %arg6[%add3A_113, %dma_start3A_114] : memref<40x128xi32, #tpu.memory_space<vmem>> -> memref<1x128xi32, #tpu.memory_space<vmem>>
        %dma_start3A_116 = tpu.memref_squeeze %dma_start3A_115 : memref<1x128xi32, #tpu.memory_space<vmem>> -> memref<128xi32, #tpu.memory_space<vmem>>
        %dma_start3A_117 = arith.constant 0 : i32
        %dma_start3A_118 = arith.constant 0 : i32
        %dma_start3A_119 = tpu.memref_slice %arg2[%dma_start3A_117, %dma_start3A_118] : memref<10240x128xf32, #tpu.memory_space<hbm>> -> memref<10240x128xf32, #tpu.memory_space<hbm>>
        tpu.enqueue_indirect_dma source(%dma_start3A_119 : memref<10240x128xf32, #tpu.memory_space<hbm>>) target(%arg9 : memref<128x128xf32, #tpu.memory_space<vmem>>) offsets(%dma_start3A_116 : memref<128xi32, #tpu.memory_space<vmem>>) semaphore(%arg12 : memref<!tpu.dma_semaphore, #tpu.memory_space<semaphore_mem>>)
      } else {
      }
    }
    %scan3A_46 = arith.constant 20 : i32
    %barrier3A_47 = arith.constant 0 : index
    tpu.barrier barrier_id(%barrier3A_47)
    %mul3A_48 = arith.constant 640 : i32
    %mul3A_49 = arith.muli %arg1, %mul3A_48 : i32
    %mul3A_50 = arith.constant 10240 : i32
    %mul3A_51 = arith.muli %arg0, %mul3A_50 : i32
    %mul3A_52 = arith.constant 640 : i32
    %mul3A_53 = arith.muli %arg1, %mul3A_52 : i32
    %add3A_54 = arith.addi %mul3A_51, %mul3A_53 : i32
    "tpu.region"() ({
      %run_scoped3A = tpu.sem_alloc : memref<!tpu.dma_semaphore, #tpu.memory_space<semaphore_mem>>
      %dma_start3A_55 = arith.constant 0 : i32
      %dma_start3A_56 = tpu.memref_slice %arg5[%add3A_54, %dma_start3A_55] : memref<20480x128xf32, #tpu.memory_space<hbm>> -> memref<640x128xf32, #tpu.memory_space<hbm>>
      %dma_start3A_57 = arith.constant 0 : i32
      %dma_start3A_58 = tpu.memref_slice %arg10[%mul3A_49, %dma_start3A_57] : memref<10240x128xf32, #tpu.memory_space<vmem_shared>> -> memref<640x128xf32, #tpu.memory_space<vmem_shared>>
      tpu.enqueue_dma source(%dma_start3A_58 : memref<640x128xf32, #tpu.memory_space<vmem_shared>>) target(%dma_start3A_56 : memref<640x128xf32, #tpu.memory_space<hbm>>) target_semaphore(%run_scoped3A : memref<!tpu.dma_semaphore, #tpu.memory_space<semaphore_mem>>)
      %dma_wait3A = arith.constant 0 : i32
      %dma_wait3A_59 = tpu.memref_slice %arg5[%add3A_54, %dma_wait3A] : memref<20480x128xf32, #tpu.memory_space<hbm>> -> memref<640x128xf32, #tpu.memory_space<hbm>>
      %dma_wait3A_60 = arith.constant 0 : i32
      %dma_wait3A_61 = tpu.memref_slice %arg10[%mul3A_49, %dma_wait3A_60] : memref<10240x128xf32, #tpu.memory_space<vmem_shared>> -> memref<640x128xf32, #tpu.memory_space<vmem_shared>>
      tpu.wait_dma2 semaphore(%run_scoped3A : memref<!tpu.dma_semaphore, #tpu.memory_space<semaphore_mem>>) src(%dma_wait3A_61 : memref<640x128xf32, #tpu.memory_space<vmem_shared>>) dst(%dma_wait3A_59 : memref<640x128xf32, #tpu.memory_space<hbm>>)
      tpu.yield
    }) : () -> ()
    return
  }
}

#map = affine_map<(d0, d1) -> (0)>
#map1 = affine_map<(d0, d1) -> (0, 0)>
module attributes {stable_mosaic.version = 14 : i64} {
  func.func @k(%arg0: i32, %arg1: i32, %arg2: memref<10240xf32, #tpu.memory_space<hbm>>, %arg3: memref<32x10240xi32, #tpu.memory_space<hbm>>, %arg4: memref<32x10240xi32, #tpu.memory_space<hbm>>, %arg5: memref<32x10240xf32, #tpu.memory_space<hbm>>, %arg6: memref<10240xi32, #tpu.memory_space<vmem>>, %arg7: memref<10240xi32, #tpu.memory_space<vmem>>, %arg8: memref<10240xf32, #tpu.memory_space<vmem>>, %arg9: memref<10240xf32, #tpu.memory_space<vmem>>) attributes {dimension_semantics = [#tpu.dimension_semantics<core_parallel>, #tpu.dimension_semantics<subcore_parallel>], iteration_bounds = array<i64: 2, 16>, scalar_prefetch = 0 : i64, scratch_operands = 4 : i64, tpu.core_type = #tpu.core_type<sc_vector_subcore>, window_params = [{transform_indices = #map}, {transform_indices = #map1}, {transform_indices = #map1}, {transform_indices = #map1}]} {
    %mul3A = arith.constant 16 : i32
    %mul3A_0 = arith.muli %arg0, %mul3A : i32
    %add3A = arith.addi %mul3A_0, %arg1 : i32
    %scan3A = arith.constant 0 : i32
    %scan3A_1 = arith.constant 640 : i32
    %scan3A_2 = arith.addi %scan3A, %scan3A_1 : i32
    %scan3A_3 = arith.constant 1 : i32
    scf.for %scan3A_10 = %scan3A to %scan3A_2 step %scan3A_3  : i32 {
      %mul3A_11 = arith.constant 16 : i32
      %mul3A_12 = arith.muli %scan3A_10, %mul3A_11 : i32
      %add3A_13 = arith.constant 0 : i32
      %add3A_14 = arith.addi %add3A_13, %mul3A_12 : i32
      %broadcast_in_dim3A = arith.constant 0.000000e+00 : f32
      %broadcast_in_dim3A_15 = vector.broadcast %broadcast_in_dim3A : f32 to vector<16xf32>
      %swap3A = arith.index_cast %add3A_14 : i32 to index
      %swap3A_16 = tpu.vector_load %arg9[%swap3A] {strides = array<i32>} : memref<10240xf32, #tpu.memory_space<vmem>>, vector<16xf32>,
      tpu.vector_store %arg9[%swap3A], %broadcast_in_dim3A_15 {strides = array<i32>} : memref<10240xf32, #tpu.memory_space<vmem>>, vector<16xf32>,
    }
    %scan3A_4 = arith.constant 640 : i32
    "tpu.region"() ({
      %run_scoped3A = tpu.sem_alloc : memref<!tpu.dma_semaphore, #tpu.memory_space<semaphore_mem>>
      tpu.enqueue_dma source(%arg2 : memref<10240xf32, #tpu.memory_space<hbm>>) target(%arg8 : memref<10240xf32, #tpu.memory_space<vmem>>) target_semaphore(%run_scoped3A : memref<!tpu.dma_semaphore, #tpu.memory_space<semaphore_mem>>)
      tpu.wait_dma2 semaphore(%run_scoped3A : memref<!tpu.dma_semaphore, #tpu.memory_space<semaphore_mem>>) src(%arg2 : memref<10240xf32, #tpu.memory_space<hbm>>) dst(%arg8 : memref<10240xf32, #tpu.memory_space<vmem>>)
      tpu.yield
    }) : () -> ()
    "tpu.region"() ({
      %run_scoped3A = tpu.sem_alloc : memref<!tpu.dma_semaphore, #tpu.memory_space<semaphore_mem>>
      %dma_start3A = arith.constant 0 : i32
      %dma_start3A_10 = tpu.memref_slice %arg3[%add3A, %dma_start3A] : memref<32x10240xi32, #tpu.memory_space<hbm>> -> memref<1x10240xi32, #tpu.memory_space<hbm>>
      %dma_start3A_11 = tpu.memref_squeeze %dma_start3A_10 : memref<1x10240xi32, #tpu.memory_space<hbm>> -> memref<10240xi32, #tpu.memory_space<hbm>>
      %dma_start3A_12 = arith.constant 0 : i32
      %dma_start3A_13 = tpu.memref_slice %arg3[%add3A, %dma_start3A_12] : memref<32x10240xi32, #tpu.memory_space<hbm>> -> memref<1x10240xi32, #tpu.memory_space<hbm>>
      %dma_start3A_14 = tpu.memref_squeeze %dma_start3A_13 : memref<1x10240xi32, #tpu.memory_space<hbm>> -> memref<10240xi32, #tpu.memory_space<hbm>>
      tpu.enqueue_dma source(%dma_start3A_14 : memref<10240xi32, #tpu.memory_space<hbm>>) target(%arg6 : memref<10240xi32, #tpu.memory_space<vmem>>) target_semaphore(%run_scoped3A : memref<!tpu.dma_semaphore, #tpu.memory_space<semaphore_mem>>)
      %dma_wait3A = arith.constant 0 : i32
      %dma_wait3A_15 = tpu.memref_slice %arg3[%add3A, %dma_wait3A] : memref<32x10240xi32, #tpu.memory_space<hbm>> -> memref<1x10240xi32, #tpu.memory_space<hbm>>
      %dma_wait3A_16 = tpu.memref_squeeze %dma_wait3A_15 : memref<1x10240xi32, #tpu.memory_space<hbm>> -> memref<10240xi32, #tpu.memory_space<hbm>>
      %dma_wait3A_17 = arith.constant 0 : i32
      %dma_wait3A_18 = tpu.memref_slice %arg3[%add3A, %dma_wait3A_17] : memref<32x10240xi32, #tpu.memory_space<hbm>> -> memref<1x10240xi32, #tpu.memory_space<hbm>>
      %dma_wait3A_19 = tpu.memref_squeeze %dma_wait3A_18 : memref<1x10240xi32, #tpu.memory_space<hbm>> -> memref<10240xi32, #tpu.memory_space<hbm>>
      tpu.wait_dma2 semaphore(%run_scoped3A : memref<!tpu.dma_semaphore, #tpu.memory_space<semaphore_mem>>) src(%dma_wait3A_19 : memref<10240xi32, #tpu.memory_space<hbm>>) dst(%arg6 : memref<10240xi32, #tpu.memory_space<vmem>>)
      tpu.yield
    }) : () -> ()
    "tpu.region"() ({
      %run_scoped3A = tpu.sem_alloc : memref<!tpu.dma_semaphore, #tpu.memory_space<semaphore_mem>>
      %dma_start3A = arith.constant 0 : i32
      %dma_start3A_10 = tpu.memref_slice %arg4[%add3A, %dma_start3A] : memref<32x10240xi32, #tpu.memory_space<hbm>> -> memref<1x10240xi32, #tpu.memory_space<hbm>>
      %dma_start3A_11 = tpu.memref_squeeze %dma_start3A_10 : memref<1x10240xi32, #tpu.memory_space<hbm>> -> memref<10240xi32, #tpu.memory_space<hbm>>
      %dma_start3A_12 = arith.constant 0 : i32
      %dma_start3A_13 = tpu.memref_slice %arg4[%add3A, %dma_start3A_12] : memref<32x10240xi32, #tpu.memory_space<hbm>> -> memref<1x10240xi32, #tpu.memory_space<hbm>>
      %dma_start3A_14 = tpu.memref_squeeze %dma_start3A_13 : memref<1x10240xi32, #tpu.memory_space<hbm>> -> memref<10240xi32, #tpu.memory_space<hbm>>
      tpu.enqueue_dma source(%dma_start3A_14 : memref<10240xi32, #tpu.memory_space<hbm>>) target(%arg7 : memref<10240xi32, #tpu.memory_space<vmem>>) target_semaphore(%run_scoped3A : memref<!tpu.dma_semaphore, #tpu.memory_space<semaphore_mem>>)
      %dma_wait3A = arith.constant 0 : i32
      %dma_wait3A_15 = tpu.memref_slice %arg4[%add3A, %dma_wait3A] : memref<32x10240xi32, #tpu.memory_space<hbm>> -> memref<1x10240xi32, #tpu.memory_space<hbm>>
      %dma_wait3A_16 = tpu.memref_squeeze %dma_wait3A_15 : memref<1x10240xi32, #tpu.memory_space<hbm>> -> memref<10240xi32, #tpu.memory_space<hbm>>
      %dma_wait3A_17 = arith.constant 0 : i32
      %dma_wait3A_18 = tpu.memref_slice %arg4[%add3A, %dma_wait3A_17] : memref<32x10240xi32, #tpu.memory_space<hbm>> -> memref<1x10240xi32, #tpu.memory_space<hbm>>
      %dma_wait3A_19 = tpu.memref_squeeze %dma_wait3A_18 : memref<1x10240xi32, #tpu.memory_space<hbm>> -> memref<10240xi32, #tpu.memory_space<hbm>>
      tpu.wait_dma2 semaphore(%run_scoped3A : memref<!tpu.dma_semaphore, #tpu.memory_space<semaphore_mem>>) src(%dma_wait3A_19 : memref<10240xi32, #tpu.memory_space<hbm>>) dst(%arg7 : memref<10240xi32, #tpu.memory_space<vmem>>)
      tpu.yield
    }) : () -> ()
    %scan3A_5 = arith.constant 0 : i32
    %scan3A_6 = arith.constant 640 : i32
    %scan3A_7 = arith.addi %scan3A_5, %scan3A_6 : i32
    %scan3A_8 = arith.constant 1 : i32
    scf.for %scan3A_10 = %scan3A_5 to %scan3A_7 step %scan3A_8  : i32 {
      %mul3A_11 = arith.constant 16 : i32
      %mul3A_12 = arith.muli %scan3A_10, %mul3A_11 : i32
      %add3A_13 = arith.constant 0 : i32
      %add3A_14 = arith.addi %add3A_13, %mul3A_12 : i32
      %get3A = arith.index_cast %add3A_14 : i32 to index
      %get3A_15 = tpu.vector_load %arg6[%get3A] {strides = array<i32>} : memref<10240xi32, #tpu.memory_space<vmem>>, vector<16xi32>,
      %get3A_16 = arith.index_cast %add3A_14 : i32 to index
      %get3A_17 = tpu.vector_load %arg7[%get3A_16] {strides = array<i32>} : memref<10240xi32, #tpu.memory_space<vmem>>, vector<16xi32>,
      %gather3A = tpu.vector_load_idx %arg8[%get3A_15] : memref<10240xf32, #tpu.memory_space<vmem>>[vector<16xi32>], vector<16xf32>,
      tpu.vector_store_idx %arg9[%get3A_17], %gather3A {add = true} : memref<10240xf32, #tpu.memory_space<vmem>>[vector<16xi32>], vector<16xf32>,
    }
    %scan3A_9 = arith.constant 640 : i32
    "tpu.region"() ({
      %run_scoped3A = tpu.sem_alloc : memref<!tpu.dma_semaphore, #tpu.memory_space<semaphore_mem>>
      %dma_start3A = arith.constant 0 : i32
      %dma_start3A_10 = tpu.memref_slice %arg5[%add3A, %dma_start3A] : memref<32x10240xf32, #tpu.memory_space<hbm>> -> memref<1x10240xf32, #tpu.memory_space<hbm>>
      %dma_start3A_11 = tpu.memref_squeeze %dma_start3A_10 : memref<1x10240xf32, #tpu.memory_space<hbm>> -> memref<10240xf32, #tpu.memory_space<hbm>>
      %dma_start3A_12 = arith.constant 0 : i32
      %dma_start3A_13 = tpu.memref_slice %arg5[%add3A, %dma_start3A_12] : memref<32x10240xf32, #tpu.memory_space<hbm>> -> memref<1x10240xf32, #tpu.memory_space<hbm>>
      %dma_start3A_14 = tpu.memref_squeeze %dma_start3A_13 : memref<1x10240xf32, #tpu.memory_space<hbm>> -> memref<10240xf32, #tpu.memory_space<hbm>>
      tpu.enqueue_dma source(%arg9 : memref<10240xf32, #tpu.memory_space<vmem>>) target(%dma_start3A_14 : memref<10240xf32, #tpu.memory_space<hbm>>) target_semaphore(%run_scoped3A : memref<!tpu.dma_semaphore, #tpu.memory_space<semaphore_mem>>)
      %dma_wait3A = arith.constant 0 : i32
      %dma_wait3A_15 = tpu.memref_slice %arg5[%add3A, %dma_wait3A] : memref<32x10240xf32, #tpu.memory_space<hbm>> -> memref<1x10240xf32, #tpu.memory_space<hbm>>
      %dma_wait3A_16 = tpu.memref_squeeze %dma_wait3A_15 : memref<1x10240xf32, #tpu.memory_space<hbm>> -> memref<10240xf32, #tpu.memory_space<hbm>>
      %dma_wait3A_17 = arith.constant 0 : i32
      %dma_wait3A_18 = tpu.memref_slice %arg5[%add3A, %dma_wait3A_17] : memref<32x10240xf32, #tpu.memory_space<hbm>> -> memref<1x10240xf32, #tpu.memory_space<hbm>>
      %dma_wait3A_19 = tpu.memref_squeeze %dma_wait3A_18 : memref<1x10240xf32, #tpu.memory_space<hbm>> -> memref<10240xf32, #tpu.memory_space<hbm>>
      tpu.wait_dma2 semaphore(%run_scoped3A : memref<!tpu.dma_semaphore, #tpu.memory_space<semaphore_mem>>) src(%arg9 : memref<10240xf32, #tpu.memory_space<vmem>>) dst(%dma_wait3A_19 : memref<10240xf32, #tpu.memory_space<hbm>>)
      tpu.yield
    }) : () -> ()
    return
  }
}

#map = affine_map<(d0, d1) -> (0)>
#map1 = affine_map<(d0, d1) -> (0, 0)>
module attributes {stable_mosaic.version = 14 : i64} {
  func.func @k(%arg0: i32, %arg1: i32, %arg2: memref<10240xf32, #tpu.memory_space<hbm>>, %arg3: memref<32x10240xi32, #tpu.memory_space<hbm>>, %arg4: memref<32x10240xi32, #tpu.memory_space<hbm>>, %arg5: memref<32x10240xf32, #tpu.memory_space<hbm>>, %arg6: memref<10240xi32, #tpu.memory_space<vmem>>, %arg7: memref<10240xi32, #tpu.memory_space<vmem>>, %arg8: memref<10240xf32, #tpu.memory_space<vmem>>, %arg9: memref<10240xf32, #tpu.memory_space<vmem>>) attributes {dimension_semantics = [#tpu.dimension_semantics<core_parallel>, #tpu.dimension_semantics<subcore_parallel>], iteration_bounds = array<i64: 2, 16>, scalar_prefetch = 0 : i64, scratch_operands = 4 : i64, tpu.core_type = #tpu.core_type<sc_vector_subcore>, window_params = [{transform_indices = #map}, {transform_indices = #map1}, {transform_indices = #map1}, {transform_indices = #map1}]} {
    %mul3A = arith.constant 16 : i32
    %mul3A_0 = arith.muli %arg0, %mul3A : i32
    %add3A = arith.addi %mul3A_0, %arg1 : i32
    %scan3A = arith.constant 0 : i32
    %scan3A_1 = arith.constant 640 : i32
    %scan3A_2 = arith.addi %scan3A, %scan3A_1 : i32
    %scan3A_3 = arith.constant 1 : i32
    scf.for %scan3A_10 = %scan3A to %scan3A_2 step %scan3A_3  : i32 {
      %mul3A_11 = arith.constant 16 : i32
      %mul3A_12 = arith.muli %scan3A_10, %mul3A_11 : i32
      %add3A_13 = arith.constant 0 : i32
      %add3A_14 = arith.addi %add3A_13, %mul3A_12 : i32
      %broadcast_in_dim3A = arith.constant 0.000000e+00 : f32
      %broadcast_in_dim3A_15 = vector.broadcast %broadcast_in_dim3A : f32 to vector<16xf32>
      %swap3A = arith.index_cast %add3A_14 : i32 to index
      %swap3A_16 = tpu.vector_load %arg9[%swap3A] {strides = array<i32>} : memref<10240xf32, #tpu.memory_space<vmem>>, vector<16xf32>,
      tpu.vector_store %arg9[%swap3A], %broadcast_in_dim3A_15 {strides = array<i32>} : memref<10240xf32, #tpu.memory_space<vmem>>, vector<16xf32>,
    }
    %scan3A_4 = arith.constant 640 : i32
    "tpu.region"() ({
      %run_scoped3A = tpu.sem_alloc : memref<!tpu.dma_semaphore, #tpu.memory_space<semaphore_mem>>
      tpu.enqueue_dma source(%arg2 : memref<10240xf32, #tpu.memory_space<hbm>>) target(%arg8 : memref<10240xf32, #tpu.memory_space<vmem>>) target_semaphore(%run_scoped3A : memref<!tpu.dma_semaphore, #tpu.memory_space<semaphore_mem>>)
      tpu.wait_dma2 semaphore(%run_scoped3A : memref<!tpu.dma_semaphore, #tpu.memory_space<semaphore_mem>>) src(%arg2 : memref<10240xf32, #tpu.memory_space<hbm>>) dst(%arg8 : memref<10240xf32, #tpu.memory_space<vmem>>)
      tpu.yield
    }) : () -> ()
    "tpu.region"() ({
      %run_scoped3A = tpu.sem_alloc : memref<!tpu.dma_semaphore, #tpu.memory_space<semaphore_mem>>
      %dma_start3A = arith.constant 0 : i32
      %dma_start3A_10 = tpu.memref_slice %arg3[%add3A, %dma_start3A] : memref<32x10240xi32, #tpu.memory_space<hbm>> -> memref<1x10240xi32, #tpu.memory_space<hbm>>
      %dma_start3A_11 = tpu.memref_squeeze %dma_start3A_10 : memref<1x10240xi32, #tpu.memory_space<hbm>> -> memref<10240xi32, #tpu.memory_space<hbm>>
      %dma_start3A_12 = arith.constant 0 : i32
      %dma_start3A_13 = tpu.memref_slice %arg3[%add3A, %dma_start3A_12] : memref<32x10240xi32, #tpu.memory_space<hbm>> -> memref<1x10240xi32, #tpu.memory_space<hbm>>
      %dma_start3A_14 = tpu.memref_squeeze %dma_start3A_13 : memref<1x10240xi32, #tpu.memory_space<hbm>> -> memref<10240xi32, #tpu.memory_space<hbm>>
      tpu.enqueue_dma source(%dma_start3A_14 : memref<10240xi32, #tpu.memory_space<hbm>>) target(%arg6 : memref<10240xi32, #tpu.memory_space<vmem>>) target_semaphore(%run_scoped3A : memref<!tpu.dma_semaphore, #tpu.memory_space<semaphore_mem>>)
      %dma_wait3A = arith.constant 0 : i32
      %dma_wait3A_15 = tpu.memref_slice %arg3[%add3A, %dma_wait3A] : memref<32x10240xi32, #tpu.memory_space<hbm>> -> memref<1x10240xi32, #tpu.memory_space<hbm>>
      %dma_wait3A_16 = tpu.memref_squeeze %dma_wait3A_15 : memref<1x10240xi32, #tpu.memory_space<hbm>> -> memref<10240xi32, #tpu.memory_space<hbm>>
      %dma_wait3A_17 = arith.constant 0 : i32
      %dma_wait3A_18 = tpu.memref_slice %arg3[%add3A, %dma_wait3A_17] : memref<32x10240xi32, #tpu.memory_space<hbm>> -> memref<1x10240xi32, #tpu.memory_space<hbm>>
      %dma_wait3A_19 = tpu.memref_squeeze %dma_wait3A_18 : memref<1x10240xi32, #tpu.memory_space<hbm>> -> memref<10240xi32, #tpu.memory_space<hbm>>
      tpu.wait_dma2 semaphore(%run_scoped3A : memref<!tpu.dma_semaphore, #tpu.memory_space<semaphore_mem>>) src(%dma_wait3A_19 : memref<10240xi32, #tpu.memory_space<hbm>>) dst(%arg6 : memref<10240xi32, #tpu.memory_space<vmem>>)
      tpu.yield
    }) : () -> ()
    "tpu.region"() ({
      %run_scoped3A = tpu.sem_alloc : memref<!tpu.dma_semaphore, #tpu.memory_space<semaphore_mem>>
      %dma_start3A = arith.constant 0 : i32
      %dma_start3A_10 = tpu.memref_slice %arg4[%add3A, %dma_start3A] : memref<32x10240xi32, #tpu.memory_space<hbm>> -> memref<1x10240xi32, #tpu.memory_space<hbm>>
      %dma_start3A_11 = tpu.memref_squeeze %dma_start3A_10 : memref<1x10240xi32, #tpu.memory_space<hbm>> -> memref<10240xi32, #tpu.memory_space<hbm>>
      %dma_start3A_12 = arith.constant 0 : i32
      %dma_start3A_13 = tpu.memref_slice %arg4[%add3A, %dma_start3A_12] : memref<32x10240xi32, #tpu.memory_space<hbm>> -> memref<1x10240xi32, #tpu.memory_space<hbm>>
      %dma_start3A_14 = tpu.memref_squeeze %dma_start3A_13 : memref<1x10240xi32, #tpu.memory_space<hbm>> -> memref<10240xi32, #tpu.memory_space<hbm>>
      tpu.enqueue_dma source(%dma_start3A_14 : memref<10240xi32, #tpu.memory_space<hbm>>) target(%arg7 : memref<10240xi32, #tpu.memory_space<vmem>>) target_semaphore(%run_scoped3A : memref<!tpu.dma_semaphore, #tpu.memory_space<semaphore_mem>>)
      %dma_wait3A = arith.constant 0 : i32
      %dma_wait3A_15 = tpu.memref_slice %arg4[%add3A, %dma_wait3A] : memref<32x10240xi32, #tpu.memory_space<hbm>> -> memref<1x10240xi32, #tpu.memory_space<hbm>>
      %dma_wait3A_16 = tpu.memref_squeeze %dma_wait3A_15 : memref<1x10240xi32, #tpu.memory_space<hbm>> -> memref<10240xi32, #tpu.memory_space<hbm>>
      %dma_wait3A_17 = arith.constant 0 : i32
      %dma_wait3A_18 = tpu.memref_slice %arg4[%add3A, %dma_wait3A_17] : memref<32x10240xi32, #tpu.memory_space<hbm>> -> memref<1x10240xi32, #tpu.memory_space<hbm>>
      %dma_wait3A_19 = tpu.memref_squeeze %dma_wait3A_18 : memref<1x10240xi32, #tpu.memory_space<hbm>> -> memref<10240xi32, #tpu.memory_space<hbm>>
      tpu.wait_dma2 semaphore(%run_scoped3A : memref<!tpu.dma_semaphore, #tpu.memory_space<semaphore_mem>>) src(%dma_wait3A_19 : memref<10240xi32, #tpu.memory_space<hbm>>) dst(%arg7 : memref<10240xi32, #tpu.memory_space<vmem>>)
      tpu.yield
    }) : () -> ()
    %scan3A_5 = arith.constant 0 : i32
    %scan3A_6 = arith.constant 640 : i32
    %scan3A_7 = arith.addi %scan3A_5, %scan3A_6 : i32
    %scan3A_8 = arith.constant 1 : i32
    scf.for %scan3A_10 = %scan3A_5 to %scan3A_7 step %scan3A_8  : i32 {
      %mul3A_11 = arith.constant 16 : i32
      %mul3A_12 = arith.muli %scan3A_10, %mul3A_11 : i32
      %add3A_13 = arith.constant 0 : i32
      %add3A_14 = arith.addi %add3A_13, %mul3A_12 : i32
      %get3A = arith.index_cast %add3A_14 : i32 to index
      %get3A_15 = tpu.vector_load %arg6[%get3A] {strides = array<i32>} : memref<10240xi32, #tpu.memory_space<vmem>>, vector<16xi32>,
      %get3A_16 = arith.index_cast %add3A_14 : i32 to index
      %get3A_17 = tpu.vector_load %arg7[%get3A_16] {strides = array<i32>} : memref<10240xi32, #tpu.memory_space<vmem>>, vector<16xi32>,
      %gather3A = tpu.vector_load_idx %arg8[%get3A_15] : memref<10240xf32, #tpu.memory_space<vmem>>[vector<16xi32>], vector<16xf32>,
      tpu.vector_store_idx %arg9[%get3A_17], %gather3A {add = true} : memref<10240xf32, #tpu.memory_space<vmem>>[vector<16xi32>], vector<16xf32>,
    }
    %scan3A_9 = arith.constant 640 : i32
    "tpu.region"() ({
      %run_scoped3A = tpu.sem_alloc : memref<!tpu.dma_semaphore, #tpu.memory_space<semaphore_mem>>
      %dma_start3A = arith.constant 0 : i32
      %dma_start3A_10 = tpu.memref_slice %arg5[%add3A, %dma_start3A] : memref<32x10240xf32, #tpu.memory_space<hbm>> -> memref<1x10240xf32, #tpu.memory_space<hbm>>
      %dma_start3A_11 = tpu.memref_squeeze %dma_start3A_10 : memref<1x10240xf32, #tpu.memory_space<hbm>> -> memref<10240xf32, #tpu.memory_space<hbm>>
      %dma_start3A_12 = arith.constant 0 : i32
      %dma_start3A_13 = tpu.memref_slice %arg5[%add3A, %dma_start3A_12] : memref<32x10240xf32, #tpu.memory_space<hbm>> -> memref<1x10240xf32, #tpu.memory_space<hbm>>
      %dma_start3A_14 = tpu.memref_squeeze %dma_start3A_13 : memref<1x10240xf32, #tpu.memory_space<hbm>> -> memref<10240xf32, #tpu.memory_space<hbm>>
      tpu.enqueue_dma source(%arg9 : memref<10240xf32, #tpu.memory_space<vmem>>) target(%dma_start3A_14 : memref<10240xf32, #tpu.memory_space<hbm>>) target_semaphore(%run_scoped3A : memref<!tpu.dma_semaphore, #tpu.memory_space<semaphore_mem>>)
      %dma_wait3A = arith.constant 0 : i32
      %dma_wait3A_15 = tpu.memref_slice %arg5[%add3A, %dma_wait3A] : memref<32x10240xf32, #tpu.memory_space<hbm>> -> memref<1x10240xf32, #tpu.memory_space<hbm>>
      %dma_wait3A_16 = tpu.memref_squeeze %dma_wait3A_15 : memref<1x10240xf32, #tpu.memory_space<hbm>> -> memref<10240xf32, #tpu.memory_space<hbm>>
      %dma_wait3A_17 = arith.constant 0 : i32
      %dma_wait3A_18 = tpu.memref_slice %arg5[%add3A, %dma_wait3A_17] : memref<32x10240xf32, #tpu.memory_space<hbm>> -> memref<1x10240xf32, #tpu.memory_space<hbm>>
      %dma_wait3A_19 = tpu.memref_squeeze %dma_wait3A_18 : memref<1x10240xf32, #tpu.memory_space<hbm>> -> memref<10240xf32, #tpu.memory_space<hbm>>
      tpu.wait_dma2 semaphore(%run_scoped3A : memref<!tpu.dma_semaphore, #tpu.memory_space<semaphore_mem>>) src(%arg9 : memref<10240xf32, #tpu.memory_space<vmem>>) dst(%dma_wait3A_19 : memref<10240xf32, #tpu.memory_space<hbm>>)
      tpu.yield
    }) : () -> ()
    return
  }
}

#map = affine_map<(d0, d1) -> (0, 0)>
#map1 = affine_map<(d0, d1) -> (0, 0, 0)>
module attributes {stable_mosaic.version = 14 : i64} {
  func.func @k(%arg0: i32, %arg1: i32, %arg2: memref<10240x128xf32, #tpu.memory_space<hbm>>, %arg3: memref<32x80x128xi32, #tpu.memory_space<hbm>>, %arg4: memref<32x80x128xi32, #tpu.memory_space<hbm>>, %arg5: memref<20480x128xf32, #tpu.memory_space<hbm>>, %arg6: memref<40x128xi32, #tpu.memory_space<vmem>>, %arg7: memref<40x128xi32, #tpu.memory_space<vmem>>, %arg8: memref<128x128xf32, #tpu.memory_space<vmem>>, %arg9: memref<128x128xf32, #tpu.memory_space<vmem>>, %arg10: memref<10240x128xf32, #tpu.memory_space<vmem_shared>>, %arg11: memref<!tpu.dma_semaphore, #tpu.memory_space<semaphore_mem>>, %arg12: memref<!tpu.dma_semaphore, #tpu.memory_space<semaphore_mem>>, %arg13: memref<!tpu.dma_semaphore, #tpu.memory_space<semaphore_mem>>, %arg14: memref<!tpu.dma_semaphore, #tpu.memory_space<semaphore_mem>>) attributes {dimension_semantics = [#tpu.dimension_semantics<core_parallel>, #tpu.dimension_semantics<subcore_parallel>], iteration_bounds = array<i64: 2, 16>, scalar_prefetch = 0 : i64, scratch_operands = 9 : i64, tpu.core_type = #tpu.core_type<sc_vector_subcore>, window_params = [{transform_indices = #map}, {transform_indices = #map1}, {transform_indices = #map1}, {transform_indices = #map}]} {
    %mul3A = arith.constant 16 : i32
    %mul3A_0 = arith.muli %arg0, %mul3A : i32
    %add3A = arith.addi %mul3A_0, %arg1 : i32
    %scan3A = arith.constant 0 : i32
    %scan3A_1 = arith.constant 128 : i32
    %scan3A_2 = arith.addi %scan3A, %scan3A_1 : i32
    %scan3A_3 = arith.constant 1 : i32
    scf.for %scan3A_55 = %scan3A to %scan3A_2 step %scan3A_3  : i32 {
      %mul3A_56 = arith.constant 1 : i32
      %mul3A_57 = arith.muli %scan3A_55, %mul3A_56 : i32
      %add3A_58 = arith.constant 0 : i32
      %add3A_59 = arith.addi %add3A_58, %mul3A_57 : i32
      %scan3A_60 = arith.constant 0 : i32
      %scan3A_61 = arith.constant 8 : i32
      %scan3A_62 = arith.addi %scan3A_60, %scan3A_61 : i32
      %scan3A_63 = arith.constant 1 : i32
      scf.for %scan3A_65 = %scan3A_60 to %scan3A_62 step %scan3A_63  : i32 {
        %mul3A_66 = arith.constant 16 : i32
        %mul3A_67 = arith.muli %scan3A_65, %mul3A_66 : i32
        %add3A_68 = arith.constant 0 : i32
        %add3A_69 = arith.addi %add3A_68, %mul3A_67 : i32
        %broadcast_in_dim3A = arith.constant 0.000000e+00 : f32
        %broadcast_in_dim3A_70 = vector.broadcast %broadcast_in_dim3A : f32 to vector<16xf32>
        %swap3A = arith.index_cast %add3A_59 : i32 to index
        %swap3A_71 = arith.index_cast %add3A_69 : i32 to index
        %swap3A_72 = tpu.vector_load %arg8[%swap3A, %swap3A_71] {strides = array<i32>} : memref<128x128xf32, #tpu.memory_space<vmem>>, vector<1x16xf32>,
        %swap3A_73 = vector.shape_cast %swap3A_72 : vector<1x16xf32> to vector<16xf32>
        %swap3A_74 = vector.shape_cast %broadcast_in_dim3A_70 : vector<16xf32> to vector<1x16xf32>
        tpu.vector_store %arg8[%swap3A, %swap3A_71], %swap3A_74 {strides = array<i32>} : memref<128x128xf32, #tpu.memory_space<vmem>>, vector<1x16xf32>,
      }
      %scan3A_64 = arith.constant 8 : i32
    }
    %scan3A_4 = arith.constant 128 : i32
    %scan3A_5 = arith.constant 0 : i32
    %scan3A_6 = arith.constant 5 : i32
    %scan3A_7 = arith.addi %scan3A_5, %scan3A_6 : i32
    %scan3A_8 = arith.constant 1 : i32
    scf.for %scan3A_55 = %scan3A_5 to %scan3A_7 step %scan3A_8  : i32 {
      %mul3A_56 = arith.constant 128 : i32
      %mul3A_57 = arith.muli %scan3A_55, %mul3A_56 : i32
      %add3A_58 = arith.constant 0 : i32
      %add3A_59 = arith.addi %add3A_58, %mul3A_57 : i32
      %mul3A_60 = arith.constant 640 : i32
      %mul3A_61 = arith.muli %arg1, %mul3A_60 : i32
      %add3A_62 = arith.addi %mul3A_61, %add3A_59 : i32
      "tpu.region"() ({
        %run_scoped3A = tpu.sem_alloc : memref<!tpu.dma_semaphore, #tpu.memory_space<semaphore_mem>>
        %dma_start3A_63 = arith.constant 0 : i32
        %dma_start3A_64 = tpu.memref_slice %arg10[%add3A_62, %dma_start3A_63] : memref<10240x128xf32, #tpu.memory_space<vmem_shared>> -> memref<128x128xf32, #tpu.memory_space<vmem_shared>>
        %dma_start3A_65 = arith.constant 0 : i32
        %dma_start3A_66 = tpu.memref_slice %arg10[%add3A_62, %dma_start3A_65] : memref<10240x128xf32, #tpu.memory_space<vmem_shared>> -> memref<128x128xf32, #tpu.memory_space<vmem_shared>>
        tpu.enqueue_dma source(%arg8 : memref<128x128xf32, #tpu.memory_space<vmem>>) target(%dma_start3A_66 : memref<128x128xf32, #tpu.memory_space<vmem_shared>>) target_semaphore(%run_scoped3A : memref<!tpu.dma_semaphore, #tpu.memory_space<semaphore_mem>>)
        %dma_wait3A = arith.constant 0 : i32
        %dma_wait3A_67 = tpu.memref_slice %arg10[%add3A_62, %dma_wait3A] : memref<10240x128xf32, #tpu.memory_space<vmem_shared>> -> memref<128x128xf32, #tpu.memory_space<vmem_shared>>
        %dma_wait3A_68 = arith.constant 0 : i32
        %dma_wait3A_69 = tpu.memref_slice %arg10[%add3A_62, %dma_wait3A_68] : memref<10240x128xf32, #tpu.memory_space<vmem_shared>> -> memref<128x128xf32, #tpu.memory_space<vmem_shared>>
        tpu.wait_dma2 semaphore(%run_scoped3A : memref<!tpu.dma_semaphore, #tpu.memory_space<semaphore_mem>>) src(%arg8 : memref<128x128xf32, #tpu.memory_space<vmem>>) dst(%dma_wait3A_69 : memref<128x128xf32, #tpu.memory_space<vmem_shared>>)
        tpu.yield
      }) : () -> ()
    }
    %scan3A_9 = arith.constant 5 : i32
    %barrier3A = arith.constant 0 : index
    tpu.barrier barrier_id(%barrier3A)
    "tpu.region"() ({
      %run_scoped3A = tpu.sem_alloc : memref<!tpu.dma_semaphore, #tpu.memory_space<semaphore_mem>>
      %dma_start3A_55 = arith.constant 0 : i32
      %dma_start3A_56 = arith.constant 0 : i32
      %dma_start3A_57 = tpu.memref_slice %arg3[%add3A, %dma_start3A_55, %dma_start3A_56] : memref<32x80x128xi32, #tpu.memory_space<hbm>> -> memref<1x40x128xi32, #tpu.memory_space<hbm>>
      %dma_start3A_58 = tpu.memref_squeeze %dma_start3A_57 : memref<1x40x128xi32, #tpu.memory_space<hbm>> -> memref<40x128xi32, #tpu.memory_space<hbm>>
      %dma_start3A_59 = arith.constant 0 : i32
      %dma_start3A_60 = arith.constant 0 : i32
      %dma_start3A_61 = tpu.memref_slice %arg3[%add3A, %dma_start3A_59, %dma_start3A_60] : memref<32x80x128xi32, #tpu.memory_space<hbm>> -> memref<1x40x128xi32, #tpu.memory_space<hbm>>
      %dma_start3A_62 = tpu.memref_squeeze %dma_start3A_61 : memref<1x40x128xi32, #tpu.memory_space<hbm>> -> memref<40x128xi32, #tpu.memory_space<hbm>>
      tpu.enqueue_dma source(%dma_start3A_62 : memref<40x128xi32, #tpu.memory_space<hbm>>) target(%arg6 : memref<40x128xi32, #tpu.memory_space<vmem>>) target_semaphore(%run_scoped3A : memref<!tpu.dma_semaphore, #tpu.memory_space<semaphore_mem>>)
      %dma_wait3A = arith.constant 0 : i32
      %dma_wait3A_63 = arith.constant 0 : i32
      %dma_wait3A_64 = tpu.memref_slice %arg3[%add3A, %dma_wait3A, %dma_wait3A_63] : memref<32x80x128xi32, #tpu.memory_space<hbm>> -> memref<1x40x128xi32, #tpu.memory_space<hbm>>
      %dma_wait3A_65 = tpu.memref_squeeze %dma_wait3A_64 : memref<1x40x128xi32, #tpu.memory_space<hbm>> -> memref<40x128xi32, #tpu.memory_space<hbm>>
      %dma_wait3A_66 = arith.constant 0 : i32
      %dma_wait3A_67 = arith.constant 0 : i32
      %dma_wait3A_68 = tpu.memref_slice %arg3[%add3A, %dma_wait3A_66, %dma_wait3A_67] : memref<32x80x128xi32, #tpu.memory_space<hbm>> -> memref<1x40x128xi32, #tpu.memory_space<hbm>>
      %dma_wait3A_69 = tpu.memref_squeeze %dma_wait3A_68 : memref<1x40x128xi32, #tpu.memory_space<hbm>> -> memref<40x128xi32, #tpu.memory_space<hbm>>
      tpu.wait_dma2 semaphore(%run_scoped3A : memref<!tpu.dma_semaphore, #tpu.memory_space<semaphore_mem>>) src(%dma_wait3A_69 : memref<40x128xi32, #tpu.memory_space<hbm>>) dst(%arg6 : memref<40x128xi32, #tpu.memory_space<vmem>>)
      tpu.yield
    }) : () -> ()
    "tpu.region"() ({
      %run_scoped3A = tpu.sem_alloc : memref<!tpu.dma_semaphore, #tpu.memory_space<semaphore_mem>>
      %dma_start3A_55 = arith.constant 0 : i32
      %dma_start3A_56 = arith.constant 0 : i32
      %dma_start3A_57 = tpu.memref_slice %arg4[%add3A, %dma_start3A_55, %dma_start3A_56] : memref<32x80x128xi32, #tpu.memory_space<hbm>> -> memref<1x40x128xi32, #tpu.memory_space<hbm>>
      %dma_start3A_58 = tpu.memref_squeeze %dma_start3A_57 : memref<1x40x128xi32, #tpu.memory_space<hbm>> -> memref<40x128xi32, #tpu.memory_space<hbm>>
      %dma_start3A_59 = arith.constant 0 : i32
      %dma_start3A_60 = arith.constant 0 : i32
      %dma_start3A_61 = tpu.memref_slice %arg4[%add3A, %dma_start3A_59, %dma_start3A_60] : memref<32x80x128xi32, #tpu.memory_space<hbm>> -> memref<1x40x128xi32, #tpu.memory_space<hbm>>
      %dma_start3A_62 = tpu.memref_squeeze %dma_start3A_61 : memref<1x40x128xi32, #tpu.memory_space<hbm>> -> memref<40x128xi32, #tpu.memory_space<hbm>>
      tpu.enqueue_dma source(%dma_start3A_62 : memref<40x128xi32, #tpu.memory_space<hbm>>) target(%arg7 : memref<40x128xi32, #tpu.memory_space<vmem>>) target_semaphore(%run_scoped3A : memref<!tpu.dma_semaphore, #tpu.memory_space<semaphore_mem>>)
      %dma_wait3A = arith.constant 0 : i32
      %dma_wait3A_63 = arith.constant 0 : i32
      %dma_wait3A_64 = tpu.memref_slice %arg4[%add3A, %dma_wait3A, %dma_wait3A_63] : memref<32x80x128xi32, #tpu.memory_space<hbm>> -> memref<1x40x128xi32, #tpu.memory_space<hbm>>
      %dma_wait3A_65 = tpu.memref_squeeze %dma_wait3A_64 : memref<1x40x128xi32, #tpu.memory_space<hbm>> -> memref<40x128xi32, #tpu.memory_space<hbm>>
      %dma_wait3A_66 = arith.constant 0 : i32
      %dma_wait3A_67 = arith.constant 0 : i32
      %dma_wait3A_68 = tpu.memref_slice %arg4[%add3A, %dma_wait3A_66, %dma_wait3A_67] : memref<32x80x128xi32, #tpu.memory_space<hbm>> -> memref<1x40x128xi32, #tpu.memory_space<hbm>>
      %dma_wait3A_69 = tpu.memref_squeeze %dma_wait3A_68 : memref<1x40x128xi32, #tpu.memory_space<hbm>> -> memref<40x128xi32, #tpu.memory_space<hbm>>
      tpu.wait_dma2 semaphore(%run_scoped3A : memref<!tpu.dma_semaphore, #tpu.memory_space<semaphore_mem>>) src(%dma_wait3A_69 : memref<40x128xi32, #tpu.memory_space<hbm>>) dst(%arg7 : memref<40x128xi32, #tpu.memory_space<vmem>>)
      tpu.yield
    }) : () -> ()
    %dma_start3A = arith.constant 0 : i32
    %dma_start3A_10 = arith.constant 0 : i32
    %dma_start3A_11 = tpu.memref_slice %arg6[%dma_start3A, %dma_start3A_10] : memref<40x128xi32, #tpu.memory_space<vmem>> -> memref<1x128xi32, #tpu.memory_space<vmem>>
    %dma_start3A_12 = tpu.memref_squeeze %dma_start3A_11 : memref<1x128xi32, #tpu.memory_space<vmem>> -> memref<128xi32, #tpu.memory_space<vmem>>
    %dma_start3A_13 = arith.constant 0 : i32
    %dma_start3A_14 = arith.constant 0 : i32
    %dma_start3A_15 = tpu.memref_slice %arg2[%dma_start3A_13, %dma_start3A_14] : memref<10240x128xf32, #tpu.memory_space<hbm>> -> memref<10240x128xf32, #tpu.memory_space<hbm>>
    tpu.enqueue_indirect_dma source(%dma_start3A_15 : memref<10240x128xf32, #tpu.memory_space<hbm>>) target(%arg8 : memref<128x128xf32, #tpu.memory_space<vmem>>) offsets(%dma_start3A_12 : memref<128xi32, #tpu.memory_space<vmem>>) semaphore(%arg11 : memref<!tpu.dma_semaphore, #tpu.memory_space<semaphore_mem>>)
    %dma_start3A_16 = arith.constant 1 : i32
    %dma_start3A_17 = arith.constant 0 : i32
    %dma_start3A_18 = tpu.memref_slice %arg6[%dma_start3A_16, %dma_start3A_17] : memref<40x128xi32, #tpu.memory_space<vmem>> -> memref<1x128xi32, #tpu.memory_space<vmem>>
    %dma_start3A_19 = tpu.memref_squeeze %dma_start3A_18 : memref<1x128xi32, #tpu.memory_space<vmem>> -> memref<128xi32, #tpu.memory_space<vmem>>
    %dma_start3A_20 = arith.constant 0 : i32
    %dma_start3A_21 = arith.constant 0 : i32
    %dma_start3A_22 = tpu.memref_slice %arg2[%dma_start3A_20, %dma_start3A_21] : memref<10240x128xf32, #tpu.memory_space<hbm>> -> memref<10240x128xf32, #tpu.memory_space<hbm>>
    tpu.enqueue_indirect_dma source(%dma_start3A_22 : memref<10240x128xf32, #tpu.memory_space<hbm>>) target(%arg9 : memref<128x128xf32, #tpu.memory_space<vmem>>) offsets(%dma_start3A_19 : memref<128xi32, #tpu.memory_space<vmem>>) semaphore(%arg12 : memref<!tpu.dma_semaphore, #tpu.memory_space<semaphore_mem>>)
    %scan3A_23 = arith.constant 0 : i32
    %scan3A_24 = arith.constant 20 : i32
    %scan3A_25 = arith.addi %scan3A_23, %scan3A_24 : i32
    %scan3A_26 = arith.constant 1 : i32
    scf.for %scan3A_55 = %scan3A_23 to %scan3A_25 step %scan3A_26  : i32 {
      %mul3A_56 = arith.constant 2 : i32
      %mul3A_57 = arith.muli %scan3A_55, %mul3A_56 : i32
      %add3A_58 = arith.constant 0 : i32
      %add3A_59 = arith.addi %add3A_58, %mul3A_57 : i32
      %dma_wait3A = arith.constant 0 : i32
      %dma_wait3A_60 = tpu.memref_slice %arg6[%add3A_59, %dma_wait3A] : memref<40x128xi32, #tpu.memory_space<vmem>> -> memref<1x128xi32, #tpu.memory_space<vmem>>
      %dma_wait3A_61 = tpu.memref_squeeze %dma_wait3A_60 : memref<1x128xi32, #tpu.memory_space<vmem>> -> memref<128xi32, #tpu.memory_space<vmem>>
      %dma_wait3A_62 = arith.constant 0 : i32
      %dma_wait3A_63 = arith.constant 0 : i32
      %dma_wait3A_64 = tpu.memref_slice %arg2[%dma_wait3A_62, %dma_wait3A_63] : memref<10240x128xf32, #tpu.memory_space<hbm>> -> memref<10240x128xf32, #tpu.memory_space<hbm>>
      tpu.wait_indirect_dma semaphore(%arg11 : memref<!tpu.dma_semaphore, #tpu.memory_space<semaphore_mem>>) src(%dma_wait3A_64 : memref<10240x128xf32, #tpu.memory_space<hbm>>) dst(%arg8 : memref<128x128xf32, #tpu.memory_space<vmem>>)
      %dma_start3A_65 = arith.constant 0 : i32
      %dma_start3A_66 = tpu.memref_slice %arg7[%add3A_59, %dma_start3A_65] : memref<40x128xi32, #tpu.memory_space<vmem>> -> memref<1x128xi32, #tpu.memory_space<vmem>>
      %dma_start3A_67 = tpu.memref_squeeze %dma_start3A_66 : memref<1x128xi32, #tpu.memory_space<vmem>> -> memref<128xi32, #tpu.memory_space<vmem>>
      %dma_start3A_68 = arith.constant 0 : i32
      %dma_start3A_69 = arith.constant 0 : i32
      %dma_start3A_70 = tpu.memref_slice %arg10[%dma_start3A_68, %dma_start3A_69] : memref<10240x128xf32, #tpu.memory_space<vmem_shared>> -> memref<10240x128xf32, #tpu.memory_space<vmem_shared>>
      tpu.enqueue_indirect_dma source(%arg8 : memref<128x128xf32, #tpu.memory_space<vmem>>) target(%dma_start3A_70 : memref<10240x128xf32, #tpu.memory_space<vmem_shared>>) offsets(%dma_start3A_67 : memref<128xi32, #tpu.memory_space<vmem>>) semaphore(%arg13 : memref<!tpu.dma_semaphore, #tpu.memory_space<semaphore_mem>>) {add = true}
      %add3A_71 = arith.constant 1 : i32
      %add3A_72 = arith.addi %add3A_59, %add3A_71 : i32
      %dma_wait3A_73 = arith.constant 0 : i32
      %dma_wait3A_74 = tpu.memref_slice %arg6[%add3A_72, %dma_wait3A_73] : memref<40x128xi32, #tpu.memory_space<vmem>> -> memref<1x128xi32, #tpu.memory_space<vmem>>
      %dma_wait3A_75 = tpu.memref_squeeze %dma_wait3A_74 : memref<1x128xi32, #tpu.memory_space<vmem>> -> memref<128xi32, #tpu.memory_space<vmem>>
      %dma_wait3A_76 = arith.constant 0 : i32
      %dma_wait3A_77 = arith.constant 0 : i32
      %dma_wait3A_78 = tpu.memref_slice %arg2[%dma_wait3A_76, %dma_wait3A_77] : memref<10240x128xf32, #tpu.memory_space<hbm>> -> memref<10240x128xf32, #tpu.memory_space<hbm>>
      tpu.wait_indirect_dma semaphore(%arg12 : memref<!tpu.dma_semaphore, #tpu.memory_space<semaphore_mem>>) src(%dma_wait3A_78 : memref<10240x128xf32, #tpu.memory_space<hbm>>) dst(%arg9 : memref<128x128xf32, #tpu.memory_space<vmem>>)
      %add3A_79 = arith.constant 1 : i32
      %add3A_80 = arith.addi %add3A_59, %add3A_79 : i32
      %dma_start3A_81 = arith.constant 0 : i32
      %dma_start3A_82 = tpu.memref_slice %arg7[%add3A_80, %dma_start3A_81] : memref<40x128xi32, #tpu.memory_space<vmem>> -> memref<1x128xi32, #tpu.memory_space<vmem>>
      %dma_start3A_83 = tpu.memref_squeeze %dma_start3A_82 : memref<1x128xi32, #tpu.memory_space<vmem>> -> memref<128xi32, #tpu.memory_space<vmem>>
      %dma_start3A_84 = arith.constant 0 : i32
      %dma_start3A_85 = arith.constant 0 : i32
      %dma_start3A_86 = tpu.memref_slice %arg10[%dma_start3A_84, %dma_start3A_85] : memref<10240x128xf32, #tpu.memory_space<vmem_shared>> -> memref<10240x128xf32, #tpu.memory_space<vmem_shared>>
      tpu.enqueue_indirect_dma source(%arg9 : memref<128x128xf32, #tpu.memory_space<vmem>>) target(%dma_start3A_86 : memref<10240x128xf32, #tpu.memory_space<vmem_shared>>) offsets(%dma_start3A_83 : memref<128xi32, #tpu.memory_space<vmem>>) semaphore(%arg14 : memref<!tpu.dma_semaphore, #tpu.memory_space<semaphore_mem>>) {add = true}
      %dma_wait3A_87 = arith.constant 0 : i32
      %dma_wait3A_88 = tpu.memref_slice %arg7[%add3A_59, %dma_wait3A_87] : memref<40x128xi32, #tpu.memory_space<vmem>> -> memref<1x128xi32, #tpu.memory_space<vmem>>
      %dma_wait3A_89 = tpu.memref_squeeze %dma_wait3A_88 : memref<1x128xi32, #tpu.memory_space<vmem>> -> memref<128xi32, #tpu.memory_space<vmem>>
      %dma_wait3A_90 = arith.constant 0 : i32
      %dma_wait3A_91 = arith.constant 0 : i32
      %dma_wait3A_92 = tpu.memref_slice %arg10[%dma_wait3A_90, %dma_wait3A_91] : memref<10240x128xf32, #tpu.memory_space<vmem_shared>> -> memref<10240x128xf32, #tpu.memory_space<vmem_shared>>
      tpu.wait_indirect_dma semaphore(%arg13 : memref<!tpu.dma_semaphore, #tpu.memory_space<semaphore_mem>>) src(%arg8 : memref<128x128xf32, #tpu.memory_space<vmem>>) dst(%dma_wait3A_92 : memref<10240x128xf32, #tpu.memory_space<vmem_shared>>)
      %add3A_93 = arith.constant 2 : i32
      %add3A_94 = arith.addi %add3A_59, %add3A_93 : i32
      %lt3A = arith.constant 40 : i32
      %lt3A_95 = arith.cmpi slt, %add3A_94, %lt3A : i32
      %convert_element_type3A = arith.extui %lt3A_95 : i1 to i32
      %cond3A = arith.constant 0 : i32
      %cond3A_96 = arith.cmpi ne, %convert_element_type3A, %cond3A : i32
      scf.if %cond3A_96 {
        %add3A_112 = arith.constant 2 : i32
        %add3A_113 = arith.addi %add3A_59, %add3A_112 : i32
        %dma_start3A_114 = arith.constant 0 : i32
        %dma_start3A_115 = tpu.memref_slice %arg6[%add3A_113, %dma_start3A_114] : memref<40x128xi32, #tpu.memory_space<vmem>> -> memref<1x128xi32, #tpu.memory_space<vmem>>
        %dma_start3A_116 = tpu.memref_squeeze %dma_start3A_115 : memref<1x128xi32, #tpu.memory_space<vmem>> -> memref<128xi32, #tpu.memory_space<vmem>>
        %dma_start3A_117 = arith.constant 0 : i32
        %dma_start3A_118 = arith.constant 0 : i32
        %dma_start3A_119 = tpu.memref_slice %arg2[%dma_start3A_117, %dma_start3A_118] : memref<10240x128xf32, #tpu.memory_space<hbm>> -> memref<10240x128xf32, #tpu.memory_space<hbm>>
        tpu.enqueue_indirect_dma source(%dma_start3A_119 : memref<10240x128xf32, #tpu.memory_space<hbm>>) target(%arg8 : memref<128x128xf32, #tpu.memory_space<vmem>>) offsets(%dma_start3A_116 : memref<128xi32, #tpu.memory_space<vmem>>) semaphore(%arg11 : memref<!tpu.dma_semaphore, #tpu.memory_space<semaphore_mem>>)
      } else {
      }
      %add3A_97 = arith.constant 1 : i32
      %add3A_98 = arith.addi %add3A_59, %add3A_97 : i32
      %dma_wait3A_99 = arith.constant 0 : i32
      %dma_wait3A_100 = tpu.memref_slice %arg7[%add3A_98, %dma_wait3A_99] : memref<40x128xi32, #tpu.memory_space<vmem>> -> memref<1x128xi32, #tpu.memory_space<vmem>>
      %dma_wait3A_101 = tpu.memref_squeeze %dma_wait3A_100 : memref<1x128xi32, #tpu.memory_space<vmem>> -> memref<128xi32, #tpu.memory_space<vmem>>
      %dma_wait3A_102 = arith.constant 0 : i32
      %dma_wait3A_103 = arith.constant 0 : i32
      %dma_wait3A_104 = tpu.memref_slice %arg10[%dma_wait3A_102, %dma_wait3A_103] : memref<10240x128xf32, #tpu.memory_space<vmem_shared>> -> memref<10240x128xf32, #tpu.memory_space<vmem_shared>>
      tpu.wait_indirect_dma semaphore(%arg14 : memref<!tpu.dma_semaphore, #tpu.memory_space<semaphore_mem>>) src(%arg9 : memref<128x128xf32, #tpu.memory_space<vmem>>) dst(%dma_wait3A_104 : memref<10240x128xf32, #tpu.memory_space<vmem_shared>>)
      %add3A_105 = arith.constant 3 : i32
      %add3A_106 = arith.addi %add3A_59, %add3A_105 : i32
      %lt3A_107 = arith.constant 40 : i32
      %lt3A_108 = arith.cmpi slt, %add3A_106, %lt3A_107 : i32
      %convert_element_type3A_109 = arith.extui %lt3A_108 : i1 to i32
      %cond3A_110 = arith.constant 0 : i32
      %cond3A_111 = arith.cmpi ne, %convert_element_type3A_109, %cond3A_110 : i32
      scf.if %cond3A_111 {
        %add3A_112 = arith.constant 3 : i32
        %add3A_113 = arith.addi %add3A_59, %add3A_112 : i32
        %dma_start3A_114 = arith.constant 0 : i32
        %dma_start3A_115 = tpu.memref_slice %arg6[%add3A_113, %dma_start3A_114] : memref<40x128xi32, #tpu.memory_space<vmem>> -> memref<1x128xi32, #tpu.memory_space<vmem>>
        %dma_start3A_116 = tpu.memref_squeeze %dma_start3A_115 : memref<1x128xi32, #tpu.memory_space<vmem>> -> memref<128xi32, #tpu.memory_space<vmem>>
        %dma_start3A_117 = arith.constant 0 : i32
        %dma_start3A_118 = arith.constant 0 : i32
        %dma_start3A_119 = tpu.memref_slice %arg2[%dma_start3A_117, %dma_start3A_118] : memref<10240x128xf32, #tpu.memory_space<hbm>> -> memref<10240x128xf32, #tpu.memory_space<hbm>>
        tpu.enqueue_indirect_dma source(%dma_start3A_119 : memref<10240x128xf32, #tpu.memory_space<hbm>>) target(%arg9 : memref<128x128xf32, #tpu.memory_space<vmem>>) offsets(%dma_start3A_116 : memref<128xi32, #tpu.memory_space<vmem>>) semaphore(%arg12 : memref<!tpu.dma_semaphore, #tpu.memory_space<semaphore_mem>>)
      } else {
      }
    }
    %scan3A_27 = arith.constant 20 : i32
    "tpu.region"() ({
      %run_scoped3A = tpu.sem_alloc : memref<!tpu.dma_semaphore, #tpu.memory_space<semaphore_mem>>
      %dma_start3A_55 = arith.constant 40 : i32
      %dma_start3A_56 = arith.constant 0 : i32
      %dma_start3A_57 = tpu.memref_slice %arg3[%add3A, %dma_start3A_55, %dma_start3A_56] : memref<32x80x128xi32, #tpu.memory_space<hbm>> -> memref<1x40x128xi32, #tpu.memory_space<hbm>>
      %dma_start3A_58 = tpu.memref_squeeze %dma_start3A_57 : memref<1x40x128xi32, #tpu.memory_space<hbm>> -> memref<40x128xi32, #tpu.memory_space<hbm>>
      %dma_start3A_59 = arith.constant 40 : i32
      %dma_start3A_60 = arith.constant 0 : i32
      %dma_start3A_61 = tpu.memref_slice %arg3[%add3A, %dma_start3A_59, %dma_start3A_60] : memref<32x80x128xi32, #tpu.memory_space<hbm>> -> memref<1x40x128xi32, #tpu.memory_space<hbm>>
      %dma_start3A_62 = tpu.memref_squeeze %dma_start3A_61 : memref<1x40x128xi32, #tpu.memory_space<hbm>> -> memref<40x128xi32, #tpu.memory_space<hbm>>
      tpu.enqueue_dma source(%dma_start3A_62 : memref<40x128xi32, #tpu.memory_space<hbm>>) target(%arg6 : memref<40x128xi32, #tpu.memory_space<vmem>>) target_semaphore(%run_scoped3A : memref<!tpu.dma_semaphore, #tpu.memory_space<semaphore_mem>>)
      %dma_wait3A = arith.constant 40 : i32
      %dma_wait3A_63 = arith.constant 0 : i32
      %dma_wait3A_64 = tpu.memref_slice %arg3[%add3A, %dma_wait3A, %dma_wait3A_63] : memref<32x80x128xi32, #tpu.memory_space<hbm>> -> memref<1x40x128xi32, #tpu.memory_space<hbm>>
      %dma_wait3A_65 = tpu.memref_squeeze %dma_wait3A_64 : memref<1x40x128xi32, #tpu.memory_space<hbm>> -> memref<40x128xi32, #tpu.memory_space<hbm>>
      %dma_wait3A_66 = arith.constant 40 : i32
      %dma_wait3A_67 = arith.constant 0 : i32
      %dma_wait3A_68 = tpu.memref_slice %arg3[%add3A, %dma_wait3A_66, %dma_wait3A_67] : memref<32x80x128xi32, #tpu.memory_space<hbm>> -> memref<1x40x128xi32, #tpu.memory_space<hbm>>
      %dma_wait3A_69 = tpu.memref_squeeze %dma_wait3A_68 : memref<1x40x128xi32, #tpu.memory_space<hbm>> -> memref<40x128xi32, #tpu.memory_space<hbm>>
      tpu.wait_dma2 semaphore(%run_scoped3A : memref<!tpu.dma_semaphore, #tpu.memory_space<semaphore_mem>>) src(%dma_wait3A_69 : memref<40x128xi32, #tpu.memory_space<hbm>>) dst(%arg6 : memref<40x128xi32, #tpu.memory_space<vmem>>)
      tpu.yield
    }) : () -> ()
    "tpu.region"() ({
      %run_scoped3A = tpu.sem_alloc : memref<!tpu.dma_semaphore, #tpu.memory_space<semaphore_mem>>
      %dma_start3A_55 = arith.constant 40 : i32
      %dma_start3A_56 = arith.constant 0 : i32
      %dma_start3A_57 = tpu.memref_slice %arg4[%add3A, %dma_start3A_55, %dma_start3A_56] : memref<32x80x128xi32, #tpu.memory_space<hbm>> -> memref<1x40x128xi32, #tpu.memory_space<hbm>>
      %dma_start3A_58 = tpu.memref_squeeze %dma_start3A_57 : memref<1x40x128xi32, #tpu.memory_space<hbm>> -> memref<40x128xi32, #tpu.memory_space<hbm>>
      %dma_start3A_59 = arith.constant 40 : i32
      %dma_start3A_60 = arith.constant 0 : i32
      %dma_start3A_61 = tpu.memref_slice %arg4[%add3A, %dma_start3A_59, %dma_start3A_60] : memref<32x80x128xi32, #tpu.memory_space<hbm>> -> memref<1x40x128xi32, #tpu.memory_space<hbm>>
      %dma_start3A_62 = tpu.memref_squeeze %dma_start3A_61 : memref<1x40x128xi32, #tpu.memory_space<hbm>> -> memref<40x128xi32, #tpu.memory_space<hbm>>
      tpu.enqueue_dma source(%dma_start3A_62 : memref<40x128xi32, #tpu.memory_space<hbm>>) target(%arg7 : memref<40x128xi32, #tpu.memory_space<vmem>>) target_semaphore(%run_scoped3A : memref<!tpu.dma_semaphore, #tpu.memory_space<semaphore_mem>>)
      %dma_wait3A = arith.constant 40 : i32
      %dma_wait3A_63 = arith.constant 0 : i32
      %dma_wait3A_64 = tpu.memref_slice %arg4[%add3A, %dma_wait3A, %dma_wait3A_63] : memref<32x80x128xi32, #tpu.memory_space<hbm>> -> memref<1x40x128xi32, #tpu.memory_space<hbm>>
      %dma_wait3A_65 = tpu.memref_squeeze %dma_wait3A_64 : memref<1x40x128xi32, #tpu.memory_space<hbm>> -> memref<40x128xi32, #tpu.memory_space<hbm>>
      %dma_wait3A_66 = arith.constant 40 : i32
      %dma_wait3A_67 = arith.constant 0 : i32
      %dma_wait3A_68 = tpu.memref_slice %arg4[%add3A, %dma_wait3A_66, %dma_wait3A_67] : memref<32x80x128xi32, #tpu.memory_space<hbm>> -> memref<1x40x128xi32, #tpu.memory_space<hbm>>
      %dma_wait3A_69 = tpu.memref_squeeze %dma_wait3A_68 : memref<1x40x128xi32, #tpu.memory_space<hbm>> -> memref<40x128xi32, #tpu.memory_space<hbm>>
      tpu.wait_dma2 semaphore(%run_scoped3A : memref<!tpu.dma_semaphore, #tpu.memory_space<semaphore_mem>>) src(%dma_wait3A_69 : memref<40x128xi32, #tpu.memory_space<hbm>>) dst(%arg7 : memref<40x128xi32, #tpu.memory_space<vmem>>)
      tpu.yield
    }) : () -> ()
    %dma_start3A_28 = arith.constant 0 : i32
    %dma_start3A_29 = arith.constant 0 : i32
    %dma_start3A_30 = tpu.memref_slice %arg6[%dma_start3A_28, %dma_start3A_29] : memref<40x128xi32, #tpu.memory_space<vmem>> -> memref<1x128xi32, #tpu.memory_space<vmem>>
    %dma_start3A_31 = tpu.memref_squeeze %dma_start3A_30 : memref<1x128xi32, #tpu.memory_space<vmem>> -> memref<128xi32, #tpu.memory_space<vmem>>
    %dma_start3A_32 = arith.constant 0 : i32
    %dma_start3A_33 = arith.constant 0 : i32
    %dma_start3A_34 = tpu.memref_slice %arg2[%dma_start3A_32, %dma_start3A_33] : memref<10240x128xf32, #tpu.memory_space<hbm>> -> memref<10240x128xf32, #tpu.memory_space<hbm>>
    tpu.enqueue_indirect_dma source(%dma_start3A_34 : memref<10240x128xf32, #tpu.memory_space<hbm>>) target(%arg8 : memref<128x128xf32, #tpu.memory_space<vmem>>) offsets(%dma_start3A_31 : memref<128xi32, #tpu.memory_space<vmem>>) semaphore(%arg11 : memref<!tpu.dma_semaphore, #tpu.memory_space<semaphore_mem>>)
    %dma_start3A_35 = arith.constant 1 : i32
    %dma_start3A_36 = arith.constant 0 : i32
    %dma_start3A_37 = tpu.memref_slice %arg6[%dma_start3A_35, %dma_start3A_36] : memref<40x128xi32, #tpu.memory_space<vmem>> -> memref<1x128xi32, #tpu.memory_space<vmem>>
    %dma_start3A_38 = tpu.memref_squeeze %dma_start3A_37 : memref<1x128xi32, #tpu.memory_space<vmem>> -> memref<128xi32, #tpu.memory_space<vmem>>
    %dma_start3A_39 = arith.constant 0 : i32
    %dma_start3A_40 = arith.constant 0 : i32
    %dma_start3A_41 = tpu.memref_slice %arg2[%dma_start3A_39, %dma_start3A_40] : memref<10240x128xf32, #tpu.memory_space<hbm>> -> memref<10240x128xf32, #tpu.memory_space<hbm>>
    tpu.enqueue_indirect_dma source(%dma_start3A_41 : memref<10240x128xf32, #tpu.memory_space<hbm>>) target(%arg9 : memref<128x128xf32, #tpu.memory_space<vmem>>) offsets(%dma_start3A_38 : memref<128xi32, #tpu.memory_space<vmem>>) semaphore(%arg12 : memref<!tpu.dma_semaphore, #tpu.memory_space<semaphore_mem>>)
    %scan3A_42 = arith.constant 0 : i32
    %scan3A_43 = arith.constant 20 : i32
    %scan3A_44 = arith.addi %scan3A_42, %scan3A_43 : i32
    %scan3A_45 = arith.constant 1 : i32
    scf.for %scan3A_55 = %scan3A_42 to %scan3A_44 step %scan3A_45  : i32 {
      %mul3A_56 = arith.constant 2 : i32
      %mul3A_57 = arith.muli %scan3A_55, %mul3A_56 : i32
      %add3A_58 = arith.constant 0 : i32
      %add3A_59 = arith.addi %add3A_58, %mul3A_57 : i32
      %dma_wait3A = arith.constant 0 : i32
      %dma_wait3A_60 = tpu.memref_slice %arg6[%add3A_59, %dma_wait3A] : memref<40x128xi32, #tpu.memory_space<vmem>> -> memref<1x128xi32, #tpu.memory_space<vmem>>
      %dma_wait3A_61 = tpu.memref_squeeze %dma_wait3A_60 : memref<1x128xi32, #tpu.memory_space<vmem>> -> memref<128xi32, #tpu.memory_space<vmem>>
      %dma_wait3A_62 = arith.constant 0 : i32
      %dma_wait3A_63 = arith.constant 0 : i32
      %dma_wait3A_64 = tpu.memref_slice %arg2[%dma_wait3A_62, %dma_wait3A_63] : memref<10240x128xf32, #tpu.memory_space<hbm>> -> memref<10240x128xf32, #tpu.memory_space<hbm>>
      tpu.wait_indirect_dma semaphore(%arg11 : memref<!tpu.dma_semaphore, #tpu.memory_space<semaphore_mem>>) src(%dma_wait3A_64 : memref<10240x128xf32, #tpu.memory_space<hbm>>) dst(%arg8 : memref<128x128xf32, #tpu.memory_space<vmem>>)
      %dma_start3A_65 = arith.constant 0 : i32
      %dma_start3A_66 = tpu.memref_slice %arg7[%add3A_59, %dma_start3A_65] : memref<40x128xi32, #tpu.memory_space<vmem>> -> memref<1x128xi32, #tpu.memory_space<vmem>>
      %dma_start3A_67 = tpu.memref_squeeze %dma_start3A_66 : memref<1x128xi32, #tpu.memory_space<vmem>> -> memref<128xi32, #tpu.memory_space<vmem>>
      %dma_start3A_68 = arith.constant 0 : i32
      %dma_start3A_69 = arith.constant 0 : i32
      %dma_start3A_70 = tpu.memref_slice %arg10[%dma_start3A_68, %dma_start3A_69] : memref<10240x128xf32, #tpu.memory_space<vmem_shared>> -> memref<10240x128xf32, #tpu.memory_space<vmem_shared>>
      tpu.enqueue_indirect_dma source(%arg8 : memref<128x128xf32, #tpu.memory_space<vmem>>) target(%dma_start3A_70 : memref<10240x128xf32, #tpu.memory_space<vmem_shared>>) offsets(%dma_start3A_67 : memref<128xi32, #tpu.memory_space<vmem>>) semaphore(%arg13 : memref<!tpu.dma_semaphore, #tpu.memory_space<semaphore_mem>>) {add = true}
      %add3A_71 = arith.constant 1 : i32
      %add3A_72 = arith.addi %add3A_59, %add3A_71 : i32
      %dma_wait3A_73 = arith.constant 0 : i32
      %dma_wait3A_74 = tpu.memref_slice %arg6[%add3A_72, %dma_wait3A_73] : memref<40x128xi32, #tpu.memory_space<vmem>> -> memref<1x128xi32, #tpu.memory_space<vmem>>
      %dma_wait3A_75 = tpu.memref_squeeze %dma_wait3A_74 : memref<1x128xi32, #tpu.memory_space<vmem>> -> memref<128xi32, #tpu.memory_space<vmem>>
      %dma_wait3A_76 = arith.constant 0 : i32
      %dma_wait3A_77 = arith.constant 0 : i32
      %dma_wait3A_78 = tpu.memref_slice %arg2[%dma_wait3A_76, %dma_wait3A_77] : memref<10240x128xf32, #tpu.memory_space<hbm>> -> memref<10240x128xf32, #tpu.memory_space<hbm>>
      tpu.wait_indirect_dma semaphore(%arg12 : memref<!tpu.dma_semaphore, #tpu.memory_space<semaphore_mem>>) src(%dma_wait3A_78 : memref<10240x128xf32, #tpu.memory_space<hbm>>) dst(%arg9 : memref<128x128xf32, #tpu.memory_space<vmem>>)
      %add3A_79 = arith.constant 1 : i32
      %add3A_80 = arith.addi %add3A_59, %add3A_79 : i32
      %dma_start3A_81 = arith.constant 0 : i32
      %dma_start3A_82 = tpu.memref_slice %arg7[%add3A_80, %dma_start3A_81] : memref<40x128xi32, #tpu.memory_space<vmem>> -> memref<1x128xi32, #tpu.memory_space<vmem>>
      %dma_start3A_83 = tpu.memref_squeeze %dma_start3A_82 : memref<1x128xi32, #tpu.memory_space<vmem>> -> memref<128xi32, #tpu.memory_space<vmem>>
      %dma_start3A_84 = arith.constant 0 : i32
      %dma_start3A_85 = arith.constant 0 : i32
      %dma_start3A_86 = tpu.memref_slice %arg10[%dma_start3A_84, %dma_start3A_85] : memref<10240x128xf32, #tpu.memory_space<vmem_shared>> -> memref<10240x128xf32, #tpu.memory_space<vmem_shared>>
      tpu.enqueue_indirect_dma source(%arg9 : memref<128x128xf32, #tpu.memory_space<vmem>>) target(%dma_start3A_86 : memref<10240x128xf32, #tpu.memory_space<vmem_shared>>) offsets(%dma_start3A_83 : memref<128xi32, #tpu.memory_space<vmem>>) semaphore(%arg14 : memref<!tpu.dma_semaphore, #tpu.memory_space<semaphore_mem>>) {add = true}
      %dma_wait3A_87 = arith.constant 0 : i32
      %dma_wait3A_88 = tpu.memref_slice %arg7[%add3A_59, %dma_wait3A_87] : memref<40x128xi32, #tpu.memory_space<vmem>> -> memref<1x128xi32, #tpu.memory_space<vmem>>
      %dma_wait3A_89 = tpu.memref_squeeze %dma_wait3A_88 : memref<1x128xi32, #tpu.memory_space<vmem>> -> memref<128xi32, #tpu.memory_space<vmem>>
      %dma_wait3A_90 = arith.constant 0 : i32
      %dma_wait3A_91 = arith.constant 0 : i32
      %dma_wait3A_92 = tpu.memref_slice %arg10[%dma_wait3A_90, %dma_wait3A_91] : memref<10240x128xf32, #tpu.memory_space<vmem_shared>> -> memref<10240x128xf32, #tpu.memory_space<vmem_shared>>
      tpu.wait_indirect_dma semaphore(%arg13 : memref<!tpu.dma_semaphore, #tpu.memory_space<semaphore_mem>>) src(%arg8 : memref<128x128xf32, #tpu.memory_space<vmem>>) dst(%dma_wait3A_92 : memref<10240x128xf32, #tpu.memory_space<vmem_shared>>)
      %add3A_93 = arith.constant 2 : i32
      %add3A_94 = arith.addi %add3A_59, %add3A_93 : i32
      %lt3A = arith.constant 40 : i32
      %lt3A_95 = arith.cmpi slt, %add3A_94, %lt3A : i32
      %convert_element_type3A = arith.extui %lt3A_95 : i1 to i32
      %cond3A = arith.constant 0 : i32
      %cond3A_96 = arith.cmpi ne, %convert_element_type3A, %cond3A : i32
      scf.if %cond3A_96 {
        %add3A_112 = arith.constant 2 : i32
        %add3A_113 = arith.addi %add3A_59, %add3A_112 : i32
        %dma_start3A_114 = arith.constant 0 : i32
        %dma_start3A_115 = tpu.memref_slice %arg6[%add3A_113, %dma_start3A_114] : memref<40x128xi32, #tpu.memory_space<vmem>> -> memref<1x128xi32, #tpu.memory_space<vmem>>
        %dma_start3A_116 = tpu.memref_squeeze %dma_start3A_115 : memref<1x128xi32, #tpu.memory_space<vmem>> -> memref<128xi32, #tpu.memory_space<vmem>>
        %dma_start3A_117 = arith.constant 0 : i32
        %dma_start3A_118 = arith.constant 0 : i32
        %dma_start3A_119 = tpu.memref_slice %arg2[%dma_start3A_117, %dma_start3A_118] : memref<10240x128xf32, #tpu.memory_space<hbm>> -> memref<10240x128xf32, #tpu.memory_space<hbm>>
        tpu.enqueue_indirect_dma source(%dma_start3A_119 : memref<10240x128xf32, #tpu.memory_space<hbm>>) target(%arg8 : memref<128x128xf32, #tpu.memory_space<vmem>>) offsets(%dma_start3A_116 : memref<128xi32, #tpu.memory_space<vmem>>) semaphore(%arg11 : memref<!tpu.dma_semaphore, #tpu.memory_space<semaphore_mem>>)
      } else {
      }
      %add3A_97 = arith.constant 1 : i32
      %add3A_98 = arith.addi %add3A_59, %add3A_97 : i32
      %dma_wait3A_99 = arith.constant 0 : i32
      %dma_wait3A_100 = tpu.memref_slice %arg7[%add3A_98, %dma_wait3A_99] : memref<40x128xi32, #tpu.memory_space<vmem>> -> memref<1x128xi32, #tpu.memory_space<vmem>>
      %dma_wait3A_101 = tpu.memref_squeeze %dma_wait3A_100 : memref<1x128xi32, #tpu.memory_space<vmem>> -> memref<128xi32, #tpu.memory_space<vmem>>
      %dma_wait3A_102 = arith.constant 0 : i32
      %dma_wait3A_103 = arith.constant 0 : i32
      %dma_wait3A_104 = tpu.memref_slice %arg10[%dma_wait3A_102, %dma_wait3A_103] : memref<10240x128xf32, #tpu.memory_space<vmem_shared>> -> memref<10240x128xf32, #tpu.memory_space<vmem_shared>>
      tpu.wait_indirect_dma semaphore(%arg14 : memref<!tpu.dma_semaphore, #tpu.memory_space<semaphore_mem>>) src(%arg9 : memref<128x128xf32, #tpu.memory_space<vmem>>) dst(%dma_wait3A_104 : memref<10240x128xf32, #tpu.memory_space<vmem_shared>>)
      %add3A_105 = arith.constant 3 : i32
      %add3A_106 = arith.addi %add3A_59, %add3A_105 : i32
      %lt3A_107 = arith.constant 40 : i32
      %lt3A_108 = arith.cmpi slt, %add3A_106, %lt3A_107 : i32
      %convert_element_type3A_109 = arith.extui %lt3A_108 : i1 to i32
      %cond3A_110 = arith.constant 0 : i32
      %cond3A_111 = arith.cmpi ne, %convert_element_type3A_109, %cond3A_110 : i32
      scf.if %cond3A_111 {
        %add3A_112 = arith.constant 3 : i32
        %add3A_113 = arith.addi %add3A_59, %add3A_112 : i32
        %dma_start3A_114 = arith.constant 0 : i32
        %dma_start3A_115 = tpu.memref_slice %arg6[%add3A_113, %dma_start3A_114] : memref<40x128xi32, #tpu.memory_space<vmem>> -> memref<1x128xi32, #tpu.memory_space<vmem>>
        %dma_start3A_116 = tpu.memref_squeeze %dma_start3A_115 : memref<1x128xi32, #tpu.memory_space<vmem>> -> memref<128xi32, #tpu.memory_space<vmem>>
        %dma_start3A_117 = arith.constant 0 : i32
        %dma_start3A_118 = arith.constant 0 : i32
        %dma_start3A_119 = tpu.memref_slice %arg2[%dma_start3A_117, %dma_start3A_118] : memref<10240x128xf32, #tpu.memory_space<hbm>> -> memref<10240x128xf32, #tpu.memory_space<hbm>>
        tpu.enqueue_indirect_dma source(%dma_start3A_119 : memref<10240x128xf32, #tpu.memory_space<hbm>>) target(%arg9 : memref<128x128xf32, #tpu.memory_space<vmem>>) offsets(%dma_start3A_116 : memref<128xi32, #tpu.memory_space<vmem>>) semaphore(%arg12 : memref<!tpu.dma_semaphore, #tpu.memory_space<semaphore_mem>>)
      } else {
      }
    }
    %scan3A_46 = arith.constant 20 : i32
    %barrier3A_47 = arith.constant 0 : index
    tpu.barrier barrier_id(%barrier3A_47)
    %mul3A_48 = arith.constant 640 : i32
    %mul3A_49 = arith.muli %arg1, %mul3A_48 : i32
    %mul3A_50 = arith.constant 10240 : i32
    %mul3A_51 = arith.muli %arg0, %mul3A_50 : i32
    %mul3A_52 = arith.constant 640 : i32
    %mul3A_53 = arith.muli %arg1, %mul3A_52 : i32
    %add3A_54 = arith.addi %mul3A_51, %mul3A_53 : i32
    "tpu.region"() ({
      %run_scoped3A = tpu.sem_alloc : memref<!tpu.dma_semaphore, #tpu.memory_space<semaphore_mem>>
      %dma_start3A_55 = arith.constant 0 : i32
      %dma_start3A_56 = tpu.memref_slice %arg5[%add3A_54, %dma_start3A_55] : memref<20480x128xf32, #tpu.memory_space<hbm>> -> memref<640x128xf32, #tpu.memory_space<hbm>>
      %dma_start3A_57 = arith.constant 0 : i32
      %dma_start3A_58 = tpu.memref_slice %arg10[%mul3A_49, %dma_start3A_57] : memref<10240x128xf32, #tpu.memory_space<vmem_shared>> -> memref<640x128xf32, #tpu.memory_space<vmem_shared>>
      tpu.enqueue_dma source(%dma_start3A_58 : memref<640x128xf32, #tpu.memory_space<vmem_shared>>) target(%dma_start3A_56 : memref<640x128xf32, #tpu.memory_space<hbm>>) target_semaphore(%run_scoped3A : memref<!tpu.dma_semaphore, #tpu.memory_space<semaphore_mem>>)
      %dma_wait3A = arith.constant 0 : i32
      %dma_wait3A_59 = tpu.memref_slice %arg5[%add3A_54, %dma_wait3A] : memref<20480x128xf32, #tpu.memory_space<hbm>> -> memref<640x128xf32, #tpu.memory_space<hbm>>
      %dma_wait3A_60 = arith.constant 0 : i32
      %dma_wait3A_61 = tpu.memref_slice %arg10[%mul3A_49, %dma_wait3A_60] : memref<10240x128xf32, #tpu.memory_space<vmem_shared>> -> memref<640x128xf32, #tpu.memory_space<vmem_shared>>
      tpu.wait_dma2 semaphore(%run_scoped3A : memref<!tpu.dma_semaphore, #tpu.memory_space<semaphore_mem>>) src(%dma_wait3A_61 : memref<640x128xf32, #tpu.memory_space<vmem_shared>>) dst(%dma_wait3A_59 : memref<640x128xf32, #tpu.memory_space<hbm>>)
      tpu.yield
    }) : () -> ()
    return
  }
}

#map = affine_map<(d0, d1) -> (0)>
#map1 = affine_map<(d0, d1) -> (0, 0)>
module attributes {stable_mosaic.version = 14 : i64} {
  func.func @k(%arg0: i32, %arg1: i32, %arg2: memref<10240xf32, #tpu.memory_space<hbm>>, %arg3: memref<32x10240xi32, #tpu.memory_space<hbm>>, %arg4: memref<32x10240xi32, #tpu.memory_space<hbm>>, %arg5: memref<32x10240xf32, #tpu.memory_space<hbm>>, %arg6: memref<10240xi32, #tpu.memory_space<vmem>>, %arg7: memref<10240xi32, #tpu.memory_space<vmem>>, %arg8: memref<10240xf32, #tpu.memory_space<vmem>>, %arg9: memref<10240xf32, #tpu.memory_space<vmem>>) attributes {dimension_semantics = [#tpu.dimension_semantics<core_parallel>, #tpu.dimension_semantics<subcore_parallel>], iteration_bounds = array<i64: 2, 16>, scalar_prefetch = 0 : i64, scratch_operands = 4 : i64, tpu.core_type = #tpu.core_type<sc_vector_subcore>, window_params = [{transform_indices = #map}, {transform_indices = #map1}, {transform_indices = #map1}, {transform_indices = #map1}]} {
    %mul3A = arith.constant 16 : i32
    %mul3A_0 = arith.muli %arg0, %mul3A : i32
    %add3A = arith.addi %mul3A_0, %arg1 : i32
    %scan3A = arith.constant 0 : i32
    %scan3A_1 = arith.constant 640 : i32
    %scan3A_2 = arith.addi %scan3A, %scan3A_1 : i32
    %scan3A_3 = arith.constant 1 : i32
    scf.for %scan3A_10 = %scan3A to %scan3A_2 step %scan3A_3  : i32 {
      %mul3A_11 = arith.constant 16 : i32
      %mul3A_12 = arith.muli %scan3A_10, %mul3A_11 : i32
      %add3A_13 = arith.constant 0 : i32
      %add3A_14 = arith.addi %add3A_13, %mul3A_12 : i32
      %broadcast_in_dim3A = arith.constant 0.000000e+00 : f32
      %broadcast_in_dim3A_15 = vector.broadcast %broadcast_in_dim3A : f32 to vector<16xf32>
      %swap3A = arith.index_cast %add3A_14 : i32 to index
      %swap3A_16 = tpu.vector_load %arg9[%swap3A] {strides = array<i32>} : memref<10240xf32, #tpu.memory_space<vmem>>, vector<16xf32>,
      tpu.vector_store %arg9[%swap3A], %broadcast_in_dim3A_15 {strides = array<i32>} : memref<10240xf32, #tpu.memory_space<vmem>>, vector<16xf32>,
    }
    %scan3A_4 = arith.constant 640 : i32
    "tpu.region"() ({
      %run_scoped3A = tpu.sem_alloc : memref<!tpu.dma_semaphore, #tpu.memory_space<semaphore_mem>>
      tpu.enqueue_dma source(%arg2 : memref<10240xf32, #tpu.memory_space<hbm>>) target(%arg8 : memref<10240xf32, #tpu.memory_space<vmem>>) target_semaphore(%run_scoped3A : memref<!tpu.dma_semaphore, #tpu.memory_space<semaphore_mem>>)
      tpu.wait_dma2 semaphore(%run_scoped3A : memref<!tpu.dma_semaphore, #tpu.memory_space<semaphore_mem>>) src(%arg2 : memref<10240xf32, #tpu.memory_space<hbm>>) dst(%arg8 : memref<10240xf32, #tpu.memory_space<vmem>>)
      tpu.yield
    }) : () -> ()
    "tpu.region"() ({
      %run_scoped3A = tpu.sem_alloc : memref<!tpu.dma_semaphore, #tpu.memory_space<semaphore_mem>>
      %dma_start3A = arith.constant 0 : i32
      %dma_start3A_10 = tpu.memref_slice %arg3[%add3A, %dma_start3A] : memref<32x10240xi32, #tpu.memory_space<hbm>> -> memref<1x10240xi32, #tpu.memory_space<hbm>>
      %dma_start3A_11 = tpu.memref_squeeze %dma_start3A_10 : memref<1x10240xi32, #tpu.memory_space<hbm>> -> memref<10240xi32, #tpu.memory_space<hbm>>
      %dma_start3A_12 = arith.constant 0 : i32
      %dma_start3A_13 = tpu.memref_slice %arg3[%add3A, %dma_start3A_12] : memref<32x10240xi32, #tpu.memory_space<hbm>> -> memref<1x10240xi32, #tpu.memory_space<hbm>>
      %dma_start3A_14 = tpu.memref_squeeze %dma_start3A_13 : memref<1x10240xi32, #tpu.memory_space<hbm>> -> memref<10240xi32, #tpu.memory_space<hbm>>
      tpu.enqueue_dma source(%dma_start3A_14 : memref<10240xi32, #tpu.memory_space<hbm>>) target(%arg6 : memref<10240xi32, #tpu.memory_space<vmem>>) target_semaphore(%run_scoped3A : memref<!tpu.dma_semaphore, #tpu.memory_space<semaphore_mem>>)
      %dma_wait3A = arith.constant 0 : i32
      %dma_wait3A_15 = tpu.memref_slice %arg3[%add3A, %dma_wait3A] : memref<32x10240xi32, #tpu.memory_space<hbm>> -> memref<1x10240xi32, #tpu.memory_space<hbm>>
      %dma_wait3A_16 = tpu.memref_squeeze %dma_wait3A_15 : memref<1x10240xi32, #tpu.memory_space<hbm>> -> memref<10240xi32, #tpu.memory_space<hbm>>
      %dma_wait3A_17 = arith.constant 0 : i32
      %dma_wait3A_18 = tpu.memref_slice %arg3[%add3A, %dma_wait3A_17] : memref<32x10240xi32, #tpu.memory_space<hbm>> -> memref<1x10240xi32, #tpu.memory_space<hbm>>
      %dma_wait3A_19 = tpu.memref_squeeze %dma_wait3A_18 : memref<1x10240xi32, #tpu.memory_space<hbm>> -> memref<10240xi32, #tpu.memory_space<hbm>>
      tpu.wait_dma2 semaphore(%run_scoped3A : memref<!tpu.dma_semaphore, #tpu.memory_space<semaphore_mem>>) src(%dma_wait3A_19 : memref<10240xi32, #tpu.memory_space<hbm>>) dst(%arg6 : memref<10240xi32, #tpu.memory_space<vmem>>)
      tpu.yield
    }) : () -> ()
    "tpu.region"() ({
      %run_scoped3A = tpu.sem_alloc : memref<!tpu.dma_semaphore, #tpu.memory_space<semaphore_mem>>
      %dma_start3A = arith.constant 0 : i32
      %dma_start3A_10 = tpu.memref_slice %arg4[%add3A, %dma_start3A] : memref<32x10240xi32, #tpu.memory_space<hbm>> -> memref<1x10240xi32, #tpu.memory_space<hbm>>
      %dma_start3A_11 = tpu.memref_squeeze %dma_start3A_10 : memref<1x10240xi32, #tpu.memory_space<hbm>> -> memref<10240xi32, #tpu.memory_space<hbm>>
      %dma_start3A_12 = arith.constant 0 : i32
      %dma_start3A_13 = tpu.memref_slice %arg4[%add3A, %dma_start3A_12] : memref<32x10240xi32, #tpu.memory_space<hbm>> -> memref<1x10240xi32, #tpu.memory_space<hbm>>
      %dma_start3A_14 = tpu.memref_squeeze %dma_start3A_13 : memref<1x10240xi32, #tpu.memory_space<hbm>> -> memref<10240xi32, #tpu.memory_space<hbm>>
      tpu.enqueue_dma source(%dma_start3A_14 : memref<10240xi32, #tpu.memory_space<hbm>>) target(%arg7 : memref<10240xi32, #tpu.memory_space<vmem>>) target_semaphore(%run_scoped3A : memref<!tpu.dma_semaphore, #tpu.memory_space<semaphore_mem>>)
      %dma_wait3A = arith.constant 0 : i32
      %dma_wait3A_15 = tpu.memref_slice %arg4[%add3A, %dma_wait3A] : memref<32x10240xi32, #tpu.memory_space<hbm>> -> memref<1x10240xi32, #tpu.memory_space<hbm>>
      %dma_wait3A_16 = tpu.memref_squeeze %dma_wait3A_15 : memref<1x10240xi32, #tpu.memory_space<hbm>> -> memref<10240xi32, #tpu.memory_space<hbm>>
      %dma_wait3A_17 = arith.constant 0 : i32
      %dma_wait3A_18 = tpu.memref_slice %arg4[%add3A, %dma_wait3A_17] : memref<32x10240xi32, #tpu.memory_space<hbm>> -> memref<1x10240xi32, #tpu.memory_space<hbm>>
      %dma_wait3A_19 = tpu.memref_squeeze %dma_wait3A_18 : memref<1x10240xi32, #tpu.memory_space<hbm>> -> memref<10240xi32, #tpu.memory_space<hbm>>
      tpu.wait_dma2 semaphore(%run_scoped3A : memref<!tpu.dma_semaphore, #tpu.memory_space<semaphore_mem>>) src(%dma_wait3A_19 : memref<10240xi32, #tpu.memory_space<hbm>>) dst(%arg7 : memref<10240xi32, #tpu.memory_space<vmem>>)
      tpu.yield
    }) : () -> ()
    %scan3A_5 = arith.constant 0 : i32
    %scan3A_6 = arith.constant 640 : i32
    %scan3A_7 = arith.addi %scan3A_5, %scan3A_6 : i32
    %scan3A_8 = arith.constant 1 : i32
    scf.for %scan3A_10 = %scan3A_5 to %scan3A_7 step %scan3A_8  : i32 {
      %mul3A_11 = arith.constant 16 : i32
      %mul3A_12 = arith.muli %scan3A_10, %mul3A_11 : i32
      %add3A_13 = arith.constant 0 : i32
      %add3A_14 = arith.addi %add3A_13, %mul3A_12 : i32
      %get3A = arith.index_cast %add3A_14 : i32 to index
      %get3A_15 = tpu.vector_load %arg6[%get3A] {strides = array<i32>} : memref<10240xi32, #tpu.memory_space<vmem>>, vector<16xi32>,
      %get3A_16 = arith.index_cast %add3A_14 : i32 to index
      %get3A_17 = tpu.vector_load %arg7[%get3A_16] {strides = array<i32>} : memref<10240xi32, #tpu.memory_space<vmem>>, vector<16xi32>,
      %gather3A = tpu.vector_load_idx %arg8[%get3A_15] : memref<10240xf32, #tpu.memory_space<vmem>>[vector<16xi32>], vector<16xf32>,
      tpu.vector_store_idx %arg9[%get3A_17], %gather3A {add = true} : memref<10240xf32, #tpu.memory_space<vmem>>[vector<16xi32>], vector<16xf32>,
    }
    %scan3A_9 = arith.constant 640 : i32
    "tpu.region"() ({
      %run_scoped3A = tpu.sem_alloc : memref<!tpu.dma_semaphore, #tpu.memory_space<semaphore_mem>>
      %dma_start3A = arith.constant 0 : i32
      %dma_start3A_10 = tpu.memref_slice %arg5[%add3A, %dma_start3A] : memref<32x10240xf32, #tpu.memory_space<hbm>> -> memref<1x10240xf32, #tpu.memory_space<hbm>>
      %dma_start3A_11 = tpu.memref_squeeze %dma_start3A_10 : memref<1x10240xf32, #tpu.memory_space<hbm>> -> memref<10240xf32, #tpu.memory_space<hbm>>
      %dma_start3A_12 = arith.constant 0 : i32
      %dma_start3A_13 = tpu.memref_slice %arg5[%add3A, %dma_start3A_12] : memref<32x10240xf32, #tpu.memory_space<hbm>> -> memref<1x10240xf32, #tpu.memory_space<hbm>>
      %dma_start3A_14 = tpu.memref_squeeze %dma_start3A_13 : memref<1x10240xf32, #tpu.memory_space<hbm>> -> memref<10240xf32, #tpu.memory_space<hbm>>
      tpu.enqueue_dma source(%arg9 : memref<10240xf32, #tpu.memory_space<vmem>>) target(%dma_start3A_14 : memref<10240xf32, #tpu.memory_space<hbm>>) target_semaphore(%run_scoped3A : memref<!tpu.dma_semaphore, #tpu.memory_space<semaphore_mem>>)
      %dma_wait3A = arith.constant 0 : i32
      %dma_wait3A_15 = tpu.memref_slice %arg5[%add3A, %dma_wait3A] : memref<32x10240xf32, #tpu.memory_space<hbm>> -> memref<1x10240xf32, #tpu.memory_space<hbm>>
      %dma_wait3A_16 = tpu.memref_squeeze %dma_wait3A_15 : memref<1x10240xf32, #tpu.memory_space<hbm>> -> memref<10240xf32, #tpu.memory_space<hbm>>
      %dma_wait3A_17 = arith.constant 0 : i32
      %dma_wait3A_18 = tpu.memref_slice %arg5[%add3A, %dma_wait3A_17] : memref<32x10240xf32, #tpu.memory_space<hbm>> -> memref<1x10240xf32, #tpu.memory_space<hbm>>
      %dma_wait3A_19 = tpu.memref_squeeze %dma_wait3A_18 : memref<1x10240xf32, #tpu.memory_space<hbm>> -> memref<10240xf32, #tpu.memory_space<hbm>>
      tpu.wait_dma2 semaphore(%run_scoped3A : memref<!tpu.dma_semaphore, #tpu.memory_space<semaphore_mem>>) src(%arg9 : memref<10240xf32, #tpu.memory_space<vmem>>) dst(%dma_wait3A_19 : memref<10240xf32, #tpu.memory_space<hbm>>)
      tpu.yield
    }) : () -> ()
    return
  }
}

#map = affine_map<(d0, d1) -> (0, 0)>
#map1 = affine_map<(d0, d1) -> (0, 0, 0)>
module attributes {stable_mosaic.version = 14 : i64} {
  func.func @k(%arg0: i32, %arg1: i32, %arg2: memref<10240x128xf32, #tpu.memory_space<hbm>>, %arg3: memref<32x80x128xi32, #tpu.memory_space<hbm>>, %arg4: memref<32x80x128xi32, #tpu.memory_space<hbm>>, %arg5: memref<20480x128xf32, #tpu.memory_space<hbm>>, %arg6: memref<40x128xi32, #tpu.memory_space<vmem>>, %arg7: memref<40x128xi32, #tpu.memory_space<vmem>>, %arg8: memref<128x128xf32, #tpu.memory_space<vmem>>, %arg9: memref<128x128xf32, #tpu.memory_space<vmem>>, %arg10: memref<10240x128xf32, #tpu.memory_space<vmem_shared>>, %arg11: memref<!tpu.dma_semaphore, #tpu.memory_space<semaphore_mem>>, %arg12: memref<!tpu.dma_semaphore, #tpu.memory_space<semaphore_mem>>, %arg13: memref<!tpu.dma_semaphore, #tpu.memory_space<semaphore_mem>>, %arg14: memref<!tpu.dma_semaphore, #tpu.memory_space<semaphore_mem>>) attributes {dimension_semantics = [#tpu.dimension_semantics<core_parallel>, #tpu.dimension_semantics<subcore_parallel>], iteration_bounds = array<i64: 2, 16>, scalar_prefetch = 0 : i64, scratch_operands = 9 : i64, tpu.core_type = #tpu.core_type<sc_vector_subcore>, window_params = [{transform_indices = #map}, {transform_indices = #map1}, {transform_indices = #map1}, {transform_indices = #map}]} {
    %mul3A = arith.constant 16 : i32
    %mul3A_0 = arith.muli %arg0, %mul3A : i32
    %add3A = arith.addi %mul3A_0, %arg1 : i32
    %scan3A = arith.constant 0 : i32
    %scan3A_1 = arith.constant 128 : i32
    %scan3A_2 = arith.addi %scan3A, %scan3A_1 : i32
    %scan3A_3 = arith.constant 1 : i32
    scf.for %scan3A_55 = %scan3A to %scan3A_2 step %scan3A_3  : i32 {
      %mul3A_56 = arith.constant 1 : i32
      %mul3A_57 = arith.muli %scan3A_55, %mul3A_56 : i32
      %add3A_58 = arith.constant 0 : i32
      %add3A_59 = arith.addi %add3A_58, %mul3A_57 : i32
      %scan3A_60 = arith.constant 0 : i32
      %scan3A_61 = arith.constant 8 : i32
      %scan3A_62 = arith.addi %scan3A_60, %scan3A_61 : i32
      %scan3A_63 = arith.constant 1 : i32
      scf.for %scan3A_65 = %scan3A_60 to %scan3A_62 step %scan3A_63  : i32 {
        %mul3A_66 = arith.constant 16 : i32
        %mul3A_67 = arith.muli %scan3A_65, %mul3A_66 : i32
        %add3A_68 = arith.constant 0 : i32
        %add3A_69 = arith.addi %add3A_68, %mul3A_67 : i32
        %broadcast_in_dim3A = arith.constant 0.000000e+00 : f32
        %broadcast_in_dim3A_70 = vector.broadcast %broadcast_in_dim3A : f32 to vector<16xf32>
        %swap3A = arith.index_cast %add3A_59 : i32 to index
        %swap3A_71 = arith.index_cast %add3A_69 : i32 to index
        %swap3A_72 = tpu.vector_load %arg8[%swap3A, %swap3A_71] {strides = array<i32>} : memref<128x128xf32, #tpu.memory_space<vmem>>, vector<1x16xf32>,
        %swap3A_73 = vector.shape_cast %swap3A_72 : vector<1x16xf32> to vector<16xf32>
        %swap3A_74 = vector.shape_cast %broadcast_in_dim3A_70 : vector<16xf32> to vector<1x16xf32>
        tpu.vector_store %arg8[%swap3A, %swap3A_71], %swap3A_74 {strides = array<i32>} : memref<128x128xf32, #tpu.memory_space<vmem>>, vector<1x16xf32>,
      }
      %scan3A_64 = arith.constant 8 : i32
    }
    %scan3A_4 = arith.constant 128 : i32
    %scan3A_5 = arith.constant 0 : i32
    %scan3A_6 = arith.constant 5 : i32
    %scan3A_7 = arith.addi %scan3A_5, %scan3A_6 : i32
    %scan3A_8 = arith.constant 1 : i32
    scf.for %scan3A_55 = %scan3A_5 to %scan3A_7 step %scan3A_8  : i32 {
      %mul3A_56 = arith.constant 128 : i32
      %mul3A_57 = arith.muli %scan3A_55, %mul3A_56 : i32
      %add3A_58 = arith.constant 0 : i32
      %add3A_59 = arith.addi %add3A_58, %mul3A_57 : i32
      %mul3A_60 = arith.constant 640 : i32
      %mul3A_61 = arith.muli %arg1, %mul3A_60 : i32
      %add3A_62 = arith.addi %mul3A_61, %add3A_59 : i32
      "tpu.region"() ({
        %run_scoped3A = tpu.sem_alloc : memref<!tpu.dma_semaphore, #tpu.memory_space<semaphore_mem>>
        %dma_start3A_63 = arith.constant 0 : i32
        %dma_start3A_64 = tpu.memref_slice %arg10[%add3A_62, %dma_start3A_63] : memref<10240x128xf32, #tpu.memory_space<vmem_shared>> -> memref<128x128xf32, #tpu.memory_space<vmem_shared>>
        %dma_start3A_65 = arith.constant 0 : i32
        %dma_start3A_66 = tpu.memref_slice %arg10[%add3A_62, %dma_start3A_65] : memref<10240x128xf32, #tpu.memory_space<vmem_shared>> -> memref<128x128xf32, #tpu.memory_space<vmem_shared>>
        tpu.enqueue_dma source(%arg8 : memref<128x128xf32, #tpu.memory_space<vmem>>) target(%dma_start3A_66 : memref<128x128xf32, #tpu.memory_space<vmem_shared>>) target_semaphore(%run_scoped3A : memref<!tpu.dma_semaphore, #tpu.memory_space<semaphore_mem>>)
        %dma_wait3A = arith.constant 0 : i32
        %dma_wait3A_67 = tpu.memref_slice %arg10[%add3A_62, %dma_wait3A] : memref<10240x128xf32, #tpu.memory_space<vmem_shared>> -> memref<128x128xf32, #tpu.memory_space<vmem_shared>>
        %dma_wait3A_68 = arith.constant 0 : i32
        %dma_wait3A_69 = tpu.memref_slice %arg10[%add3A_62, %dma_wait3A_68] : memref<10240x128xf32, #tpu.memory_space<vmem_shared>> -> memref<128x128xf32, #tpu.memory_space<vmem_shared>>
        tpu.wait_dma2 semaphore(%run_scoped3A : memref<!tpu.dma_semaphore, #tpu.memory_space<semaphore_mem>>) src(%arg8 : memref<128x128xf32, #tpu.memory_space<vmem>>) dst(%dma_wait3A_69 : memref<128x128xf32, #tpu.memory_space<vmem_shared>>)
        tpu.yield
      }) : () -> ()
    }
    %scan3A_9 = arith.constant 5 : i32
    %barrier3A = arith.constant 0 : index
    tpu.barrier barrier_id(%barrier3A)
    "tpu.region"() ({
      %run_scoped3A = tpu.sem_alloc : memref<!tpu.dma_semaphore, #tpu.memory_space<semaphore_mem>>
      %dma_start3A_55 = arith.constant 0 : i32
      %dma_start3A_56 = arith.constant 0 : i32
      %dma_start3A_57 = tpu.memref_slice %arg3[%add3A, %dma_start3A_55, %dma_start3A_56] : memref<32x80x128xi32, #tpu.memory_space<hbm>> -> memref<1x40x128xi32, #tpu.memory_space<hbm>>
      %dma_start3A_58 = tpu.memref_squeeze %dma_start3A_57 : memref<1x40x128xi32, #tpu.memory_space<hbm>> -> memref<40x128xi32, #tpu.memory_space<hbm>>
      %dma_start3A_59 = arith.constant 0 : i32
      %dma_start3A_60 = arith.constant 0 : i32
      %dma_start3A_61 = tpu.memref_slice %arg3[%add3A, %dma_start3A_59, %dma_start3A_60] : memref<32x80x128xi32, #tpu.memory_space<hbm>> -> memref<1x40x128xi32, #tpu.memory_space<hbm>>
      %dma_start3A_62 = tpu.memref_squeeze %dma_start3A_61 : memref<1x40x128xi32, #tpu.memory_space<hbm>> -> memref<40x128xi32, #tpu.memory_space<hbm>>
      tpu.enqueue_dma source(%dma_start3A_62 : memref<40x128xi32, #tpu.memory_space<hbm>>) target(%arg6 : memref<40x128xi32, #tpu.memory_space<vmem>>) target_semaphore(%run_scoped3A : memref<!tpu.dma_semaphore, #tpu.memory_space<semaphore_mem>>)
      %dma_wait3A = arith.constant 0 : i32
      %dma_wait3A_63 = arith.constant 0 : i32
      %dma_wait3A_64 = tpu.memref_slice %arg3[%add3A, %dma_wait3A, %dma_wait3A_63] : memref<32x80x128xi32, #tpu.memory_space<hbm>> -> memref<1x40x128xi32, #tpu.memory_space<hbm>>
      %dma_wait3A_65 = tpu.memref_squeeze %dma_wait3A_64 : memref<1x40x128xi32, #tpu.memory_space<hbm>> -> memref<40x128xi32, #tpu.memory_space<hbm>>
      %dma_wait3A_66 = arith.constant 0 : i32
      %dma_wait3A_67 = arith.constant 0 : i32
      %dma_wait3A_68 = tpu.memref_slice %arg3[%add3A, %dma_wait3A_66, %dma_wait3A_67] : memref<32x80x128xi32, #tpu.memory_space<hbm>> -> memref<1x40x128xi32, #tpu.memory_space<hbm>>
      %dma_wait3A_69 = tpu.memref_squeeze %dma_wait3A_68 : memref<1x40x128xi32, #tpu.memory_space<hbm>> -> memref<40x128xi32, #tpu.memory_space<hbm>>
      tpu.wait_dma2 semaphore(%run_scoped3A : memref<!tpu.dma_semaphore, #tpu.memory_space<semaphore_mem>>) src(%dma_wait3A_69 : memref<40x128xi32, #tpu.memory_space<hbm>>) dst(%arg6 : memref<40x128xi32, #tpu.memory_space<vmem>>)
      tpu.yield
    }) : () -> ()
    "tpu.region"() ({
      %run_scoped3A = tpu.sem_alloc : memref<!tpu.dma_semaphore, #tpu.memory_space<semaphore_mem>>
      %dma_start3A_55 = arith.constant 0 : i32
      %dma_start3A_56 = arith.constant 0 : i32
      %dma_start3A_57 = tpu.memref_slice %arg4[%add3A, %dma_start3A_55, %dma_start3A_56] : memref<32x80x128xi32, #tpu.memory_space<hbm>> -> memref<1x40x128xi32, #tpu.memory_space<hbm>>
      %dma_start3A_58 = tpu.memref_squeeze %dma_start3A_57 : memref<1x40x128xi32, #tpu.memory_space<hbm>> -> memref<40x128xi32, #tpu.memory_space<hbm>>
      %dma_start3A_59 = arith.constant 0 : i32
      %dma_start3A_60 = arith.constant 0 : i32
      %dma_start3A_61 = tpu.memref_slice %arg4[%add3A, %dma_start3A_59, %dma_start3A_60] : memref<32x80x128xi32, #tpu.memory_space<hbm>> -> memref<1x40x128xi32, #tpu.memory_space<hbm>>
      %dma_start3A_62 = tpu.memref_squeeze %dma_start3A_61 : memref<1x40x128xi32, #tpu.memory_space<hbm>> -> memref<40x128xi32, #tpu.memory_space<hbm>>
      tpu.enqueue_dma source(%dma_start3A_62 : memref<40x128xi32, #tpu.memory_space<hbm>>) target(%arg7 : memref<40x128xi32, #tpu.memory_space<vmem>>) target_semaphore(%run_scoped3A : memref<!tpu.dma_semaphore, #tpu.memory_space<semaphore_mem>>)
      %dma_wait3A = arith.constant 0 : i32
      %dma_wait3A_63 = arith.constant 0 : i32
      %dma_wait3A_64 = tpu.memref_slice %arg4[%add3A, %dma_wait3A, %dma_wait3A_63] : memref<32x80x128xi32, #tpu.memory_space<hbm>> -> memref<1x40x128xi32, #tpu.memory_space<hbm>>
      %dma_wait3A_65 = tpu.memref_squeeze %dma_wait3A_64 : memref<1x40x128xi32, #tpu.memory_space<hbm>> -> memref<40x128xi32, #tpu.memory_space<hbm>>
      %dma_wait3A_66 = arith.constant 0 : i32
      %dma_wait3A_67 = arith.constant 0 : i32
      %dma_wait3A_68 = tpu.memref_slice %arg4[%add3A, %dma_wait3A_66, %dma_wait3A_67] : memref<32x80x128xi32, #tpu.memory_space<hbm>> -> memref<1x40x128xi32, #tpu.memory_space<hbm>>
      %dma_wait3A_69 = tpu.memref_squeeze %dma_wait3A_68 : memref<1x40x128xi32, #tpu.memory_space<hbm>> -> memref<40x128xi32, #tpu.memory_space<hbm>>
      tpu.wait_dma2 semaphore(%run_scoped3A : memref<!tpu.dma_semaphore, #tpu.memory_space<semaphore_mem>>) src(%dma_wait3A_69 : memref<40x128xi32, #tpu.memory_space<hbm>>) dst(%arg7 : memref<40x128xi32, #tpu.memory_space<vmem>>)
      tpu.yield
    }) : () -> ()
    %dma_start3A = arith.constant 0 : i32
    %dma_start3A_10 = arith.constant 0 : i32
    %dma_start3A_11 = tpu.memref_slice %arg6[%dma_start3A, %dma_start3A_10] : memref<40x128xi32, #tpu.memory_space<vmem>> -> memref<1x128xi32, #tpu.memory_space<vmem>>
    %dma_start3A_12 = tpu.memref_squeeze %dma_start3A_11 : memref<1x128xi32, #tpu.memory_space<vmem>> -> memref<128xi32, #tpu.memory_space<vmem>>
    %dma_start3A_13 = arith.constant 0 : i32
    %dma_start3A_14 = arith.constant 0 : i32
    %dma_start3A_15 = tpu.memref_slice %arg2[%dma_start3A_13, %dma_start3A_14] : memref<10240x128xf32, #tpu.memory_space<hbm>> -> memref<10240x128xf32, #tpu.memory_space<hbm>>
    tpu.enqueue_indirect_dma source(%dma_start3A_15 : memref<10240x128xf32, #tpu.memory_space<hbm>>) target(%arg8 : memref<128x128xf32, #tpu.memory_space<vmem>>) offsets(%dma_start3A_12 : memref<128xi32, #tpu.memory_space<vmem>>) semaphore(%arg11 : memref<!tpu.dma_semaphore, #tpu.memory_space<semaphore_mem>>)
    %dma_start3A_16 = arith.constant 1 : i32
    %dma_start3A_17 = arith.constant 0 : i32
    %dma_start3A_18 = tpu.memref_slice %arg6[%dma_start3A_16, %dma_start3A_17] : memref<40x128xi32, #tpu.memory_space<vmem>> -> memref<1x128xi32, #tpu.memory_space<vmem>>
    %dma_start3A_19 = tpu.memref_squeeze %dma_start3A_18 : memref<1x128xi32, #tpu.memory_space<vmem>> -> memref<128xi32, #tpu.memory_space<vmem>>
    %dma_start3A_20 = arith.constant 0 : i32
    %dma_start3A_21 = arith.constant 0 : i32
    %dma_start3A_22 = tpu.memref_slice %arg2[%dma_start3A_20, %dma_start3A_21] : memref<10240x128xf32, #tpu.memory_space<hbm>> -> memref<10240x128xf32, #tpu.memory_space<hbm>>
    tpu.enqueue_indirect_dma source(%dma_start3A_22 : memref<10240x128xf32, #tpu.memory_space<hbm>>) target(%arg9 : memref<128x128xf32, #tpu.memory_space<vmem>>) offsets(%dma_start3A_19 : memref<128xi32, #tpu.memory_space<vmem>>) semaphore(%arg12 : memref<!tpu.dma_semaphore, #tpu.memory_space<semaphore_mem>>)
    %scan3A_23 = arith.constant 0 : i32
    %scan3A_24 = arith.constant 20 : i32
    %scan3A_25 = arith.addi %scan3A_23, %scan3A_24 : i32
    %scan3A_26 = arith.constant 1 : i32
    scf.for %scan3A_55 = %scan3A_23 to %scan3A_25 step %scan3A_26  : i32 {
      %mul3A_56 = arith.constant 2 : i32
      %mul3A_57 = arith.muli %scan3A_55, %mul3A_56 : i32
      %add3A_58 = arith.constant 0 : i32
      %add3A_59 = arith.addi %add3A_58, %mul3A_57 : i32
      %dma_wait3A = arith.constant 0 : i32
      %dma_wait3A_60 = tpu.memref_slice %arg6[%add3A_59, %dma_wait3A] : memref<40x128xi32, #tpu.memory_space<vmem>> -> memref<1x128xi32, #tpu.memory_space<vmem>>
      %dma_wait3A_61 = tpu.memref_squeeze %dma_wait3A_60 : memref<1x128xi32, #tpu.memory_space<vmem>> -> memref<128xi32, #tpu.memory_space<vmem>>
      %dma_wait3A_62 = arith.constant 0 : i32
      %dma_wait3A_63 = arith.constant 0 : i32
      %dma_wait3A_64 = tpu.memref_slice %arg2[%dma_wait3A_62, %dma_wait3A_63] : memref<10240x128xf32, #tpu.memory_space<hbm>> -> memref<10240x128xf32, #tpu.memory_space<hbm>>
      tpu.wait_indirect_dma semaphore(%arg11 : memref<!tpu.dma_semaphore, #tpu.memory_space<semaphore_mem>>) src(%dma_wait3A_64 : memref<10240x128xf32, #tpu.memory_space<hbm>>) dst(%arg8 : memref<128x128xf32, #tpu.memory_space<vmem>>)
      %dma_start3A_65 = arith.constant 0 : i32
      %dma_start3A_66 = tpu.memref_slice %arg7[%add3A_59, %dma_start3A_65] : memref<40x128xi32, #tpu.memory_space<vmem>> -> memref<1x128xi32, #tpu.memory_space<vmem>>
      %dma_start3A_67 = tpu.memref_squeeze %dma_start3A_66 : memref<1x128xi32, #tpu.memory_space<vmem>> -> memref<128xi32, #tpu.memory_space<vmem>>
      %dma_start3A_68 = arith.constant 0 : i32
      %dma_start3A_69 = arith.constant 0 : i32
      %dma_start3A_70 = tpu.memref_slice %arg10[%dma_start3A_68, %dma_start3A_69] : memref<10240x128xf32, #tpu.memory_space<vmem_shared>> -> memref<10240x128xf32, #tpu.memory_space<vmem_shared>>
      tpu.enqueue_indirect_dma source(%arg8 : memref<128x128xf32, #tpu.memory_space<vmem>>) target(%dma_start3A_70 : memref<10240x128xf32, #tpu.memory_space<vmem_shared>>) offsets(%dma_start3A_67 : memref<128xi32, #tpu.memory_space<vmem>>) semaphore(%arg13 : memref<!tpu.dma_semaphore, #tpu.memory_space<semaphore_mem>>) {add = true}
      %add3A_71 = arith.constant 1 : i32
      %add3A_72 = arith.addi %add3A_59, %add3A_71 : i32
      %dma_wait3A_73 = arith.constant 0 : i32
      %dma_wait3A_74 = tpu.memref_slice %arg6[%add3A_72, %dma_wait3A_73] : memref<40x128xi32, #tpu.memory_space<vmem>> -> memref<1x128xi32, #tpu.memory_space<vmem>>
      %dma_wait3A_75 = tpu.memref_squeeze %dma_wait3A_74 : memref<1x128xi32, #tpu.memory_space<vmem>> -> memref<128xi32, #tpu.memory_space<vmem>>
      %dma_wait3A_76 = arith.constant 0 : i32
      %dma_wait3A_77 = arith.constant 0 : i32
      %dma_wait3A_78 = tpu.memref_slice %arg2[%dma_wait3A_76, %dma_wait3A_77] : memref<10240x128xf32, #tpu.memory_space<hbm>> -> memref<10240x128xf32, #tpu.memory_space<hbm>>
      tpu.wait_indirect_dma semaphore(%arg12 : memref<!tpu.dma_semaphore, #tpu.memory_space<semaphore_mem>>) src(%dma_wait3A_78 : memref<10240x128xf32, #tpu.memory_space<hbm>>) dst(%arg9 : memref<128x128xf32, #tpu.memory_space<vmem>>)
      %add3A_79 = arith.constant 1 : i32
      %add3A_80 = arith.addi %add3A_59, %add3A_79 : i32
      %dma_start3A_81 = arith.constant 0 : i32
      %dma_start3A_82 = tpu.memref_slice %arg7[%add3A_80, %dma_start3A_81] : memref<40x128xi32, #tpu.memory_space<vmem>> -> memref<1x128xi32, #tpu.memory_space<vmem>>
      %dma_start3A_83 = tpu.memref_squeeze %dma_start3A_82 : memref<1x128xi32, #tpu.memory_space<vmem>> -> memref<128xi32, #tpu.memory_space<vmem>>
      %dma_start3A_84 = arith.constant 0 : i32
      %dma_start3A_85 = arith.constant 0 : i32
      %dma_start3A_86 = tpu.memref_slice %arg10[%dma_start3A_84, %dma_start3A_85] : memref<10240x128xf32, #tpu.memory_space<vmem_shared>> -> memref<10240x128xf32, #tpu.memory_space<vmem_shared>>
      tpu.enqueue_indirect_dma source(%arg9 : memref<128x128xf32, #tpu.memory_space<vmem>>) target(%dma_start3A_86 : memref<10240x128xf32, #tpu.memory_space<vmem_shared>>) offsets(%dma_start3A_83 : memref<128xi32, #tpu.memory_space<vmem>>) semaphore(%arg14 : memref<!tpu.dma_semaphore, #tpu.memory_space<semaphore_mem>>) {add = true}
      %dma_wait3A_87 = arith.constant 0 : i32
      %dma_wait3A_88 = tpu.memref_slice %arg7[%add3A_59, %dma_wait3A_87] : memref<40x128xi32, #tpu.memory_space<vmem>> -> memref<1x128xi32, #tpu.memory_space<vmem>>
      %dma_wait3A_89 = tpu.memref_squeeze %dma_wait3A_88 : memref<1x128xi32, #tpu.memory_space<vmem>> -> memref<128xi32, #tpu.memory_space<vmem>>
      %dma_wait3A_90 = arith.constant 0 : i32
      %dma_wait3A_91 = arith.constant 0 : i32
      %dma_wait3A_92 = tpu.memref_slice %arg10[%dma_wait3A_90, %dma_wait3A_91] : memref<10240x128xf32, #tpu.memory_space<vmem_shared>> -> memref<10240x128xf32, #tpu.memory_space<vmem_shared>>
      tpu.wait_indirect_dma semaphore(%arg13 : memref<!tpu.dma_semaphore, #tpu.memory_space<semaphore_mem>>) src(%arg8 : memref<128x128xf32, #tpu.memory_space<vmem>>) dst(%dma_wait3A_92 : memref<10240x128xf32, #tpu.memory_space<vmem_shared>>)
      %add3A_93 = arith.constant 2 : i32
      %add3A_94 = arith.addi %add3A_59, %add3A_93 : i32
      %lt3A = arith.constant 40 : i32
      %lt3A_95 = arith.cmpi slt, %add3A_94, %lt3A : i32
      %convert_element_type3A = arith.extui %lt3A_95 : i1 to i32
      %cond3A = arith.constant 0 : i32
      %cond3A_96 = arith.cmpi ne, %convert_element_type3A, %cond3A : i32
      scf.if %cond3A_96 {
        %add3A_112 = arith.constant 2 : i32
        %add3A_113 = arith.addi %add3A_59, %add3A_112 : i32
        %dma_start3A_114 = arith.constant 0 : i32
        %dma_start3A_115 = tpu.memref_slice %arg6[%add3A_113, %dma_start3A_114] : memref<40x128xi32, #tpu.memory_space<vmem>> -> memref<1x128xi32, #tpu.memory_space<vmem>>
        %dma_start3A_116 = tpu.memref_squeeze %dma_start3A_115 : memref<1x128xi32, #tpu.memory_space<vmem>> -> memref<128xi32, #tpu.memory_space<vmem>>
        %dma_start3A_117 = arith.constant 0 : i32
        %dma_start3A_118 = arith.constant 0 : i32
        %dma_start3A_119 = tpu.memref_slice %arg2[%dma_start3A_117, %dma_start3A_118] : memref<10240x128xf32, #tpu.memory_space<hbm>> -> memref<10240x128xf32, #tpu.memory_space<hbm>>
        tpu.enqueue_indirect_dma source(%dma_start3A_119 : memref<10240x128xf32, #tpu.memory_space<hbm>>) target(%arg8 : memref<128x128xf32, #tpu.memory_space<vmem>>) offsets(%dma_start3A_116 : memref<128xi32, #tpu.memory_space<vmem>>) semaphore(%arg11 : memref<!tpu.dma_semaphore, #tpu.memory_space<semaphore_mem>>)
      } else {
      }
      %add3A_97 = arith.constant 1 : i32
      %add3A_98 = arith.addi %add3A_59, %add3A_97 : i32
      %dma_wait3A_99 = arith.constant 0 : i32
      %dma_wait3A_100 = tpu.memref_slice %arg7[%add3A_98, %dma_wait3A_99] : memref<40x128xi32, #tpu.memory_space<vmem>> -> memref<1x128xi32, #tpu.memory_space<vmem>>
      %dma_wait3A_101 = tpu.memref_squeeze %dma_wait3A_100 : memref<1x128xi32, #tpu.memory_space<vmem>> -> memref<128xi32, #tpu.memory_space<vmem>>
      %dma_wait3A_102 = arith.constant 0 : i32
      %dma_wait3A_103 = arith.constant 0 : i32
      %dma_wait3A_104 = tpu.memref_slice %arg10[%dma_wait3A_102, %dma_wait3A_103] : memref<10240x128xf32, #tpu.memory_space<vmem_shared>> -> memref<10240x128xf32, #tpu.memory_space<vmem_shared>>
      tpu.wait_indirect_dma semaphore(%arg14 : memref<!tpu.dma_semaphore, #tpu.memory_space<semaphore_mem>>) src(%arg9 : memref<128x128xf32, #tpu.memory_space<vmem>>) dst(%dma_wait3A_104 : memref<10240x128xf32, #tpu.memory_space<vmem_shared>>)
      %add3A_105 = arith.constant 3 : i32
      %add3A_106 = arith.addi %add3A_59, %add3A_105 : i32
      %lt3A_107 = arith.constant 40 : i32
      %lt3A_108 = arith.cmpi slt, %add3A_106, %lt3A_107 : i32
      %convert_element_type3A_109 = arith.extui %lt3A_108 : i1 to i32
      %cond3A_110 = arith.constant 0 : i32
      %cond3A_111 = arith.cmpi ne, %convert_element_type3A_109, %cond3A_110 : i32
      scf.if %cond3A_111 {
        %add3A_112 = arith.constant 3 : i32
        %add3A_113 = arith.addi %add3A_59, %add3A_112 : i32
        %dma_start3A_114 = arith.constant 0 : i32
        %dma_start3A_115 = tpu.memref_slice %arg6[%add3A_113, %dma_start3A_114] : memref<40x128xi32, #tpu.memory_space<vmem>> -> memref<1x128xi32, #tpu.memory_space<vmem>>
        %dma_start3A_116 = tpu.memref_squeeze %dma_start3A_115 : memref<1x128xi32, #tpu.memory_space<vmem>> -> memref<128xi32, #tpu.memory_space<vmem>>
        %dma_start3A_117 = arith.constant 0 : i32
        %dma_start3A_118 = arith.constant 0 : i32
        %dma_start3A_119 = tpu.memref_slice %arg2[%dma_start3A_117, %dma_start3A_118] : memref<10240x128xf32, #tpu.memory_space<hbm>> -> memref<10240x128xf32, #tpu.memory_space<hbm>>
        tpu.enqueue_indirect_dma source(%dma_start3A_119 : memref<10240x128xf32, #tpu.memory_space<hbm>>) target(%arg9 : memref<128x128xf32, #tpu.memory_space<vmem>>) offsets(%dma_start3A_116 : memref<128xi32, #tpu.memory_space<vmem>>) semaphore(%arg12 : memref<!tpu.dma_semaphore, #tpu.memory_space<semaphore_mem>>)
      } else {
      }
    }
    %scan3A_27 = arith.constant 20 : i32
    "tpu.region"() ({
      %run_scoped3A = tpu.sem_alloc : memref<!tpu.dma_semaphore, #tpu.memory_space<semaphore_mem>>
      %dma_start3A_55 = arith.constant 40 : i32
      %dma_start3A_56 = arith.constant 0 : i32
      %dma_start3A_57 = tpu.memref_slice %arg3[%add3A, %dma_start3A_55, %dma_start3A_56] : memref<32x80x128xi32, #tpu.memory_space<hbm>> -> memref<1x40x128xi32, #tpu.memory_space<hbm>>
      %dma_start3A_58 = tpu.memref_squeeze %dma_start3A_57 : memref<1x40x128xi32, #tpu.memory_space<hbm>> -> memref<40x128xi32, #tpu.memory_space<hbm>>
      %dma_start3A_59 = arith.constant 40 : i32
      %dma_start3A_60 = arith.constant 0 : i32
      %dma_start3A_61 = tpu.memref_slice %arg3[%add3A, %dma_start3A_59, %dma_start3A_60] : memref<32x80x128xi32, #tpu.memory_space<hbm>> -> memref<1x40x128xi32, #tpu.memory_space<hbm>>
      %dma_start3A_62 = tpu.memref_squeeze %dma_start3A_61 : memref<1x40x128xi32, #tpu.memory_space<hbm>> -> memref<40x128xi32, #tpu.memory_space<hbm>>
      tpu.enqueue_dma source(%dma_start3A_62 : memref<40x128xi32, #tpu.memory_space<hbm>>) target(%arg6 : memref<40x128xi32, #tpu.memory_space<vmem>>) target_semaphore(%run_scoped3A : memref<!tpu.dma_semaphore, #tpu.memory_space<semaphore_mem>>)
      %dma_wait3A = arith.constant 40 : i32
      %dma_wait3A_63 = arith.constant 0 : i32
      %dma_wait3A_64 = tpu.memref_slice %arg3[%add3A, %dma_wait3A, %dma_wait3A_63] : memref<32x80x128xi32, #tpu.memory_space<hbm>> -> memref<1x40x128xi32, #tpu.memory_space<hbm>>
      %dma_wait3A_65 = tpu.memref_squeeze %dma_wait3A_64 : memref<1x40x128xi32, #tpu.memory_space<hbm>> -> memref<40x128xi32, #tpu.memory_space<hbm>>
      %dma_wait3A_66 = arith.constant 40 : i32
      %dma_wait3A_67 = arith.constant 0 : i32
      %dma_wait3A_68 = tpu.memref_slice %arg3[%add3A, %dma_wait3A_66, %dma_wait3A_67] : memref<32x80x128xi32, #tpu.memory_space<hbm>> -> memref<1x40x128xi32, #tpu.memory_space<hbm>>
      %dma_wait3A_69 = tpu.memref_squeeze %dma_wait3A_68 : memref<1x40x128xi32, #tpu.memory_space<hbm>> -> memref<40x128xi32, #tpu.memory_space<hbm>>
      tpu.wait_dma2 semaphore(%run_scoped3A : memref<!tpu.dma_semaphore, #tpu.memory_space<semaphore_mem>>) src(%dma_wait3A_69 : memref<40x128xi32, #tpu.memory_space<hbm>>) dst(%arg6 : memref<40x128xi32, #tpu.memory_space<vmem>>)
      tpu.yield
    }) : () -> ()
    "tpu.region"() ({
      %run_scoped3A = tpu.sem_alloc : memref<!tpu.dma_semaphore, #tpu.memory_space<semaphore_mem>>
      %dma_start3A_55 = arith.constant 40 : i32
      %dma_start3A_56 = arith.constant 0 : i32
      %dma_start3A_57 = tpu.memref_slice %arg4[%add3A, %dma_start3A_55, %dma_start3A_56] : memref<32x80x128xi32, #tpu.memory_space<hbm>> -> memref<1x40x128xi32, #tpu.memory_space<hbm>>
      %dma_start3A_58 = tpu.memref_squeeze %dma_start3A_57 : memref<1x40x128xi32, #tpu.memory_space<hbm>> -> memref<40x128xi32, #tpu.memory_space<hbm>>
      %dma_start3A_59 = arith.constant 40 : i32
      %dma_start3A_60 = arith.constant 0 : i32
      %dma_start3A_61 = tpu.memref_slice %arg4[%add3A, %dma_start3A_59, %dma_start3A_60] : memref<32x80x128xi32, #tpu.memory_space<hbm>> -> memref<1x40x128xi32, #tpu.memory_space<hbm>>
      %dma_start3A_62 = tpu.memref_squeeze %dma_start3A_61 : memref<1x40x128xi32, #tpu.memory_space<hbm>> -> memref<40x128xi32, #tpu.memory_space<hbm>>
      tpu.enqueue_dma source(%dma_start3A_62 : memref<40x128xi32, #tpu.memory_space<hbm>>) target(%arg7 : memref<40x128xi32, #tpu.memory_space<vmem>>) target_semaphore(%run_scoped3A : memref<!tpu.dma_semaphore, #tpu.memory_space<semaphore_mem>>)
      %dma_wait3A = arith.constant 40 : i32
      %dma_wait3A_63 = arith.constant 0 : i32
      %dma_wait3A_64 = tpu.memref_slice %arg4[%add3A, %dma_wait3A, %dma_wait3A_63] : memref<32x80x128xi32, #tpu.memory_space<hbm>> -> memref<1x40x128xi32, #tpu.memory_space<hbm>>
      %dma_wait3A_65 = tpu.memref_squeeze %dma_wait3A_64 : memref<1x40x128xi32, #tpu.memory_space<hbm>> -> memref<40x128xi32, #tpu.memory_space<hbm>>
      %dma_wait3A_66 = arith.constant 40 : i32
      %dma_wait3A_67 = arith.constant 0 : i32
      %dma_wait3A_68 = tpu.memref_slice %arg4[%add3A, %dma_wait3A_66, %dma_wait3A_67] : memref<32x80x128xi32, #tpu.memory_space<hbm>> -> memref<1x40x128xi32, #tpu.memory_space<hbm>>
      %dma_wait3A_69 = tpu.memref_squeeze %dma_wait3A_68 : memref<1x40x128xi32, #tpu.memory_space<hbm>> -> memref<40x128xi32, #tpu.memory_space<hbm>>
      tpu.wait_dma2 semaphore(%run_scoped3A : memref<!tpu.dma_semaphore, #tpu.memory_space<semaphore_mem>>) src(%dma_wait3A_69 : memref<40x128xi32, #tpu.memory_space<hbm>>) dst(%arg7 : memref<40x128xi32, #tpu.memory_space<vmem>>)
      tpu.yield
    }) : () -> ()
    %dma_start3A_28 = arith.constant 0 : i32
    %dma_start3A_29 = arith.constant 0 : i32
    %dma_start3A_30 = tpu.memref_slice %arg6[%dma_start3A_28, %dma_start3A_29] : memref<40x128xi32, #tpu.memory_space<vmem>> -> memref<1x128xi32, #tpu.memory_space<vmem>>
    %dma_start3A_31 = tpu.memref_squeeze %dma_start3A_30 : memref<1x128xi32, #tpu.memory_space<vmem>> -> memref<128xi32, #tpu.memory_space<vmem>>
    %dma_start3A_32 = arith.constant 0 : i32
    %dma_start3A_33 = arith.constant 0 : i32
    %dma_start3A_34 = tpu.memref_slice %arg2[%dma_start3A_32, %dma_start3A_33] : memref<10240x128xf32, #tpu.memory_space<hbm>> -> memref<10240x128xf32, #tpu.memory_space<hbm>>
    tpu.enqueue_indirect_dma source(%dma_start3A_34 : memref<10240x128xf32, #tpu.memory_space<hbm>>) target(%arg8 : memref<128x128xf32, #tpu.memory_space<vmem>>) offsets(%dma_start3A_31 : memref<128xi32, #tpu.memory_space<vmem>>) semaphore(%arg11 : memref<!tpu.dma_semaphore, #tpu.memory_space<semaphore_mem>>)
    %dma_start3A_35 = arith.constant 1 : i32
    %dma_start3A_36 = arith.constant 0 : i32
    %dma_start3A_37 = tpu.memref_slice %arg6[%dma_start3A_35, %dma_start3A_36] : memref<40x128xi32, #tpu.memory_space<vmem>> -> memref<1x128xi32, #tpu.memory_space<vmem>>
    %dma_start3A_38 = tpu.memref_squeeze %dma_start3A_37 : memref<1x128xi32, #tpu.memory_space<vmem>> -> memref<128xi32, #tpu.memory_space<vmem>>
    %dma_start3A_39 = arith.constant 0 : i32
    %dma_start3A_40 = arith.constant 0 : i32
    %dma_start3A_41 = tpu.memref_slice %arg2[%dma_start3A_39, %dma_start3A_40] : memref<10240x128xf32, #tpu.memory_space<hbm>> -> memref<10240x128xf32, #tpu.memory_space<hbm>>
    tpu.enqueue_indirect_dma source(%dma_start3A_41 : memref<10240x128xf32, #tpu.memory_space<hbm>>) target(%arg9 : memref<128x128xf32, #tpu.memory_space<vmem>>) offsets(%dma_start3A_38 : memref<128xi32, #tpu.memory_space<vmem>>) semaphore(%arg12 : memref<!tpu.dma_semaphore, #tpu.memory_space<semaphore_mem>>)
    %scan3A_42 = arith.constant 0 : i32
    %scan3A_43 = arith.constant 20 : i32
    %scan3A_44 = arith.addi %scan3A_42, %scan3A_43 : i32
    %scan3A_45 = arith.constant 1 : i32
    scf.for %scan3A_55 = %scan3A_42 to %scan3A_44 step %scan3A_45  : i32 {
      %mul3A_56 = arith.constant 2 : i32
      %mul3A_57 = arith.muli %scan3A_55, %mul3A_56 : i32
      %add3A_58 = arith.constant 0 : i32
      %add3A_59 = arith.addi %add3A_58, %mul3A_57 : i32
      %dma_wait3A = arith.constant 0 : i32
      %dma_wait3A_60 = tpu.memref_slice %arg6[%add3A_59, %dma_wait3A] : memref<40x128xi32, #tpu.memory_space<vmem>> -> memref<1x128xi32, #tpu.memory_space<vmem>>
      %dma_wait3A_61 = tpu.memref_squeeze %dma_wait3A_60 : memref<1x128xi32, #tpu.memory_space<vmem>> -> memref<128xi32, #tpu.memory_space<vmem>>
      %dma_wait3A_62 = arith.constant 0 : i32
      %dma_wait3A_63 = arith.constant 0 : i32
      %dma_wait3A_64 = tpu.memref_slice %arg2[%dma_wait3A_62, %dma_wait3A_63] : memref<10240x128xf32, #tpu.memory_space<hbm>> -> memref<10240x128xf32, #tpu.memory_space<hbm>>
      tpu.wait_indirect_dma semaphore(%arg11 : memref<!tpu.dma_semaphore, #tpu.memory_space<semaphore_mem>>) src(%dma_wait3A_64 : memref<10240x128xf32, #tpu.memory_space<hbm>>) dst(%arg8 : memref<128x128xf32, #tpu.memory_space<vmem>>)
      %dma_start3A_65 = arith.constant 0 : i32
      %dma_start3A_66 = tpu.memref_slice %arg7[%add3A_59, %dma_start3A_65] : memref<40x128xi32, #tpu.memory_space<vmem>> -> memref<1x128xi32, #tpu.memory_space<vmem>>
      %dma_start3A_67 = tpu.memref_squeeze %dma_start3A_66 : memref<1x128xi32, #tpu.memory_space<vmem>> -> memref<128xi32, #tpu.memory_space<vmem>>
      %dma_start3A_68 = arith.constant 0 : i32
      %dma_start3A_69 = arith.constant 0 : i32
      %dma_start3A_70 = tpu.memref_slice %arg10[%dma_start3A_68, %dma_start3A_69] : memref<10240x128xf32, #tpu.memory_space<vmem_shared>> -> memref<10240x128xf32, #tpu.memory_space<vmem_shared>>
      tpu.enqueue_indirect_dma source(%arg8 : memref<128x128xf32, #tpu.memory_space<vmem>>) target(%dma_start3A_70 : memref<10240x128xf32, #tpu.memory_space<vmem_shared>>) offsets(%dma_start3A_67 : memref<128xi32, #tpu.memory_space<vmem>>) semaphore(%arg13 : memref<!tpu.dma_semaphore, #tpu.memory_space<semaphore_mem>>) {add = true}
      %add3A_71 = arith.constant 1 : i32
      %add3A_72 = arith.addi %add3A_59, %add3A_71 : i32
      %dma_wait3A_73 = arith.constant 0 : i32
      %dma_wait3A_74 = tpu.memref_slice %arg6[%add3A_72, %dma_wait3A_73] : memref<40x128xi32, #tpu.memory_space<vmem>> -> memref<1x128xi32, #tpu.memory_space<vmem>>
      %dma_wait3A_75 = tpu.memref_squeeze %dma_wait3A_74 : memref<1x128xi32, #tpu.memory_space<vmem>> -> memref<128xi32, #tpu.memory_space<vmem>>
      %dma_wait3A_76 = arith.constant 0 : i32
      %dma_wait3A_77 = arith.constant 0 : i32
      %dma_wait3A_78 = tpu.memref_slice %arg2[%dma_wait3A_76, %dma_wait3A_77] : memref<10240x128xf32, #tpu.memory_space<hbm>> -> memref<10240x128xf32, #tpu.memory_space<hbm>>
      tpu.wait_indirect_dma semaphore(%arg12 : memref<!tpu.dma_semaphore, #tpu.memory_space<semaphore_mem>>) src(%dma_wait3A_78 : memref<10240x128xf32, #tpu.memory_space<hbm>>) dst(%arg9 : memref<128x128xf32, #tpu.memory_space<vmem>>)
      %add3A_79 = arith.constant 1 : i32
      %add3A_80 = arith.addi %add3A_59, %add3A_79 : i32
      %dma_start3A_81 = arith.constant 0 : i32
      %dma_start3A_82 = tpu.memref_slice %arg7[%add3A_80, %dma_start3A_81] : memref<40x128xi32, #tpu.memory_space<vmem>> -> memref<1x128xi32, #tpu.memory_space<vmem>>
      %dma_start3A_83 = tpu.memref_squeeze %dma_start3A_82 : memref<1x128xi32, #tpu.memory_space<vmem>> -> memref<128xi32, #tpu.memory_space<vmem>>
      %dma_start3A_84 = arith.constant 0 : i32
      %dma_start3A_85 = arith.constant 0 : i32
      %dma_start3A_86 = tpu.memref_slice %arg10[%dma_start3A_84, %dma_start3A_85] : memref<10240x128xf32, #tpu.memory_space<vmem_shared>> -> memref<10240x128xf32, #tpu.memory_space<vmem_shared>>
      tpu.enqueue_indirect_dma source(%arg9 : memref<128x128xf32, #tpu.memory_space<vmem>>) target(%dma_start3A_86 : memref<10240x128xf32, #tpu.memory_space<vmem_shared>>) offsets(%dma_start3A_83 : memref<128xi32, #tpu.memory_space<vmem>>) semaphore(%arg14 : memref<!tpu.dma_semaphore, #tpu.memory_space<semaphore_mem>>) {add = true}
      %dma_wait3A_87 = arith.constant 0 : i32
      %dma_wait3A_88 = tpu.memref_slice %arg7[%add3A_59, %dma_wait3A_87] : memref<40x128xi32, #tpu.memory_space<vmem>> -> memref<1x128xi32, #tpu.memory_space<vmem>>
      %dma_wait3A_89 = tpu.memref_squeeze %dma_wait3A_88 : memref<1x128xi32, #tpu.memory_space<vmem>> -> memref<128xi32, #tpu.memory_space<vmem>>
      %dma_wait3A_90 = arith.constant 0 : i32
      %dma_wait3A_91 = arith.constant 0 : i32
      %dma_wait3A_92 = tpu.memref_slice %arg10[%dma_wait3A_90, %dma_wait3A_91] : memref<10240x128xf32, #tpu.memory_space<vmem_shared>> -> memref<10240x128xf32, #tpu.memory_space<vmem_shared>>
      tpu.wait_indirect_dma semaphore(%arg13 : memref<!tpu.dma_semaphore, #tpu.memory_space<semaphore_mem>>) src(%arg8 : memref<128x128xf32, #tpu.memory_space<vmem>>) dst(%dma_wait3A_92 : memref<10240x128xf32, #tpu.memory_space<vmem_shared>>)
      %add3A_93 = arith.constant 2 : i32
      %add3A_94 = arith.addi %add3A_59, %add3A_93 : i32
      %lt3A = arith.constant 40 : i32
      %lt3A_95 = arith.cmpi slt, %add3A_94, %lt3A : i32
      %convert_element_type3A = arith.extui %lt3A_95 : i1 to i32
      %cond3A = arith.constant 0 : i32
      %cond3A_96 = arith.cmpi ne, %convert_element_type3A, %cond3A : i32
      scf.if %cond3A_96 {
        %add3A_112 = arith.constant 2 : i32
        %add3A_113 = arith.addi %add3A_59, %add3A_112 : i32
        %dma_start3A_114 = arith.constant 0 : i32
        %dma_start3A_115 = tpu.memref_slice %arg6[%add3A_113, %dma_start3A_114] : memref<40x128xi32, #tpu.memory_space<vmem>> -> memref<1x128xi32, #tpu.memory_space<vmem>>
        %dma_start3A_116 = tpu.memref_squeeze %dma_start3A_115 : memref<1x128xi32, #tpu.memory_space<vmem>> -> memref<128xi32, #tpu.memory_space<vmem>>
        %dma_start3A_117 = arith.constant 0 : i32
        %dma_start3A_118 = arith.constant 0 : i32
        %dma_start3A_119 = tpu.memref_slice %arg2[%dma_start3A_117, %dma_start3A_118] : memref<10240x128xf32, #tpu.memory_space<hbm>> -> memref<10240x128xf32, #tpu.memory_space<hbm>>
        tpu.enqueue_indirect_dma source(%dma_start3A_119 : memref<10240x128xf32, #tpu.memory_space<hbm>>) target(%arg8 : memref<128x128xf32, #tpu.memory_space<vmem>>) offsets(%dma_start3A_116 : memref<128xi32, #tpu.memory_space<vmem>>) semaphore(%arg11 : memref<!tpu.dma_semaphore, #tpu.memory_space<semaphore_mem>>)
      } else {
      }
      %add3A_97 = arith.constant 1 : i32
      %add3A_98 = arith.addi %add3A_59, %add3A_97 : i32
      %dma_wait3A_99 = arith.constant 0 : i32
      %dma_wait3A_100 = tpu.memref_slice %arg7[%add3A_98, %dma_wait3A_99] : memref<40x128xi32, #tpu.memory_space<vmem>> -> memref<1x128xi32, #tpu.memory_space<vmem>>
      %dma_wait3A_101 = tpu.memref_squeeze %dma_wait3A_100 : memref<1x128xi32, #tpu.memory_space<vmem>> -> memref<128xi32, #tpu.memory_space<vmem>>
      %dma_wait3A_102 = arith.constant 0 : i32
      %dma_wait3A_103 = arith.constant 0 : i32
      %dma_wait3A_104 = tpu.memref_slice %arg10[%dma_wait3A_102, %dma_wait3A_103] : memref<10240x128xf32, #tpu.memory_space<vmem_shared>> -> memref<10240x128xf32, #tpu.memory_space<vmem_shared>>
      tpu.wait_indirect_dma semaphore(%arg14 : memref<!tpu.dma_semaphore, #tpu.memory_space<semaphore_mem>>) src(%arg9 : memref<128x128xf32, #tpu.memory_space<vmem>>) dst(%dma_wait3A_104 : memref<10240x128xf32, #tpu.memory_space<vmem_shared>>)
      %add3A_105 = arith.constant 3 : i32
      %add3A_106 = arith.addi %add3A_59, %add3A_105 : i32
      %lt3A_107 = arith.constant 40 : i32
      %lt3A_108 = arith.cmpi slt, %add3A_106, %lt3A_107 : i32
      %convert_element_type3A_109 = arith.extui %lt3A_108 : i1 to i32
      %cond3A_110 = arith.constant 0 : i32
      %cond3A_111 = arith.cmpi ne, %convert_element_type3A_109, %cond3A_110 : i32
      scf.if %cond3A_111 {
        %add3A_112 = arith.constant 3 : i32
        %add3A_113 = arith.addi %add3A_59, %add3A_112 : i32
        %dma_start3A_114 = arith.constant 0 : i32
        %dma_start3A_115 = tpu.memref_slice %arg6[%add3A_113, %dma_start3A_114] : memref<40x128xi32, #tpu.memory_space<vmem>> -> memref<1x128xi32, #tpu.memory_space<vmem>>
        %dma_start3A_116 = tpu.memref_squeeze %dma_start3A_115 : memref<1x128xi32, #tpu.memory_space<vmem>> -> memref<128xi32, #tpu.memory_space<vmem>>
        %dma_start3A_117 = arith.constant 0 : i32
        %dma_start3A_118 = arith.constant 0 : i32
        %dma_start3A_119 = tpu.memref_slice %arg2[%dma_start3A_117, %dma_start3A_118] : memref<10240x128xf32, #tpu.memory_space<hbm>> -> memref<10240x128xf32, #tpu.memory_space<hbm>>
        tpu.enqueue_indirect_dma source(%dma_start3A_119 : memref<10240x128xf32, #tpu.memory_space<hbm>>) target(%arg9 : memref<128x128xf32, #tpu.memory_space<vmem>>) offsets(%dma_start3A_116 : memref<128xi32, #tpu.memory_space<vmem>>) semaphore(%arg12 : memref<!tpu.dma_semaphore, #tpu.memory_space<semaphore_mem>>)
      } else {
      }
    }
    %scan3A_46 = arith.constant 20 : i32
    %barrier3A_47 = arith.constant 0 : index
    tpu.barrier barrier_id(%barrier3A_47)
    %mul3A_48 = arith.constant 640 : i32
    %mul3A_49 = arith.muli %arg1, %mul3A_48 : i32
    %mul3A_50 = arith.constant 10240 : i32
    %mul3A_51 = arith.muli %arg0, %mul3A_50 : i32
    %mul3A_52 = arith.constant 640 : i32
    %mul3A_53 = arith.muli %arg1, %mul3A_52 : i32
    %add3A_54 = arith.addi %mul3A_51, %mul3A_53 : i32
    "tpu.region"() ({
      %run_scoped3A = tpu.sem_alloc : memref<!tpu.dma_semaphore, #tpu.memory_space<semaphore_mem>>
      %dma_start3A_55 = arith.constant 0 : i32
      %dma_start3A_56 = tpu.memref_slice %arg5[%add3A_54, %dma_start3A_55] : memref<20480x128xf32, #tpu.memory_space<hbm>> -> memref<640x128xf32, #tpu.memory_space<hbm>>
      %dma_start3A_57 = arith.constant 0 : i32
      %dma_start3A_58 = tpu.memref_slice %arg10[%mul3A_49, %dma_start3A_57] : memref<10240x128xf32, #tpu.memory_space<vmem_shared>> -> memref<640x128xf32, #tpu.memory_space<vmem_shared>>
      tpu.enqueue_dma source(%dma_start3A_58 : memref<640x128xf32, #tpu.memory_space<vmem_shared>>) target(%dma_start3A_56 : memref<640x128xf32, #tpu.memory_space<hbm>>) target_semaphore(%run_scoped3A : memref<!tpu.dma_semaphore, #tpu.memory_space<semaphore_mem>>)
      %dma_wait3A = arith.constant 0 : i32
      %dma_wait3A_59 = tpu.memref_slice %arg5[%add3A_54, %dma_wait3A] : memref<20480x128xf32, #tpu.memory_space<hbm>> -> memref<640x128xf32, #tpu.memory_space<hbm>>
      %dma_wait3A_60 = arith.constant 0 : i32
      %dma_wait3A_61 = tpu.memref_slice %arg10[%mul3A_49, %dma_wait3A_60] : memref<10240x128xf32, #tpu.memory_space<vmem_shared>> -> memref<640x128xf32, #tpu.memory_space<vmem_shared>>
      tpu.wait_dma2 semaphore(%run_scoped3A : memref<!tpu.dma_semaphore, #tpu.memory_space<semaphore_mem>>) src(%dma_wait3A_61 : memref<640x128xf32, #tpu.memory_space<vmem_shared>>) dst(%dma_wait3A_59 : memref<640x128xf32, #tpu.memory_space<hbm>>)
      tpu.yield
    }) : () -> ()
    return
  }
}

module attributes {stable_mosaic.version = 14 : i64} {
  func.func @_mm_body(%arg0: memref<10240x128xf32, #tpu.memory_space<vmem>>, %arg1: memref<128x128xf32, #tpu.memory_space<vmem>>, %arg2: memref<10240x128xf32, #tpu.memory_space<vmem>>) attributes {dimension_semantics = [], scalar_prefetch = 0 : i64, scratch_operands = 0 : i64, tpu.core_type = #tpu.core_type<tc>} {
    %get3A = arith.constant 0 : index
    %get3A_0 = arith.constant 0 : index
    %get3A_1 = vector.load %arg0[%get3A, %get3A_0] : memref<10240x128xf32, #tpu.memory_space<vmem>>, vector<10240x128xf32>
    %get3A_2 = arith.constant 0 : index
    %get3A_3 = arith.constant 0 : index
    %get3A_4 = vector.load %arg1[%get3A_2, %get3A_3] : memref<128x128xf32, #tpu.memory_space<vmem>>, vector<128x128xf32>
    %dot_general3A = arith.constant dense<0.000000e+00> : vector<10240x128xf32>
    %dot_general3A_5 = tpu.matmul %get3A_1, %get3A_4, %dot_general3A {dimension_numbers = #tpu.dot_dimension_numbers<[1], [0], [0], [1], [0, 0, 1, 1], [], []>, precision = #tpu.contract_precision<fp32>, transpose_lhs_hint = false} : vector<10240x128xf32>, vector<128x128xf32>, vector<10240x128xf32> -> vector<10240x128xf32>
    %swap3A = arith.constant 0 : index
    %swap3A_6 = arith.constant 0 : index
    %swap3A_7 = vector.load %arg2[%swap3A, %swap3A_6] : memref<10240x128xf32, #tpu.memory_space<vmem>>, vector<10240x128xf32>
    tpu.vector_store %arg2[%swap3A, %swap3A_6], %dot_general3A_5 {strides = array<i32>} : memref<10240x128xf32, #tpu.memory_space<vmem>>, vector<10240x128xf32>,
    return
  }
}

module attributes {stable_mosaic.version = 14 : i64} {
  func.func @_prep_body(%arg0: memref<10240x32xf32, #tpu.memory_space<vmem>>, %arg1: memref<10240x16xf32, #tpu.memory_space<vmem>>, %arg2: memref<10240x128xf32, #tpu.memory_space<vmem>>, %arg3: memref<10240x128xf32, #tpu.memory_space<vmem>>, %arg4: memref<10240x1xf32, #tpu.memory_space<vmem>>, %arg5: memref<10240x1xf32, #tpu.memory_space<vmem>>) attributes {dimension_semantics = [], scalar_prefetch = 0 : i64, scratch_operands = 0 : i64, tpu.core_type = #tpu.core_type<tc>} {
    %get3A = arith.constant 0 : index
    %get3A_0 = arith.constant 0 : index
    %get3A_1 = vector.load %arg0[%get3A, %get3A_0] : memref<10240x32xf32, #tpu.memory_space<vmem>>, vector<10240x32xf32>
    %reduce_sum3A = arith.constant dense<0.000000e+00> : vector<10240xf32>
    %reduce_sum3A_2 = vector.multi_reduction <add>, %get3A_1, %reduce_sum3A [1] : vector<10240x32xf32> to vector<10240xf32>
    %broadcast_in_dim3A = vector.shape_cast %reduce_sum3A_2 : vector<10240xf32> to vector<10240x1xf32>
    %add3A = arith.constant 1.000000e+00 : f32
    %add3A_3 = vector.broadcast %add3A : f32 to vector<10240x1xf32>
    %add3A_4 = arith.addf %add3A_3, %broadcast_in_dim3A : vector<10240x1xf32>
    %rsqrt3A = math.rsqrt %add3A_4 : vector<10240x1xf32>
    %get3A_5 = arith.constant 0 : index
    %get3A_6 = arith.constant 0 : index
    %get3A_7 = vector.load %arg1[%get3A_5, %get3A_6] : memref<10240x16xf32, #tpu.memory_space<vmem>>, vector<10240x1xf32>
    %mul3A = arith.mulf %rsqrt3A, %get3A_7 : vector<10240x1xf32>
    %swap3A = arith.constant 0 : index
    %swap3A_8 = arith.constant 0 : index
    %swap3A_9 = vector.load %arg4[%swap3A, %swap3A_8] : memref<10240x1xf32, #tpu.memory_space<vmem>>, vector<10240x1xf32>
    tpu.vector_store %arg4[%swap3A, %swap3A_8], %mul3A {strides = array<i32>} : memref<10240x1xf32, #tpu.memory_space<vmem>>, vector<10240x1xf32>,
    %mul3A_10 = arith.mulf %rsqrt3A, %rsqrt3A : vector<10240x1xf32>
    %swap3A_11 = arith.constant 0 : index
    %swap3A_12 = arith.constant 0 : index
    %swap3A_13 = vector.load %arg5[%swap3A_11, %swap3A_12] : memref<10240x1xf32, #tpu.memory_space<vmem>>, vector<10240x1xf32>
    tpu.vector_store %arg5[%swap3A_11, %swap3A_12], %mul3A_10 {strides = array<i32>} : memref<10240x1xf32, #tpu.memory_space<vmem>>, vector<10240x1xf32>,
    %get3A_14 = arith.constant 0 : index
    %get3A_15 = arith.constant 0 : index
    %get3A_16 = vector.load %arg2[%get3A_14, %get3A_15] : memref<10240x128xf32, #tpu.memory_space<vmem>>, vector<10240x128xf32>
    %mul3A_17 = vector.broadcast %mul3A : vector<10240x1xf32> to vector<10240x128xf32>
    %mul3A_18 = arith.mulf %mul3A_17, %get3A_16 : vector<10240x128xf32>
    %swap3A_19 = arith.constant 0 : index
    %swap3A_20 = arith.constant 0 : index
    %swap3A_21 = vector.load %arg3[%swap3A_19, %swap3A_20] : memref<10240x128xf32, #tpu.memory_space<vmem>>, vector<10240x128xf32>
    tpu.vector_store %arg3[%swap3A_19, %swap3A_20], %mul3A_18 {strides = array<i32>} : memref<10240x128xf32, #tpu.memory_space<vmem>>, vector<10240x128xf32>,
    return
  }
}

module attributes {stable_mosaic.version = 14 : i64} {
  func.func @_conv_score_body(%arg0: i32, %arg1: memref<2x1280x128xf32, #tpu.memory_space<vmem>>, %arg2: memref<1280x128xf32, #tpu.memory_space<vmem>>, %arg3: memref<1280x1xf32, #tpu.memory_space<vmem>>, %arg4: memref<1280x1xf32, #tpu.memory_space<vmem>>, %arg5: memref<1x128xf32, #tpu.memory_space<vmem>>, %arg6: memref<128x1xf32, #tpu.memory_space<vmem>>, %arg7: memref<1280x128xf32, #tpu.memory_space<vmem>>, %arg8: memref<1280x1xf32, #tpu.memory_space<vmem>>) attributes {dimension_semantics = [#tpu.dimension_semantics<arbitrary>], iteration_bounds = array<i64: 8>, scalar_prefetch = 0 : i64, scratch_operands = 0 : i64, tpu.core_type = #tpu.core_type<tc>, window_params = [{transform_indices = @transform_0, window_bounds = array<i64: 2, 1280, 128>}, {transform_indices = @transform_1, window_bounds = array<i64: 1280, 128>}, {transform_indices = @transform_2, window_bounds = array<i64: 1280, 1>}, {transform_indices = @transform_3, window_bounds = array<i64: 1280, 1>}, {pipeline_mode = #tpu.pipeline_mode<synchronous>, transform_indices = @transform_4, window_bounds = array<i64: 1, 128>}, {pipeline_mode = #tpu.pipeline_mode<synchronous>, transform_indices = @transform_5, window_bounds = array<i64: 128, 1>}, {transform_indices = @transform_6, window_bounds = array<i64: 1280, 128>}, {transform_indices = @transform_7, window_bounds = array<i64: 1280, 1>}]} {
    %get3A = arith.constant 0 : index
    %get3A_0 = arith.constant 0 : index
    %get3A_1 = arith.constant 0 : index
    %get3A_2 = vector.load %arg1[%get3A, %get3A_0, %get3A_1] : memref<2x1280x128xf32, #tpu.memory_space<vmem>>, vector<2x1280x128xf32>
    %get3A_3 = arith.constant 0 : index
    %get3A_4 = arith.constant 0 : index
    %get3A_5 = vector.load %arg3[%get3A_3, %get3A_4] : memref<1280x1xf32, #tpu.memory_space<vmem>>, vector<1280x1xf32>
    %slice3A = vector.extract_strided_slice %get3A_2 {offsets = [0, 0, 0], sizes = [1, 1280, 128], strides = [1, 1, 1]} : vector<2x1280x128xf32> to vector<1x1280x128xf32>
    %squeeze3A = vector.shape_cast %slice3A : vector<1x1280x128xf32> to vector<1280x128xf32>
    %slice3A_6 = vector.extract_strided_slice %get3A_2 {offsets = [1, 0, 0], sizes = [1, 1280, 128], strides = [1, 1, 1]} : vector<2x1280x128xf32> to vector<1x1280x128xf32>
    %squeeze3A_7 = vector.shape_cast %slice3A_6 : vector<1x1280x128xf32> to vector<1280x128xf32>
    %add3A = arith.addf %squeeze3A, %squeeze3A_7 : vector<1280x128xf32>
    %mul3A = vector.broadcast %get3A_5 : vector<1280x1xf32> to vector<1280x128xf32>
    %mul3A_8 = arith.mulf %mul3A, %add3A : vector<1280x128xf32>
    %get3A_9 = arith.constant 0 : index
    %get3A_10 = arith.constant 0 : index
    %get3A_11 = vector.load %arg2[%get3A_9, %get3A_10] : memref<1280x128xf32, #tpu.memory_space<vmem>>, vector<1280x128xf32>
    %get3A_12 = arith.constant 0 : index
    %get3A_13 = arith.constant 0 : index
    %get3A_14 = vector.load %arg4[%get3A_12, %get3A_13] : memref<1280x1xf32, #tpu.memory_space<vmem>>, vector<1280x1xf32>
    %mul3A_15 = vector.broadcast %get3A_14 : vector<1280x1xf32> to vector<1280x128xf32>
    %mul3A_16 = arith.mulf %get3A_11, %mul3A_15 : vector<1280x128xf32>
    %add3A_17 = arith.addf %mul3A_8, %mul3A_16 : vector<1280x128xf32>
    %get3A_18 = arith.constant 0 : index
    %get3A_19 = arith.constant 0 : index
    %get3A_20 = vector.load %arg5[%get3A_18, %get3A_19] : memref<1x128xf32, #tpu.memory_space<vmem>>, vector<1x128xf32>
    %add3A_21 = vector.broadcast %get3A_20 : vector<1x128xf32> to vector<1280x128xf32>
    %add3A_22 = arith.addf %add3A_17, %add3A_21 : vector<1280x128xf32>
    %max3A = arith.constant 0.000000e+00 : f32
    %max3A_23 = vector.broadcast %max3A : f32 to vector<1280x128xf32>
    %max3A_24 = arith.maximumf %add3A_22, %max3A_23 : vector<1280x128xf32>
    %swap3A = arith.constant 0 : index
    %swap3A_25 = arith.constant 0 : index
    %swap3A_26 = vector.load %arg7[%swap3A, %swap3A_25] : memref<1280x128xf32, #tpu.memory_space<vmem>>, vector<1280x128xf32>
    tpu.vector_store %arg7[%swap3A, %swap3A_25], %max3A_24 {strides = array<i32>} : memref<1280x128xf32, #tpu.memory_space<vmem>>, vector<1280x128xf32>,
    %get3A_27 = arith.constant 0 : index
    %get3A_28 = arith.constant 0 : index
    %get3A_29 = vector.load %arg6[%get3A_27, %get3A_28] : memref<128x1xf32, #tpu.memory_space<vmem>>, vector<128x1xf32>
    %dot_general3A = arith.constant dense<0.000000e+00> : vector<1280x1xf32>
    %dot_general3A_30 = tpu.matmul %max3A_24, %get3A_29, %dot_general3A {dimension_numbers = #tpu.dot_dimension_numbers<[1], [0], [0], [1], [0, 0, 1, 1], [], []>, precision = #tpu.contract_precision<fp32>, transpose_lhs_hint = false} : vector<1280x128xf32>, vector<128x1xf32>, vector<1280x1xf32> -> vector<1280x1xf32>
    %swap3A_31 = arith.constant 0 : index
    %swap3A_32 = arith.constant 0 : index
    %swap3A_33 = vector.load %arg8[%swap3A_31, %swap3A_32] : memref<1280x1xf32, #tpu.memory_space<vmem>>, vector<1280x1xf32>
    tpu.vector_store %arg8[%swap3A_31, %swap3A_32], %dot_general3A_30 {strides = array<i32>} : memref<1280x1xf32, #tpu.memory_space<vmem>>, vector<1280x1xf32>,
    return
  }
  func.func @transform_0(%arg0: i32) -> (i32, i32, i32) {
    %c0_i32 = arith.constant 0 : i32
    %c0_i32_0 = arith.constant 0 : i32
    %c0_i32_1 = arith.constant 0 : i32
    return %c0_i32, %arg0, %c0_i32_0 : i32, i32, i32
  }
  func.func @transform_1(%arg0: i32) -> (i32, i32) {
    %c0_i32 = arith.constant 0 : i32
    %c0_i32_0 = arith.constant 0 : i32
    return %arg0, %c0_i32 : i32, i32
  }
  func.func @transform_2(%arg0: i32) -> (i32, i32) {
    %c0_i32 = arith.constant 0 : i32
    %c0_i32_0 = arith.constant 0 : i32
    return %arg0, %c0_i32 : i32, i32
  }
  func.func @transform_3(%arg0: i32) -> (i32, i32) {
    %c0_i32 = arith.constant 0 : i32
    %c0_i32_0 = arith.constant 0 : i32
    return %arg0, %c0_i32 : i32, i32
  }
  func.func @transform_4(%arg0: i32) -> (i32, i32) {
    %c0_i32 = arith.constant 0 : i32
    %c0_i32_0 = arith.constant 0 : i32
    %c0_i32_1 = arith.constant 0 : i32
    return %c0_i32, %c0_i32_0 : i32, i32
  }
  func.func @transform_5(%arg0: i32) -> (i32, i32) {
    %c0_i32 = arith.constant 0 : i32
    %c0_i32_0 = arith.constant 0 : i32
    %c0_i32_1 = arith.constant 0 : i32
    return %c0_i32, %c0_i32_0 : i32, i32
  }
  func.func @transform_6(%arg0: i32) -> (i32, i32) {
    %c0_i32 = arith.constant 0 : i32
    %c0_i32_0 = arith.constant 0 : i32
    return %arg0, %c0_i32 : i32, i32
  }
  func.func @transform_7(%arg0: i32) -> (i32, i32) {
    %c0_i32 = arith.constant 0 : i32
    %c0_i32_0 = arith.constant 0 : i32
    return %arg0, %c0_i32 : i32, i32
  }
}

module attributes {stable_mosaic.version = 14 : i64} {
  func.func @_select_body(%arg0: memref<10240x1xf32, #tpu.memory_space<vmem>>, %arg1: memref<10240x16xf32, #tpu.memory_space<vmem>>, %arg2: memref<128x1xf32, #tpu.memory_space<vmem>>, %arg3: memref<10240x1xf32, #tpu.memory_space<vmem>>, %arg4: memref<10240x16xf32, #tpu.memory_space<vmem>>) attributes {dimension_semantics = [], scalar_prefetch = 0 : i64, scratch_operands = 0 : i64, tpu.core_type = #tpu.core_type<tc>} {
    %get3A = arith.constant 0 : index
    %get3A_0 = arith.constant 0 : index
    %get3A_1 = vector.load %arg2[%get3A, %get3A_0] : memref<128x1xf32, #tpu.memory_space<vmem>>, vector<128x1xf32>
    %mul3A = arith.mulf %get3A_1, %get3A_1 : vector<128x1xf32>
    %reduce_sum3A = vector.shape_cast %mul3A : vector<128x1xf32> to vector<1x128x1xf32>
    %reduce_sum3A_2 = arith.constant dense<0.000000e+00> : vector<1xf32>
    %reduce_sum3A_3 = vector.multi_reduction <add>, %reduce_sum3A, %reduce_sum3A_2 [1, 2] : vector<1x128x1xf32> to vector<1xf32>
    %reduce_sum3A_4 = vector.shape_cast %reduce_sum3A_3 : vector<1xf32> to vector<1x1x1xf32>
    %reduce_sum3A_5 = vector.extract %reduce_sum3A_4[0, 0, 0] : f32 from vector<1x1x1xf32>
    %sqrt3A = math.sqrt %reduce_sum3A_5 : f32
    %add3A = arith.constant 1.000000e-16 : f32
    %add3A_6 = arith.addf %sqrt3A, %add3A : f32
    %get3A_7 = arith.constant 0 : index
    %get3A_8 = arith.constant 0 : index
    %get3A_9 = vector.load %arg0[%get3A_7, %get3A_8] : memref<10240x1xf32, #tpu.memory_space<vmem>>, vector<10240x1xf32>
    %div3A = vector.broadcast %add3A_6 : f32 to vector<10240x1xf32>
    %div3A_10 = arith.divf %get3A_9, %div3A : vector<10240x1xf32>
    %tanh3A = math.tanh %div3A_10 : vector<10240x1xf32>
    %get3A_11 = arith.constant 0 : index
    %get3A_12 = arith.constant 0 : index
    %get3A_13 = vector.load %arg1[%get3A_11, %get3A_12] : memref<10240x16xf32, #tpu.memory_space<vmem>>, vector<10240x1xf32>
    %gt3A = arith.constant 0.000000e+00 : f32
    %gt3A_14 = vector.broadcast %gt3A : f32 to vector<10240x1xf32>
    %gt3A_15 = arith.cmpf ogt, %get3A_13, %gt3A_14 : vector<10240x1xf32>
    %bitcast_convert_type3A = tpu.bitcast %tanh3A : vector<10240x1xf32> -> vector<10240x1xi32>
    %ge3A = arith.constant 0 : i32
    %ge3A_16 = vector.broadcast %ge3A : i32 to vector<10240x1xi32>
    %ge3A_17 = arith.cmpi sge, %bitcast_convert_type3A, %ge3A_16 : vector<10240x1xi32>
    %xor3A = arith.constant 2147483647 : i32
    %xor3A_18 = vector.broadcast %xor3A : i32 to vector<10240x1xi32>
    %xor3A_19 = arith.xori %bitcast_convert_type3A, %xor3A_18 : vector<10240x1xi32>
    %select_n3A = arith.select %ge3A_17, %bitcast_convert_type3A, %xor3A_19 : vector<10240x1xi1>, vector<10240x1xi32>
    %jit3A = arith.constant -2147483648 : i32
    %broadcast_in_dim3A = vector.broadcast %jit3A : i32 to vector<10240x1xi32>
    %select_n3A_20 = arith.select %gt3A_15, %select_n3A, %broadcast_in_dim3A : vector<10240x1xi1>, vector<10240x1xi32>
    %ge3A_21 = arith.constant 0 : i32
    %ge3A_22 = vector.broadcast %ge3A_21 : i32 to vector<10240x1xi32>
    %ge3A_23 = arith.cmpi sge, %select_n3A_20, %ge3A_22 : vector<10240x1xi32>
    %jit3A_24 = arith.constant 1 : i32
    %jit3A_25 = arith.constant 0 : i32
    %broadcast_in_dim3A_26 = vector.broadcast %jit3A_24 : i32 to vector<10240x1xi32>
    %broadcast_in_dim3A_27 = vector.broadcast %jit3A_25 : i32 to vector<10240x1xi32>
    %select_n3A_28 = arith.select %ge3A_23, %broadcast_in_dim3A_26, %broadcast_in_dim3A_27 : vector<10240x1xi1>, vector<10240x1xi32>
    %reduce_sum3A_29 = vector.shape_cast %select_n3A_28 : vector<10240x1xi32> to vector<1x10240x1xi32>
    %reduce_sum3A_30 = arith.constant dense<0> : vector<1xi32>
    %reduce_sum3A_31 = vector.multi_reduction <add>, %reduce_sum3A_29, %reduce_sum3A_30 [1, 2] : vector<1x10240x1xi32> to vector<1xi32>
    %reduce_sum3A_32 = vector.shape_cast %reduce_sum3A_31 : vector<1xi32> to vector<1x1x1xi32>
    %reduce_sum3A_33 = vector.extract %reduce_sum3A_32[0, 0, 0] : i32 from vector<1x1x1xi32>
    %ge3A_34 = arith.constant 5000 : i32
    %ge3A_35 = arith.cmpi sge, %reduce_sum3A_33, %ge3A_34 : i32
    %jit3A_36 = arith.constant 0 : i32
    %jit3A_37 = arith.constant -2147483648 : i32
    %select_n3A_38 = arith.select %ge3A_35, %jit3A_36, %jit3A_37 : i32
    %ge3A_39 = arith.constant 5000 : i32
    %ge3A_40 = arith.cmpi sge, %reduce_sum3A_33, %ge3A_39 : i32
    %jit3A_41 = arith.constant 2147483647 : i32
    %jit3A_42 = arith.constant -1 : i32
    %select_n3A_43 = arith.select %ge3A_40, %jit3A_41, %jit3A_42 : i32
    %scan3A = arith.constant 0 : i32
    %scan3A_44 = arith.constant 31 : i32
    %scan3A_45 = arith.addi %scan3A, %scan3A_44 : i32
    %scan3A_46 = arith.constant 1 : i32
    %scan3A_47:2 = scf.for %scan3A_85 = %scan3A to %scan3A_45 step %scan3A_46 iter_args(%scan3A_86 = %select_n3A_38, %scan3A_87 = %select_n3A_43) -> (i32, i32)  : i32 {
      %sub3A_88 = arith.subi %scan3A_87, %scan3A_86 : i32
      %shift_right_arithmetic3A = arith.constant 1 : i32
      %shift_right_arithmetic3A_89 = arith.shrsi %sub3A_88, %shift_right_arithmetic3A : i32
      %add3A_90 = arith.addi %scan3A_86, %shift_right_arithmetic3A_89 : i32
      %gt3A_91 = vector.broadcast %add3A_90 : i32 to vector<10240x1xi32>
      %gt3A_92 = arith.cmpi sgt, %select_n3A_20, %gt3A_91 : vector<10240x1xi32>
      %jit3A_93 = arith.constant 1 : i32
      %jit3A_94 = arith.constant 0 : i32
      %broadcast_in_dim3A_95 = vector.broadcast %jit3A_93 : i32 to vector<10240x1xi32>
      %broadcast_in_dim3A_96 = vector.broadcast %jit3A_94 : i32 to vector<10240x1xi32>
      %select_n3A_97 = arith.select %gt3A_92, %broadcast_in_dim3A_95, %broadcast_in_dim3A_96 : vector<10240x1xi1>, vector<10240x1xi32>
      %reduce_sum3A_98 = vector.shape_cast %select_n3A_97 : vector<10240x1xi32> to vector<1x10240x1xi32>
      %reduce_sum3A_99 = arith.constant dense<0> : vector<1xi32>
      %reduce_sum3A_100 = vector.multi_reduction <add>, %reduce_sum3A_98, %reduce_sum3A_99 [1, 2] : vector<1x10240x1xi32> to vector<1xi32>
      %reduce_sum3A_101 = vector.shape_cast %reduce_sum3A_100 : vector<1xi32> to vector<1x1x1xi32>
      %reduce_sum3A_102 = vector.extract %reduce_sum3A_101[0, 0, 0] : i32 from vector<1x1x1xi32>
      %lt3A = arith.constant 5000 : i32
      %lt3A_103 = arith.cmpi slt, %reduce_sum3A_102, %lt3A : i32
      %add3A_104 = arith.constant 1 : i32
      %add3A_105 = arith.addi %add3A_90, %add3A_104 : i32
      %select_n3A_106 = arith.select %lt3A_103, %scan3A_86, %add3A_105 : i32
      %select_n3A_107 = arith.select %lt3A_103, %add3A_90, %scan3A_87 : i32
      scf.yield %select_n3A_106, %select_n3A_107 : i32, i32
    }
    %gt3A_48 = vector.broadcast %scan3A_47#0 : i32 to vector<10240x1xi32>
    %gt3A_49 = arith.cmpi sgt, %select_n3A_20, %gt3A_48 : vector<10240x1xi32>
    %jit3A_50 = arith.constant 1 : i32
    %jit3A_51 = arith.constant 0 : i32
    %broadcast_in_dim3A_52 = vector.broadcast %jit3A_50 : i32 to vector<10240x1xi32>
    %broadcast_in_dim3A_53 = vector.broadcast %jit3A_51 : i32 to vector<10240x1xi32>
    %select_n3A_54 = arith.select %gt3A_49, %broadcast_in_dim3A_52, %broadcast_in_dim3A_53 : vector<10240x1xi1>, vector<10240x1xi32>
    %reduce_sum3A_55 = vector.shape_cast %select_n3A_54 : vector<10240x1xi32> to vector<1x10240x1xi32>
    %reduce_sum3A_56 = arith.constant dense<0> : vector<1xi32>
    %reduce_sum3A_57 = vector.multi_reduction <add>, %reduce_sum3A_55, %reduce_sum3A_56 [1, 2] : vector<1x10240x1xi32> to vector<1xi32>
    %reduce_sum3A_58 = vector.shape_cast %reduce_sum3A_57 : vector<1xi32> to vector<1x1x1xi32>
    %reduce_sum3A_59 = vector.extract %reduce_sum3A_58[0, 0, 0] : i32 from vector<1x1x1xi32>
    %sub3A = arith.constant 5000 : i32
    %sub3A_60 = arith.subi %sub3A, %reduce_sum3A_59 : i32
    %iota3A = tpu.iota {dimensions = array<i32: 0>} : vector<10240x1xi32>
    %eq3A = vector.broadcast %scan3A_47#0 : i32 to vector<10240x1xi32>
    %eq3A_61 = arith.cmpi eq, %select_n3A_20, %eq3A : vector<10240x1xi32>
    %scan3A_62 = arith.constant 0 : i32
    %scan3A_63 = arith.constant 10239 : i32
    %scan3A_64 = arith.constant 0 : i32
    %scan3A_65 = arith.constant 14 : i32
    %scan3A_66 = arith.addi %scan3A_64, %scan3A_65 : i32
    %scan3A_67 = arith.constant 1 : i32
    %scan3A_68:2 = scf.for %scan3A_85 = %scan3A_64 to %scan3A_66 step %scan3A_67 iter_args(%scan3A_86 = %scan3A_62, %scan3A_87 = %scan3A_63) -> (i32, i32)  : i32 {
      %sub3A_88 = arith.subi %scan3A_87, %scan3A_86 : i32
      %shift_right_arithmetic3A = arith.constant 1 : i32
      %shift_right_arithmetic3A_89 = arith.shrsi %sub3A_88, %shift_right_arithmetic3A : i32
      %add3A_90 = arith.addi %scan3A_86, %shift_right_arithmetic3A_89 : i32
      %le3A_91 = vector.broadcast %add3A_90 : i32 to vector<10240x1xi32>
      %le3A_92 = arith.cmpi sle, %iota3A, %le3A_91 : vector<10240x1xi32>
      %and3A_93 = arith.andi %eq3A_61, %le3A_92 : vector<10240x1xi1>
      %jit3A_94 = arith.constant 1 : i32
      %jit3A_95 = arith.constant 0 : i32
      %broadcast_in_dim3A_96 = vector.broadcast %jit3A_94 : i32 to vector<10240x1xi32>
      %broadcast_in_dim3A_97 = vector.broadcast %jit3A_95 : i32 to vector<10240x1xi32>
      %select_n3A_98 = arith.select %and3A_93, %broadcast_in_dim3A_96, %broadcast_in_dim3A_97 : vector<10240x1xi1>, vector<10240x1xi32>
      %reduce_sum3A_99 = vector.shape_cast %select_n3A_98 : vector<10240x1xi32> to vector<1x10240x1xi32>
      %reduce_sum3A_100 = arith.constant dense<0> : vector<1xi32>
      %reduce_sum3A_101 = vector.multi_reduction <add>, %reduce_sum3A_99, %reduce_sum3A_100 [1, 2] : vector<1x10240x1xi32> to vector<1xi32>
      %reduce_sum3A_102 = vector.shape_cast %reduce_sum3A_101 : vector<1xi32> to vector<1x1x1xi32>
      %reduce_sum3A_103 = vector.extract %reduce_sum3A_102[0, 0, 0] : i32 from vector<1x1x1xi32>
      %ge3A_104 = arith.cmpi sge, %reduce_sum3A_103, %sub3A_60 : i32
      %add3A_105 = arith.constant 1 : i32
      %add3A_106 = arith.addi %add3A_90, %add3A_105 : i32
      %select_n3A_107 = arith.select %ge3A_104, %scan3A_86, %add3A_106 : i32
      %select_n3A_108 = arith.select %ge3A_104, %add3A_90, %scan3A_87 : i32
      scf.yield %select_n3A_107, %select_n3A_108 : i32, i32
    }
    %gt3A_69 = vector.broadcast %scan3A_47#0 : i32 to vector<10240x1xi32>
    %gt3A_70 = arith.cmpi sgt, %select_n3A_20, %gt3A_69 : vector<10240x1xi32>
    %le3A = vector.broadcast %scan3A_68#0 : i32 to vector<10240x1xi32>
    %le3A_71 = arith.cmpi sle, %iota3A, %le3A : vector<10240x1xi32>
    %and3A = arith.andi %eq3A_61, %le3A_71 : vector<10240x1xi1>
    %or3A = arith.ori %gt3A_70, %and3A : vector<10240x1xi1>
    %jit3A_72 = arith.constant 1.000000e+00 : f32
    %jit3A_73 = arith.constant 0.000000e+00 : f32
    %broadcast_in_dim3A_74 = vector.broadcast %jit3A_72 : f32 to vector<10240x1xf32>
    %broadcast_in_dim3A_75 = vector.broadcast %jit3A_73 : f32 to vector<10240x1xf32>
    %select_n3A_76 = arith.select %or3A, %broadcast_in_dim3A_74, %broadcast_in_dim3A_75 : vector<10240x1xi1>, vector<10240x1xf32>
    %mul3A_77 = arith.mulf %tanh3A, %select_n3A_76 : vector<10240x1xf32>
    %swap3A = arith.constant 0 : index
    %swap3A_78 = arith.constant 0 : index
    %swap3A_79 = vector.load %arg3[%swap3A, %swap3A_78] : memref<10240x1xf32, #tpu.memory_space<vmem>>, vector<10240x1xf32>
    tpu.vector_store %arg3[%swap3A, %swap3A_78], %mul3A_77 {strides = array<i32>} : memref<10240x1xf32, #tpu.memory_space<vmem>>, vector<10240x1xf32>,
    %broadcast_in_dim3A_80 = vector.shape_cast %select_n3A_76 : vector<10240x1xf32> to vector<10240x1xf32>
    %broadcast_in_dim3A_81 = vector.broadcast %broadcast_in_dim3A_80 : vector<10240x1xf32> to vector<10240x16xf32>
    %swap3A_82 = arith.constant 0 : index
    %swap3A_83 = arith.constant 0 : index
    %swap3A_84 = vector.load %arg4[%swap3A_82, %swap3A_83] : memref<10240x16xf32, #tpu.memory_space<vmem>>, vector<10240x16xf32>
    tpu.vector_store %arg4[%swap3A_82, %swap3A_83], %broadcast_in_dim3A_81 {strides = array<i32>} : memref<10240x16xf32, #tpu.memory_space<vmem>>, vector<10240x16xf32>,
    return
  }
}

module attributes {stable_mosaic.version = 14 : i64} {
  func.func @_mm_scaled_body(%arg0: memref<10240x128xf32, #tpu.memory_space<vmem>>, %arg1: memref<10240x1xf32, #tpu.memory_space<vmem>>, %arg2: memref<128x64xf32, #tpu.memory_space<vmem>>, %arg3: memref<10240x64xf32, #tpu.memory_space<vmem>>) attributes {dimension_semantics = [], scalar_prefetch = 0 : i64, scratch_operands = 0 : i64, tpu.core_type = #tpu.core_type<tc>} {
    %get3A = arith.constant 0 : index
    %get3A_0 = arith.constant 0 : index
    %get3A_1 = vector.load %arg1[%get3A, %get3A_0] : memref<10240x1xf32, #tpu.memory_space<vmem>>, vector<10240x1xf32>
    %get3A_2 = arith.constant 0 : index
    %get3A_3 = arith.constant 0 : index
    %get3A_4 = vector.load %arg0[%get3A_2, %get3A_3] : memref<10240x128xf32, #tpu.memory_space<vmem>>, vector<10240x128xf32>
    %mul3A = vector.broadcast %get3A_1 : vector<10240x1xf32> to vector<10240x128xf32>
    %mul3A_5 = arith.mulf %mul3A, %get3A_4 : vector<10240x128xf32>
    %get3A_6 = arith.constant 0 : index
    %get3A_7 = arith.constant 0 : index
    %get3A_8 = vector.load %arg2[%get3A_6, %get3A_7] : memref<128x64xf32, #tpu.memory_space<vmem>>, vector<128x64xf32>
    %dot_general3A = arith.constant dense<0.000000e+00> : vector<10240x64xf32>
    %dot_general3A_9 = tpu.matmul %mul3A_5, %get3A_8, %dot_general3A {dimension_numbers = #tpu.dot_dimension_numbers<[1], [0], [0], [1], [0, 0, 1, 1], [], []>, precision = #tpu.contract_precision<fp32>, transpose_lhs_hint = false} : vector<10240x128xf32>, vector<128x64xf32>, vector<10240x64xf32> -> vector<10240x64xf32>
    %swap3A = arith.constant 0 : index
    %swap3A_10 = arith.constant 0 : index
    %swap3A_11 = vector.load %arg3[%swap3A, %swap3A_10] : memref<10240x64xf32, #tpu.memory_space<vmem>>, vector<10240x64xf32>
    tpu.vector_store %arg3[%swap3A, %swap3A_10], %dot_general3A_9 {strides = array<i32>} : memref<10240x64xf32, #tpu.memory_space<vmem>>, vector<10240x64xf32>,
    return
  }
}

module attributes {stable_mosaic.version = 14 : i64} {
  func.func @_prep_body(%arg0: memref<10240x32xf32, #tpu.memory_space<vmem>>, %arg1: memref<10240x16xf32, #tpu.memory_space<vmem>>, %arg2: memref<10240x64xf32, #tpu.memory_space<vmem>>, %arg3: memref<10240x128xf32, #tpu.memory_space<vmem>>, %arg4: memref<10240x1xf32, #tpu.memory_space<vmem>>, %arg5: memref<10240x1xf32, #tpu.memory_space<vmem>>) attributes {dimension_semantics = [], scalar_prefetch = 0 : i64, scratch_operands = 0 : i64, tpu.core_type = #tpu.core_type<tc>} {
    %get3A = arith.constant 0 : index
    %get3A_0 = arith.constant 0 : index
    %get3A_1 = vector.load %arg0[%get3A, %get3A_0] : memref<10240x32xf32, #tpu.memory_space<vmem>>, vector<10240x32xf32>
    %reduce_sum3A = arith.constant dense<0.000000e+00> : vector<10240xf32>
    %reduce_sum3A_2 = vector.multi_reduction <add>, %get3A_1, %reduce_sum3A [1] : vector<10240x32xf32> to vector<10240xf32>
    %broadcast_in_dim3A = vector.shape_cast %reduce_sum3A_2 : vector<10240xf32> to vector<10240x1xf32>
    %add3A = arith.constant 1.000000e+00 : f32
    %add3A_3 = vector.broadcast %add3A : f32 to vector<10240x1xf32>
    %add3A_4 = arith.addf %add3A_3, %broadcast_in_dim3A : vector<10240x1xf32>
    %rsqrt3A = math.rsqrt %add3A_4 : vector<10240x1xf32>
    %get3A_5 = arith.constant 0 : index
    %get3A_6 = arith.constant 0 : index
    %get3A_7 = vector.load %arg1[%get3A_5, %get3A_6] : memref<10240x16xf32, #tpu.memory_space<vmem>>, vector<10240x1xf32>
    %mul3A = arith.mulf %rsqrt3A, %get3A_7 : vector<10240x1xf32>
    %swap3A = arith.constant 0 : index
    %swap3A_8 = arith.constant 0 : index
    %swap3A_9 = vector.load %arg4[%swap3A, %swap3A_8] : memref<10240x1xf32, #tpu.memory_space<vmem>>, vector<10240x1xf32>
    tpu.vector_store %arg4[%swap3A, %swap3A_8], %mul3A {strides = array<i32>} : memref<10240x1xf32, #tpu.memory_space<vmem>>, vector<10240x1xf32>,
    %mul3A_10 = arith.mulf %rsqrt3A, %rsqrt3A : vector<10240x1xf32>
    %swap3A_11 = arith.constant 0 : index
    %swap3A_12 = arith.constant 0 : index
    %swap3A_13 = vector.load %arg5[%swap3A_11, %swap3A_12] : memref<10240x1xf32, #tpu.memory_space<vmem>>, vector<10240x1xf32>
    tpu.vector_store %arg5[%swap3A_11, %swap3A_12], %mul3A_10 {strides = array<i32>} : memref<10240x1xf32, #tpu.memory_space<vmem>>, vector<10240x1xf32>,
    %get3A_14 = arith.constant 0 : index
    %get3A_15 = arith.constant 0 : index
    %get3A_16 = vector.load %arg2[%get3A_14, %get3A_15] : memref<10240x64xf32, #tpu.memory_space<vmem>>, vector<10240x64xf32>
    %mul3A_17 = vector.broadcast %mul3A : vector<10240x1xf32> to vector<10240x64xf32>
    %mul3A_18 = arith.mulf %mul3A_17, %get3A_16 : vector<10240x64xf32>
    %swap3A_19 = arith.constant 0 : index
    %swap3A_20 = arith.constant 0 : index
    %swap3A_21 = vector.load %arg3[%swap3A_19, %swap3A_20] : memref<10240x128xf32, #tpu.memory_space<vmem>>, vector<10240x64xf32>
    tpu.vector_store %arg3[%swap3A_19, %swap3A_20], %mul3A_18 {strides = array<i32>} : memref<10240x128xf32, #tpu.memory_space<vmem>>, vector<10240x64xf32>,
    %broadcast_in_dim3A_22 = arith.constant 0.000000e+00 : f32
    %broadcast_in_dim3A_23 = vector.broadcast %broadcast_in_dim3A_22 : f32 to vector<10240x64xf32>
    %swap3A_24 = arith.constant 0 : index
    %swap3A_25 = arith.constant 64 : index
    %swap3A_26 = vector.load %arg3[%swap3A_24, %swap3A_25] : memref<10240x128xf32, #tpu.memory_space<vmem>>, vector<10240x64xf32>
    tpu.vector_store %arg3[%swap3A_24, %swap3A_25], %broadcast_in_dim3A_23 {strides = array<i32>} : memref<10240x128xf32, #tpu.memory_space<vmem>>, vector<10240x64xf32>,
    return
  }
}

module attributes {stable_mosaic.version = 14 : i64} {
  func.func @_conv_score_body(%arg0: i32, %arg1: memref<2x1280x64xf32, #tpu.memory_space<vmem>>, %arg2: memref<1280x64xf32, #tpu.memory_space<vmem>>, %arg3: memref<1280x1xf32, #tpu.memory_space<vmem>>, %arg4: memref<1280x1xf32, #tpu.memory_space<vmem>>, %arg5: memref<1x64xf32, #tpu.memory_space<vmem>>, %arg6: memref<64x1xf32, #tpu.memory_space<vmem>>, %arg7: memref<1280x64xf32, #tpu.memory_space<vmem>>, %arg8: memref<1280x1xf32, #tpu.memory_space<vmem>>) attributes {dimension_semantics = [#tpu.dimension_semantics<arbitrary>], iteration_bounds = array<i64: 8>, scalar_prefetch = 0 : i64, scratch_operands = 0 : i64, tpu.core_type = #tpu.core_type<tc>, window_params = [{transform_indices = @transform_0, window_bounds = array<i64: 2, 1280, 64>}, {transform_indices = @transform_1, window_bounds = array<i64: 1280, 64>}, {transform_indices = @transform_2, window_bounds = array<i64: 1280, 1>}, {transform_indices = @transform_3, window_bounds = array<i64: 1280, 1>}, {pipeline_mode = #tpu.pipeline_mode<synchronous>, transform_indices = @transform_4, window_bounds = array<i64: 1, 64>}, {pipeline_mode = #tpu.pipeline_mode<synchronous>, transform_indices = @transform_5, window_bounds = array<i64: 64, 1>}, {transform_indices = @transform_6, window_bounds = array<i64: 1280, 64>}, {transform_indices = @transform_7, window_bounds = array<i64: 1280, 1>}]} {
    %get3A = arith.constant 0 : index
    %get3A_0 = arith.constant 0 : index
    %get3A_1 = arith.constant 0 : index
    %get3A_2 = vector.load %arg1[%get3A, %get3A_0, %get3A_1] : memref<2x1280x64xf32, #tpu.memory_space<vmem>>, vector<2x1280x64xf32>
    %get3A_3 = arith.constant 0 : index
    %get3A_4 = arith.constant 0 : index
    %get3A_5 = vector.load %arg3[%get3A_3, %get3A_4] : memref<1280x1xf32, #tpu.memory_space<vmem>>, vector<1280x1xf32>
    %slice3A = vector.extract_strided_slice %get3A_2 {offsets = [0, 0, 0], sizes = [1, 1280, 64], strides = [1, 1, 1]} : vector<2x1280x64xf32> to vector<1x1280x64xf32>
    %squeeze3A = vector.shape_cast %slice3A : vector<1x1280x64xf32> to vector<1280x64xf32>
    %slice3A_6 = vector.extract_strided_slice %get3A_2 {offsets = [1, 0, 0], sizes = [1, 1280, 64], strides = [1, 1, 1]} : vector<2x1280x64xf32> to vector<1x1280x64xf32>
    %squeeze3A_7 = vector.shape_cast %slice3A_6 : vector<1x1280x64xf32> to vector<1280x64xf32>
    %add3A = arith.addf %squeeze3A, %squeeze3A_7 : vector<1280x64xf32>
    %mul3A = vector.broadcast %get3A_5 : vector<1280x1xf32> to vector<1280x64xf32>
    %mul3A_8 = arith.mulf %mul3A, %add3A : vector<1280x64xf32>
    %get3A_9 = arith.constant 0 : index
    %get3A_10 = arith.constant 0 : index
    %get3A_11 = vector.load %arg2[%get3A_9, %get3A_10] : memref<1280x64xf32, #tpu.memory_space<vmem>>, vector<1280x64xf32>
    %get3A_12 = arith.constant 0 : index
    %get3A_13 = arith.constant 0 : index
    %get3A_14 = vector.load %arg4[%get3A_12, %get3A_13] : memref<1280x1xf32, #tpu.memory_space<vmem>>, vector<1280x1xf32>
    %mul3A_15 = vector.broadcast %get3A_14 : vector<1280x1xf32> to vector<1280x64xf32>
    %mul3A_16 = arith.mulf %get3A_11, %mul3A_15 : vector<1280x64xf32>
    %add3A_17 = arith.addf %mul3A_8, %mul3A_16 : vector<1280x64xf32>
    %get3A_18 = arith.constant 0 : index
    %get3A_19 = arith.constant 0 : index
    %get3A_20 = vector.load %arg5[%get3A_18, %get3A_19] : memref<1x64xf32, #tpu.memory_space<vmem>>, vector<1x64xf32>
    %add3A_21 = vector.broadcast %get3A_20 : vector<1x64xf32> to vector<1280x64xf32>
    %add3A_22 = arith.addf %add3A_17, %add3A_21 : vector<1280x64xf32>
    %max3A = arith.constant 0.000000e+00 : f32
    %max3A_23 = vector.broadcast %max3A : f32 to vector<1280x64xf32>
    %max3A_24 = arith.maximumf %add3A_22, %max3A_23 : vector<1280x64xf32>
    %swap3A = arith.constant 0 : index
    %swap3A_25 = arith.constant 0 : index
    %swap3A_26 = vector.load %arg7[%swap3A, %swap3A_25] : memref<1280x64xf32, #tpu.memory_space<vmem>>, vector<1280x64xf32>
    tpu.vector_store %arg7[%swap3A, %swap3A_25], %max3A_24 {strides = array<i32>} : memref<1280x64xf32, #tpu.memory_space<vmem>>, vector<1280x64xf32>,
    %get3A_27 = arith.constant 0 : index
    %get3A_28 = arith.constant 0 : index
    %get3A_29 = vector.load %arg6[%get3A_27, %get3A_28] : memref<64x1xf32, #tpu.memory_space<vmem>>, vector<64x1xf32>
    %dot_general3A = arith.constant dense<0.000000e+00> : vector<1280x1xf32>
    %dot_general3A_30 = tpu.matmul %max3A_24, %get3A_29, %dot_general3A {dimension_numbers = #tpu.dot_dimension_numbers<[1], [0], [0], [1], [0, 0, 1, 1], [], []>, precision = #tpu.contract_precision<fp32>, transpose_lhs_hint = false} : vector<1280x64xf32>, vector<64x1xf32>, vector<1280x1xf32> -> vector<1280x1xf32>
    %swap3A_31 = arith.constant 0 : index
    %swap3A_32 = arith.constant 0 : index
    %swap3A_33 = vector.load %arg8[%swap3A_31, %swap3A_32] : memref<1280x1xf32, #tpu.memory_space<vmem>>, vector<1280x1xf32>
    tpu.vector_store %arg8[%swap3A_31, %swap3A_32], %dot_general3A_30 {strides = array<i32>} : memref<1280x1xf32, #tpu.memory_space<vmem>>, vector<1280x1xf32>,
    return
  }
  func.func @transform_0(%arg0: i32) -> (i32, i32, i32) {
    %c0_i32 = arith.constant 0 : i32
    %c0_i32_0 = arith.constant 0 : i32
    %c0_i32_1 = arith.constant 0 : i32
    return %c0_i32, %arg0, %c0_i32_0 : i32, i32, i32
  }
  func.func @transform_1(%arg0: i32) -> (i32, i32) {
    %c0_i32 = arith.constant 0 : i32
    %c0_i32_0 = arith.constant 0 : i32
    return %arg0, %c0_i32 : i32, i32
  }
  func.func @transform_2(%arg0: i32) -> (i32, i32) {
    %c0_i32 = arith.constant 0 : i32
    %c0_i32_0 = arith.constant 0 : i32
    return %arg0, %c0_i32 : i32, i32
  }
  func.func @transform_3(%arg0: i32) -> (i32, i32) {
    %c0_i32 = arith.constant 0 : i32
    %c0_i32_0 = arith.constant 0 : i32
    return %arg0, %c0_i32 : i32, i32
  }
  func.func @transform_4(%arg0: i32) -> (i32, i32) {
    %c0_i32 = arith.constant 0 : i32
    %c0_i32_0 = arith.constant 0 : i32
    %c0_i32_1 = arith.constant 0 : i32
    return %c0_i32, %c0_i32_0 : i32, i32
  }
  func.func @transform_5(%arg0: i32) -> (i32, i32) {
    %c0_i32 = arith.constant 0 : i32
    %c0_i32_0 = arith.constant 0 : i32
    %c0_i32_1 = arith.constant 0 : i32
    return %c0_i32, %c0_i32_0 : i32, i32
  }
  func.func @transform_6(%arg0: i32) -> (i32, i32) {
    %c0_i32 = arith.constant 0 : i32
    %c0_i32_0 = arith.constant 0 : i32
    return %arg0, %c0_i32 : i32, i32
  }
  func.func @transform_7(%arg0: i32) -> (i32, i32) {
    %c0_i32 = arith.constant 0 : i32
    %c0_i32_0 = arith.constant 0 : i32
    return %arg0, %c0_i32 : i32, i32
  }
}

module attributes {stable_mosaic.version = 14 : i64} {
  func.func @_select_body(%arg0: memref<10240x1xf32, #tpu.memory_space<vmem>>, %arg1: memref<10240x16xf32, #tpu.memory_space<vmem>>, %arg2: memref<64x1xf32, #tpu.memory_space<vmem>>, %arg3: memref<10240x1xf32, #tpu.memory_space<vmem>>, %arg4: memref<10240x16xf32, #tpu.memory_space<vmem>>) attributes {dimension_semantics = [], scalar_prefetch = 0 : i64, scratch_operands = 0 : i64, tpu.core_type = #tpu.core_type<tc>} {
    %get3A = arith.constant 0 : index
    %get3A_0 = arith.constant 0 : index
    %get3A_1 = vector.load %arg2[%get3A, %get3A_0] : memref<64x1xf32, #tpu.memory_space<vmem>>, vector<64x1xf32>
    %mul3A = arith.mulf %get3A_1, %get3A_1 : vector<64x1xf32>
    %reduce_sum3A = vector.shape_cast %mul3A : vector<64x1xf32> to vector<1x64x1xf32>
    %reduce_sum3A_2 = arith.constant dense<0.000000e+00> : vector<1xf32>
    %reduce_sum3A_3 = vector.multi_reduction <add>, %reduce_sum3A, %reduce_sum3A_2 [1, 2] : vector<1x64x1xf32> to vector<1xf32>
    %reduce_sum3A_4 = vector.shape_cast %reduce_sum3A_3 : vector<1xf32> to vector<1x1x1xf32>
    %reduce_sum3A_5 = vector.extract %reduce_sum3A_4[0, 0, 0] : f32 from vector<1x1x1xf32>
    %sqrt3A = math.sqrt %reduce_sum3A_5 : f32
    %add3A = arith.constant 1.000000e-16 : f32
    %add3A_6 = arith.addf %sqrt3A, %add3A : f32
    %get3A_7 = arith.constant 0 : index
    %get3A_8 = arith.constant 0 : index
    %get3A_9 = vector.load %arg0[%get3A_7, %get3A_8] : memref<10240x1xf32, #tpu.memory_space<vmem>>, vector<10240x1xf32>
    %div3A = vector.broadcast %add3A_6 : f32 to vector<10240x1xf32>
    %div3A_10 = arith.divf %get3A_9, %div3A : vector<10240x1xf32>
    %tanh3A = math.tanh %div3A_10 : vector<10240x1xf32>
    %get3A_11 = arith.constant 0 : index
    %get3A_12 = arith.constant 0 : index
    %get3A_13 = vector.load %arg1[%get3A_11, %get3A_12] : memref<10240x16xf32, #tpu.memory_space<vmem>>, vector<10240x1xf32>
    %gt3A = arith.constant 0.000000e+00 : f32
    %gt3A_14 = vector.broadcast %gt3A : f32 to vector<10240x1xf32>
    %gt3A_15 = arith.cmpf ogt, %get3A_13, %gt3A_14 : vector<10240x1xf32>
    %bitcast_convert_type3A = tpu.bitcast %tanh3A : vector<10240x1xf32> -> vector<10240x1xi32>
    %ge3A = arith.constant 0 : i32
    %ge3A_16 = vector.broadcast %ge3A : i32 to vector<10240x1xi32>
    %ge3A_17 = arith.cmpi sge, %bitcast_convert_type3A, %ge3A_16 : vector<10240x1xi32>
    %xor3A = arith.constant 2147483647 : i32
    %xor3A_18 = vector.broadcast %xor3A : i32 to vector<10240x1xi32>
    %xor3A_19 = arith.xori %bitcast_convert_type3A, %xor3A_18 : vector<10240x1xi32>
    %select_n3A = arith.select %ge3A_17, %bitcast_convert_type3A, %xor3A_19 : vector<10240x1xi1>, vector<10240x1xi32>
    %jit3A = arith.constant -2147483648 : i32
    %broadcast_in_dim3A = vector.broadcast %jit3A : i32 to vector<10240x1xi32>
    %select_n3A_20 = arith.select %gt3A_15, %select_n3A, %broadcast_in_dim3A : vector<10240x1xi1>, vector<10240x1xi32>
    %ge3A_21 = arith.constant 0 : i32
    %ge3A_22 = vector.broadcast %ge3A_21 : i32 to vector<10240x1xi32>
    %ge3A_23 = arith.cmpi sge, %select_n3A_20, %ge3A_22 : vector<10240x1xi32>
    %jit3A_24 = arith.constant 1 : i32
    %jit3A_25 = arith.constant 0 : i32
    %broadcast_in_dim3A_26 = vector.broadcast %jit3A_24 : i32 to vector<10240x1xi32>
    %broadcast_in_dim3A_27 = vector.broadcast %jit3A_25 : i32 to vector<10240x1xi32>
    %select_n3A_28 = arith.select %ge3A_23, %broadcast_in_dim3A_26, %broadcast_in_dim3A_27 : vector<10240x1xi1>, vector<10240x1xi32>
    %reduce_sum3A_29 = vector.shape_cast %select_n3A_28 : vector<10240x1xi32> to vector<1x10240x1xi32>
    %reduce_sum3A_30 = arith.constant dense<0> : vector<1xi32>
    %reduce_sum3A_31 = vector.multi_reduction <add>, %reduce_sum3A_29, %reduce_sum3A_30 [1, 2] : vector<1x10240x1xi32> to vector<1xi32>
    %reduce_sum3A_32 = vector.shape_cast %reduce_sum3A_31 : vector<1xi32> to vector<1x1x1xi32>
    %reduce_sum3A_33 = vector.extract %reduce_sum3A_32[0, 0, 0] : i32 from vector<1x1x1xi32>
    %ge3A_34 = arith.constant 2500 : i32
    %ge3A_35 = arith.cmpi sge, %reduce_sum3A_33, %ge3A_34 : i32
    %jit3A_36 = arith.constant 0 : i32
    %jit3A_37 = arith.constant -2147483648 : i32
    %select_n3A_38 = arith.select %ge3A_35, %jit3A_36, %jit3A_37 : i32
    %ge3A_39 = arith.constant 2500 : i32
    %ge3A_40 = arith.cmpi sge, %reduce_sum3A_33, %ge3A_39 : i32
    %jit3A_41 = arith.constant 2147483647 : i32
    %jit3A_42 = arith.constant -1 : i32
    %select_n3A_43 = arith.select %ge3A_40, %jit3A_41, %jit3A_42 : i32
    %scan3A = arith.constant 0 : i32
    %scan3A_44 = arith.constant 31 : i32
    %scan3A_45 = arith.addi %scan3A, %scan3A_44 : i32
    %scan3A_46 = arith.constant 1 : i32
    %scan3A_47:2 = scf.for %scan3A_85 = %scan3A to %scan3A_45 step %scan3A_46 iter_args(%scan3A_86 = %select_n3A_38, %scan3A_87 = %select_n3A_43) -> (i32, i32)  : i32 {
      %sub3A_88 = arith.subi %scan3A_87, %scan3A_86 : i32
      %shift_right_arithmetic3A = arith.constant 1 : i32
      %shift_right_arithmetic3A_89 = arith.shrsi %sub3A_88, %shift_right_arithmetic3A : i32
      %add3A_90 = arith.addi %scan3A_86, %shift_right_arithmetic3A_89 : i32
      %gt3A_91 = vector.broadcast %add3A_90 : i32 to vector<10240x1xi32>
      %gt3A_92 = arith.cmpi sgt, %select_n3A_20, %gt3A_91 : vector<10240x1xi32>
      %jit3A_93 = arith.constant 1 : i32
      %jit3A_94 = arith.constant 0 : i32
      %broadcast_in_dim3A_95 = vector.broadcast %jit3A_93 : i32 to vector<10240x1xi32>
      %broadcast_in_dim3A_96 = vector.broadcast %jit3A_94 : i32 to vector<10240x1xi32>
      %select_n3A_97 = arith.select %gt3A_92, %broadcast_in_dim3A_95, %broadcast_in_dim3A_96 : vector<10240x1xi1>, vector<10240x1xi32>
      %reduce_sum3A_98 = vector.shape_cast %select_n3A_97 : vector<10240x1xi32> to vector<1x10240x1xi32>
      %reduce_sum3A_99 = arith.constant dense<0> : vector<1xi32>
      %reduce_sum3A_100 = vector.multi_reduction <add>, %reduce_sum3A_98, %reduce_sum3A_99 [1, 2] : vector<1x10240x1xi32> to vector<1xi32>
      %reduce_sum3A_101 = vector.shape_cast %reduce_sum3A_100 : vector<1xi32> to vector<1x1x1xi32>
      %reduce_sum3A_102 = vector.extract %reduce_sum3A_101[0, 0, 0] : i32 from vector<1x1x1xi32>
      %lt3A = arith.constant 2500 : i32
      %lt3A_103 = arith.cmpi slt, %reduce_sum3A_102, %lt3A : i32
      %add3A_104 = arith.constant 1 : i32
      %add3A_105 = arith.addi %add3A_90, %add3A_104 : i32
      %select_n3A_106 = arith.select %lt3A_103, %scan3A_86, %add3A_105 : i32
      %select_n3A_107 = arith.select %lt3A_103, %add3A_90, %scan3A_87 : i32
      scf.yield %select_n3A_106, %select_n3A_107 : i32, i32
    }
    %gt3A_48 = vector.broadcast %scan3A_47#0 : i32 to vector<10240x1xi32>
    %gt3A_49 = arith.cmpi sgt, %select_n3A_20, %gt3A_48 : vector<10240x1xi32>
    %jit3A_50 = arith.constant 1 : i32
    %jit3A_51 = arith.constant 0 : i32
    %broadcast_in_dim3A_52 = vector.broadcast %jit3A_50 : i32 to vector<10240x1xi32>
    %broadcast_in_dim3A_53 = vector.broadcast %jit3A_51 : i32 to vector<10240x1xi32>
    %select_n3A_54 = arith.select %gt3A_49, %broadcast_in_dim3A_52, %broadcast_in_dim3A_53 : vector<10240x1xi1>, vector<10240x1xi32>
    %reduce_sum3A_55 = vector.shape_cast %select_n3A_54 : vector<10240x1xi32> to vector<1x10240x1xi32>
    %reduce_sum3A_56 = arith.constant dense<0> : vector<1xi32>
    %reduce_sum3A_57 = vector.multi_reduction <add>, %reduce_sum3A_55, %reduce_sum3A_56 [1, 2] : vector<1x10240x1xi32> to vector<1xi32>
    %reduce_sum3A_58 = vector.shape_cast %reduce_sum3A_57 : vector<1xi32> to vector<1x1x1xi32>
    %reduce_sum3A_59 = vector.extract %reduce_sum3A_58[0, 0, 0] : i32 from vector<1x1x1xi32>
    %sub3A = arith.constant 2500 : i32
    %sub3A_60 = arith.subi %sub3A, %reduce_sum3A_59 : i32
    %iota3A = tpu.iota {dimensions = array<i32: 0>} : vector<10240x1xi32>
    %eq3A = vector.broadcast %scan3A_47#0 : i32 to vector<10240x1xi32>
    %eq3A_61 = arith.cmpi eq, %select_n3A_20, %eq3A : vector<10240x1xi32>
    %scan3A_62 = arith.constant 0 : i32
    %scan3A_63 = arith.constant 10239 : i32
    %scan3A_64 = arith.constant 0 : i32
    %scan3A_65 = arith.constant 14 : i32
    %scan3A_66 = arith.addi %scan3A_64, %scan3A_65 : i32
    %scan3A_67 = arith.constant 1 : i32
    %scan3A_68:2 = scf.for %scan3A_85 = %scan3A_64 to %scan3A_66 step %scan3A_67 iter_args(%scan3A_86 = %scan3A_62, %scan3A_87 = %scan3A_63) -> (i32, i32)  : i32 {
      %sub3A_88 = arith.subi %scan3A_87, %scan3A_86 : i32
      %shift_right_arithmetic3A = arith.constant 1 : i32
      %shift_right_arithmetic3A_89 = arith.shrsi %sub3A_88, %shift_right_arithmetic3A : i32
      %add3A_90 = arith.addi %scan3A_86, %shift_right_arithmetic3A_89 : i32
      %le3A_91 = vector.broadcast %add3A_90 : i32 to vector<10240x1xi32>
      %le3A_92 = arith.cmpi sle, %iota3A, %le3A_91 : vector<10240x1xi32>
      %and3A_93 = arith.andi %eq3A_61, %le3A_92 : vector<10240x1xi1>
      %jit3A_94 = arith.constant 1 : i32
      %jit3A_95 = arith.constant 0 : i32
      %broadcast_in_dim3A_96 = vector.broadcast %jit3A_94 : i32 to vector<10240x1xi32>
      %broadcast_in_dim3A_97 = vector.broadcast %jit3A_95 : i32 to vector<10240x1xi32>
      %select_n3A_98 = arith.select %and3A_93, %broadcast_in_dim3A_96, %broadcast_in_dim3A_97 : vector<10240x1xi1>, vector<10240x1xi32>
      %reduce_sum3A_99 = vector.shape_cast %select_n3A_98 : vector<10240x1xi32> to vector<1x10240x1xi32>
      %reduce_sum3A_100 = arith.constant dense<0> : vector<1xi32>
      %reduce_sum3A_101 = vector.multi_reduction <add>, %reduce_sum3A_99, %reduce_sum3A_100 [1, 2] : vector<1x10240x1xi32> to vector<1xi32>
      %reduce_sum3A_102 = vector.shape_cast %reduce_sum3A_101 : vector<1xi32> to vector<1x1x1xi32>
      %reduce_sum3A_103 = vector.extract %reduce_sum3A_102[0, 0, 0] : i32 from vector<1x1x1xi32>
      %ge3A_104 = arith.cmpi sge, %reduce_sum3A_103, %sub3A_60 : i32
      %add3A_105 = arith.constant 1 : i32
      %add3A_106 = arith.addi %add3A_90, %add3A_105 : i32
      %select_n3A_107 = arith.select %ge3A_104, %scan3A_86, %add3A_106 : i32
      %select_n3A_108 = arith.select %ge3A_104, %add3A_90, %scan3A_87 : i32
      scf.yield %select_n3A_107, %select_n3A_108 : i32, i32
    }
    %gt3A_69 = vector.broadcast %scan3A_47#0 : i32 to vector<10240x1xi32>
    %gt3A_70 = arith.cmpi sgt, %select_n3A_20, %gt3A_69 : vector<10240x1xi32>
    %le3A = vector.broadcast %scan3A_68#0 : i32 to vector<10240x1xi32>
    %le3A_71 = arith.cmpi sle, %iota3A, %le3A : vector<10240x1xi32>
    %and3A = arith.andi %eq3A_61, %le3A_71 : vector<10240x1xi1>
    %or3A = arith.ori %gt3A_70, %and3A : vector<10240x1xi1>
    %jit3A_72 = arith.constant 1.000000e+00 : f32
    %jit3A_73 = arith.constant 0.000000e+00 : f32
    %broadcast_in_dim3A_74 = vector.broadcast %jit3A_72 : f32 to vector<10240x1xf32>
    %broadcast_in_dim3A_75 = vector.broadcast %jit3A_73 : f32 to vector<10240x1xf32>
    %select_n3A_76 = arith.select %or3A, %broadcast_in_dim3A_74, %broadcast_in_dim3A_75 : vector<10240x1xi1>, vector<10240x1xf32>
    %mul3A_77 = arith.mulf %tanh3A, %select_n3A_76 : vector<10240x1xf32>
    %swap3A = arith.constant 0 : index
    %swap3A_78 = arith.constant 0 : index
    %swap3A_79 = vector.load %arg3[%swap3A, %swap3A_78] : memref<10240x1xf32, #tpu.memory_space<vmem>>, vector<10240x1xf32>
    tpu.vector_store %arg3[%swap3A, %swap3A_78], %mul3A_77 {strides = array<i32>} : memref<10240x1xf32, #tpu.memory_space<vmem>>, vector<10240x1xf32>,
    %broadcast_in_dim3A_80 = vector.shape_cast %select_n3A_76 : vector<10240x1xf32> to vector<10240x1xf32>
    %broadcast_in_dim3A_81 = vector.broadcast %broadcast_in_dim3A_80 : vector<10240x1xf32> to vector<10240x16xf32>
    %swap3A_82 = arith.constant 0 : index
    %swap3A_83 = arith.constant 0 : index
    %swap3A_84 = vector.load %arg4[%swap3A_82, %swap3A_83] : memref<10240x16xf32, #tpu.memory_space<vmem>>, vector<10240x16xf32>
    tpu.vector_store %arg4[%swap3A_82, %swap3A_83], %broadcast_in_dim3A_81 {strides = array<i32>} : memref<10240x16xf32, #tpu.memory_space<vmem>>, vector<10240x16xf32>,
    return
  }
}

module attributes {stable_mosaic.version = 14 : i64} {
  func.func @_mm_scaled_body(%arg0: memref<10240x64xf32, #tpu.memory_space<vmem>>, %arg1: memref<10240x1xf32, #tpu.memory_space<vmem>>, %arg2: memref<64x32xf32, #tpu.memory_space<vmem>>, %arg3: memref<10240x32xf32, #tpu.memory_space<vmem>>) attributes {dimension_semantics = [], scalar_prefetch = 0 : i64, scratch_operands = 0 : i64, tpu.core_type = #tpu.core_type<tc>} {
    %get3A = arith.constant 0 : index
    %get3A_0 = arith.constant 0 : index
    %get3A_1 = vector.load %arg1[%get3A, %get3A_0] : memref<10240x1xf32, #tpu.memory_space<vmem>>, vector<10240x1xf32>
    %get3A_2 = arith.constant 0 : index
    %get3A_3 = arith.constant 0 : index
    %get3A_4 = vector.load %arg0[%get3A_2, %get3A_3] : memref<10240x64xf32, #tpu.memory_space<vmem>>, vector<10240x64xf32>
    %mul3A = vector.broadcast %get3A_1 : vector<10240x1xf32> to vector<10240x64xf32>
    %mul3A_5 = arith.mulf %mul3A, %get3A_4 : vector<10240x64xf32>
    %get3A_6 = arith.constant 0 : index
    %get3A_7 = arith.constant 0 : index
    %get3A_8 = vector.load %arg2[%get3A_6, %get3A_7] : memref<64x32xf32, #tpu.memory_space<vmem>>, vector<64x32xf32>
    %dot_general3A = arith.constant dense<0.000000e+00> : vector<10240x32xf32>
    %dot_general3A_9 = tpu.matmul %mul3A_5, %get3A_8, %dot_general3A {dimension_numbers = #tpu.dot_dimension_numbers<[1], [0], [0], [1], [0, 0, 1, 1], [], []>, precision = #tpu.contract_precision<fp32>, transpose_lhs_hint = false} : vector<10240x64xf32>, vector<64x32xf32>, vector<10240x32xf32> -> vector<10240x32xf32>
    %swap3A = arith.constant 0 : index
    %swap3A_10 = arith.constant 0 : index
    %swap3A_11 = vector.load %arg3[%swap3A, %swap3A_10] : memref<10240x32xf32, #tpu.memory_space<vmem>>, vector<10240x32xf32>
    tpu.vector_store %arg3[%swap3A, %swap3A_10], %dot_general3A_9 {strides = array<i32>} : memref<10240x32xf32, #tpu.memory_space<vmem>>, vector<10240x32xf32>,
    return
  }
}

module attributes {stable_mosaic.version = 14 : i64} {
  func.func @_prep_body(%arg0: memref<10240x32xf32, #tpu.memory_space<vmem>>, %arg1: memref<10240x16xf32, #tpu.memory_space<vmem>>, %arg2: memref<10240x32xf32, #tpu.memory_space<vmem>>, %arg3: memref<10240x128xf32, #tpu.memory_space<vmem>>, %arg4: memref<10240x1xf32, #tpu.memory_space<vmem>>, %arg5: memref<10240x1xf32, #tpu.memory_space<vmem>>) attributes {dimension_semantics = [], scalar_prefetch = 0 : i64, scratch_operands = 0 : i64, tpu.core_type = #tpu.core_type<tc>} {
    %get3A = arith.constant 0 : index
    %get3A_0 = arith.constant 0 : index
    %get3A_1 = vector.load %arg0[%get3A, %get3A_0] : memref<10240x32xf32, #tpu.memory_space<vmem>>, vector<10240x32xf32>
    %reduce_sum3A = arith.constant dense<0.000000e+00> : vector<10240xf32>
    %reduce_sum3A_2 = vector.multi_reduction <add>, %get3A_1, %reduce_sum3A [1] : vector<10240x32xf32> to vector<10240xf32>
    %broadcast_in_dim3A = vector.shape_cast %reduce_sum3A_2 : vector<10240xf32> to vector<10240x1xf32>
    %add3A = arith.constant 1.000000e+00 : f32
    %add3A_3 = vector.broadcast %add3A : f32 to vector<10240x1xf32>
    %add3A_4 = arith.addf %add3A_3, %broadcast_in_dim3A : vector<10240x1xf32>
    %rsqrt3A = math.rsqrt %add3A_4 : vector<10240x1xf32>
    %get3A_5 = arith.constant 0 : index
    %get3A_6 = arith.constant 0 : index
    %get3A_7 = vector.load %arg1[%get3A_5, %get3A_6] : memref<10240x16xf32, #tpu.memory_space<vmem>>, vector<10240x1xf32>
    %mul3A = arith.mulf %rsqrt3A, %get3A_7 : vector<10240x1xf32>
    %swap3A = arith.constant 0 : index
    %swap3A_8 = arith.constant 0 : index
    %swap3A_9 = vector.load %arg4[%swap3A, %swap3A_8] : memref<10240x1xf32, #tpu.memory_space<vmem>>, vector<10240x1xf32>
    tpu.vector_store %arg4[%swap3A, %swap3A_8], %mul3A {strides = array<i32>} : memref<10240x1xf32, #tpu.memory_space<vmem>>, vector<10240x1xf32>,
    %mul3A_10 = arith.mulf %rsqrt3A, %rsqrt3A : vector<10240x1xf32>
    %swap3A_11 = arith.constant 0 : index
    %swap3A_12 = arith.constant 0 : index
    %swap3A_13 = vector.load %arg5[%swap3A_11, %swap3A_12] : memref<10240x1xf32, #tpu.memory_space<vmem>>, vector<10240x1xf32>
    tpu.vector_store %arg5[%swap3A_11, %swap3A_12], %mul3A_10 {strides = array<i32>} : memref<10240x1xf32, #tpu.memory_space<vmem>>, vector<10240x1xf32>,
    %get3A_14 = arith.constant 0 : index
    %get3A_15 = arith.constant 0 : index
    %get3A_16 = vector.load %arg2[%get3A_14, %get3A_15] : memref<10240x32xf32, #tpu.memory_space<vmem>>, vector<10240x32xf32>
    %mul3A_17 = vector.broadcast %mul3A : vector<10240x1xf32> to vector<10240x32xf32>
    %mul3A_18 = arith.mulf %mul3A_17, %get3A_16 : vector<10240x32xf32>
    %swap3A_19 = arith.constant 0 : index
    %swap3A_20 = arith.constant 0 : index
    %swap3A_21 = vector.load %arg3[%swap3A_19, %swap3A_20] : memref<10240x128xf32, #tpu.memory_space<vmem>>, vector<10240x32xf32>
    tpu.vector_store %arg3[%swap3A_19, %swap3A_20], %mul3A_18 {strides = array<i32>} : memref<10240x128xf32, #tpu.memory_space<vmem>>, vector<10240x32xf32>,
    %broadcast_in_dim3A_22 = arith.constant 0.000000e+00 : f32
    %broadcast_in_dim3A_23 = vector.broadcast %broadcast_in_dim3A_22 : f32 to vector<10240x96xf32>
    %swap3A_24 = arith.constant 0 : index
    %swap3A_25 = arith.constant 32 : index
    %swap3A_26 = vector.load %arg3[%swap3A_24, %swap3A_25] : memref<10240x128xf32, #tpu.memory_space<vmem>>, vector<10240x96xf32>
    tpu.vector_store %arg3[%swap3A_24, %swap3A_25], %broadcast_in_dim3A_23 {strides = array<i32>} : memref<10240x128xf32, #tpu.memory_space<vmem>>, vector<10240x96xf32>,
    return
  }
}

module attributes {stable_mosaic.version = 14 : i64} {
  func.func @_conv_score_body(%arg0: i32, %arg1: memref<2x1280x32xf32, #tpu.memory_space<vmem>>, %arg2: memref<1280x32xf32, #tpu.memory_space<vmem>>, %arg3: memref<1280x1xf32, #tpu.memory_space<vmem>>, %arg4: memref<1280x1xf32, #tpu.memory_space<vmem>>, %arg5: memref<1x32xf32, #tpu.memory_space<vmem>>, %arg6: memref<32x1xf32, #tpu.memory_space<vmem>>, %arg7: memref<1280x32xf32, #tpu.memory_space<vmem>>, %arg8: memref<1280x1xf32, #tpu.memory_space<vmem>>) attributes {dimension_semantics = [#tpu.dimension_semantics<arbitrary>], iteration_bounds = array<i64: 8>, scalar_prefetch = 0 : i64, scratch_operands = 0 : i64, tpu.core_type = #tpu.core_type<tc>, window_params = [{transform_indices = @transform_0, window_bounds = array<i64: 2, 1280, 32>}, {transform_indices = @transform_1, window_bounds = array<i64: 1280, 32>}, {transform_indices = @transform_2, window_bounds = array<i64: 1280, 1>}, {transform_indices = @transform_3, window_bounds = array<i64: 1280, 1>}, {pipeline_mode = #tpu.pipeline_mode<synchronous>, transform_indices = @transform_4, window_bounds = array<i64: 1, 32>}, {pipeline_mode = #tpu.pipeline_mode<synchronous>, transform_indices = @transform_5, window_bounds = array<i64: 32, 1>}, {transform_indices = @transform_6, window_bounds = array<i64: 1280, 32>}, {transform_indices = @transform_7, window_bounds = array<i64: 1280, 1>}]} {
    %get3A = arith.constant 0 : index
    %get3A_0 = arith.constant 0 : index
    %get3A_1 = arith.constant 0 : index
    %get3A_2 = vector.load %arg1[%get3A, %get3A_0, %get3A_1] : memref<2x1280x32xf32, #tpu.memory_space<vmem>>, vector<2x1280x32xf32>
    %get3A_3 = arith.constant 0 : index
    %get3A_4 = arith.constant 0 : index
    %get3A_5 = vector.load %arg3[%get3A_3, %get3A_4] : memref<1280x1xf32, #tpu.memory_space<vmem>>, vector<1280x1xf32>
    %slice3A = vector.extract_strided_slice %get3A_2 {offsets = [0, 0, 0], sizes = [1, 1280, 32], strides = [1, 1, 1]} : vector<2x1280x32xf32> to vector<1x1280x32xf32>
    %squeeze3A = vector.shape_cast %slice3A : vector<1x1280x32xf32> to vector<1280x32xf32>
    %slice3A_6 = vector.extract_strided_slice %get3A_2 {offsets = [1, 0, 0], sizes = [1, 1280, 32], strides = [1, 1, 1]} : vector<2x1280x32xf32> to vector<1x1280x32xf32>
    %squeeze3A_7 = vector.shape_cast %slice3A_6 : vector<1x1280x32xf32> to vector<1280x32xf32>
    %add3A = arith.addf %squeeze3A, %squeeze3A_7 : vector<1280x32xf32>
    %mul3A = vector.broadcast %get3A_5 : vector<1280x1xf32> to vector<1280x32xf32>
    %mul3A_8 = arith.mulf %mul3A, %add3A : vector<1280x32xf32>
    %get3A_9 = arith.constant 0 : index
    %get3A_10 = arith.constant 0 : index
    %get3A_11 = vector.load %arg2[%get3A_9, %get3A_10] : memref<1280x32xf32, #tpu.memory_space<vmem>>, vector<1280x32xf32>
    %get3A_12 = arith.constant 0 : index
    %get3A_13 = arith.constant 0 : index
    %get3A_14 = vector.load %arg4[%get3A_12, %get3A_13] : memref<1280x1xf32, #tpu.memory_space<vmem>>, vector<1280x1xf32>
    %mul3A_15 = vector.broadcast %get3A_14 : vector<1280x1xf32> to vector<1280x32xf32>
    %mul3A_16 = arith.mulf %get3A_11, %mul3A_15 : vector<1280x32xf32>
    %add3A_17 = arith.addf %mul3A_8, %mul3A_16 : vector<1280x32xf32>
    %get3A_18 = arith.constant 0 : index
    %get3A_19 = arith.constant 0 : index
    %get3A_20 = vector.load %arg5[%get3A_18, %get3A_19] : memref<1x32xf32, #tpu.memory_space<vmem>>, vector<1x32xf32>
    %add3A_21 = vector.broadcast %get3A_20 : vector<1x32xf32> to vector<1280x32xf32>
    %add3A_22 = arith.addf %add3A_17, %add3A_21 : vector<1280x32xf32>
    %max3A = arith.constant 0.000000e+00 : f32
    %max3A_23 = vector.broadcast %max3A : f32 to vector<1280x32xf32>
    %max3A_24 = arith.maximumf %add3A_22, %max3A_23 : vector<1280x32xf32>
    %swap3A = arith.constant 0 : index
    %swap3A_25 = arith.constant 0 : index
    %swap3A_26 = vector.load %arg7[%swap3A, %swap3A_25] : memref<1280x32xf32, #tpu.memory_space<vmem>>, vector<1280x32xf32>
    tpu.vector_store %arg7[%swap3A, %swap3A_25], %max3A_24 {strides = array<i32>} : memref<1280x32xf32, #tpu.memory_space<vmem>>, vector<1280x32xf32>,
    %get3A_27 = arith.constant 0 : index
    %get3A_28 = arith.constant 0 : index
    %get3A_29 = vector.load %arg6[%get3A_27, %get3A_28] : memref<32x1xf32, #tpu.memory_space<vmem>>, vector<32x1xf32>
    %dot_general3A = arith.constant dense<0.000000e+00> : vector<1280x1xf32>
    %dot_general3A_30 = tpu.matmul %max3A_24, %get3A_29, %dot_general3A {dimension_numbers = #tpu.dot_dimension_numbers<[1], [0], [0], [1], [0, 0, 1, 1], [], []>, precision = #tpu.contract_precision<fp32>, transpose_lhs_hint = false} : vector<1280x32xf32>, vector<32x1xf32>, vector<1280x1xf32> -> vector<1280x1xf32>
    %swap3A_31 = arith.constant 0 : index
    %swap3A_32 = arith.constant 0 : index
    %swap3A_33 = vector.load %arg8[%swap3A_31, %swap3A_32] : memref<1280x1xf32, #tpu.memory_space<vmem>>, vector<1280x1xf32>
    tpu.vector_store %arg8[%swap3A_31, %swap3A_32], %dot_general3A_30 {strides = array<i32>} : memref<1280x1xf32, #tpu.memory_space<vmem>>, vector<1280x1xf32>,
    return
  }
  func.func @transform_0(%arg0: i32) -> (i32, i32, i32) {
    %c0_i32 = arith.constant 0 : i32
    %c0_i32_0 = arith.constant 0 : i32
    %c0_i32_1 = arith.constant 0 : i32
    return %c0_i32, %arg0, %c0_i32_0 : i32, i32, i32
  }
  func.func @transform_1(%arg0: i32) -> (i32, i32) {
    %c0_i32 = arith.constant 0 : i32
    %c0_i32_0 = arith.constant 0 : i32
    return %arg0, %c0_i32 : i32, i32
  }
  func.func @transform_2(%arg0: i32) -> (i32, i32) {
    %c0_i32 = arith.constant 0 : i32
    %c0_i32_0 = arith.constant 0 : i32
    return %arg0, %c0_i32 : i32, i32
  }
  func.func @transform_3(%arg0: i32) -> (i32, i32) {
    %c0_i32 = arith.constant 0 : i32
    %c0_i32_0 = arith.constant 0 : i32
    return %arg0, %c0_i32 : i32, i32
  }
  func.func @transform_4(%arg0: i32) -> (i32, i32) {
    %c0_i32 = arith.constant 0 : i32
    %c0_i32_0 = arith.constant 0 : i32
    %c0_i32_1 = arith.constant 0 : i32
    return %c0_i32, %c0_i32_0 : i32, i32
  }
  func.func @transform_5(%arg0: i32) -> (i32, i32) {
    %c0_i32 = arith.constant 0 : i32
    %c0_i32_0 = arith.constant 0 : i32
    %c0_i32_1 = arith.constant 0 : i32
    return %c0_i32, %c0_i32_0 : i32, i32
  }
  func.func @transform_6(%arg0: i32) -> (i32, i32) {
    %c0_i32 = arith.constant 0 : i32
    %c0_i32_0 = arith.constant 0 : i32
    return %arg0, %c0_i32 : i32, i32
  }
  func.func @transform_7(%arg0: i32) -> (i32, i32) {
    %c0_i32 = arith.constant 0 : i32
    %c0_i32_0 = arith.constant 0 : i32
    return %arg0, %c0_i32 : i32, i32
  }
}

module attributes {stable_mosaic.version = 14 : i64} {
  func.func @_select_body(%arg0: memref<10240x1xf32, #tpu.memory_space<vmem>>, %arg1: memref<10240x16xf32, #tpu.memory_space<vmem>>, %arg2: memref<32x1xf32, #tpu.memory_space<vmem>>, %arg3: memref<10240x1xf32, #tpu.memory_space<vmem>>, %arg4: memref<10240x16xf32, #tpu.memory_space<vmem>>) attributes {dimension_semantics = [], scalar_prefetch = 0 : i64, scratch_operands = 0 : i64, tpu.core_type = #tpu.core_type<tc>} {
    %get3A = arith.constant 0 : index
    %get3A_0 = arith.constant 0 : index
    %get3A_1 = vector.load %arg2[%get3A, %get3A_0] : memref<32x1xf32, #tpu.memory_space<vmem>>, vector<32x1xf32>
    %mul3A = arith.mulf %get3A_1, %get3A_1 : vector<32x1xf32>
    %reduce_sum3A = vector.shape_cast %mul3A : vector<32x1xf32> to vector<1x32x1xf32>
    %reduce_sum3A_2 = arith.constant dense<0.000000e+00> : vector<1xf32>
    %reduce_sum3A_3 = vector.multi_reduction <add>, %reduce_sum3A, %reduce_sum3A_2 [1, 2] : vector<1x32x1xf32> to vector<1xf32>
    %reduce_sum3A_4 = vector.shape_cast %reduce_sum3A_3 : vector<1xf32> to vector<1x1x1xf32>
    %reduce_sum3A_5 = vector.extract %reduce_sum3A_4[0, 0, 0] : f32 from vector<1x1x1xf32>
    %sqrt3A = math.sqrt %reduce_sum3A_5 : f32
    %add3A = arith.constant 1.000000e-16 : f32
    %add3A_6 = arith.addf %sqrt3A, %add3A : f32
    %get3A_7 = arith.constant 0 : index
    %get3A_8 = arith.constant 0 : index
    %get3A_9 = vector.load %arg0[%get3A_7, %get3A_8] : memref<10240x1xf32, #tpu.memory_space<vmem>>, vector<10240x1xf32>
    %div3A = vector.broadcast %add3A_6 : f32 to vector<10240x1xf32>
    %div3A_10 = arith.divf %get3A_9, %div3A : vector<10240x1xf32>
    %tanh3A = math.tanh %div3A_10 : vector<10240x1xf32>
    %get3A_11 = arith.constant 0 : index
    %get3A_12 = arith.constant 0 : index
    %get3A_13 = vector.load %arg1[%get3A_11, %get3A_12] : memref<10240x16xf32, #tpu.memory_space<vmem>>, vector<10240x1xf32>
    %gt3A = arith.constant 0.000000e+00 : f32
    %gt3A_14 = vector.broadcast %gt3A : f32 to vector<10240x1xf32>
    %gt3A_15 = arith.cmpf ogt, %get3A_13, %gt3A_14 : vector<10240x1xf32>
    %bitcast_convert_type3A = tpu.bitcast %tanh3A : vector<10240x1xf32> -> vector<10240x1xi32>
    %ge3A = arith.constant 0 : i32
    %ge3A_16 = vector.broadcast %ge3A : i32 to vector<10240x1xi32>
    %ge3A_17 = arith.cmpi sge, %bitcast_convert_type3A, %ge3A_16 : vector<10240x1xi32>
    %xor3A = arith.constant 2147483647 : i32
    %xor3A_18 = vector.broadcast %xor3A : i32 to vector<10240x1xi32>
    %xor3A_19 = arith.xori %bitcast_convert_type3A, %xor3A_18 : vector<10240x1xi32>
    %select_n3A = arith.select %ge3A_17, %bitcast_convert_type3A, %xor3A_19 : vector<10240x1xi1>, vector<10240x1xi32>
    %jit3A = arith.constant -2147483648 : i32
    %broadcast_in_dim3A = vector.broadcast %jit3A : i32 to vector<10240x1xi32>
    %select_n3A_20 = arith.select %gt3A_15, %select_n3A, %broadcast_in_dim3A : vector<10240x1xi1>, vector<10240x1xi32>
    %ge3A_21 = arith.constant 0 : i32
    %ge3A_22 = vector.broadcast %ge3A_21 : i32 to vector<10240x1xi32>
    %ge3A_23 = arith.cmpi sge, %select_n3A_20, %ge3A_22 : vector<10240x1xi32>
    %jit3A_24 = arith.constant 1 : i32
    %jit3A_25 = arith.constant 0 : i32
    %broadcast_in_dim3A_26 = vector.broadcast %jit3A_24 : i32 to vector<10240x1xi32>
    %broadcast_in_dim3A_27 = vector.broadcast %jit3A_25 : i32 to vector<10240x1xi32>
    %select_n3A_28 = arith.select %ge3A_23, %broadcast_in_dim3A_26, %broadcast_in_dim3A_27 : vector<10240x1xi1>, vector<10240x1xi32>
    %reduce_sum3A_29 = vector.shape_cast %select_n3A_28 : vector<10240x1xi32> to vector<1x10240x1xi32>
    %reduce_sum3A_30 = arith.constant dense<0> : vector<1xi32>
    %reduce_sum3A_31 = vector.multi_reduction <add>, %reduce_sum3A_29, %reduce_sum3A_30 [1, 2] : vector<1x10240x1xi32> to vector<1xi32>
    %reduce_sum3A_32 = vector.shape_cast %reduce_sum3A_31 : vector<1xi32> to vector<1x1x1xi32>
    %reduce_sum3A_33 = vector.extract %reduce_sum3A_32[0, 0, 0] : i32 from vector<1x1x1xi32>
    %ge3A_34 = arith.constant 1250 : i32
    %ge3A_35 = arith.cmpi sge, %reduce_sum3A_33, %ge3A_34 : i32
    %jit3A_36 = arith.constant 0 : i32
    %jit3A_37 = arith.constant -2147483648 : i32
    %select_n3A_38 = arith.select %ge3A_35, %jit3A_36, %jit3A_37 : i32
    %ge3A_39 = arith.constant 1250 : i32
    %ge3A_40 = arith.cmpi sge, %reduce_sum3A_33, %ge3A_39 : i32
    %jit3A_41 = arith.constant 2147483647 : i32
    %jit3A_42 = arith.constant -1 : i32
    %select_n3A_43 = arith.select %ge3A_40, %jit3A_41, %jit3A_42 : i32
    %scan3A = arith.constant 0 : i32
    %scan3A_44 = arith.constant 31 : i32
    %scan3A_45 = arith.addi %scan3A, %scan3A_44 : i32
    %scan3A_46 = arith.constant 1 : i32
    %scan3A_47:2 = scf.for %scan3A_85 = %scan3A to %scan3A_45 step %scan3A_46 iter_args(%scan3A_86 = %select_n3A_38, %scan3A_87 = %select_n3A_43) -> (i32, i32)  : i32 {
      %sub3A_88 = arith.subi %scan3A_87, %scan3A_86 : i32
      %shift_right_arithmetic3A = arith.constant 1 : i32
      %shift_right_arithmetic3A_89 = arith.shrsi %sub3A_88, %shift_right_arithmetic3A : i32
      %add3A_90 = arith.addi %scan3A_86, %shift_right_arithmetic3A_89 : i32
      %gt3A_91 = vector.broadcast %add3A_90 : i32 to vector<10240x1xi32>
      %gt3A_92 = arith.cmpi sgt, %select_n3A_20, %gt3A_91 : vector<10240x1xi32>
      %jit3A_93 = arith.constant 1 : i32
      %jit3A_94 = arith.constant 0 : i32
      %broadcast_in_dim3A_95 = vector.broadcast %jit3A_93 : i32 to vector<10240x1xi32>
      %broadcast_in_dim3A_96 = vector.broadcast %jit3A_94 : i32 to vector<10240x1xi32>
      %select_n3A_97 = arith.select %gt3A_92, %broadcast_in_dim3A_95, %broadcast_in_dim3A_96 : vector<10240x1xi1>, vector<10240x1xi32>
      %reduce_sum3A_98 = vector.shape_cast %select_n3A_97 : vector<10240x1xi32> to vector<1x10240x1xi32>
      %reduce_sum3A_99 = arith.constant dense<0> : vector<1xi32>
      %reduce_sum3A_100 = vector.multi_reduction <add>, %reduce_sum3A_98, %reduce_sum3A_99 [1, 2] : vector<1x10240x1xi32> to vector<1xi32>
      %reduce_sum3A_101 = vector.shape_cast %reduce_sum3A_100 : vector<1xi32> to vector<1x1x1xi32>
      %reduce_sum3A_102 = vector.extract %reduce_sum3A_101[0, 0, 0] : i32 from vector<1x1x1xi32>
      %lt3A = arith.constant 1250 : i32
      %lt3A_103 = arith.cmpi slt, %reduce_sum3A_102, %lt3A : i32
      %add3A_104 = arith.constant 1 : i32
      %add3A_105 = arith.addi %add3A_90, %add3A_104 : i32
      %select_n3A_106 = arith.select %lt3A_103, %scan3A_86, %add3A_105 : i32
      %select_n3A_107 = arith.select %lt3A_103, %add3A_90, %scan3A_87 : i32
      scf.yield %select_n3A_106, %select_n3A_107 : i32, i32
    }
    %gt3A_48 = vector.broadcast %scan3A_47#0 : i32 to vector<10240x1xi32>
    %gt3A_49 = arith.cmpi sgt, %select_n3A_20, %gt3A_48 : vector<10240x1xi32>
    %jit3A_50 = arith.constant 1 : i32
    %jit3A_51 = arith.constant 0 : i32
    %broadcast_in_dim3A_52 = vector.broadcast %jit3A_50 : i32 to vector<10240x1xi32>
    %broadcast_in_dim3A_53 = vector.broadcast %jit3A_51 : i32 to vector<10240x1xi32>
    %select_n3A_54 = arith.select %gt3A_49, %broadcast_in_dim3A_52, %broadcast_in_dim3A_53 : vector<10240x1xi1>, vector<10240x1xi32>
    %reduce_sum3A_55 = vector.shape_cast %select_n3A_54 : vector<10240x1xi32> to vector<1x10240x1xi32>
    %reduce_sum3A_56 = arith.constant dense<0> : vector<1xi32>
    %reduce_sum3A_57 = vector.multi_reduction <add>, %reduce_sum3A_55, %reduce_sum3A_56 [1, 2] : vector<1x10240x1xi32> to vector<1xi32>
    %reduce_sum3A_58 = vector.shape_cast %reduce_sum3A_57 : vector<1xi32> to vector<1x1x1xi32>
    %reduce_sum3A_59 = vector.extract %reduce_sum3A_58[0, 0, 0] : i32 from vector<1x1x1xi32>
    %sub3A = arith.constant 1250 : i32
    %sub3A_60 = arith.subi %sub3A, %reduce_sum3A_59 : i32
    %iota3A = tpu.iota {dimensions = array<i32: 0>} : vector<10240x1xi32>
    %eq3A = vector.broadcast %scan3A_47#0 : i32 to vector<10240x1xi32>
    %eq3A_61 = arith.cmpi eq, %select_n3A_20, %eq3A : vector<10240x1xi32>
    %scan3A_62 = arith.constant 0 : i32
    %scan3A_63 = arith.constant 10239 : i32
    %scan3A_64 = arith.constant 0 : i32
    %scan3A_65 = arith.constant 14 : i32
    %scan3A_66 = arith.addi %scan3A_64, %scan3A_65 : i32
    %scan3A_67 = arith.constant 1 : i32
    %scan3A_68:2 = scf.for %scan3A_85 = %scan3A_64 to %scan3A_66 step %scan3A_67 iter_args(%scan3A_86 = %scan3A_62, %scan3A_87 = %scan3A_63) -> (i32, i32)  : i32 {
      %sub3A_88 = arith.subi %scan3A_87, %scan3A_86 : i32
      %shift_right_arithmetic3A = arith.constant 1 : i32
      %shift_right_arithmetic3A_89 = arith.shrsi %sub3A_88, %shift_right_arithmetic3A : i32
      %add3A_90 = arith.addi %scan3A_86, %shift_right_arithmetic3A_89 : i32
      %le3A_91 = vector.broadcast %add3A_90 : i32 to vector<10240x1xi32>
      %le3A_92 = arith.cmpi sle, %iota3A, %le3A_91 : vector<10240x1xi32>
      %and3A_93 = arith.andi %eq3A_61, %le3A_92 : vector<10240x1xi1>
      %jit3A_94 = arith.constant 1 : i32
      %jit3A_95 = arith.constant 0 : i32
      %broadcast_in_dim3A_96 = vector.broadcast %jit3A_94 : i32 to vector<10240x1xi32>
      %broadcast_in_dim3A_97 = vector.broadcast %jit3A_95 : i32 to vector<10240x1xi32>
      %select_n3A_98 = arith.select %and3A_93, %broadcast_in_dim3A_96, %broadcast_in_dim3A_97 : vector<10240x1xi1>, vector<10240x1xi32>
      %reduce_sum3A_99 = vector.shape_cast %select_n3A_98 : vector<10240x1xi32> to vector<1x10240x1xi32>
      %reduce_sum3A_100 = arith.constant dense<0> : vector<1xi32>
      %reduce_sum3A_101 = vector.multi_reduction <add>, %reduce_sum3A_99, %reduce_sum3A_100 [1, 2] : vector<1x10240x1xi32> to vector<1xi32>
      %reduce_sum3A_102 = vector.shape_cast %reduce_sum3A_101 : vector<1xi32> to vector<1x1x1xi32>
      %reduce_sum3A_103 = vector.extract %reduce_sum3A_102[0, 0, 0] : i32 from vector<1x1x1xi32>
      %ge3A_104 = arith.cmpi sge, %reduce_sum3A_103, %sub3A_60 : i32
      %add3A_105 = arith.constant 1 : i32
      %add3A_106 = arith.addi %add3A_90, %add3A_105 : i32
      %select_n3A_107 = arith.select %ge3A_104, %scan3A_86, %add3A_106 : i32
      %select_n3A_108 = arith.select %ge3A_104, %add3A_90, %scan3A_87 : i32
      scf.yield %select_n3A_107, %select_n3A_108 : i32, i32
    }
    %gt3A_69 = vector.broadcast %scan3A_47#0 : i32 to vector<10240x1xi32>
    %gt3A_70 = arith.cmpi sgt, %select_n3A_20, %gt3A_69 : vector<10240x1xi32>
    %le3A = vector.broadcast %scan3A_68#0 : i32 to vector<10240x1xi32>
    %le3A_71 = arith.cmpi sle, %iota3A, %le3A : vector<10240x1xi32>
    %and3A = arith.andi %eq3A_61, %le3A_71 : vector<10240x1xi1>
    %or3A = arith.ori %gt3A_70, %and3A : vector<10240x1xi1>
    %jit3A_72 = arith.constant 1.000000e+00 : f32
    %jit3A_73 = arith.constant 0.000000e+00 : f32
    %broadcast_in_dim3A_74 = vector.broadcast %jit3A_72 : f32 to vector<10240x1xf32>
    %broadcast_in_dim3A_75 = vector.broadcast %jit3A_73 : f32 to vector<10240x1xf32>
    %select_n3A_76 = arith.select %or3A, %broadcast_in_dim3A_74, %broadcast_in_dim3A_75 : vector<10240x1xi1>, vector<10240x1xf32>
    %mul3A_77 = arith.mulf %tanh3A, %select_n3A_76 : vector<10240x1xf32>
    %swap3A = arith.constant 0 : index
    %swap3A_78 = arith.constant 0 : index
    %swap3A_79 = vector.load %arg3[%swap3A, %swap3A_78] : memref<10240x1xf32, #tpu.memory_space<vmem>>, vector<10240x1xf32>
    tpu.vector_store %arg3[%swap3A, %swap3A_78], %mul3A_77 {strides = array<i32>} : memref<10240x1xf32, #tpu.memory_space<vmem>>, vector<10240x1xf32>,
    %broadcast_in_dim3A_80 = vector.shape_cast %select_n3A_76 : vector<10240x1xf32> to vector<10240x1xf32>
    %broadcast_in_dim3A_81 = vector.broadcast %broadcast_in_dim3A_80 : vector<10240x1xf32> to vector<10240x16xf32>
    %swap3A_82 = arith.constant 0 : index
    %swap3A_83 = arith.constant 0 : index
    %swap3A_84 = vector.load %arg4[%swap3A_82, %swap3A_83] : memref<10240x16xf32, #tpu.memory_space<vmem>>, vector<10240x16xf32>
    tpu.vector_store %arg4[%swap3A_82, %swap3A_83], %broadcast_in_dim3A_81 {strides = array<i32>} : memref<10240x16xf32, #tpu.memory_space<vmem>>, vector<10240x16xf32>,
    return
  }
}

module attributes {stable_mosaic.version = 14 : i64} {
  func.func @_mm_scaled_body(%arg0: memref<10240x32xf32, #tpu.memory_space<vmem>>, %arg1: memref<10240x1xf32, #tpu.memory_space<vmem>>, %arg2: memref<32x16xf32, #tpu.memory_space<vmem>>, %arg3: memref<10240x16xf32, #tpu.memory_space<vmem>>) attributes {dimension_semantics = [], scalar_prefetch = 0 : i64, scratch_operands = 0 : i64, tpu.core_type = #tpu.core_type<tc>} {
    %get3A = arith.constant 0 : index
    %get3A_0 = arith.constant 0 : index
    %get3A_1 = vector.load %arg1[%get3A, %get3A_0] : memref<10240x1xf32, #tpu.memory_space<vmem>>, vector<10240x1xf32>
    %get3A_2 = arith.constant 0 : index
    %get3A_3 = arith.constant 0 : index
    %get3A_4 = vector.load %arg0[%get3A_2, %get3A_3] : memref<10240x32xf32, #tpu.memory_space<vmem>>, vector<10240x32xf32>
    %mul3A = vector.broadcast %get3A_1 : vector<10240x1xf32> to vector<10240x32xf32>
    %mul3A_5 = arith.mulf %mul3A, %get3A_4 : vector<10240x32xf32>
    %get3A_6 = arith.constant 0 : index
    %get3A_7 = arith.constant 0 : index
    %get3A_8 = vector.load %arg2[%get3A_6, %get3A_7] : memref<32x16xf32, #tpu.memory_space<vmem>>, vector<32x16xf32>
    %dot_general3A = arith.constant dense<0.000000e+00> : vector<10240x16xf32>
    %dot_general3A_9 = tpu.matmul %mul3A_5, %get3A_8, %dot_general3A {dimension_numbers = #tpu.dot_dimension_numbers<[1], [0], [0], [1], [0, 0, 1, 1], [], []>, precision = #tpu.contract_precision<fp32>, transpose_lhs_hint = false} : vector<10240x32xf32>, vector<32x16xf32>, vector<10240x16xf32> -> vector<10240x16xf32>
    %swap3A = arith.constant 0 : index
    %swap3A_10 = arith.constant 0 : index
    %swap3A_11 = vector.load %arg3[%swap3A, %swap3A_10] : memref<10240x16xf32, #tpu.memory_space<vmem>>, vector<10240x16xf32>
    tpu.vector_store %arg3[%swap3A, %swap3A_10], %dot_general3A_9 {strides = array<i32>} : memref<10240x16xf32, #tpu.memory_space<vmem>>, vector<10240x16xf32>,
    return
  }
}

module attributes {stable_mosaic.version = 14 : i64} {
  func.func @_prep_body(%arg0: memref<10240x32xf32, #tpu.memory_space<vmem>>, %arg1: memref<10240x16xf32, #tpu.memory_space<vmem>>, %arg2: memref<10240x16xf32, #tpu.memory_space<vmem>>, %arg3: memref<10240x128xf32, #tpu.memory_space<vmem>>, %arg4: memref<10240x1xf32, #tpu.memory_space<vmem>>, %arg5: memref<10240x1xf32, #tpu.memory_space<vmem>>) attributes {dimension_semantics = [], scalar_prefetch = 0 : i64, scratch_operands = 0 : i64, tpu.core_type = #tpu.core_type<tc>} {
    %get3A = arith.constant 0 : index
    %get3A_0 = arith.constant 0 : index
    %get3A_1 = vector.load %arg0[%get3A, %get3A_0] : memref<10240x32xf32, #tpu.memory_space<vmem>>, vector<10240x32xf32>
    %reduce_sum3A = arith.constant dense<0.000000e+00> : vector<10240xf32>
    %reduce_sum3A_2 = vector.multi_reduction <add>, %get3A_1, %reduce_sum3A [1] : vector<10240x32xf32> to vector<10240xf32>
    %broadcast_in_dim3A = vector.shape_cast %reduce_sum3A_2 : vector<10240xf32> to vector<10240x1xf32>
    %add3A = arith.constant 1.000000e+00 : f32
    %add3A_3 = vector.broadcast %add3A : f32 to vector<10240x1xf32>
    %add3A_4 = arith.addf %add3A_3, %broadcast_in_dim3A : vector<10240x1xf32>
    %rsqrt3A = math.rsqrt %add3A_4 : vector<10240x1xf32>
    %get3A_5 = arith.constant 0 : index
    %get3A_6 = arith.constant 0 : index
    %get3A_7 = vector.load %arg1[%get3A_5, %get3A_6] : memref<10240x16xf32, #tpu.memory_space<vmem>>, vector<10240x1xf32>
    %mul3A = arith.mulf %rsqrt3A, %get3A_7 : vector<10240x1xf32>
    %swap3A = arith.constant 0 : index
    %swap3A_8 = arith.constant 0 : index
    %swap3A_9 = vector.load %arg4[%swap3A, %swap3A_8] : memref<10240x1xf32, #tpu.memory_space<vmem>>, vector<10240x1xf32>
    tpu.vector_store %arg4[%swap3A, %swap3A_8], %mul3A {strides = array<i32>} : memref<10240x1xf32, #tpu.memory_space<vmem>>, vector<10240x1xf32>,
    %mul3A_10 = arith.mulf %rsqrt3A, %rsqrt3A : vector<10240x1xf32>
    %swap3A_11 = arith.constant 0 : index
    %swap3A_12 = arith.constant 0 : index
    %swap3A_13 = vector.load %arg5[%swap3A_11, %swap3A_12] : memref<10240x1xf32, #tpu.memory_space<vmem>>, vector<10240x1xf32>
    tpu.vector_store %arg5[%swap3A_11, %swap3A_12], %mul3A_10 {strides = array<i32>} : memref<10240x1xf32, #tpu.memory_space<vmem>>, vector<10240x1xf32>,
    %get3A_14 = arith.constant 0 : index
    %get3A_15 = arith.constant 0 : index
    %get3A_16 = vector.load %arg2[%get3A_14, %get3A_15] : memref<10240x16xf32, #tpu.memory_space<vmem>>, vector<10240x16xf32>
    %mul3A_17 = vector.broadcast %mul3A : vector<10240x1xf32> to vector<10240x16xf32>
    %mul3A_18 = arith.mulf %mul3A_17, %get3A_16 : vector<10240x16xf32>
    %swap3A_19 = arith.constant 0 : index
    %swap3A_20 = arith.constant 0 : index
    %swap3A_21 = vector.load %arg3[%swap3A_19, %swap3A_20] : memref<10240x128xf32, #tpu.memory_space<vmem>>, vector<10240x16xf32>
    tpu.vector_store %arg3[%swap3A_19, %swap3A_20], %mul3A_18 {strides = array<i32>} : memref<10240x128xf32, #tpu.memory_space<vmem>>, vector<10240x16xf32>,
    %broadcast_in_dim3A_22 = arith.constant 0.000000e+00 : f32
    %broadcast_in_dim3A_23 = vector.broadcast %broadcast_in_dim3A_22 : f32 to vector<10240x112xf32>
    %swap3A_24 = arith.constant 0 : index
    %swap3A_25 = arith.constant 16 : index
    %swap3A_26 = vector.load %arg3[%swap3A_24, %swap3A_25] : memref<10240x128xf32, #tpu.memory_space<vmem>>, vector<10240x112xf32>
    tpu.vector_store %arg3[%swap3A_24, %swap3A_25], %broadcast_in_dim3A_23 {strides = array<i32>} : memref<10240x128xf32, #tpu.memory_space<vmem>>, vector<10240x112xf32>,
    return
  }
}

module attributes {stable_mosaic.version = 14 : i64} {
  func.func @_final_body(%arg0: i32, %arg1: memref<2x1280x16xf32, #tpu.memory_space<vmem>>, %arg2: memref<1280x16xf32, #tpu.memory_space<vmem>>, %arg3: memref<1280x1xf32, #tpu.memory_space<vmem>>, %arg4: memref<1280x1xf32, #tpu.memory_space<vmem>>, %arg5: memref<1280x16xf32, #tpu.memory_space<vmem>>, %arg6: memref<1280x1xi32, #tpu.memory_space<vmem>>, %arg7: memref<1x16xf32, #tpu.memory_space<vmem>>, %arg8: memref<16x1xf32, #tpu.memory_space<vmem>>, %arg9: memref<1x1xf32, #tpu.memory_space<vmem>>, %arg10: memref<16x1xf32, #tpu.memory_space<vmem>>, %arg11: memref<16x16xf32, #tpu.memory_space<vmem>>, %arg12: memref<16x1xf32, #tpu.memory_space<vmem>>) attributes {dimension_semantics = [#tpu.dimension_semantics<arbitrary>], iteration_bounds = array<i64: 8>, scalar_prefetch = 0 : i64, scratch_operands = 2 : i64, tpu.core_type = #tpu.core_type<tc>, window_params = [{transform_indices = @transform_0, window_bounds = array<i64: 2, 1280, 16>}, {transform_indices = @transform_1, window_bounds = array<i64: 1280, 16>}, {transform_indices = @transform_2, window_bounds = array<i64: 1280, 1>}, {transform_indices = @transform_3, window_bounds = array<i64: 1280, 1>}, {transform_indices = @transform_4, window_bounds = array<i64: 1280, 16>}, {transform_indices = @transform_5, window_bounds = array<i64: 1280, 1>}, {pipeline_mode = #tpu.pipeline_mode<synchronous>, transform_indices = @transform_6, window_bounds = array<i64: 1, 16>}, {pipeline_mode = #tpu.pipeline_mode<synchronous>, transform_indices = @transform_7, window_bounds = array<i64: 16, 1>}, {pipeline_mode = #tpu.pipeline_mode<synchronous>, transform_indices = @transform_8, window_bounds = array<i64: 1, 1>}, {pipeline_mode = #tpu.pipeline_mode<synchronous>, transform_indices = @transform_9, window_bounds = array<i64: 16, 1>}]} {
    %get3A = arith.constant 0 : index
    %get3A_0 = arith.constant 0 : index
    %get3A_1 = arith.constant 0 : index
    %get3A_2 = vector.load %arg1[%get3A, %get3A_0, %get3A_1] : memref<2x1280x16xf32, #tpu.memory_space<vmem>>, vector<2x1280x16xf32>
    %get3A_3 = arith.constant 0 : index
    %get3A_4 = arith.constant 0 : index
    %get3A_5 = vector.load %arg3[%get3A_3, %get3A_4] : memref<1280x1xf32, #tpu.memory_space<vmem>>, vector<1280x1xf32>
    %slice3A = vector.extract_strided_slice %get3A_2 {offsets = [0, 0, 0], sizes = [1, 1280, 16], strides = [1, 1, 1]} : vector<2x1280x16xf32> to vector<1x1280x16xf32>
    %squeeze3A = vector.shape_cast %slice3A : vector<1x1280x16xf32> to vector<1280x16xf32>
    %slice3A_6 = vector.extract_strided_slice %get3A_2 {offsets = [1, 0, 0], sizes = [1, 1280, 16], strides = [1, 1, 1]} : vector<2x1280x16xf32> to vector<1x1280x16xf32>
    %squeeze3A_7 = vector.shape_cast %slice3A_6 : vector<1x1280x16xf32> to vector<1280x16xf32>
    %add3A = arith.addf %squeeze3A, %squeeze3A_7 : vector<1280x16xf32>
    %mul3A = vector.broadcast %get3A_5 : vector<1280x1xf32> to vector<1280x16xf32>
    %mul3A_8 = arith.mulf %mul3A, %add3A : vector<1280x16xf32>
    %get3A_9 = arith.constant 0 : index
    %get3A_10 = arith.constant 0 : index
    %get3A_11 = vector.load %arg2[%get3A_9, %get3A_10] : memref<1280x16xf32, #tpu.memory_space<vmem>>, vector<1280x16xf32>
    %get3A_12 = arith.constant 0 : index
    %get3A_13 = arith.constant 0 : index
    %get3A_14 = vector.load %arg4[%get3A_12, %get3A_13] : memref<1280x1xf32, #tpu.memory_space<vmem>>, vector<1280x1xf32>
    %mul3A_15 = vector.broadcast %get3A_14 : vector<1280x1xf32> to vector<1280x16xf32>
    %mul3A_16 = arith.mulf %get3A_11, %mul3A_15 : vector<1280x16xf32>
    %add3A_17 = arith.addf %mul3A_8, %mul3A_16 : vector<1280x16xf32>
    %get3A_18 = arith.constant 0 : index
    %get3A_19 = arith.constant 0 : index
    %get3A_20 = vector.load %arg7[%get3A_18, %get3A_19] : memref<1x16xf32, #tpu.memory_space<vmem>>, vector<1x16xf32>
    %add3A_21 = vector.broadcast %get3A_20 : vector<1x16xf32> to vector<1280x16xf32>
    %add3A_22 = arith.addf %add3A_17, %add3A_21 : vector<1280x16xf32>
    %max3A = arith.constant 0.000000e+00 : f32
    %max3A_23 = vector.broadcast %max3A : f32 to vector<1280x16xf32>
    %max3A_24 = arith.maximumf %add3A_22, %max3A_23 : vector<1280x16xf32>
    %get3A_25 = arith.constant 0 : index
    %get3A_26 = arith.constant 0 : index
    %get3A_27 = vector.load %arg5[%get3A_25, %get3A_26] : memref<1280x16xf32, #tpu.memory_space<vmem>>, vector<1280x1xf32>
    %mul3A_28 = vector.broadcast %get3A_27 : vector<1280x1xf32> to vector<1280x16xf32>
    %mul3A_29 = arith.mulf %max3A_24, %mul3A_28 : vector<1280x16xf32>
    %iota3A = tpu.iota {dimensions = array<i32: 1>} : vector<1280x16xi32>
    %get3A_30 = arith.constant 0 : index
    %get3A_31 = arith.constant 0 : index
    %get3A_32 = vector.load %arg6[%get3A_30, %get3A_31] : memref<1280x1xi32, #tpu.memory_space<vmem>>, vector<1280x1xi32>
    %eq3A = vector.broadcast %get3A_32 : vector<1280x1xi32> to vector<1280x16xi32>
    %eq3A_33 = arith.cmpi eq, %eq3A, %iota3A : vector<1280x16xi32>
    %gt3A = arith.constant 0.000000e+00 : f32
    %gt3A_34 = vector.broadcast %gt3A : f32 to vector<1280x1xf32>
    %gt3A_35 = arith.cmpf ogt, %get3A_27, %gt3A_34 : vector<1280x1xf32>
    %and3A = vector.broadcast %gt3A_35 : vector<1280x1xi1> to vector<1280x16xi1>
    %and3A_36 = arith.andi %eq3A_33, %and3A : vector<1280x16xi1>
    %jit3A = arith.constant 1.000000e+00 : f32
    %jit3A_37 = arith.constant 0.000000e+00 : f32
    %broadcast_in_dim3A = vector.broadcast %jit3A : f32 to vector<1280x16xf32>
    %broadcast_in_dim3A_38 = vector.broadcast %jit3A_37 : f32 to vector<1280x16xf32>
    %select_n3A = arith.select %and3A_36, %broadcast_in_dim3A, %broadcast_in_dim3A_38 : vector<1280x16xi1>, vector<1280x16xf32>
    %dot_general3A = arith.constant dense<0.000000e+00> : vector<16x16xf32>
    %dot_general3A_39 = tpu.matmul %select_n3A, %mul3A_29, %dot_general3A {dimension_numbers = #tpu.dot_dimension_numbers<[0], [0], [1], [1], [0, 1, 1, 1], [], []>, precision = #tpu.contract_precision<fp32>, transpose_lhs_hint = false} : vector<1280x16xf32>, vector<1280x16xf32>, vector<16x16xf32> -> vector<16x16xf32>
    %broadcast_in_dim3A_40 = arith.constant 1.000000e+00 : f32
    %broadcast_in_dim3A_41 = vector.broadcast %broadcast_in_dim3A_40 : f32 to vector<1280x1xf32>
    %dot_general3A_42 = arith.constant dense<0.000000e+00> : vector<16x1xf32>
    %dot_general3A_43 = tpu.matmul %select_n3A, %broadcast_in_dim3A_41, %dot_general3A_42 {dimension_numbers = #tpu.dot_dimension_numbers<[0], [0], [1], [1], [0, 1, 1, 1], [], []>, precision = #tpu.contract_precision<fp32>, transpose_lhs_hint = false} : vector<1280x16xf32>, vector<1280x1xf32>, vector<16x1xf32> -> vector<16x1xf32>
    %eq3A_44 = arith.constant 0 : i32
    %eq3A_45 = arith.cmpi eq, %arg0, %eq3A_44 : i32
    %convert_element_type3A = arith.extui %eq3A_45 : i1 to i32
    %cond3A = arith.constant 0 : i32
    %cond3A_46 = arith.cmpi ne, %convert_element_type3A, %cond3A : i32
    scf.if %cond3A_46 {
      %swap3A = arith.constant 0 : index
      %swap3A_56 = arith.constant 0 : index
      %swap3A_57 = vector.load %arg11[%swap3A, %swap3A_56] : memref<16x16xf32, #tpu.memory_space<vmem>>, vector<16x16xf32>
      tpu.vector_store %arg11[%swap3A, %swap3A_56], %dot_general3A_39 {strides = array<i32>} : memref<16x16xf32, #tpu.memory_space<vmem>>, vector<16x16xf32>,
      %swap3A_58 = arith.constant 0 : index
      %swap3A_59 = arith.constant 0 : index
      %swap3A_60 = vector.load %arg12[%swap3A_58, %swap3A_59] : memref<16x1xf32, #tpu.memory_space<vmem>>, vector<16x1xf32>
      tpu.vector_store %arg12[%swap3A_58, %swap3A_59], %dot_general3A_43 {strides = array<i32>} : memref<16x1xf32, #tpu.memory_space<vmem>>, vector<16x1xf32>,
    } else {
    }
    %ne3A = arith.constant 0 : i32
    %ne3A_47 = arith.cmpi ne, %arg0, %ne3A : i32
    %convert_element_type3A_48 = arith.extui %ne3A_47 : i1 to i32
    %cond3A_49 = arith.constant 0 : i32
    %cond3A_50 = arith.cmpi ne, %convert_element_type3A_48, %cond3A_49 : i32
    scf.if %cond3A_50 {
      %get3A_56 = arith.constant 0 : index
      %get3A_57 = arith.constant 0 : index
      %get3A_58 = vector.load %arg11[%get3A_56, %get3A_57] : memref<16x16xf32, #tpu.memory_space<vmem>>, vector<16x16xf32>
      %add3A_59 = arith.addf %get3A_58, %dot_general3A_39 : vector<16x16xf32>
      %swap3A = arith.constant 0 : index
      %swap3A_60 = arith.constant 0 : index
      %swap3A_61 = vector.load %arg11[%swap3A, %swap3A_60] : memref<16x16xf32, #tpu.memory_space<vmem>>, vector<16x16xf32>
      tpu.vector_store %arg11[%swap3A, %swap3A_60], %add3A_59 {strides = array<i32>} : memref<16x16xf32, #tpu.memory_space<vmem>>, vector<16x16xf32>,
      %get3A_62 = arith.constant 0 : index
      %get3A_63 = arith.constant 0 : index
      %get3A_64 = vector.load %arg12[%get3A_62, %get3A_63] : memref<16x1xf32, #tpu.memory_space<vmem>>, vector<16x1xf32>
      %add3A_65 = arith.addf %get3A_64, %dot_general3A_43 : vector<16x1xf32>
      %swap3A_66 = arith.constant 0 : index
      %swap3A_67 = arith.constant 0 : index
      %swap3A_68 = vector.load %arg12[%swap3A_66, %swap3A_67] : memref<16x1xf32, #tpu.memory_space<vmem>>, vector<16x1xf32>
      tpu.vector_store %arg12[%swap3A_66, %swap3A_67], %add3A_65 {strides = array<i32>} : memref<16x1xf32, #tpu.memory_space<vmem>>, vector<16x1xf32>,
    } else {
    }
    %eq3A_51 = arith.constant 7 : i32
    %eq3A_52 = arith.cmpi eq, %arg0, %eq3A_51 : i32
    %convert_element_type3A_53 = arith.extui %eq3A_52 : i1 to i32
    %cond3A_54 = arith.constant 0 : i32
    %cond3A_55 = arith.cmpi ne, %convert_element_type3A_53, %cond3A_54 : i32
    scf.if %cond3A_55 {
      %get3A_56 = arith.constant 0 : index
      %get3A_57 = arith.constant 0 : index
      %get3A_58 = vector.load %arg11[%get3A_56, %get3A_57] : memref<16x16xf32, #tpu.memory_space<vmem>>, vector<16x16xf32>
      %get3A_59 = arith.constant 0 : index
      %get3A_60 = arith.constant 0 : index
      %get3A_61 = vector.load %arg12[%get3A_59, %get3A_60] : memref<16x1xf32, #tpu.memory_space<vmem>>, vector<16x1xf32>
      %max3A_62 = arith.constant 1.000000e+00 : f32
      %max3A_63 = vector.broadcast %max3A_62 : f32 to vector<16x1xf32>
      %max3A_64 = arith.maximumf %get3A_61, %max3A_63 : vector<16x1xf32>
      %div3A = vector.broadcast %max3A_64 : vector<16x1xf32> to vector<16x16xf32>
      %div3A_65 = arith.divf %get3A_58, %div3A : vector<16x16xf32>
      %get3A_66 = arith.constant 0 : index
      %get3A_67 = arith.constant 0 : index
      %get3A_68 = vector.load %arg8[%get3A_66, %get3A_67] : memref<16x1xf32, #tpu.memory_space<vmem>>, vector<16x1xf32>
      %dot_general3A_69 = arith.constant dense<0.000000e+00> : vector<16x1xf32>
      %dot_general3A_70 = tpu.matmul %div3A_65, %get3A_68, %dot_general3A_69 {dimension_numbers = #tpu.dot_dimension_numbers<[1], [0], [0], [1], [0, 0, 1, 1], [], []>, precision = #tpu.contract_precision<fp32>, transpose_lhs_hint = false} : vector<16x16xf32>, vector<16x1xf32>, vector<16x1xf32> -> vector<16x1xf32>
      %get3A_71 = arith.constant 0 : index
      %get3A_72 = arith.constant 0 : index
      %get3A_73 = vector.load %arg9[%get3A_71, %get3A_72] : memref<1x1xf32, #tpu.memory_space<vmem>>, vector<1x1xf32>
      %add3A_74 = vector.broadcast %get3A_73 : vector<1x1xf32> to vector<16x1xf32>
      %add3A_75 = arith.addf %dot_general3A_70, %add3A_74 : vector<16x1xf32>
      %mul3A_76 = arith.constant 1.000000e+02 : f32
      %mul3A_77 = vector.broadcast %mul3A_76 : f32 to vector<16x1xf32>
      %mul3A_78 = arith.mulf %add3A_75, %mul3A_77 : vector<16x1xf32>
      %swap3A = arith.constant 0 : index
      %swap3A_79 = arith.constant 0 : index
      %swap3A_80 = vector.load %arg10[%swap3A, %swap3A_79] : memref<16x1xf32, #tpu.memory_space<vmem>>, vector<16x1xf32>
      tpu.vector_store %arg10[%swap3A, %swap3A_79], %mul3A_78 {strides = array<i32>} : memref<16x1xf32, #tpu.memory_space<vmem>>, vector<16x1xf32>,
    } else {
    }
    return
  }
  func.func @transform_0(%arg0: i32) -> (i32, i32, i32) {
    %c0_i32 = arith.constant 0 : i32
    %c0_i32_0 = arith.constant 0 : i32
    %c0_i32_1 = arith.constant 0 : i32
    return %c0_i32, %arg0, %c0_i32_0 : i32, i32, i32
  }
  func.func @transform_1(%arg0: i32) -> (i32, i32) {
    %c0_i32 = arith.constant 0 : i32
    %c0_i32_0 = arith.constant 0 : i32
    return %arg0, %c0_i32 : i32, i32
  }
  func.func @transform_2(%arg0: i32) -> (i32, i32) {
    %c0_i32 = arith.constant 0 : i32
    %c0_i32_0 = arith.constant 0 : i32
    return %arg0, %c0_i32 : i32, i32
  }
  func.func @transform_3(%arg0: i32) -> (i32, i32) {
    %c0_i32 = arith.constant 0 : i32
    %c0_i32_0 = arith.constant 0 : i32
    return %arg0, %c0_i32 : i32, i32
  }
  func.func @transform_4(%arg0: i32) -> (i32, i32) {
    %c0_i32 = arith.constant 0 : i32
    %c0_i32_0 = arith.constant 0 : i32
    return %arg0, %c0_i32 : i32, i32
  }
  func.func @transform_5(%arg0: i32) -> (i32, i32) {
    %c0_i32 = arith.constant 0 : i32
    %c0_i32_0 = arith.constant 0 : i32
    return %arg0, %c0_i32 : i32, i32
  }
  func.func @transform_6(%arg0: i32) -> (i32, i32) {
    %c0_i32 = arith.constant 0 : i32
    %c0_i32_0 = arith.constant 0 : i32
    %c0_i32_1 = arith.constant 0 : i32
    return %c0_i32, %c0_i32_0 : i32, i32
  }
  func.func @transform_7(%arg0: i32) -> (i32, i32) {
    %c0_i32 = arith.constant 0 : i32
    %c0_i32_0 = arith.constant 0 : i32
    %c0_i32_1 = arith.constant 0 : i32
    return %c0_i32, %c0_i32_0 : i32, i32
  }
  func.func @transform_8(%arg0: i32) -> (i32, i32) {
    %c0_i32 = arith.constant 0 : i32
    %c0_i32_0 = arith.constant 0 : i32
    %c0_i32_1 = arith.constant 0 : i32
    return %c0_i32, %c0_i32_0 : i32, i32
  }
  func.func @transform_9(%arg0: i32) -> (i32, i32) {
    %c0_i32 = arith.constant 0 : i32
    %c0_i32_0 = arith.constant 0 : i32
    %c0_i32_1 = arith.constant 0 : i32
    return %c0_i32, %c0_i32_0 : i32, i32
  }
}

</mosaic_0001>

<sc_bundles>
// kernel: kernel.25.cloned.1.call-start
scs
__scs_entry_jumppad:
0x0: {  	(pc) =	sbr.rel $0x88, $3  }
0x1: {  	(tag) =	ssettag $0x0;
	lr =	simm.s32 $0x1  }
0x2: {  	[smem:$0x3F91] =	sst lr;
	_ =	strace $0xD0000000  }
0x3: {  	_ = 	snop  }
0x4: {  	_ = 	snop  }
0x5: {  	_ = 	snop  }
0x6: {  	_ = 	snop  }
0x7: {  	_ = 	snop  }
__scs_overlays_trampoline_lowered:
0x8: {  	[smem:$0x3FA0] =	sst s0  }
0x9: {  	[smem:$0x3FA1] =	sst s1  }
0xa: {  	[smem:$0x3FA2] =	sst s2  }
0xb: {  	[smem:$0x3FA3] =	sst s3  }
0xc: {  	[smem:$0x3FA4] =	sst s4  }
0xd: {  	[smem:$0x3FA5] =	sst s5  }
0xe: {  	[smem:$0x3FA6] =	sst s6  }
0xf: {  	[smem:$0x3FA7] =	sst s7  }
0x10: {  	[smem:$0x3FA8] =	sst s8  }
0x11: {  	[smem:$0x3FA9] =	sst s9;
	s0 =	simm.s32 @!p0 $0x0  }
0x12: {  	s1 =	sld [smem:$0x3F8F];
	s0 =	simm.s32 @p0 $0x1  }
0x13: {  	[smem:$0x3FAA] =	sst s0;
	s0 =	simm.s32 @!p1 $0x0  }
0x14: {  	s2 =	sld [smem:$0x3F8E];
	s0 =	simm.s32 @p1 $0x1  }
0x15: {  	[smem:$0x3FAB] =	sst s0;
	s0 =	simm.s32 @!p2 $0x0  }
0x16: {  	s3 =	sld [smem:$0x3FDB];
	s0 =	simm.s32 @p2 $0x1  }
0x17: {  	s4 =	simm.s32 $0x1BF5;
	[smem:$0x3FAD] =	sst s0  }
0x18: {  	s0 =	sld [smem:$0x3F90];
	_ =	swait.ge [sflag:s4], $0x0  }
0x19: {  	s7 =	sld [smem:$0x3F91]  }
0x1a: {  	s8 =	sadd.s32 $0xFFFFE003, lr  }
0x1b: {  	s9 =	sadd.s32 $0xFFFFFEF7, lr;
	s5 =	simm.s32 $0xFFFFFFFF;
	p2 =	slt.u32 s8, $0xFFFFF086  }
0x1c: {  	p1 =	slt.u32 s9, $0xF7A;
	s5 =	simm.s32 @!p2 $0x0  }
0x1d: {  	s5 =	simm.s32 @p1 $0x1;
	p0 =	seq.s32 s7, s2  }
0x1e: {  	s7 =	smul.u32 @!p0 $0xF7A, s2;
	p2 =	seq.s32 @!p0 s5, $0x0  }
0x1f: {  	s9 =	smul.u32 $0xF7A, s1;
	s8 =	simm.s32 @!p0 $0x1BF5;
	p2 =	por !p2, p0  }
0x20: {  	[sflag:s8] =	ssyncset.s32 @!p0 $0xFFFFF086;
	s6 =	sadd.s32 @!p0 s3, s7;
	s7 =	simm.s32 @!p0 $0x108  }
0x21: {  	s3 =	sadd.s32 s3, s9;
	s6 =	sadd.s32 @!p0 $0x88, s6;
	s7 =	simm.s32 @p2 $0x1082  }
0x22: {  	[simem:s7], [sflag:s8] =	dma.local @!p0 [hbm:s6], $0xF7A  }
0x23: {  	s9 =	sor.u32 $0xD0000000, s2;
	s6 =	simm.s32 $0x108;
	_ =	swait.ge @!p0 [sflag:s8], $0x0  }
0x24: {  	s3 =	sadd.s32 $0x88, s3;
	s6 =	simm.s32 @!p1 $0x1082;
	[sflag:s4] =	ssyncset.s32 $0xFFFFF086  }
0x25: {  	[simem:s6], [sflag:s4] =	dma.local [hbm:s3], $0xF7A  }
0x26: {  	[smem:$0x3F91] =	sst s1;
	(tag) =	ssettag s2;
	_ =	strace s9  }
0x27: {  	s1 =	sld [smem:$0x3FA1]  }
0x28: {  	s2 =	sld [smem:$0x3FA2]  }
0x29: {  	s4 =	sld [smem:$0x3FA4]  }
0x2a: {  	p0 =	seq.s32 s5, $0x0;
	s5 =	sld [smem:$0x3FA5]  }
0x2b: {  	s6 =	sld [smem:$0x3FA6]  }
0x2c: {  	s7 =	sld [smem:$0x3FA7]  }
0x2d: {  	s3 =	simm.s32 $0x108;
	s8 =	sld [smem:$0x3FA8]  }
0x2e: {  	s3 =	simm.s32 @!p0 $0x1082;
	s9 =	sld [smem:$0x3FA9]  }
0x2f: {  	lr =	sadd.s32 s0, s3;
	s0 =	sld [smem:$0x3FA0]  }
0x30: {  	s3 =	sld [smem:$0x3FA3]  }
0x31: {  	[smem:$0x3FAC] =	sst s10  }
0x32: {  	s10 =	sld [smem:$0x3FAA];
	_ =	sdelay $0x3  }
0x33: {  	p0 =	seq.s32 s10, $0x1;
	s10 =	sld [smem:$0x3FAC];
	_ =	sdelay $0x3  }
0x34: {  	[smem:$0x3FAC] =	sst s10  }
0x35: {  	s10 =	sld [smem:$0x3FAB];
	_ =	sdelay $0x3  }
0x36: {  	p1 =	seq.s32 s10, $0x1;
	s10 =	sld [smem:$0x3FAC];
	_ =	sdelay $0x3  }
0x37: {  	[smem:$0x3FAC] =	sst s10  }
0x38: {  	s10 =	sld [smem:$0x3FAD]  }
0x39: {  	_ = 	snop;
	(pc) =	sbr.ind lr, $3  }
0x3a: {  	_ = 	snop  }
0x3b: {  	_ = 	snop  }
0x3c: {  	p2 =	seq.s32 s10, $0x1;
	s10 =	sld [smem:$0x3FAC]  }
0x3d: {  	_ =	shalt  }
0x3e: {  	_ =	shalt  }
0x3f: {  	_ =	shalt  }
0x40: {  	_ =	shalt  }
0x41: {  	_ =	shalt  }
0x42: {  	_ =	shalt  }
0x43: {  	_ =	shalt  }
0x44: {  	_ =	shalt  }
0x45: {  	_ =	shalt  }
0x46: {  	_ =	shalt  }
0x47: {  	_ =	shalt  }
0x48: {  	_ =	shalt  }
0x49: {  	_ =	shalt  }
0x4a: {  	_ =	shalt  }
0x4b: {  	_ =	shalt  }
0x4c: {  	_ =	shalt  }
0x4d: {  	_ =	shalt  }
0x4e: {  	_ =	shalt  }
0x4f: {  	_ =	shalt  }
0x50: {  	_ =	shalt  }
0x51: {  	_ =	shalt  }
0x52: {  	_ =	shalt  }
0x53: {  	_ =	shalt  }
0x54: {  	_ =	shalt  }
0x55: {  	_ =	shalt  }
0x56: {  	_ =	shalt  }
0x57: {  	_ =	shalt  }
0x58: {  	_ =	shalt  }
0x59: {  	_ =	shalt  }
0x5a: {  	_ =	shalt  }
0x5b: {  	_ =	shalt  }
0x5c: {  	_ =	shalt  }
0x5d: {  	_ =	shalt  }
0x5e: {  	_ =	shalt  }
0x5f: {  	_ =	shalt  }
0x60: {  	_ =	shalt  }
0x61: {  	_ =	shalt  }
0x62: {  	_ =	shalt  }
0x63: {  	_ =	shalt  }
0x64: {  	_ =	shalt  }
0x65: {  	_ =	shalt  }
0x66: {  	_ =	shalt  }
0x67: {  	_ =	shalt  }
0x68: {  	_ =	shalt  }
0x69: {  	_ =	shalt  }
0x6a: {  	_ =	shalt  }
0x6b: {  	_ =	shalt  }
0x6c: {  	_ =	shalt  }
0x6d: {  	_ =	shalt  }
0x6e: {  	_ =	shalt  }
0x6f: {  	_ =	shalt  }
0x70: {  	_ =	shalt  }
0x71: {  	_ =	shalt  }
0x72: {  	_ =	shalt  }
0x73: {  	_ =	shalt  }
0x74: {  	_ =	shalt  }
0x75: {  	_ =	shalt  }
0x76: {  	_ =	shalt  }
0x77: {  	_ =	shalt  }
0x78: {  	_ =	shalt  }
0x79: {  	_ =	shalt  }
0x7a: {  	_ =	shalt  }
0x7b: {  	_ =	shalt  }
0x7c: {  	_ =	shalt  }
0x7d: {  	_ =	shalt  }
0x7e: {  	_ =	shalt  }
0x7f: {  	_ =	shalt  }
0x80: {  	_ =	shalt  }
0x81: {  	_ =	shalt  }
0x82: {  	_ =	shalt  }
0x83: {  	_ =	shalt  }
0x84: {  	_ =	shalt  }
0x85: {  	_ =	shalt  }
0x86: {  	_ =	shalt  }
0x87: {  	_ =	shalt  }
.Lfunc_end0:
.L_simem_size_0:
called_computation_lowered:
.L_overlay_start_0:
0x88: {  	s2 =	sld [smem:$0x3FD9]  }
0x89: {  	s3 =	sld [smem:$0x3FFE];
	_ =	sdelay $0x1  }
0x8a: {  	s1 =	srdreg.scid  }
0x8b: {  	s0 =	sand.u32 $0x1, s1  }
0x8c: {  	s16 =	sshll.u32 s0, $0xA;
	s2 =	sadd.s32 s3, s2  }
0x8d: {  	s2 =	sadd.s32 s2, s16  }
0x8e: {  	[smem:$0x3FB8] =	sst s2  }
0x8f: {  	_ = 	snop  }
0x90: {  	(tm) =	ssettm $0x1  }
0x91: {  	s17 =	sld [smem:$0x3FFB];
	_ =	sdelay $0x3  }
0x92: {  	_ =	strace s17  }
0x93: {  	s2 =	sld [smem:$0x3FFC];
	_ =	sdelay $0x3  }
0x94: {  	_ =	strace s2  }
0x95: {  	s2 =	sld [smem:$0x3FFD];
	_ =	sdelay $0x3  }
0x96: {  	_ =	strace s2  }
0x97: {  	_ =	strace $0x8FFFFFFF  }
0x98: {  	s18 =	sld [smem:$0x3FDB];
	_ =	sdelay $0x1  }
0x99: {  	s19 =	simm.s32 $_scs_section_size  }
0x9a: {  	s4 =	simm.s32 $_size__tile_overlayer_lowered;
	s5 =	simm.s32 $_tile_overlayer_lowered  }
0x9b: {  	s22 =	simm.s32 $0x1BFF;
	s21 =	sshll.u32 s5, $0x1;
	s2 =	sadd.s32 s19, s18  }
0x9c: {  	s6 =	simm.s32 $0x0;
	s20 =	sshll.u32 s4, $0x1;
	s4 =	sadd.s32 s21, s2  }
0x9d: {  	[timem:s6], [sflag:s22] =	dma.local [hbm:s4], s20  }
0x9e: {  	_ =	swait.ge [sflag:s22], s20  }
0x9f: {  	s3 =	ssub.s32 $0x0, s20;
	[sflag:s22] =	ssyncset.done $0x0  }
0xa0: {  	[sflag:s22] =	ssyncadd.s32 s3;
	_ =	sdelay $0x1  }
0xa1: {  	s23 =	simm.s32 $0x1B8B  }
0xa2: {  	_ =	swait.ge [sflag:s23], $0x1  }
0xa3: {  	[sflag:s23] =	ssyncset.done $0x0  }
0xa4: {  	s25 =	simm.s32 $0x1B8E;
	s24 =	sld [smem:$0x3FFE];
	[sflag:s23] =	ssyncadd.s32 $0xFFFFFFFF  }
0xa5: {  	s26 =	simm.s32 $execute0_lowered;
	[smem:$0x3FD2] =	sst s25  }
0xa6: {  	s4 =	sshll.u32 s26, $0x1;
	_ =	strace $0x80000046;
	[dreg:$0x1] =	wrdreg $0xFFFFFFFF  }
0xa7: {  	s28 =	simm.s32 $_size_execute0_lowered;
	s2 =	sadd.s32 s2, s4;
	[dreg:$0x0] =	wrdreg $0x0  }
0xa8: {  	s4 =	sshll.u32 s28, $0x1;
	[dreg:$0x2] =	wrdreg s2  }
0xa9: {  	[dreg:$0x3] =	wrdreg s4  }
0xaa: {  	[dreg:$0x4] =	wrdreg $0xC0  }
0xab: {  	_ =	task [dreg:s6], $0x5FFFF  }
0xac: {  	[dreg:$0x1] =	wrdreg $0xFFFFFFFF  }
0xad: {  	[dreg:$0x0] =	wrdreg $0x60  }
0xae: {  	[dreg:$0x2] =	wrdreg s24  }
0xaf: {  	[dreg:$0x3] =	wrdreg $0x9  }
0xb0: {  	_ =	task.clear_ibuf [dreg:s6], $0x4FFFF;
	_ =	strace $0x90000046  }
0xb1: {  	s29 =	simm.s32 $0x9;
	_ =	strace $0x80000048  }
0xb2: {  	_ =	swait.ge [sflag:s29], $0x1  }
0xb3: {  	[sflag:s29] =	ssyncadd.s32 $0xFFFFFFFF  }
0xb4: {  	_ =	strace $0x90000048  }
0xb5: {  	_ =	sfence  }
0xb6: {  	s30 =	sld [smem:$0x0];
	_ =	sdelay $0x2  }
0xb7: {  	s31 =	sshll.u32 s1, $0xD;
	s1 =	sshrl.u32 s1, $0x2  }
0xb8: {  	s3 =	sand.u32 $0x4000, s31;
	s1 =	sadd.s32 s1, s30  }
0xb9: {  	s0 =	sor.u32 s3, s0;
	s1 =	sshll.u32 s1, $0x11  }
0xba: {  	s0 =	sor.u32 s1, s0  }
0xbb: {  	s0 =	sadd.s32 $0x8F2B, s0  }
0xbc: {  	[sflag:s0] =	ssyncadd.remote.s32 $0x1  }
0xbd: {  	_ =	sfence.sel $0xFFFF  }
0xbe: {  	[dreg:$0x0] =	wrdreg $0xFFFFFFFF;
	(pc) =	sbr.abs _section_cstart, $3  }
0xbf: {  	[dreg:$0x1] =	wrdreg $0xFFFFFFFF  }
0xc0: {  	_ =	task.clear_ibuf [dreg:s6], $0x2FFFF;
	_ =	strace $0x9FFFFFFF  }
0xc1: {  	(tm) =	ssettm $0x7FFFFFFF  }
tec
execute0_lowered:
.L_overlay_start_1:
0x0: {  	(tag) =	ssettag $0x1  }
0x1: {  	s0 =	srdreg.scid  }
0x2: {  	s3 =	sand.u32 $0x1, s0  }
0x3: {  	s0 =	stileid.u32;
	s1 =	sshll.u32 s3, $0x4  }
0x4: {  	s5 =	rddreg [dreg:$0x0];
	s2 =	simm.s32 $0x0;
	s1 =	sor.u32 s0, s1  }
0x5: {  	s9 =	simm.s32 $0x1;
	s10 =	simm.s32 $0x80;
	s1 =	sshrl.u32 s1, $0x3  }
0x6: {  	s11 =	simm.s32 $0x400;
	s29 =	sshll.u32 s0, $0x7;
	s4 =	smul.u32 $0x14000, s1  }
0x7: {  	s12 =	simm.s32 $0x2800;
	s13 =	simm.s32 $0x7800;
	s6 =	sand.u32 $0x380, s29  }
0x8: {  	[smem:$0x7FF] =	sst s2;
	s30 =	ssub.s32 $0x2, s3;
	s4 =	sor.u32 s6, s4  }
0x9: {  	s3 =	sadd.s32 $0x34600, s5;
	s31 =	sshrl.u32 s30, $0x1;
	s4 =	sshrl.u32 s4, $0x3  }
0xa: {  	s8 =	ssub.s32 s30, s31;
	s1 =	rddreg [dreg:$0x1];
	s7 =	sadd.s32 s4, s5  }
0xb: {  	_ =	strace $0x80000047;
	s4 =	sadd.s32 $0x16600, s7;
	s5 =	sadd.s32 $0x2A600, s7  }
0xc: {  	v0 =	vimm.f32 $0.0e+00;
	s6 =	sadd.s32 $0x34C00, s7;
	s7 =	smax.u32 s8, $0x1;
	s8 =	simm.s32 $0x5000  }
.LBB2_1:
0xd: {  	s14 =	simm.s32 $0x40;
	s15 =	simm.s32 $0x0  }
.LBB2_2:
0xe: {  	p0 =	sne.s32 s14, $0x9FC0;
	[tilespmem:s15+$0x7800] =	vst v0;
	s15 =	smov.u32 s14;
	s14 =	sadd.s32 $0x40, s14  }
.Ltmp0:
0xf: {  	(pc) =	sbr.rel @p0 .LBB2_2-.Ltmp0, $2  }
0x10: {  	_ =	sdelay $0x2  }
0x11: {  	s15 =	sshra.s32 s15, $0x2  }
0x12: {  	[tilespmem:s15+$0x7800] =	vst v0;
	s14 =	simm.s32 $0x0  }
0x13: {  	[tilespmem:s8], [sflag:$0x1] =	stream.linear.gather [hbm4b:s3+s14], $0x2800, $0x38;
	[tilespmem:$0xA000] =	vst v63  }
0x14: {  	_ =	swait.ge [sflag:s9], $0x2800  }
0x15: {  	[sflag:s9] =	ssyncset.done $0x0  }
0x16: {  	[sflag:s9] =	ssyncadd.s32 $0xFFFFD800  }
0x17: {  	[tilespmem:s14], [sflag:$0x1] =	stream.strided.gather [hbm4b:s4+s10], $0x2800, s11, s10, $0x38;
	[tilespmem:$0xA000] =	vst v63  }
0x18: {  	_ =	swait.ge [sflag:s9], $0x2800  }
0x19: {  	[sflag:s9] =	ssyncset.done $0x0  }
0x1a: {  	[sflag:s9] =	ssyncadd.s32 $0xFFFFD800  }
0x1b: {  	[tilespmem:s12], [sflag:$0x1] =	stream.strided.gather [hbm4b:s5+s10], $0x2800, s11, s10, $0x38;
	[tilespmem:$0xA000] =	vst v63  }
0x1c: {  	_ =	swait.ge [sflag:s9], $0x2800  }
0x1d: {  	[sflag:s9] =	ssyncset.done $0x0  }
0x1e: {  	s15 =	simm.s32 $0x0;
	s14 =	simm.s32 $0x40;
	[sflag:s9] =	ssyncadd.s32 $0xFFFFD800  }
.LBB2_4:
0x1f: {  	p0 =	sne.s32 s14, $0x9FC0;
	v1 =	vld [tilespmem:s15+$0x0];
	_ =	sdelay $0x5  }
0x20: {  	v2 =	vld [tilespmem:s15+$0x2800];
	_ =	sdelay $0x1  }
0x21: {  	v1 =	vld.idx.msk [tilespmem:v1+s8+$0x0], $0xffff;
	_ =	sdelay $0x1  }
.Ltmp1:
0x22: {  	(pc) =	sbr.rel @p0 .LBB2_4-.Ltmp1, $2  }
0x23: {  	_ =	sdelay $0x2  }
0x24: {  	s15 =	sshra.s32 s14, $0x2;
	s14 =	sadd.s32 $0x40, s14;
	[tilespmem:v2+s13+$0x0] =	vst.idx.add.f32.msk $0xffff, v1  }
0x25: {  	v1 =	vld [tilespmem:s15+$0x0];
	_ =	sdelay $0x4  }
0x26: {  	v2 =	vld [tilespmem:s15+$0x2800];
	_ =	sdelay $0x2  }
0x27: {  	v1 =	vld.idx.msk [tilespmem:v1+s8+$0x0], $0xffff;
	_ =	sdelay $0x2  }
0x28: {  	s2 =	sadd.s32 $0x1, s2  }
0x29: {  	p0 =	sne.s32 s2, s7  }
.Ltmp2:
0x2a: {  	[tilespmem:v2+s13+$0x0] =	vst.idx.add.f32.msk $0xffff, v1;
	(pc) =	sbr.rel @p0 .LBB2_1-.Ltmp2, $4  }
0x2b: {  	[hbm4b:s6+s10] =	stream.strided.scatter [tilespmem:s13], [sflag:$0x1], $0x2800, s11, s10, $0x38;
	[tilespmem:$0xA000] =	vst v63  }
0x2c: {  	_ =	swait.ge [sflag:s9], $0x2800  }
0x2d: {  	[sflag:s9] =	ssyncset.done $0x0  }
0x2e: {  	[sflag:s9] =	ssyncadd.s32 $0xFFFFD800  }
0x2f: {  	_ =	sfence.sel $0x180000  }
0x30: {  	[bflag:$0x0] =	sbarrier.arrive $0xFFFF  }
0x31: {  	p0 =	sne.s32 s0, $0x0;
	_ =	strace $0x90000047  }
0x32: {  	s0 =	sadd.s32 @!p0 $0x100000, s1;
	[bflag:$0x2] =	sbarrier.arrive $0xFFFF  }
0x33: {  	[sflag:s0] =	ssyncadd.tile.s32 @!p0 $0x1;
	_ =	shalt  }
.Lfunc_end2:
_tile_overlayer_lowered:
.L_overlay_start_2:
0x34: {  	(tag) =	ssettag $0x2  }
0x35: {  	s0 =	rddreg [dreg:$0x0];
	s2 =	stileid.u32  }
0x36: {  	s1 =	rddreg [dreg:$0x1];
	p0 =	sne.s32 s2, $0x0  }
0x37: {  	s3 =	rddreg [dreg:$0x2];
	[bflag:$0x3] =	sbarrier.arrive $0xFFFF;
	s2 =	simm.s32 @!p0 $0x1C01  }
0x38: {  	[timem:s3], [sflag:s2] =	dma.local @!p0 [hbm:s0], s1  }
0x39: {  	s0 =	simm.s32 @!p0 $0x1  }
0x3a: {  	_ =	swait.ge @!p0 [sflag:s0], s1  }
0x3b: {  	s1 =	ssub.s32 @!p0 $0x0, s1;
	[sflag:s0] =	ssyncset.done @!p0 $0x0  }
0x3c: {  	[sflag:s0] =	ssyncadd.s32 @!p0 s1  }
0x3d: {  	[bflag:$0x3] =	sbarrier.arrive $0xFFFF  }
0x3e: {  	_ =	shalt  }

// kernel: kernel.28.cloned.1.call-start
scs
__scs_entry_jumppad:
0x0: {  	(pc) =	sbr.rel $0x88, $3  }
0x1: {  	(tag) =	ssettag $0x0;
	lr =	simm.s32 $0x1  }
0x2: {  	[smem:$0x3F91] =	sst lr;
	_ =	strace $0xD0000000  }
0x3: {  	_ = 	snop  }
0x4: {  	_ = 	snop  }
0x5: {  	_ = 	snop  }
0x6: {  	_ = 	snop  }
0x7: {  	_ = 	snop  }
__scs_overlays_trampoline_lowered:
0x8: {  	[smem:$0x3FA0] =	sst s0  }
0x9: {  	[smem:$0x3FA1] =	sst s1  }
0xa: {  	[smem:$0x3FA2] =	sst s2  }
0xb: {  	[smem:$0x3FA3] =	sst s3  }
0xc: {  	[smem:$0x3FA4] =	sst s4  }
0xd: {  	[smem:$0x3FA5] =	sst s5  }
0xe: {  	[smem:$0x3FA6] =	sst s6  }
0xf: {  	[smem:$0x3FA7] =	sst s7  }
0x10: {  	[smem:$0x3FA8] =	sst s8  }
0x11: {  	[smem:$0x3FA9] =	sst s9;
	s0 =	simm.s32 @!p0 $0x0  }
0x12: {  	s1 =	sld [smem:$0x3F8F];
	s0 =	simm.s32 @p0 $0x1  }
0x13: {  	[smem:$0x3FAA] =	sst s0;
	s0 =	simm.s32 @!p1 $0x0  }
0x14: {  	s2 =	sld [smem:$0x3F8E];
	s0 =	simm.s32 @p1 $0x1  }
0x15: {  	[smem:$0x3FAB] =	sst s0;
	s0 =	simm.s32 @!p2 $0x0  }
0x16: {  	s3 =	sld [smem:$0x3FDB];
	s0 =	simm.s32 @p2 $0x1  }
0x17: {  	s4 =	simm.s32 $0x1BF5;
	[smem:$0x3FAD] =	sst s0  }
0x18: {  	s0 =	sld [smem:$0x3F90];
	_ =	swait.ge [sflag:s4], $0x0  }
0x19: {  	s7 =	sld [smem:$0x3F91]  }
0x1a: {  	s8 =	sadd.s32 $0xFFFFE003, lr  }
0x1b: {  	s9 =	sadd.s32 $0xFFFFFEF7, lr;
	s5 =	simm.s32 $0xFFFFFFFF;
	p2 =	slt.u32 s8, $0xFFFFF086  }
0x1c: {  	p1 =	slt.u32 s9, $0xF7A;
	s5 =	simm.s32 @!p2 $0x0  }
0x1d: {  	s5 =	simm.s32 @p1 $0x1;
	p0 =	seq.s32 s7, s2  }
0x1e: {  	s7 =	smul.u32 @!p0 $0xF7A, s2;
	p2 =	seq.s32 @!p0 s5, $0x0  }
0x1f: {  	s9 =	smul.u32 $0xF7A, s1;
	s8 =	simm.s32 @!p0 $0x1BF5;
	p2 =	por !p2, p0  }
0x20: {  	[sflag:s8] =	ssyncset.s32 @!p0 $0xFFFFF086;
	s6 =	sadd.s32 @!p0 s3, s7;
	s7 =	simm.s32 @!p0 $0x108  }
0x21: {  	s3 =	sadd.s32 s3, s9;
	s6 =	sadd.s32 @!p0 $0x88, s6;
	s7 =	simm.s32 @p2 $0x1082  }
0x22: {  	[simem:s7], [sflag:s8] =	dma.local @!p0 [hbm:s6], $0xF7A  }
0x23: {  	s9 =	sor.u32 $0xD0000000, s2;
	s6 =	simm.s32 $0x108;
	_ =	swait.ge @!p0 [sflag:s8], $0x0  }
0x24: {  	s3 =	sadd.s32 $0x88, s3;
	s6 =	simm.s32 @!p1 $0x1082;
	[sflag:s4] =	ssyncset.s32 $0xFFFFF086  }
0x25: {  	[simem:s6], [sflag:s4] =	dma.local [hbm:s3], $0xF7A  }
0x26: {  	[smem:$0x3F91] =	sst s1;
	(tag) =	ssettag s2;
	_ =	strace s9  }
0x27: {  	s1 =	sld [smem:$0x3FA1]  }
0x28: {  	s2 =	sld [smem:$0x3FA2]  }
0x29: {  	s4 =	sld [smem:$0x3FA4]  }
0x2a: {  	p0 =	seq.s32 s5, $0x0;
	s5 =	sld [smem:$0x3FA5]  }
0x2b: {  	s6 =	sld [smem:$0x3FA6]  }
0x2c: {  	s7 =	sld [smem:$0x3FA7]  }
0x2d: {  	s3 =	simm.s32 $0x108;
	s8 =	sld [smem:$0x3FA8]  }
0x2e: {  	s3 =	simm.s32 @!p0 $0x1082;
	s9 =	sld [smem:$0x3FA9]  }
0x2f: {  	lr =	sadd.s32 s0, s3;
	s0 =	sld [smem:$0x3FA0]  }
0x30: {  	s3 =	sld [smem:$0x3FA3]  }
0x31: {  	[smem:$0x3FAC] =	sst s10  }
0x32: {  	s10 =	sld [smem:$0x3FAA];
	_ =	sdelay $0x3  }
0x33: {  	p0 =	seq.s32 s10, $0x1;
	s10 =	sld [smem:$0x3FAC];
	_ =	sdelay $0x3  }
0x34: {  	[smem:$0x3FAC] =	sst s10  }
0x35: {  	s10 =	sld [smem:$0x3FAB];
	_ =	sdelay $0x3  }
0x36: {  	p1 =	seq.s32 s10, $0x1;
	s10 =	sld [smem:$0x3FAC];
	_ =	sdelay $0x3  }
0x37: {  	[smem:$0x3FAC] =	sst s10  }
0x38: {  	s10 =	sld [smem:$0x3FAD]  }
0x39: {  	_ = 	snop;
	(pc) =	sbr.ind lr, $3  }
0x3a: {  	_ = 	snop  }
0x3b: {  	_ = 	snop  }
0x3c: {  	p2 =	seq.s32 s10, $0x1;
	s10 =	sld [smem:$0x3FAC]  }
0x3d: {  	_ =	shalt  }
0x3e: {  	_ =	shalt  }
0x3f: {  	_ =	shalt  }
0x40: {  	_ =	shalt  }
0x41: {  	_ =	shalt  }
0x42: {  	_ =	shalt  }
0x43: {  	_ =	shalt  }
0x44: {  	_ =	shalt  }
0x45: {  	_ =	shalt  }
0x46: {  	_ =	shalt  }
0x47: {  	_ =	shalt  }
0x48: {  	_ =	shalt  }
0x49: {  	_ =	shalt  }
0x4a: {  	_ =	shalt  }
0x4b: {  	_ =	shalt  }
0x4c: {  	_ =	shalt  }
0x4d: {  	_ =	shalt  }
0x4e: {  	_ =	shalt  }
0x4f: {  	_ =	shalt  }
0x50: {  	_ =	shalt  }
0x51: {  	_ =	shalt  }
0x52: {  	_ =	shalt  }
0x53: {  	_ =	shalt  }
0x54: {  	_ =	shalt  }
0x55: {  	_ =	shalt  }
0x56: {  	_ =	shalt  }
0x57: {  	_ =	shalt  }
0x58: {  	_ =	shalt  }
0x59: {  	_ =	shalt  }
0x5a: {  	_ =	shalt  }
0x5b: {  	_ =	shalt  }
0x5c: {  	_ =	shalt  }
0x5d: {  	_ =	shalt  }
0x5e: {  	_ =	shalt  }
0x5f: {  	_ =	shalt  }
0x60: {  	_ =	shalt  }
0x61: {  	_ =	shalt  }
0x62: {  	_ =	shalt  }
0x63: {  	_ =	shalt  }
0x64: {  	_ =	shalt  }
0x65: {  	_ =	shalt  }
0x66: {  	_ =	shalt  }
0x67: {  	_ =	shalt  }
0x68: {  	_ =	shalt  }
0x69: {  	_ =	shalt  }
0x6a: {  	_ =	shalt  }
0x6b: {  	_ =	shalt  }
0x6c: {  	_ =	shalt  }
0x6d: {  	_ =	shalt  }
0x6e: {  	_ =	shalt  }
0x6f: {  	_ =	shalt  }
0x70: {  	_ =	shalt  }
0x71: {  	_ =	shalt  }
0x72: {  	_ =	shalt  }
0x73: {  	_ =	shalt  }
0x74: {  	_ =	shalt  }
0x75: {  	_ =	shalt  }
0x76: {  	_ =	shalt  }
0x77: {  	_ =	shalt  }
0x78: {  	_ =	shalt  }
0x79: {  	_ =	shalt  }
0x7a: {  	_ =	shalt  }
0x7b: {  	_ =	shalt  }
0x7c: {  	_ =	shalt  }
0x7d: {  	_ =	shalt  }
0x7e: {  	_ =	shalt  }
0x7f: {  	_ =	shalt  }
0x80: {  	_ =	shalt  }
0x81: {  	_ =	shalt  }
0x82: {  	_ =	shalt  }
0x83: {  	_ =	shalt  }
0x84: {  	_ =	shalt  }
0x85: {  	_ =	shalt  }
0x86: {  	_ =	shalt  }
0x87: {  	_ =	shalt  }
.Lfunc_end0:
.L_simem_size_0:
called_computation.1_lowered:
.L_overlay_start_0:
0x88: {  	s2 =	sld [smem:$0x3FD9]  }
0x89: {  	s3 =	sld [smem:$0x3FFE];
	_ =	sdelay $0x1  }
0x8a: {  	s1 =	srdreg.scid  }
0x8b: {  	s0 =	sand.u32 $0x1, s1  }
0x8c: {  	s16 =	sshll.u32 s0, $0xA;
	s2 =	sadd.s32 s3, s2  }
0x8d: {  	s2 =	sadd.s32 s2, s16  }
0x8e: {  	[smem:$0x3FB8] =	sst s2  }
0x8f: {  	_ = 	snop  }
0x90: {  	(tm) =	ssettm $0x1  }
0x91: {  	s17 =	sld [smem:$0x3FFB];
	_ =	sdelay $0x3  }
0x92: {  	_ =	strace s17  }
0x93: {  	s2 =	sld [smem:$0x3FFC];
	_ =	sdelay $0x3  }
0x94: {  	_ =	strace s2  }
0x95: {  	s2 =	sld [smem:$0x3FFD];
	_ =	sdelay $0x3  }
0x96: {  	_ =	strace s2  }
0x97: {  	_ =	strace $0x8FFFFFFF  }
0x98: {  	s18 =	sld [smem:$0x3FDB];
	_ =	sdelay $0x1  }
0x99: {  	s19 =	simm.s32 $_scs_section_size  }
0x9a: {  	s4 =	simm.s32 $_size__tile_overlayer_lowered;
	s5 =	simm.s32 $_tile_overlayer_lowered  }
0x9b: {  	s22 =	simm.s32 $0x1BFF;
	s21 =	sshll.u32 s5, $0x1;
	s2 =	sadd.s32 s19, s18  }
0x9c: {  	s6 =	simm.s32 $0x0;
	s20 =	sshll.u32 s4, $0x1;
	s4 =	sadd.s32 s21, s2  }
0x9d: {  	[timem:s6], [sflag:s22] =	dma.local [hbm:s4], s20  }
0x9e: {  	_ =	swait.ge [sflag:s22], s20  }
0x9f: {  	s3 =	ssub.s32 $0x0, s20;
	[sflag:s22] =	ssyncset.done $0x0  }
0xa0: {  	[sflag:s22] =	ssyncadd.s32 s3;
	_ =	sdelay $0x1  }
0xa1: {  	s23 =	simm.s32 $0x1B8B  }
0xa2: {  	_ =	swait.ge [sflag:s23], $0x1  }
0xa3: {  	[sflag:s23] =	ssyncset.done $0x0  }
0xa4: {  	s25 =	simm.s32 $0x1B8E;
	s24 =	sld [smem:$0x3FFE];
	[sflag:s23] =	ssyncadd.s32 $0xFFFFFFFF  }
0xa5: {  	s26 =	simm.s32 $execute0_lowered;
	[smem:$0x3FD2] =	sst s25  }
0xa6: {  	s4 =	sshll.u32 s26, $0x1;
	_ =	strace $0x80000049;
	[dreg:$0x1] =	wrdreg $0xFFFFFFFF  }
0xa7: {  	s28 =	simm.s32 $_size_execute0_lowered;
	s2 =	sadd.s32 s2, s4;
	[dreg:$0x0] =	wrdreg $0x0  }
0xa8: {  	s4 =	sshll.u32 s28, $0x1;
	[dreg:$0x2] =	wrdreg s2  }
0xa9: {  	[dreg:$0x3] =	wrdreg s4  }
0xaa: {  	[dreg:$0x4] =	wrdreg $0xC0  }
0xab: {  	_ =	task [dreg:s6], $0x5FFFF  }
0xac: {  	[dreg:$0x1] =	wrdreg $0xFFFFFFFF  }
0xad: {  	[dreg:$0x0] =	wrdreg $0x60  }
0xae: {  	[dreg:$0x2] =	wrdreg s24  }
0xaf: {  	[dreg:$0x3] =	wrdreg $0xA8000  }
0xb0: {  	[dreg:$0x4] =	wrdreg $0x9  }
0xb1: {  	_ =	task.clear_ibuf [dreg:s6], $0x5FFFF;
	_ =	strace $0x90000049  }
0xb2: {  	s29 =	simm.s32 $0x9;
	_ =	strace $0x8000004B  }
0xb3: {  	_ =	swait.ge [sflag:s29], $0x1  }
0xb4: {  	[sflag:s29] =	ssyncadd.s32 $0xFFFFFFFF  }
0xb5: {  	_ =	strace $0x9000004B  }
0xb6: {  	_ =	sfence  }
0xb7: {  	s30 =	sld [smem:$0x0];
	_ =	sdelay $0x2  }
0xb8: {  	s31 =	sshll.u32 s1, $0xD;
	s1 =	sshrl.u32 s1, $0x2  }
0xb9: {  	s3 =	sand.u32 $0x4000, s31;
	s1 =	sadd.s32 s1, s30  }
0xba: {  	s0 =	sor.u32 s3, s0;
	s1 =	sshll.u32 s1, $0x11  }
0xbb: {  	s0 =	sor.u32 s1, s0  }
0xbc: {  	s0 =	sadd.s32 $0x8F2B, s0  }
0xbd: {  	[sflag:s0] =	ssyncadd.remote.s32 $0x1  }
0xbe: {  	_ =	sfence.sel $0xFFFF  }
0xbf: {  	[dreg:$0x0] =	wrdreg $0xFFFFFFFF;
	(pc) =	sbr.abs _section_cstart, $3  }
0xc0: {  	[dreg:$0x1] =	wrdreg $0xFFFFFFFF  }
0xc1: {  	_ =	task.clear_ibuf [dreg:s6], $0x2FFFF;
	_ =	strace $0x9FFFFFFF  }
0xc2: {  	(tm) =	ssettm $0x7FFFFFFF  }
0xc3: {  	_ =	shalt  }
tec
execute0_lowered:
.L_overlay_start_1:
0x0: {  	(tag) =	ssettag $0x1  }
0x1: {  	s5 =	rddreg [dreg:$0x0]  }
0x2: {  	s1 =	rddreg [dreg:$0x1]  }
0x3: {  	s0 =	rddreg [dreg:$0x2]  }
0x4: {  	s3 =	simm.s32 $0x0;
	s2 =	srdreg.scid;
	s16 =	simm.s32 $0x2800  }
0x5: {  	s17 =	simm.s32 $0x5;
	s18 =	simm.s32 $0x1400;
	s19 =	simm.s32 $0x80  }
0x6: {  	s20 =	simm.s32 $0x6800;
	s21 =	simm.s32 $0x1;
	s22 =	simm.s32 $0x2  }
0x7: {  	s23 =	simm.s32 $0x3;
	s24 =	simm.s32 $0x4;
	s25 =	simm.s32 $0x2700  }
0x8: {  	[smem:$0x7FF] =	sst s3;
	s6 =	sand.u32 $0x1, s2;
	s2 =	stileid.u32  }
0x9: {  	s4 =	sadd.s32 $0x66C00, s5;
	s11 =	sadd.s32 $0xC600, s5;
	s7 =	smul.u32 $0x28000, s6  }
0xa: {  	s28 =	sadd.s32 $0x20600, s5;
	s8 =	smul.u32 $0x2800, s2;
	s9 =	sshll.u32 s6, $0x4  }
0xb: {  	s10 =	smul.u32 $0x50000, s2;
	s29 =	ssub.s32 $0x2, s6;
	s9 =	sor.u32 s2, s9  }
0xc: {  	_ =	strace $0x8000004A;
	s6 =	sshrl.u32 s29, $0x1;
	s26 =	smul.u32 $0x2800, s9  }
0xd: {  	s7 =	sadd.s32 s8, s7;
	s30 =	sshrl.u32 s10, $0x2;
	s13 =	ssub.s32 s29, s6  }
0xe: {  	s12 =	sadd.s32 s7, s5;
	s5 =	sadd.s32 s30, s1;
	s8 =	sshrl.u32 s26, $0x3  }
0xf: {  	s10 =	sadd.s32 $0x106C00, s12;
	s12 =	sadd.s32 $0x4000, s5;
	s14 =	sadd.s32 $0xC000, s5  }
0x10: {  	s15 =	sadd.s32 $0x10000, s5;
	s26 =	simm.s32 $0x2780;
	s31 =	sadd.s32 $0x280, s8  }
0x11: {  	s6 =	sadd.s32 s11, s8;
	s7 =	sadd.s32 s28, s8;
	s8 =	sadd.s32 s11, s31  }
0x12: {  	v0 =	vimm.f32 $0.0e+00;
	s9 =	sadd.s32 s28, s31;
	s11 =	smax.u32 s13, $0x1;
	s13 =	sadd.s32 $0x8000, s5  }
.LBB2_1:
0x13: {  	s28 =	simm.s32 $0x0;
	s29 =	simm.s32 $0x200  }
.LBB2_2:
0x14: {  	p0 =	sne.s32 s29, $0xFE00;
	[tilespmem:s28+$0x2870] =	vst v0  }
0x15: {  	[tilespmem:s28+$0x2800] =	vst v0  }
0x16: {  	[tilespmem:s28+$0x2810] =	vst v0  }
.Ltmp0:
0x17: {  	[tilespmem:s28+$0x2820] =	vst v0;
	(pc) =	sbr.rel @p0 .LBB2_2-.Ltmp0, $4  }
0x18: {  	[tilespmem:s28+$0x2830] =	vst v0  }
0x19: {  	[tilespmem:s28+$0x2840] =	vst v0  }
0x1a: {  	[tilespmem:s28+$0x2850] =	vst v0  }
0x1b: {  	[tilespmem:s28+$0x2860] =	vst v0;
	s28 =	sshra.s32 s29, $0x2;
	s29 =	sadd.s32 $0x200, s29  }
0x1c: {  	[tilespmem:s28+$0x2870] =	vst v0  }
0x1d: {  	[tilespmem:s28+$0x2800] =	vst v0  }
0x1e: {  	[tilespmem:s28+$0x2810] =	vst v0  }
0x1f: {  	[tilespmem:s28+$0x2820] =	vst v0  }
0x20: {  	[tilespmem:s28+$0x2830] =	vst v0  }
0x21: {  	[tilespmem:s28+$0x2840] =	vst v0  }
0x22: {  	[tilespmem:s28+$0x2850] =	vst v0  }
0x23: {  	[tilespmem:s28+$0x2860] =	vst v0  }
0x24: {  	[spmem:s5] =	stream.linear.scatter [tilespmem:s16], [sflag:$0x5], $0x4000, $0x38;
	[tilespmem:$0x1E800] =	vst v63  }
0x25: {  	_ =	swait.ge [sflag:s17], $0x4000  }
0x26: {  	[sflag:s17] =	ssyncset.done $0x0  }
0x27: {  	[sflag:s17] =	ssyncadd.s32 $0xFFFFC000  }
0x28: {  	[spmem:s12] =	stream.linear.scatter [tilespmem:s16], [sflag:$0x5], $0x4000, $0x38;
	[tilespmem:$0x1E800] =	vst v63  }
0x29: {  	_ =	swait.ge [sflag:s17], $0x4000  }
0x2a: {  	[sflag:s17] =	ssyncset.done $0x0  }
0x2b: {  	[sflag:s17] =	ssyncadd.s32 $0xFFFFC000  }
0x2c: {  	[spmem:s13] =	stream.linear.scatter [tilespmem:s16], [sflag:$0x5], $0x4000, $0x38;
	[tilespmem:$0x1E800] =	vst v63  }
0x2d: {  	_ =	swait.ge [sflag:s17], $0x4000  }
0x2e: {  	[sflag:s17] =	ssyncset.done $0x0  }
0x2f: {  	[sflag:s17] =	ssyncadd.s32 $0xFFFFC000  }
0x30: {  	[spmem:s14] =	stream.linear.scatter [tilespmem:s16], [sflag:$0x5], $0x4000, $0x38;
	[tilespmem:$0x1E800] =	vst v63  }
0x31: {  	_ =	swait.ge [sflag:s17], $0x4000  }
0x32: {  	[sflag:s17] =	ssyncset.done $0x0  }
0x33: {  	[sflag:s17] =	ssyncadd.s32 $0xFFFFC000  }
0x34: {  	[spmem:s15] =	stream.linear.scatter [tilespmem:s16], [sflag:$0x5], $0x4000, $0x38;
	[tilespmem:$0x1E800] =	vst v63  }
0x35: {  	_ =	swait.ge [sflag:s17], $0x4000  }
0x36: {  	[sflag:s17] =	ssyncset.done $0x0  }
0x37: {  	[sflag:s17] =	ssyncadd.s32 $0xFFFFC000  }
0x38: {  	s28 =	simm.s32 $0x0;
	[bflag:$0x0] =	sbarrier.arrive $0xFFFF  }
0x39: {  	[tilespmem:s28], [sflag:$0x5] =	stream.linear.gather [hbm4b:s6+s28], $0x1400, $0x38;
	[tilespmem:$0x1E800] =	vst v63  }
0x3a: {  	_ =	swait.ge [sflag:s17], $0x1400  }
0x3b: {  	[sflag:s17] =	ssyncset.done $0x0  }
0x3c: {  	[sflag:s17] =	ssyncadd.s32 $0xFFFFEC00  }
0x3d: {  	[tilespmem:s18], [sflag:$0x5] =	stream.linear.gather [hbm4b:s7+s28], $0x1400, $0x38;
	[tilespmem:$0x1E800] =	vst v63  }
0x3e: {  	_ =	swait.ge [sflag:s17], $0x1400  }
0x3f: {  	[sflag:s17] =	ssyncset.done $0x0  }
0x40: {  	[sflag:s17] =	ssyncadd.s32 $0xFFFFEC00  }
0x41: {  	[tilespmem:s16], [sflag:$0x1] =	stream.indirect.gather [hbm4b:s4+s19], $0x80, s28, s19, $0xb8;
	[tilespmem:$0x1E800] =	vst v63  }
0x42: {  	_ = 	snop  }
0x43: {  	[tilespmem:s20], [sflag:$0x2] =	stream.indirect.gather [hbm4b:s4+s19], $0x80, s19, s19, $0xb8;
	[tilespmem:$0x1E800] =	vst v63  }
0x44: {  	_ =	swait.ge [sflag:s21], $0x4000  }
0x45: {  	[sflag:s21] =	ssyncset.done $0x0  }
0x46: {  	s28 =	simm.s32 $0x1400;
	[sflag:s21] =	ssyncadd.s32 $0xFFFFC000  }
0x47: {  	[spmem:s1] =	stream.indirect.scatter.add.f32 [tilespmem:s16], [sflag:$0x3], $0x80, s28, s19, $0xb8;
	[tilespmem:$0x1E800] =	vst v63  }
0x48: {  	_ =	swait.ge [sflag:s22], $0x4000  }
0x49: {  	[sflag:s22] =	ssyncset.done $0x0  }
0x4a: {  	s28 =	simm.s32 $0x1480;
	[sflag:s22] =	ssyncadd.s32 $0xFFFFC000  }
0x4b: {  	[spmem:s1] =	stream.indirect.scatter.add.f32 [tilespmem:s20], [sflag:$0x4], $0x80, s28, s19, $0xb8;
	[tilespmem:$0x1E800] =	vst v63  }
0x4c: {  	_ =	swait.ge [sflag:s23], $0x4000  }
0x4d: {  	[sflag:s23] =	ssyncset.done $0x0  }
0x4e: {  	s28 =	simm.s32 $0x100;
	[sflag:s23] =	ssyncadd.s32 $0xFFFFC000  }
0x4f: {  	[tilespmem:s16], [sflag:$0x1] =	stream.indirect.gather [hbm4b:s4+s19], $0x80, s28, s19, $0xb8;
	[tilespmem:$0x1E800] =	vst v63  }
0x50: {  	_ =	swait.ge [sflag:s24], $0x4000  }
0x51: {  	[sflag:s24] =	ssyncset.done $0x0  }
0x52: {  	s29 =	simm.s32 $0x180;
	s28 =	simm.s32 $0x400;
	[sflag:s24] =	ssyncadd.s32 $0xFFFFC000  }
.LBB2_4:
0x53: {  	[tilespmem:s20], [sflag:$0x2] =	stream.indirect.gather [hbm4b:s4+s19], $0x80, s29, s19, $0xb8;
	[tilespmem:$0x1E800] =	vst v63  }
0x54: {  	s29 =	smov.u32 s28  }
0x55: {  	p0 =	sne.s32 s28, $0x4800;
	s28 =	sadd.s32 $0x400, s28;
	_ =	swait.ge [sflag:s21], $0x4000  }
0x56: {  	s29 =	sshra.s32 s29, $0x2;
	[sflag:s21] =	ssyncset.done $0x0  }
0x57: {  	s30 =	sadd.s32 $0x1400, s29;
	[sflag:s21] =	ssyncadd.s32 $0xFFFFC000  }
0x58: {  	[spmem:s1] =	stream.indirect.scatter.add.f32 [tilespmem:s16], [sflag:$0x3], $0x80, s30, s19, $0xb8;
	[tilespmem:$0x1E800] =	vst v63  }
0x59: {  	_ =	swait.ge [sflag:s22], $0x4000  }
0x5a: {  	[sflag:s22] =	ssyncset.done $0x0  }
0x5b: {  	s30 =	sadd.s32 $0x1480, s29;
	[sflag:s22] =	ssyncadd.s32 $0xFFFFC000  }
0x5c: {  	[spmem:s1] =	stream.indirect.scatter.add.f32 [tilespmem:s20], [sflag:$0x4], $0x80, s30, s19, $0xb8;
	[tilespmem:$0x1E800] =	vst v63  }
0x5d: {  	_ =	swait.ge [sflag:s23], $0x4000  }
0x5e: {  	[sflag:s23] =	ssyncset.done $0x0  }
.Ltmp1:
0x5f: {  	s30 =	sadd.s32 $0x100, s29;
	[sflag:s23] =	ssyncadd.s32 $0xFFFFC000;
	(pc) =	sbr.rel @p0 .LBB2_4-.Ltmp1, $4  }
0x60: {  	[tilespmem:s16], [sflag:$0x1] =	stream.indirect.gather [hbm4b:s4+s19], $0x80, s30, s19, $0xb8;
	[tilespmem:$0x1E800] =	vst v63  }
0x61: {  	_ =	swait.ge [sflag:s24], $0x4000  }
0x62: {  	[sflag:s24] =	ssyncset.done $0x0  }
0x63: {  	s29 =	sadd.s32 $0x180, s29;
	[sflag:s24] =	ssyncadd.s32 $0xFFFFC000  }
0x64: {  	[tilespmem:s20], [sflag:$0x2] =	stream.indirect.gather [hbm4b:s4+s19], $0x80, s29, s19, $0xb8;
	[tilespmem:$0x1E800] =	vst v63  }
0x65: {  	_ =	swait.ge [sflag:s21], $0x4000  }
0x66: {  	[sflag:s21] =	ssyncset.done $0x0  }
0x67: {  	[sflag:s21] =	ssyncadd.s32 $0xFFFFC000  }
0x68: {  	[spmem:s1] =	stream.indirect.scatter.add.f32 [tilespmem:s16], [sflag:$0x3], $0x80, s25, s19, $0xb8;
	[tilespmem:$0x1E800] =	vst v63  }
0x69: {  	_ =	swait.ge [sflag:s22], $0x4000  }
0x6a: {  	[sflag:s22] =	ssyncset.done $0x0  }
0x6b: {  	[sflag:s22] =	ssyncadd.s32 $0xFFFFC000  }
0x6c: {  	[spmem:s1] =	stream.indirect.scatter.add.f32 [tilespmem:s20], [sflag:$0x4], $0x80, s26, s19, $0xb8;
	[tilespmem:$0x1E800] =	vst v63  }
0x6d: {  	_ =	swait.ge [sflag:s23], $0x4000  }
0x6e: {  	[sflag:s23] =	ssyncset.done $0x0  }
0x6f: {  	[sflag:s23] =	ssyncadd.s32 $0xFFFFC000  }
0x70: {  	_ =	swait.ge [sflag:s24], $0x4000  }
0x71: {  	[sflag:s24] =	ssyncset.done $0x0  }
0x72: {  	s28 =	simm.s32 $0x0;
	[sflag:s24] =	ssyncadd.s32 $0xFFFFC000  }
0x73: {  	[tilespmem:s28], [sflag:$0x5] =	stream.linear.gather [hbm4b:s8+s28], $0x1400, $0x38;
	[tilespmem:$0x1E800] =	vst v63  }
0x74: {  	_ =	swait.ge [sflag:s17], $0x1400  }
0x75: {  	[sflag:s17] =	ssyncset.done $0x0  }
0x76: {  	[sflag:s17] =	ssyncadd.s32 $0xFFFFEC00  }
0x77: {  	[tilespmem:s18], [sflag:$0x5] =	stream.linear.gather [hbm4b:s9+s28], $0x1400, $0x38;
	[tilespmem:$0x1E800] =	vst v63  }
0x78: {  	_ =	swait.ge [sflag:s17], $0x1400  }
0x79: {  	[sflag:s17] =	ssyncset.done $0x0  }
0x7a: {  	[sflag:s17] =	ssyncadd.s32 $0xFFFFEC00  }
0x7b: {  	[tilespmem:s16], [sflag:$0x1] =	stream.indirect.gather [hbm4b:s4+s19], $0x80, s28, s19, $0xb8;
	[tilespmem:$0x1E800] =	vst v63  }
0x7c: {  	_ = 	snop  }
0x7d: {  	[tilespmem:s20], [sflag:$0x2] =	stream.indirect.gather [hbm4b:s4+s19], $0x80, s19, s19, $0xb8;
	[tilespmem:$0x1E800] =	vst v63  }
0x7e: {  	_ =	swait.ge [sflag:s21], $0x4000  }
0x7f: {  	[sflag:s21] =	ssyncset.done $0x0  }
0x80: {  	s28 =	simm.s32 $0x1400;
	[sflag:s21] =	ssyncadd.s32 $0xFFFFC000  }
0x81: {  	[spmem:s1] =	stream.indirect.scatter.add.f32 [tilespmem:s16], [sflag:$0x3], $0x80, s28, s19, $0xb8;
	[tilespmem:$0x1E800] =	vst v63  }
0x82: {  	_ =	swait.ge [sflag:s22], $0x4000  }
0x83: {  	[sflag:s22] =	ssyncset.done $0x0  }
0x84: {  	s28 =	simm.s32 $0x1480;
	[sflag:s22] =	ssyncadd.s32 $0xFFFFC000  }
0x85: {  	[spmem:s1] =	stream.indirect.scatter.add.f32 [tilespmem:s20], [sflag:$0x4], $0x80, s28, s19, $0xb8;
	[tilespmem:$0x1E800] =	vst v63  }
0x86: {  	_ =	swait.ge [sflag:s23], $0x4000  }
0x87: {  	[sflag:s23] =	ssyncset.done $0x0  }
0x88: {  	s28 =	simm.s32 $0x100;
	[sflag:s23] =	ssyncadd.s32 $0xFFFFC000  }
0x89: {  	[tilespmem:s16], [sflag:$0x1] =	stream.indirect.gather [hbm4b:s4+s19], $0x80, s28, s19, $0xb8;
	[tilespmem:$0x1E800] =	vst v63  }
0x8a: {  	_ =	swait.ge [sflag:s24], $0x4000  }
0x8b: {  	[sflag:s24] =	ssyncset.done $0x0  }
0x8c: {  	s29 =	simm.s32 $0x180;
	s28 =	simm.s32 $0x400;
	[sflag:s24] =	ssyncadd.s32 $0xFFFFC000  }
.LBB2_6:
0x8d: {  	[tilespmem:s20], [sflag:$0x2] =	stream.indirect.gather [hbm4b:s4+s19], $0x80, s29, s19, $0xb8;
	[tilespmem:$0x1E800] =	vst v63  }
0x8e: {  	s29 =	smov.u32 s28  }
0x8f: {  	p0 =	sne.s32 s28, $0x4800;
	s28 =	sadd.s32 $0x400, s28;
	_ =	swait.ge [sflag:s21], $0x4000  }
0x90: {  	s29 =	sshra.s32 s29, $0x2;
	[sflag:s21] =	ssyncset.done $0x0  }
0x91: {  	s30 =	sadd.s32 $0x1400, s29;
	[sflag:s21] =	ssyncadd.s32 $0xFFFFC000  }
0x92: {  	[spmem:s1] =	stream.indirect.scatter.add.f32 [tilespmem:s16], [sflag:$0x3], $0x80, s30, s19, $0xb8;
	[tilespmem:$0x1E800] =	vst v63  }
0x93: {  	_ =	swait.ge [sflag:s22], $0x4000  }
0x94: {  	[sflag:s22] =	ssyncset.done $0x0  }
0x95: {  	s30 =	sadd.s32 $0x1480, s29;
	[sflag:s22] =	ssyncadd.s32 $0xFFFFC000  }
0x96: {  	[spmem:s1] =	stream.indirect.scatter.add.f32 [tilespmem:s20], [sflag:$0x4], $0x80, s30, s19, $0xb8;
	[tilespmem:$0x1E800] =	vst v63  }
0x97: {  	_ =	swait.ge [sflag:s23], $0x4000  }
0x98: {  	[sflag:s23] =	ssyncset.done $0x0  }
.Ltmp2:
0x99: {  	s30 =	sadd.s32 $0x100, s29;
	[sflag:s23] =	ssyncadd.s32 $0xFFFFC000;
	(pc) =	sbr.rel @p0 .LBB2_6-.Ltmp2, $4  }
0x9a: {  	[tilespmem:s16], [sflag:$0x1] =	stream.indirect.gather [hbm4b:s4+s19], $0x80, s30, s19, $0xb8;
	[tilespmem:$0x1E800] =	vst v63  }
0x9b: {  	_ =	swait.ge [sflag:s24], $0x4000  }
0x9c: {  	[sflag:s24] =	ssyncset.done $0x0  }
0x9d: {  	s29 =	sadd.s32 $0x180, s29;
	[sflag:s24] =	ssyncadd.s32 $0xFFFFC000  }
0x9e: {  	[tilespmem:s20], [sflag:$0x2] =	stream.indirect.gather [hbm4b:s4+s19], $0x80, s29, s19, $0xb8;
	[tilespmem:$0x1E800] =	vst v63  }
0x9f: {  	_ =	swait.ge [sflag:s21], $0x4000  }
0xa0: {  	[sflag:s21] =	ssyncset.done $0x0  }
0xa1: {  	[sflag:s21] =	ssyncadd.s32 $0xFFFFC000  }
0xa2: {  	[spmem:s1] =	stream.indirect.scatter.add.f32 [tilespmem:s16], [sflag:$0x3], $0x80, s25, s19, $0xb8;
	[tilespmem:$0x1E800] =	vst v63  }
0xa3: {  	_ =	swait.ge [sflag:s22], $0x4000  }
0xa4: {  	[sflag:s22] =	ssyncset.done $0x0  }
0xa5: {  	[sflag:s22] =	ssyncadd.s32 $0xFFFFC000  }
0xa6: {  	[spmem:s1] =	stream.indirect.scatter.add.f32 [tilespmem:s20], [sflag:$0x4], $0x80, s26, s19, $0xb8;
	[tilespmem:$0x1E800] =	vst v63  }
0xa7: {  	_ =	swait.ge [sflag:s23], $0x4000  }
0xa8: {  	[sflag:s23] =	ssyncset.done $0x0  }
0xa9: {  	[sflag:s23] =	ssyncadd.s32 $0xFFFFC000  }
0xaa: {  	_ =	swait.ge [sflag:s24], $0x4000  }
0xab: {  	s28 =	sshll.u32 s2, $0x6;
	s3 =	sadd.s32 $0x1, s3;
	[sflag:s24] =	ssyncset.done $0x0  }
0xac: {  	s31 =	sshrl.u32 s5, $0x3;
	p0 =	sne.s32 s3, s11;
	[sflag:s24] =	ssyncadd.s32 $0xFFFFC000  }
.Ltmp3:
0xad: {  	s28 =	sor.u32 $0x1C05, s28;
	[bflag:$0x0] =	sbarrier.arrive $0xFFFF;
	(pc) =	sbr.rel @p0 .LBB2_1-.Ltmp3, $4  }
0xae: {  	[hbm:s10], [sflag:s28] =	dma.local [spmem:s31], $0x2800  }
0xaf: {  	_ =	swait.ge [sflag:s17], $0x2800  }
0xb0: {  	[sflag:s17] =	ssyncset.done $0x0  }
0xb1: {  	[sflag:s17] =	ssyncadd.s32 $0xFFFFD800  }
0xb2: {  	_ =	sfence.sel $0x180000  }
0xb3: {  	[bflag:$0x0] =	sbarrier.arrive $0xFFFF  }
0xb4: {  	p0 =	sne.s32 s2, $0x0;
	_ =	strace $0x9000004A  }
0xb5: {  	s0 =	sadd.s32 @!p0 $0x100000, s0;
	[bflag:$0x2] =	sbarrier.arrive $0xFFFF  }
0xb6: {  	[sflag:s0] =	ssyncadd.tile.s32 @!p0 $0x1;
	_ =	shalt  }
.Lfunc_end2:
_tile_overlayer_lowered:
.L_overlay_start_2:
0xb7: {  	(tag) =	ssettag $0x2  }
0xb8: {  	s0 =	rddreg [dreg:$0x0];
	s2 =	stileid.u32  }
0xb9: {  	s1 =	rddreg [dreg:$0x1];
	p0 =	sne.s32 s2, $0x0  }
0xba: {  	s3 =	rddreg [dreg:$0x2];
	[bflag:$0x3] =	sbarrier.arrive $0xFFFF;
	s2 =	simm.s32 @!p0 $0x1C05  }
0xbb: {  	[timem:s3], [sflag:s2] =	dma.local @!p0 [hbm:s0], s1  }
0xbc: {  	s0 =	simm.s32 @!p0 $0x5  }
0xbd: {  	_ =	swait.ge @!p0 [sflag:s0], s1  }
0xbe: {  	s1 =	ssub.s32 @!p0 $0x0, s1;
	[sflag:s0] =	ssyncset.done @!p0 $0x0  }
0xbf: {  	[sflag:s0] =	ssyncadd.s32 @!p0 s1  }
0xc0: {  	[bflag:$0x3] =	sbarrier.arrive $0xFFFF  }
0xc1: {  	_ =	shalt  }

// kernel: kernel.31.cloned.1.call-start
scs
__scs_entry_jumppad:
0x0: {  	(pc) =	sbr.rel $0x88, $3  }
0x1: {  	(tag) =	ssettag $0x0;
	lr =	simm.s32 $0x1  }
0x2: {  	[smem:$0x3F91] =	sst lr;
	_ =	strace $0xD0000000  }
0x3: {  	_ = 	snop  }
0x4: {  	_ = 	snop  }
0x5: {  	_ = 	snop  }
0x6: {  	_ = 	snop  }
0x7: {  	_ = 	snop  }
__scs_overlays_trampoline_lowered:
0x8: {  	[smem:$0x3FA0] =	sst s0  }
0x9: {  	[smem:$0x3FA1] =	sst s1  }
0xa: {  	[smem:$0x3FA2] =	sst s2  }
0xb: {  	[smem:$0x3FA3] =	sst s3  }
0xc: {  	[smem:$0x3FA4] =	sst s4  }
0xd: {  	[smem:$0x3FA5] =	sst s5  }
0xe: {  	[smem:$0x3FA6] =	sst s6  }
0xf: {  	[smem:$0x3FA7] =	sst s7  }
0x10: {  	[smem:$0x3FA8] =	sst s8  }
0x11: {  	[smem:$0x3FA9] =	sst s9;
	s0 =	simm.s32 @!p0 $0x0  }
0x12: {  	s1 =	sld [smem:$0x3F8F];
	s0 =	simm.s32 @p0 $0x1  }
0x13: {  	[smem:$0x3FAA] =	sst s0;
	s0 =	simm.s32 @!p1 $0x0  }
0x14: {  	s2 =	sld [smem:$0x3F8E];
	s0 =	simm.s32 @p1 $0x1  }
0x15: {  	[smem:$0x3FAB] =	sst s0;
	s0 =	simm.s32 @!p2 $0x0  }
0x16: {  	s3 =	sld [smem:$0x3FDB];
	s0 =	simm.s32 @p2 $0x1  }
0x17: {  	s4 =	simm.s32 $0x1BF5;
	[smem:$0x3FAD] =	sst s0  }
0x18: {  	s0 =	sld [smem:$0x3F90];
	_ =	swait.ge [sflag:s4], $0x0  }
0x19: {  	s7 =	sld [smem:$0x3F91]  }
0x1a: {  	s8 =	sadd.s32 $0xFFFFE003, lr  }
0x1b: {  	s9 =	sadd.s32 $0xFFFFFEF7, lr;
	s5 =	simm.s32 $0xFFFFFFFF;
	p2 =	slt.u32 s8, $0xFFFFF086  }
0x1c: {  	p1 =	slt.u32 s9, $0xF7A;
	s5 =	simm.s32 @!p2 $0x0  }
0x1d: {  	s5 =	simm.s32 @p1 $0x1;
	p0 =	seq.s32 s7, s2  }
0x1e: {  	s7 =	smul.u32 @!p0 $0xF7A, s2;
	p2 =	seq.s32 @!p0 s5, $0x0  }
0x1f: {  	s9 =	smul.u32 $0xF7A, s1;
	s8 =	simm.s32 @!p0 $0x1BF5;
	p2 =	por !p2, p0  }
0x20: {  	[sflag:s8] =	ssyncset.s32 @!p0 $0xFFFFF086;
	s6 =	sadd.s32 @!p0 s3, s7;
	s7 =	simm.s32 @!p0 $0x108  }
0x21: {  	s3 =	sadd.s32 s3, s9;
	s6 =	sadd.s32 @!p0 $0x88, s6;
	s7 =	simm.s32 @p2 $0x1082  }
0x22: {  	[simem:s7], [sflag:s8] =	dma.local @!p0 [hbm:s6], $0xF7A  }
0x23: {  	s9 =	sor.u32 $0xD0000000, s2;
	s6 =	simm.s32 $0x108;
	_ =	swait.ge @!p0 [sflag:s8], $0x0  }
0x24: {  	s3 =	sadd.s32 $0x88, s3;
	s6 =	simm.s32 @!p1 $0x1082;
	[sflag:s4] =	ssyncset.s32 $0xFFFFF086  }
0x25: {  	[simem:s6], [sflag:s4] =	dma.local [hbm:s3], $0xF7A  }
0x26: {  	[smem:$0x3F91] =	sst s1;
	(tag) =	ssettag s2;
	_ =	strace s9  }
0x27: {  	s1 =	sld [smem:$0x3FA1]  }
0x28: {  	s2 =	sld [smem:$0x3FA2]  }
0x29: {  	s4 =	sld [smem:$0x3FA4]  }
0x2a: {  	p0 =	seq.s32 s5, $0x0;
	s5 =	sld [smem:$0x3FA5]  }
0x2b: {  	s6 =	sld [smem:$0x3FA6]  }
0x2c: {  	s7 =	sld [smem:$0x3FA7]  }
0x2d: {  	s3 =	simm.s32 $0x108;
	s8 =	sld [smem:$0x3FA8]  }
0x2e: {  	s3 =	simm.s32 @!p0 $0x1082;
	s9 =	sld [smem:$0x3FA9]  }
0x2f: {  	lr =	sadd.s32 s0, s3;
	s0 =	sld [smem:$0x3FA0]  }
0x30: {  	s3 =	sld [smem:$0x3FA3]  }
0x31: {  	[smem:$0x3FAC] =	sst s10  }
0x32: {  	s10 =	sld [smem:$0x3FAA];
	_ =	sdelay $0x3  }
0x33: {  	p0 =	seq.s32 s10, $0x1;
	s10 =	sld [smem:$0x3FAC];
	_ =	sdelay $0x3  }
0x34: {  	[smem:$0x3FAC] =	sst s10  }
0x35: {  	s10 =	sld [smem:$0x3FAB];
	_ =	sdelay $0x3  }
0x36: {  	p1 =	seq.s32 s10, $0x1;
	s10 =	sld [smem:$0x3FAC];
	_ =	sdelay $0x3  }
0x37: {  	[smem:$0x3FAC] =	sst s10  }
0x38: {  	s10 =	sld [smem:$0x3FAD]  }
0x39: {  	_ = 	snop;
	(pc) =	sbr.ind lr, $3  }
0x3a: {  	_ = 	snop  }
0x3b: {  	_ = 	snop  }
0x3c: {  	p2 =	seq.s32 s10, $0x1;
	s10 =	sld [smem:$0x3FAC]  }
0x3d: {  	_ =	shalt  }
0x3e: {  	_ =	shalt  }
0x3f: {  	_ =	shalt  }
0x40: {  	_ =	shalt  }
0x41: {  	_ =	shalt  }
0x42: {  	_ =	shalt  }
0x43: {  	_ =	shalt  }
0x44: {  	_ =	shalt  }
0x45: {  	_ =	shalt  }
0x46: {  	_ =	shalt  }
0x47: {  	_ =	shalt  }
0x48: {  	_ =	shalt  }
0x49: {  	_ =	shalt  }
0x4a: {  	_ =	shalt  }
0x4b: {  	_ =	shalt  }
0x4c: {  	_ =	shalt  }
0x4d: {  	_ =	shalt  }
0x4e: {  	_ =	shalt  }
0x4f: {  	_ =	shalt  }
0x50: {  	_ =	shalt  }
0x51: {  	_ =	shalt  }
0x52: {  	_ =	shalt  }
0x53: {  	_ =	shalt  }
0x54: {  	_ =	shalt  }
0x55: {  	_ =	shalt  }
0x56: {  	_ =	shalt  }
0x57: {  	_ =	shalt  }
0x58: {  	_ =	shalt  }
0x59: {  	_ =	shalt  }
0x5a: {  	_ =	shalt  }
0x5b: {  	_ =	shalt  }
0x5c: {  	_ =	shalt  }
0x5d: {  	_ =	shalt  }
0x5e: {  	_ =	shalt  }
0x5f: {  	_ =	shalt  }
0x60: {  	_ =	shalt  }
0x61: {  	_ =	shalt  }
0x62: {  	_ =	shalt  }
0x63: {  	_ =	shalt  }
0x64: {  	_ =	shalt  }
0x65: {  	_ =	shalt  }
0x66: {  	_ =	shalt  }
0x67: {  	_ =	shalt  }
0x68: {  	_ =	shalt  }
0x69: {  	_ =	shalt  }
0x6a: {  	_ =	shalt  }
0x6b: {  	_ =	shalt  }
0x6c: {  	_ =	shalt  }
0x6d: {  	_ =	shalt  }
0x6e: {  	_ =	shalt  }
0x6f: {  	_ =	shalt  }
0x70: {  	_ =	shalt  }
0x71: {  	_ =	shalt  }
0x72: {  	_ =	shalt  }
0x73: {  	_ =	shalt  }
0x74: {  	_ =	shalt  }
0x75: {  	_ =	shalt  }
0x76: {  	_ =	shalt  }
0x77: {  	_ =	shalt  }
0x78: {  	_ =	shalt  }
0x79: {  	_ =	shalt  }
0x7a: {  	_ =	shalt  }
0x7b: {  	_ =	shalt  }
0x7c: {  	_ =	shalt  }
0x7d: {  	_ =	shalt  }
0x7e: {  	_ =	shalt  }
0x7f: {  	_ =	shalt  }
0x80: {  	_ =	shalt  }
0x81: {  	_ =	shalt  }
0x82: {  	_ =	shalt  }
0x83: {  	_ =	shalt  }
0x84: {  	_ =	shalt  }
0x85: {  	_ =	shalt  }
0x86: {  	_ =	shalt  }
0x87: {  	_ =	shalt  }
.Lfunc_end0:
.L_simem_size_0:
called_computation.2_lowered:
.L_overlay_start_0:
0x88: {  	s2 =	sld [smem:$0x3FD9]  }
0x89: {  	s3 =	sld [smem:$0x3FFE];
	_ =	sdelay $0x1  }
0x8a: {  	s1 =	srdreg.scid  }
0x8b: {  	s0 =	sand.u32 $0x1, s1  }
0x8c: {  	s16 =	sshll.u32 s0, $0xA;
	s2 =	sadd.s32 s3, s2  }
0x8d: {  	s2 =	sadd.s32 s2, s16  }
0x8e: {  	[smem:$0x3FB8] =	sst s2  }
0x8f: {  	_ = 	snop  }
0x90: {  	(tm) =	ssettm $0x1  }
0x91: {  	s17 =	sld [smem:$0x3FFB];
	_ =	sdelay $0x3  }
0x92: {  	_ =	strace s17  }
0x93: {  	s2 =	sld [smem:$0x3FFC];
	_ =	sdelay $0x3  }
0x94: {  	_ =	strace s2  }
0x95: {  	s2 =	sld [smem:$0x3FFD];
	_ =	sdelay $0x3  }
0x96: {  	_ =	strace s2  }
0x97: {  	_ =	strace $0x8FFFFFFF  }
0x98: {  	s18 =	sld [smem:$0x3FDB];
	_ =	sdelay $0x1  }
0x99: {  	s19 =	simm.s32 $_scs_section_size  }
0x9a: {  	s4 =	simm.s32 $_size__tile_overlayer_lowered;
	s5 =	simm.s32 $_tile_overlayer_lowered  }
0x9b: {  	s22 =	simm.s32 $0x1BFF;
	s21 =	sshll.u32 s5, $0x1;
	s2 =	sadd.s32 s19, s18  }
0x9c: {  	s6 =	simm.s32 $0x0;
	s20 =	sshll.u32 s4, $0x1;
	s4 =	sadd.s32 s21, s2  }
0x9d: {  	[timem:s6], [sflag:s22] =	dma.local [hbm:s4], s20  }
0x9e: {  	_ =	swait.ge [sflag:s22], s20  }
0x9f: {  	s3 =	ssub.s32 $0x0, s20;
	[sflag:s22] =	ssyncset.done $0x0  }
0xa0: {  	[sflag:s22] =	ssyncadd.s32 s3;
	_ =	sdelay $0x1  }
0xa1: {  	s23 =	simm.s32 $0x1B8B  }
0xa2: {  	_ =	swait.ge [sflag:s23], $0x1  }
0xa3: {  	[sflag:s23] =	ssyncset.done $0x0  }
0xa4: {  	s25 =	simm.s32 $0x1B8E;
	s24 =	sld [smem:$0x3FFE];
	[sflag:s23] =	ssyncadd.s32 $0xFFFFFFFF  }
0xa5: {  	s26 =	simm.s32 $execute0_lowered;
	[smem:$0x3FD2] =	sst s25  }
0xa6: {  	s4 =	sshll.u32 s26, $0x1;
	_ =	strace $0x8000004C;
	[dreg:$0x1] =	wrdreg $0xFFFFFFFF  }
0xa7: {  	s28 =	simm.s32 $_size_execute0_lowered;
	s2 =	sadd.s32 s2, s4;
	[dreg:$0x0] =	wrdreg $0x0  }
0xa8: {  	s4 =	sshll.u32 s28, $0x1;
	[dreg:$0x2] =	wrdreg s2  }
0xa9: {  	[dreg:$0x3] =	wrdreg s4  }
0xaa: {  	[dreg:$0x4] =	wrdreg $0xC0  }
0xab: {  	_ =	task [dreg:s6], $0x5FFFF  }
0xac: {  	[dreg:$0x1] =	wrdreg $0xFFFFFFFF  }
0xad: {  	[dreg:$0x0] =	wrdreg $0x60  }
0xae: {  	[dreg:$0x2] =	wrdreg s24  }
0xaf: {  	[dreg:$0x3] =	wrdreg $0x9  }
0xb0: {  	_ =	task.clear_ibuf [dreg:s6], $0x4FFFF;
	_ =	strace $0x9000004C  }
0xb1: {  	s29 =	simm.s32 $0x9;
	_ =	strace $0x8000004E  }
0xb2: {  	_ =	swait.ge [sflag:s29], $0x1  }
0xb3: {  	[sflag:s29] =	ssyncadd.s32 $0xFFFFFFFF  }
0xb4: {  	_ =	strace $0x9000004E  }
0xb5: {  	_ =	sfence  }
0xb6: {  	s30 =	sld [smem:$0x0];
	_ =	sdelay $0x2  }
0xb7: {  	s31 =	sshll.u32 s1, $0xD;
	s1 =	sshrl.u32 s1, $0x2  }
0xb8: {  	s3 =	sand.u32 $0x4000, s31;
	s1 =	sadd.s32 s1, s30  }
0xb9: {  	s0 =	sor.u32 s3, s0;
	s1 =	sshll.u32 s1, $0x11  }
0xba: {  	s0 =	sor.u32 s1, s0  }
0xbb: {  	s0 =	sadd.s32 $0x8F2B, s0  }
0xbc: {  	[sflag:s0] =	ssyncadd.remote.s32 $0x1  }
0xbd: {  	_ =	sfence.sel $0xFFFF  }
0xbe: {  	[dreg:$0x0] =	wrdreg $0xFFFFFFFF;
	(pc) =	sbr.abs _section_cstart, $3  }
0xbf: {  	[dreg:$0x1] =	wrdreg $0xFFFFFFFF  }
0xc0: {  	_ =	task.clear_ibuf [dreg:s6], $0x2FFFF;
	_ =	strace $0x9FFFFFFF  }
0xc1: {  	(tm) =	ssettm $0x7FFFFFFF  }
tec
execute0_lowered:
.L_overlay_start_1:
0x0: {  	(tag) =	ssettag $0x1  }
0x1: {  	s0 =	srdreg.scid  }
0x2: {  	s3 =	sand.u32 $0x1, s0  }
0x3: {  	s0 =	stileid.u32;
	s1 =	sshll.u32 s3, $0x4  }
0x4: {  	s5 =	rddreg [dreg:$0x0];
	s2 =	simm.s32 $0x0;
	s1 =	sor.u32 s0, s1  }
0x5: {  	s9 =	simm.s32 $0x1;
	s10 =	simm.s32 $0x80;
	s1 =	sshrl.u32 s1, $0x3  }
0x6: {  	s11 =	simm.s32 $0x400;
	s29 =	sshll.u32 s0, $0x7;
	s4 =	smul.u32 $0x14000, s1  }
0x7: {  	s12 =	simm.s32 $0x2800;
	s13 =	simm.s32 $0x7800;
	s6 =	sand.u32 $0x380, s29  }
0x8: {  	[smem:$0x7FF] =	sst s2;
	s30 =	ssub.s32 $0x2, s3;
	s4 =	sor.u32 s6, s4  }
0x9: {  	s3 =	sadd.s32 $0xAC600, s5;
	s31 =	sshrl.u32 s30, $0x1;
	s4 =	sshrl.u32 s4, $0x3  }
0xa: {  	s8 =	ssub.s32 s30, s31;
	s1 =	rddreg [dreg:$0x1];
	s7 =	sadd.s32 s4, s5  }
0xb: {  	_ =	strace $0x8000004D;
	s4 =	sadd.s32 $0x16600, s7;
	s5 =	sadd.s32 $0x2A600, s7  }
0xc: {  	v0 =	vimm.f32 $0.0e+00;
	s6 =	sadd.s32 $0xACC00, s7;
	s7 =	smax.u32 s8, $0x1;
	s8 =	simm.s32 $0x5000  }
.LBB2_1:
0xd: {  	s14 =	simm.s32 $0x40;
	s15 =	simm.s32 $0x0  }
.LBB2_2:
0xe: {  	p0 =	sne.s32 s14, $0x9FC0;
	[tilespmem:s15+$0x7800] =	vst v0;
	s15 =	smov.u32 s14;
	s14 =	sadd.s32 $0x40, s14  }
.Ltmp0:
0xf: {  	(pc) =	sbr.rel @p0 .LBB2_2-.Ltmp0, $2  }
0x10: {  	_ =	sdelay $0x2  }
0x11: {  	s15 =	sshra.s32 s15, $0x2  }
0x12: {  	[tilespmem:s15+$0x7800] =	vst v0;
	s14 =	simm.s32 $0x0  }
0x13: {  	[tilespmem:s8], [sflag:$0x1] =	stream.linear.gather [hbm4b:s3+s14], $0x2800, $0x38;
	[tilespmem:$0xA000] =	vst v63  }
0x14: {  	_ =	swait.ge [sflag:s9], $0x2800  }
0x15: {  	[sflag:s9] =	ssyncset.done $0x0  }
0x16: {  	[sflag:s9] =	ssyncadd.s32 $0xFFFFD800  }
0x17: {  	[tilespmem:s14], [sflag:$0x1] =	stream.strided.gather [hbm4b:s4+s10], $0x2800, s11, s10, $0x38;
	[tilespmem:$0xA000] =	vst v63  }
0x18: {  	_ =	swait.ge [sflag:s9], $0x2800  }
0x19: {  	[sflag:s9] =	ssyncset.done $0x0  }
0x1a: {  	[sflag:s9] =	ssyncadd.s32 $0xFFFFD800  }
0x1b: {  	[tilespmem:s12], [sflag:$0x1] =	stream.strided.gather [hbm4b:s5+s10], $0x2800, s11, s10, $0x38;
	[tilespmem:$0xA000] =	vst v63  }
0x1c: {  	_ =	swait.ge [sflag:s9], $0x2800  }
0x1d: {  	[sflag:s9] =	ssyncset.done $0x0  }
0x1e: {  	s15 =	simm.s32 $0x0;
	s14 =	simm.s32 $0x40;
	[sflag:s9] =	ssyncadd.s32 $0xFFFFD800  }
.LBB2_4:
0x1f: {  	p0 =	sne.s32 s14, $0x9FC0;
	v1 =	vld [tilespmem:s15+$0x0];
	_ =	sdelay $0x5  }
0x20: {  	v2 =	vld [tilespmem:s15+$0x2800];
	_ =	sdelay $0x1  }
0x21: {  	v1 =	vld.idx.msk [tilespmem:v1+s8+$0x0], $0xffff;
	_ =	sdelay $0x1  }
.Ltmp1:
0x22: {  	(pc) =	sbr.rel @p0 .LBB2_4-.Ltmp1, $2  }
0x23: {  	_ =	sdelay $0x2  }
0x24: {  	s15 =	sshra.s32 s14, $0x2;
	s14 =	sadd.s32 $0x40, s14;
	[tilespmem:v2+s13+$0x0] =	vst.idx.add.f32.msk $0xffff, v1  }
0x25: {  	v1 =	vld [tilespmem:s15+$0x0];
	_ =	sdelay $0x4  }
0x26: {  	v2 =	vld [tilespmem:s15+$0x2800];
	_ =	sdelay $0x2  }
0x27: {  	v1 =	vld.idx.msk [tilespmem:v1+s8+$0x0], $0xffff;
	_ =	sdelay $0x2  }
0x28: {  	s2 =	sadd.s32 $0x1, s2  }
0x29: {  	p0 =	sne.s32 s2, s7  }
.Ltmp2:
0x2a: {  	[tilespmem:v2+s13+$0x0] =	vst.idx.add.f32.msk $0xffff, v1;
	(pc) =	sbr.rel @p0 .LBB2_1-.Ltmp2, $4  }
0x2b: {  	[hbm4b:s6+s10] =	stream.strided.scatter [tilespmem:s13], [sflag:$0x1], $0x2800, s11, s10, $0x38;
	[tilespmem:$0xA000] =	vst v63  }
0x2c: {  	_ =	swait.ge [sflag:s9], $0x2800  }
0x2d: {  	[sflag:s9] =	ssyncset.done $0x0  }
0x2e: {  	[sflag:s9] =	ssyncadd.s32 $0xFFFFD800  }
0x2f: {  	_ =	sfence.sel $0x180000  }
0x30: {  	[bflag:$0x0] =	sbarrier.arrive $0xFFFF  }
0x31: {  	p0 =	sne.s32 s0, $0x0;
	_ =	strace $0x9000004D  }
0x32: {  	s0 =	sadd.s32 @!p0 $0x100000, s1;
	[bflag:$0x2] =	sbarrier.arrive $0xFFFF  }
0x33: {  	[sflag:s0] =	ssyncadd.tile.s32 @!p0 $0x1;
	_ =	shalt  }
.Lfunc_end2:
_tile_overlayer_lowered:
.L_overlay_start_2:
0x34: {  	(tag) =	ssettag $0x2  }
0x35: {  	s0 =	rddreg [dreg:$0x0];
	s2 =	stileid.u32  }
0x36: {  	s1 =	rddreg [dreg:$0x1];
	p0 =	sne.s32 s2, $0x0  }
0x37: {  	s3 =	rddreg [dreg:$0x2];
	[bflag:$0x3] =	sbarrier.arrive $0xFFFF;
	s2 =	simm.s32 @!p0 $0x1C01  }
0x38: {  	[timem:s3], [sflag:s2] =	dma.local @!p0 [hbm:s0], s1  }
0x39: {  	s0 =	simm.s32 @!p0 $0x1  }
0x3a: {  	_ =	swait.ge @!p0 [sflag:s0], s1  }
0x3b: {  	s1 =	ssub.s32 @!p0 $0x0, s1;
	[sflag:s0] =	ssyncset.done @!p0 $0x0  }
0x3c: {  	[sflag:s0] =	ssyncadd.s32 @!p0 s1  }
0x3d: {  	[bflag:$0x3] =	sbarrier.arrive $0xFFFF  }
0x3e: {  	_ =	shalt  }

// kernel: kernel.34.cloned.1.call-start
scs
__scs_entry_jumppad:
0x0: {  	(pc) =	sbr.rel $0x88, $3  }
0x1: {  	(tag) =	ssettag $0x0;
	lr =	simm.s32 $0x1  }
0x2: {  	[smem:$0x3F91] =	sst lr;
	_ =	strace $0xD0000000  }
0x3: {  	_ = 	snop  }
0x4: {  	_ = 	snop  }
0x5: {  	_ = 	snop  }
0x6: {  	_ = 	snop  }
0x7: {  	_ = 	snop  }
__scs_overlays_trampoline_lowered:
0x8: {  	[smem:$0x3FA0] =	sst s0  }
0x9: {  	[smem:$0x3FA1] =	sst s1  }
0xa: {  	[smem:$0x3FA2] =	sst s2  }
0xb: {  	[smem:$0x3FA3] =	sst s3  }
0xc: {  	[smem:$0x3FA4] =	sst s4  }
0xd: {  	[smem:$0x3FA5] =	sst s5  }
0xe: {  	[smem:$0x3FA6] =	sst s6  }
0xf: {  	[smem:$0x3FA7] =	sst s7  }
0x10: {  	[smem:$0x3FA8] =	sst s8  }
0x11: {  	[smem:$0x3FA9] =	sst s9;
	s0 =	simm.s32 @!p0 $0x0  }
0x12: {  	s1 =	sld [smem:$0x3F8F];
	s0 =	simm.s32 @p0 $0x1  }
0x13: {  	[smem:$0x3FAA] =	sst s0;
	s0 =	simm.s32 @!p1 $0x0  }
0x14: {  	s2 =	sld [smem:$0x3F8E];
	s0 =	simm.s32 @p1 $0x1  }
0x15: {  	[smem:$0x3FAB] =	sst s0;
	s0 =	simm.s32 @!p2 $0x0  }
0x16: {  	s3 =	sld [smem:$0x3FDB];
	s0 =	simm.s32 @p2 $0x1  }
0x17: {  	s4 =	simm.s32 $0x1BF5;
	[smem:$0x3FAD] =	sst s0  }
0x18: {  	s0 =	sld [smem:$0x3F90];
	_ =	swait.ge [sflag:s4], $0x0  }
0x19: {  	s7 =	sld [smem:$0x3F91]  }
0x1a: {  	s8 =	sadd.s32 $0xFFFFE003, lr  }
0x1b: {  	s9 =	sadd.s32 $0xFFFFFEF7, lr;
	s5 =	simm.s32 $0xFFFFFFFF;
	p2 =	slt.u32 s8, $0xFFFFF086  }
0x1c: {  	p1 =	slt.u32 s9, $0xF7A;
	s5 =	simm.s32 @!p2 $0x0  }
0x1d: {  	s5 =	simm.s32 @p1 $0x1;
	p0 =	seq.s32 s7, s2  }
0x1e: {  	s7 =	smul.u32 @!p0 $0xF7A, s2;
	p2 =	seq.s32 @!p0 s5, $0x0  }
0x1f: {  	s9 =	smul.u32 $0xF7A, s1;
	s8 =	simm.s32 @!p0 $0x1BF5;
	p2 =	por !p2, p0  }
0x20: {  	[sflag:s8] =	ssyncset.s32 @!p0 $0xFFFFF086;
	s6 =	sadd.s32 @!p0 s3, s7;
	s7 =	simm.s32 @!p0 $0x108  }
0x21: {  	s3 =	sadd.s32 s3, s9;
	s6 =	sadd.s32 @!p0 $0x88, s6;
	s7 =	simm.s32 @p2 $0x1082  }
0x22: {  	[simem:s7], [sflag:s8] =	dma.local @!p0 [hbm:s6], $0xF7A  }
0x23: {  	s9 =	sor.u32 $0xD0000000, s2;
	s6 =	simm.s32 $0x108;
	_ =	swait.ge @!p0 [sflag:s8], $0x0  }
0x24: {  	s3 =	sadd.s32 $0x88, s3;
	s6 =	simm.s32 @!p1 $0x1082;
	[sflag:s4] =	ssyncset.s32 $0xFFFFF086  }
0x25: {  	[simem:s6], [sflag:s4] =	dma.local [hbm:s3], $0xF7A  }
0x26: {  	[smem:$0x3F91] =	sst s1;
	(tag) =	ssettag s2;
	_ =	strace s9  }
0x27: {  	s1 =	sld [smem:$0x3FA1]  }
0x28: {  	s2 =	sld [smem:$0x3FA2]  }
0x29: {  	s4 =	sld [smem:$0x3FA4]  }
0x2a: {  	p0 =	seq.s32 s5, $0x0;
	s5 =	sld [smem:$0x3FA5]  }
0x2b: {  	s6 =	sld [smem:$0x3FA6]  }
0x2c: {  	s7 =	sld [smem:$0x3FA7]  }
0x2d: {  	s3 =	simm.s32 $0x108;
	s8 =	sld [smem:$0x3FA8]  }
0x2e: {  	s3 =	simm.s32 @!p0 $0x1082;
	s9 =	sld [smem:$0x3FA9]  }
0x2f: {  	lr =	sadd.s32 s0, s3;
	s0 =	sld [smem:$0x3FA0]  }
0x30: {  	s3 =	sld [smem:$0x3FA3]  }
0x31: {  	[smem:$0x3FAC] =	sst s10  }
0x32: {  	s10 =	sld [smem:$0x3FAA];
	_ =	sdelay $0x3  }
0x33: {  	p0 =	seq.s32 s10, $0x1;
	s10 =	sld [smem:$0x3FAC];
	_ =	sdelay $0x3  }
0x34: {  	[smem:$0x3FAC] =	sst s10  }
0x35: {  	s10 =	sld [smem:$0x3FAB];
	_ =	sdelay $0x3  }
0x36: {  	p1 =	seq.s32 s10, $0x1;
	s10 =	sld [smem:$0x3FAC];
	_ =	sdelay $0x3  }
0x37: {  	[smem:$0x3FAC] =	sst s10  }
0x38: {  	s10 =	sld [smem:$0x3FAD]  }
0x39: {  	_ = 	snop;
	(pc) =	sbr.ind lr, $3  }
0x3a: {  	_ = 	snop  }
0x3b: {  	_ = 	snop  }
0x3c: {  	p2 =	seq.s32 s10, $0x1;
	s10 =	sld [smem:$0x3FAC]  }
0x3d: {  	_ =	shalt  }
0x3e: {  	_ =	shalt  }
0x3f: {  	_ =	shalt  }
0x40: {  	_ =	shalt  }
0x41: {  	_ =	shalt  }
0x42: {  	_ =	shalt  }
0x43: {  	_ =	shalt  }
0x44: {  	_ =	shalt  }
0x45: {  	_ =	shalt  }
0x46: {  	_ =	shalt  }
0x47: {  	_ =	shalt  }
0x48: {  	_ =	shalt  }
0x49: {  	_ =	shalt  }
0x4a: {  	_ =	shalt  }
0x4b: {  	_ =	shalt  }
0x4c: {  	_ =	shalt  }
0x4d: {  	_ =	shalt  }
0x4e: {  	_ =	shalt  }
0x4f: {  	_ =	shalt  }
0x50: {  	_ =	shalt  }
0x51: {  	_ =	shalt  }
0x52: {  	_ =	shalt  }
0x53: {  	_ =	shalt  }
0x54: {  	_ =	shalt  }
0x55: {  	_ =	shalt  }
0x56: {  	_ =	shalt  }
0x57: {  	_ =	shalt  }
0x58: {  	_ =	shalt  }
0x59: {  	_ =	shalt  }
0x5a: {  	_ =	shalt  }
0x5b: {  	_ =	shalt  }
0x5c: {  	_ =	shalt  }
0x5d: {  	_ =	shalt  }
0x5e: {  	_ =	shalt  }
0x5f: {  	_ =	shalt  }
0x60: {  	_ =	shalt  }
0x61: {  	_ =	shalt  }
0x62: {  	_ =	shalt  }
0x63: {  	_ =	shalt  }
0x64: {  	_ =	shalt  }
0x65: {  	_ =	shalt  }
0x66: {  	_ =	shalt  }
0x67: {  	_ =	shalt  }
0x68: {  	_ =	shalt  }
0x69: {  	_ =	shalt  }
0x6a: {  	_ =	shalt  }
0x6b: {  	_ =	shalt  }
0x6c: {  	_ =	shalt  }
0x6d: {  	_ =	shalt  }
0x6e: {  	_ =	shalt  }
0x6f: {  	_ =	shalt  }
0x70: {  	_ =	shalt  }
0x71: {  	_ =	shalt  }
0x72: {  	_ =	shalt  }
0x73: {  	_ =	shalt  }
0x74: {  	_ =	shalt  }
0x75: {  	_ =	shalt  }
0x76: {  	_ =	shalt  }
0x77: {  	_ =	shalt  }
0x78: {  	_ =	shalt  }
0x79: {  	_ =	shalt  }
0x7a: {  	_ =	shalt  }
0x7b: {  	_ =	shalt  }
0x7c: {  	_ =	shalt  }
0x7d: {  	_ =	shalt  }
0x7e: {  	_ =	shalt  }
0x7f: {  	_ =	shalt  }
0x80: {  	_ =	shalt  }
0x81: {  	_ =	shalt  }
0x82: {  	_ =	shalt  }
0x83: {  	_ =	shalt  }
0x84: {  	_ =	shalt  }
0x85: {  	_ =	shalt  }
0x86: {  	_ =	shalt  }
0x87: {  	_ =	shalt  }
.Lfunc_end0:
.L_simem_size_0:
called_computation.3_lowered:
.L_overlay_start_0:
0x88: {  	s2 =	sld [smem:$0x3FD9]  }
0x89: {  	s3 =	sld [smem:$0x3FFE];
	_ =	sdelay $0x1  }
0x8a: {  	s1 =	srdreg.scid  }
0x8b: {  	s0 =	sand.u32 $0x1, s1  }
0x8c: {  	s16 =	sshll.u32 s0, $0xA;
	s2 =	sadd.s32 s3, s2  }
0x8d: {  	s2 =	sadd.s32 s2, s16  }
0x8e: {  	[smem:$0x3FB8] =	sst s2  }
0x8f: {  	_ = 	snop  }
0x90: {  	(tm) =	ssettm $0x1  }
0x91: {  	s17 =	sld [smem:$0x3FFB];
	_ =	sdelay $0x3  }
0x92: {  	_ =	strace s17  }
0x93: {  	s2 =	sld [smem:$0x3FFC];
	_ =	sdelay $0x3  }
0x94: {  	_ =	strace s2  }
0x95: {  	s2 =	sld [smem:$0x3FFD];
	_ =	sdelay $0x3  }
0x96: {  	_ =	strace s2  }
0x97: {  	_ =	strace $0x8FFFFFFF  }
0x98: {  	s18 =	sld [smem:$0x3FDB];
	_ =	sdelay $0x1  }
0x99: {  	s19 =	simm.s32 $_scs_section_size  }
0x9a: {  	s4 =	simm.s32 $_size__tile_overlayer_lowered;
	s5 =	simm.s32 $_tile_overlayer_lowered  }
0x9b: {  	s22 =	simm.s32 $0x1BFF;
	s21 =	sshll.u32 s5, $0x1;
	s2 =	sadd.s32 s19, s18  }
0x9c: {  	s6 =	simm.s32 $0x0;
	s20 =	sshll.u32 s4, $0x1;
	s4 =	sadd.s32 s21, s2  }
0x9d: {  	[timem:s6], [sflag:s22] =	dma.local [hbm:s4], s20  }
0x9e: {  	_ =	swait.ge [sflag:s22], s20  }
0x9f: {  	s3 =	ssub.s32 $0x0, s20;
	[sflag:s22] =	ssyncset.done $0x0  }
0xa0: {  	[sflag:s22] =	ssyncadd.s32 s3;
	_ =	sdelay $0x1  }
0xa1: {  	s23 =	simm.s32 $0x1B8B  }
0xa2: {  	_ =	swait.ge [sflag:s23], $0x1  }
0xa3: {  	[sflag:s23] =	ssyncset.done $0x0  }
0xa4: {  	s25 =	simm.s32 $0x1B8E;
	s24 =	sld [smem:$0x3FFE];
	[sflag:s23] =	ssyncadd.s32 $0xFFFFFFFF  }
0xa5: {  	s26 =	simm.s32 $execute0_lowered;
	[smem:$0x3FD2] =	sst s25  }
0xa6: {  	s4 =	sshll.u32 s26, $0x1;
	_ =	strace $0x8000004F;
	[dreg:$0x1] =	wrdreg $0xFFFFFFFF  }
0xa7: {  	s28 =	simm.s32 $_size_execute0_lowered;
	s2 =	sadd.s32 s2, s4;
	[dreg:$0x0] =	wrdreg $0x0  }
0xa8: {  	s4 =	sshll.u32 s28, $0x1;
	[dreg:$0x2] =	wrdreg s2  }
0xa9: {  	[dreg:$0x3] =	wrdreg s4  }
0xaa: {  	[dreg:$0x4] =	wrdreg $0xC0  }
0xab: {  	_ =	task [dreg:s6], $0x5FFFF  }
0xac: {  	[dreg:$0x1] =	wrdreg $0xFFFFFFFF  }
0xad: {  	[dreg:$0x0] =	wrdreg $0x60  }
0xae: {  	[dreg:$0x2] =	wrdreg s24  }
0xaf: {  	[dreg:$0x3] =	wrdreg $0xA8000  }
0xb0: {  	[dreg:$0x4] =	wrdreg $0x9  }
0xb1: {  	_ =	task.clear_ibuf [dreg:s6], $0x5FFFF;
	_ =	strace $0x9000004F  }
0xb2: {  	s29 =	simm.s32 $0x9;
	_ =	strace $0x80000051  }
0xb3: {  	_ =	swait.ge [sflag:s29], $0x1  }
0xb4: {  	[sflag:s29] =	ssyncadd.s32 $0xFFFFFFFF  }
0xb5: {  	_ =	strace $0x90000051  }
0xb6: {  	_ =	sfence  }
0xb7: {  	s30 =	sld [smem:$0x0];
	_ =	sdelay $0x2  }
0xb8: {  	s31 =	sshll.u32 s1, $0xD;
	s1 =	sshrl.u32 s1, $0x2  }
0xb9: {  	s3 =	sand.u32 $0x4000, s31;
	s1 =	sadd.s32 s1, s30  }
0xba: {  	s0 =	sor.u32 s3, s0;
	s1 =	sshll.u32 s1, $0x11  }
0xbb: {  	s0 =	sor.u32 s1, s0  }
0xbc: {  	s0 =	sadd.s32 $0x8F2B, s0  }
0xbd: {  	[sflag:s0] =	ssyncadd.remote.s32 $0x1  }
0xbe: {  	_ =	sfence.sel $0xFFFF  }
0xbf: {  	[dreg:$0x0] =	wrdreg $0xFFFFFFFF;
	(pc) =	sbr.abs _section_cstart, $3  }
0xc0: {  	[dreg:$0x1] =	wrdreg $0xFFFFFFFF  }
0xc1: {  	_ =	task.clear_ibuf [dreg:s6], $0x2FFFF;
	_ =	strace $0x9FFFFFFF  }
0xc2: {  	(tm) =	ssettm $0x7FFFFFFF  }
0xc3: {  	_ =	shalt  }
tec
execute0_lowered:
.L_overlay_start_1:
0x0: {  	(tag) =	ssettag $0x1  }
0x1: {  	s5 =	rddreg [dreg:$0x0]  }
0x2: {  	s1 =	rddreg [dreg:$0x1]  }
0x3: {  	s0 =	rddreg [dreg:$0x2]  }
0x4: {  	s3 =	simm.s32 $0x0;
	s2 =	srdreg.scid;
	s16 =	simm.s32 $0x2800  }
0x5: {  	s17 =	simm.s32 $0x5;
	s18 =	simm.s32 $0x1400;
	s19 =	simm.s32 $0x80  }
0x6: {  	s20 =	simm.s32 $0x6800;
	s21 =	simm.s32 $0x1;
	s22 =	simm.s32 $0x2  }
0x7: {  	s23 =	simm.s32 $0x3;
	s24 =	simm.s32 $0x4;
	s25 =	simm.s32 $0x2700  }
0x8: {  	[smem:$0x7FF] =	sst s3;
	s6 =	sand.u32 $0x1, s2;
	s2 =	stileid.u32  }
0x9: {  	s4 =	sadd.s32 $0x84600, s5;
	s11 =	sadd.s32 $0xC600, s5;
	s7 =	smul.u32 $0x28000, s6  }
0xa: {  	s28 =	sadd.s32 $0x20600, s5;
	s8 =	smul.u32 $0x2800, s2;
	s9 =	sshll.u32 s6, $0x4  }
0xb: {  	s10 =	smul.u32 $0x50000, s2;
	s29 =	ssub.s32 $0x2, s6;
	s9 =	sor.u32 s2, s9  }
0xc: {  	_ =	strace $0x80000050;
	s6 =	sshrl.u32 s29, $0x1;
	s26 =	smul.u32 $0x2800, s9  }
0xd: {  	s7 =	sadd.s32 s8, s7;
	s30 =	sshrl.u32 s10, $0x2;
	s13 =	ssub.s32 s29, s6  }
0xe: {  	s12 =	sadd.s32 s7, s5;
	s5 =	sadd.s32 s30, s1;
	s8 =	sshrl.u32 s26, $0x3  }
0xf: {  	s10 =	sadd.s32 $0xFC600, s12;
	s12 =	sadd.s32 $0x4000, s5;
	s14 =	sadd.s32 $0xC000, s5  }
0x10: {  	s15 =	sadd.s32 $0x10000, s5;
	s26 =	simm.s32 $0x2780;
	s31 =	sadd.s32 $0x280, s8  }
0x11: {  	s6 =	sadd.s32 s11, s8;
	s7 =	sadd.s32 s28, s8;
	s8 =	sadd.s32 s11, s31  }
0x12: {  	v0 =	vimm.f32 $0.0e+00;
	s9 =	sadd.s32 s28, s31;
	s11 =	smax.u32 s13, $0x1;
	s13 =	sadd.s32 $0x8000, s5  }
.LBB2_1:
0x13: {  	s28 =	simm.s32 $0x0;
	s29 =	simm.s32 $0x200  }
.LBB2_2:
0x14: {  	p0 =	sne.s32 s29, $0xFE00;
	[tilespmem:s28+$0x2870] =	vst v0  }
0x15: {  	[tilespmem:s28+$0x2800] =	vst v0  }
0x16: {  	[tilespmem:s28+$0x2810] =	vst v0  }
.Ltmp0:
0x17: {  	[tilespmem:s28+$0x2820] =	vst v0;
	(pc) =	sbr.rel @p0 .LBB2_2-.Ltmp0, $4  }
0x18: {  	[tilespmem:s28+$0x2830] =	vst v0  }
0x19: {  	[tilespmem:s28+$0x2840] =	vst v0  }
0x1a: {  	[tilespmem:s28+$0x2850] =	vst v0  }
0x1b: {  	[tilespmem:s28+$0x2860] =	vst v0;
	s28 =	sshra.s32 s29, $0x2;
	s29 =	sadd.s32 $0x200, s29  }
0x1c: {  	[tilespmem:s28+$0x2870] =	vst v0  }
0x1d: {  	[tilespmem:s28+$0x2800] =	vst v0  }
0x1e: {  	[tilespmem:s28+$0x2810] =	vst v0  }
0x1f: {  	[tilespmem:s28+$0x2820] =	vst v0  }
0x20: {  	[tilespmem:s28+$0x2830] =	vst v0  }
0x21: {  	[tilespmem:s28+$0x2840] =	vst v0  }
0x22: {  	[tilespmem:s28+$0x2850] =	vst v0  }
0x23: {  	[tilespmem:s28+$0x2860] =	vst v0  }
0x24: {  	[spmem:s5] =	stream.linear.scatter [tilespmem:s16], [sflag:$0x5], $0x4000, $0x38;
	[tilespmem:$0x1E800] =	vst v63  }
0x25: {  	_ =	swait.ge [sflag:s17], $0x4000  }
0x26: {  	[sflag:s17] =	ssyncset.done $0x0  }
0x27: {  	[sflag:s17] =	ssyncadd.s32 $0xFFFFC000  }
0x28: {  	[spmem:s12] =	stream.linear.scatter [tilespmem:s16], [sflag:$0x5], $0x4000, $0x38;
	[tilespmem:$0x1E800] =	vst v63  }
0x29: {  	_ =	swait.ge [sflag:s17], $0x4000  }
0x2a: {  	[sflag:s17] =	ssyncset.done $0x0  }
0x2b: {  	[sflag:s17] =	ssyncadd.s32 $0xFFFFC000  }
0x2c: {  	[spmem:s13] =	stream.linear.scatter [tilespmem:s16], [sflag:$0x5], $0x4000, $0x38;
	[tilespmem:$0x1E800] =	vst v63  }
0x2d: {  	_ =	swait.ge [sflag:s17], $0x4000  }
0x2e: {  	[sflag:s17] =	ssyncset.done $0x0  }
0x2f: {  	[sflag:s17] =	ssyncadd.s32 $0xFFFFC000  }
0x30: {  	[spmem:s14] =	stream.linear.scatter [tilespmem:s16], [sflag:$0x5], $0x4000, $0x38;
	[tilespmem:$0x1E800] =	vst v63  }
0x31: {  	_ =	swait.ge [sflag:s17], $0x4000  }
0x32: {  	[sflag:s17] =	ssyncset.done $0x0  }
0x33: {  	[sflag:s17] =	ssyncadd.s32 $0xFFFFC000  }
0x34: {  	[spmem:s15] =	stream.linear.scatter [tilespmem:s16], [sflag:$0x5], $0x4000, $0x38;
	[tilespmem:$0x1E800] =	vst v63  }
0x35: {  	_ =	swait.ge [sflag:s17], $0x4000  }
0x36: {  	[sflag:s17] =	ssyncset.done $0x0  }
0x37: {  	[sflag:s17] =	ssyncadd.s32 $0xFFFFC000  }
0x38: {  	s28 =	simm.s32 $0x0;
	[bflag:$0x0] =	sbarrier.arrive $0xFFFF  }
0x39: {  	[tilespmem:s28], [sflag:$0x5] =	stream.linear.gather [hbm4b:s6+s28], $0x1400, $0x38;
	[tilespmem:$0x1E800] =	vst v63  }
0x3a: {  	_ =	swait.ge [sflag:s17], $0x1400  }
0x3b: {  	[sflag:s17] =	ssyncset.done $0x0  }
0x3c: {  	[sflag:s17] =	ssyncadd.s32 $0xFFFFEC00  }
0x3d: {  	[tilespmem:s18], [sflag:$0x5] =	stream.linear.gather [hbm4b:s7+s28], $0x1400, $0x38;
	[tilespmem:$0x1E800] =	vst v63  }
0x3e: {  	_ =	swait.ge [sflag:s17], $0x1400  }
0x3f: {  	[sflag:s17] =	ssyncset.done $0x0  }
0x40: {  	[sflag:s17] =	ssyncadd.s32 $0xFFFFEC00  }
0x41: {  	[tilespmem:s16], [sflag:$0x1] =	stream.indirect.gather [hbm4b:s4+s19], $0x80, s28, s19, $0xb8;
	[tilespmem:$0x1E800] =	vst v63  }
0x42: {  	_ = 	snop  }
0x43: {  	[tilespmem:s20], [sflag:$0x2] =	stream.indirect.gather [hbm4b:s4+s19], $0x80, s19, s19, $0xb8;
	[tilespmem:$0x1E800] =	vst v63  }
0x44: {  	_ =	swait.ge [sflag:s21], $0x4000  }
0x45: {  	[sflag:s21] =	ssyncset.done $0x0  }
0x46: {  	s28 =	simm.s32 $0x1400;
	[sflag:s21] =	ssyncadd.s32 $0xFFFFC000  }
0x47: {  	[spmem:s1] =	stream.indirect.scatter.add.f32 [tilespmem:s16], [sflag:$0x3], $0x80, s28, s19, $0xb8;
	[tilespmem:$0x1E800] =	vst v63  }
0x48: {  	_ =	swait.ge [sflag:s22], $0x4000  }
0x49: {  	[sflag:s22] =	ssyncset.done $0x0  }
0x4a: {  	s28 =	simm.s32 $0x1480;
	[sflag:s22] =	ssyncadd.s32 $0xFFFFC000  }
0x4b: {  	[spmem:s1] =	stream.indirect.scatter.add.f32 [tilespmem:s20], [sflag:$0x4], $0x80, s28, s19, $0xb8;
	[tilespmem:$0x1E800] =	vst v63  }
0x4c: {  	_ =	swait.ge [sflag:s23], $0x4000  }
0x4d: {  	[sflag:s23] =	ssyncset.done $0x0  }
0x4e: {  	s28 =	simm.s32 $0x100;
	[sflag:s23] =	ssyncadd.s32 $0xFFFFC000  }
0x4f: {  	[tilespmem:s16], [sflag:$0x1] =	stream.indirect.gather [hbm4b:s4+s19], $0x80, s28, s19, $0xb8;
	[tilespmem:$0x1E800] =	vst v63  }
0x50: {  	_ =	swait.ge [sflag:s24], $0x4000  }
0x51: {  	[sflag:s24] =	ssyncset.done $0x0  }
0x52: {  	s29 =	simm.s32 $0x180;
	s28 =	simm.s32 $0x400;
	[sflag:s24] =	ssyncadd.s32 $0xFFFFC000  }
.LBB2_4:
0x53: {  	[tilespmem:s20], [sflag:$0x2] =	stream.indirect.gather [hbm4b:s4+s19], $0x80, s29, s19, $0xb8;
	[tilespmem:$0x1E800] =	vst v63  }
0x54: {  	s29 =	smov.u32 s28  }
0x55: {  	p0 =	sne.s32 s28, $0x4800;
	s28 =	sadd.s32 $0x400, s28;
	_ =	swait.ge [sflag:s21], $0x4000  }
0x56: {  	s29 =	sshra.s32 s29, $0x2;
	[sflag:s21] =	ssyncset.done $0x0  }
0x57: {  	s30 =	sadd.s32 $0x1400, s29;
	[sflag:s21] =	ssyncadd.s32 $0xFFFFC000  }
0x58: {  	[spmem:s1] =	stream.indirect.scatter.add.f32 [tilespmem:s16], [sflag:$0x3], $0x80, s30, s19, $0xb8;
	[tilespmem:$0x1E800] =	vst v63  }
0x59: {  	_ =	swait.ge [sflag:s22], $0x4000  }
0x5a: {  	[sflag:s22] =	ssyncset.done $0x0  }
0x5b: {  	s30 =	sadd.s32 $0x1480, s29;
	[sflag:s22] =	ssyncadd.s32 $0xFFFFC000  }
0x5c: {  	[spmem:s1] =	stream.indirect.scatter.add.f32 [tilespmem:s20], [sflag:$0x4], $0x80, s30, s19, $0xb8;
	[tilespmem:$0x1E800] =	vst v63  }
0x5d: {  	_ =	swait.ge [sflag:s23], $0x4000  }
0x5e: {  	[sflag:s23] =	ssyncset.done $0x0  }
.Ltmp1:
0x5f: {  	s30 =	sadd.s32 $0x100, s29;
	[sflag:s23] =	ssyncadd.s32 $0xFFFFC000;
	(pc) =	sbr.rel @p0 .LBB2_4-.Ltmp1, $4  }
0x60: {  	[tilespmem:s16], [sflag:$0x1] =	stream.indirect.gather [hbm4b:s4+s19], $0x80, s30, s19, $0xb8;
	[tilespmem:$0x1E800] =	vst v63  }
0x61: {  	_ =	swait.ge [sflag:s24], $0x4000  }
0x62: {  	[sflag:s24] =	ssyncset.done $0x0  }
0x63: {  	s29 =	sadd.s32 $0x180, s29;
	[sflag:s24] =	ssyncadd.s32 $0xFFFFC000  }
0x64: {  	[tilespmem:s20], [sflag:$0x2] =	stream.indirect.gather [hbm4b:s4+s19], $0x80, s29, s19, $0xb8;
	[tilespmem:$0x1E800] =	vst v63  }
0x65: {  	_ =	swait.ge [sflag:s21], $0x4000  }
0x66: {  	[sflag:s21] =	ssyncset.done $0x0  }
0x67: {  	[sflag:s21] =	ssyncadd.s32 $0xFFFFC000  }
0x68: {  	[spmem:s1] =	stream.indirect.scatter.add.f32 [tilespmem:s16], [sflag:$0x3], $0x80, s25, s19, $0xb8;
	[tilespmem:$0x1E800] =	vst v63  }
0x69: {  	_ =	swait.ge [sflag:s22], $0x4000  }
0x6a: {  	[sflag:s22] =	ssyncset.done $0x0  }
0x6b: {  	[sflag:s22] =	ssyncadd.s32 $0xFFFFC000  }
0x6c: {  	[spmem:s1] =	stream.indirect.scatter.add.f32 [tilespmem:s20], [sflag:$0x4], $0x80, s26, s19, $0xb8;
	[tilespmem:$0x1E800] =	vst v63  }
0x6d: {  	_ =	swait.ge [sflag:s23], $0x4000  }
0x6e: {  	[sflag:s23] =	ssyncset.done $0x0  }
0x6f: {  	[sflag:s23] =	ssyncadd.s32 $0xFFFFC000  }
0x70: {  	_ =	swait.ge [sflag:s24], $0x4000  }
0x71: {  	[sflag:s24] =	ssyncset.done $0x0  }
0x72: {  	s28 =	simm.s32 $0x0;
	[sflag:s24] =	ssyncadd.s32 $0xFFFFC000  }
0x73: {  	[tilespmem:s28], [sflag:$0x5] =	stream.linear.gather [hbm4b:s8+s28], $0x1400, $0x38;
	[tilespmem:$0x1E800] =	vst v63  }
0x74: {  	_ =	swait.ge [sflag:s17], $0x1400  }
0x75: {  	[sflag:s17] =	ssyncset.done $0x0  }
0x76: {  	[sflag:s17] =	ssyncadd.s32 $0xFFFFEC00  }
0x77: {  	[tilespmem:s18], [sflag:$0x5] =	stream.linear.gather [hbm4b:s9+s28], $0x1400, $0x38;
	[tilespmem:$0x1E800] =	vst v63  }
0x78: {  	_ =	swait.ge [sflag:s17], $0x1400  }
0x79: {  	[sflag:s17] =	ssyncset.done $0x0  }
0x7a: {  	[sflag:s17] =	ssyncadd.s32 $0xFFFFEC00  }
0x7b: {  	[tilespmem:s16], [sflag:$0x1] =	stream.indirect.gather [hbm4b:s4+s19], $0x80, s28, s19, $0xb8;
	[tilespmem:$0x1E800] =	vst v63  }
0x7c: {  	_ = 	snop  }
0x7d: {  	[tilespmem:s20], [sflag:$0x2] =	stream.indirect.gather [hbm4b:s4+s19], $0x80, s19, s19, $0xb8;
	[tilespmem:$0x1E800] =	vst v63  }
0x7e: {  	_ =	swait.ge [sflag:s21], $0x4000  }
0x7f: {  	[sflag:s21] =	ssyncset.done $0x0  }
0x80: {  	s28 =	simm.s32 $0x1400;
	[sflag:s21] =	ssyncadd.s32 $0xFFFFC000  }
0x81: {  	[spmem:s1] =	stream.indirect.scatter.add.f32 [tilespmem:s16], [sflag:$0x3], $0x80, s28, s19, $0xb8;
	[tilespmem:$0x1E800] =	vst v63  }
0x82: {  	_ =	swait.ge [sflag:s22], $0x4000  }
0x83: {  	[sflag:s22] =	ssyncset.done $0x0  }
0x84: {  	s28 =	simm.s32 $0x1480;
	[sflag:s22] =	ssyncadd.s32 $0xFFFFC000  }
0x85: {  	[spmem:s1] =	stream.indirect.scatter.add.f32 [tilespmem:s20], [sflag:$0x4], $0x80, s28, s19, $0xb8;
	[tilespmem:$0x1E800] =	vst v63  }
0x86: {  	_ =	swait.ge [sflag:s23], $0x4000  }
0x87: {  	[sflag:s23] =	ssyncset.done $0x0  }
0x88: {  	s28 =	simm.s32 $0x100;
	[sflag:s23] =	ssyncadd.s32 $0xFFFFC000  }
0x89: {  	[tilespmem:s16], [sflag:$0x1] =	stream.indirect.gather [hbm4b:s4+s19], $0x80, s28, s19, $0xb8;
	[tilespmem:$0x1E800] =	vst v63  }
0x8a: {  	_ =	swait.ge [sflag:s24], $0x4000  }
0x8b: {  	[sflag:s24] =	ssyncset.done $0x0  }
0x8c: {  	s29 =	simm.s32 $0x180;
	s28 =	simm.s32 $0x400;
	[sflag:s24] =	ssyncadd.s32 $0xFFFFC000  }
.LBB2_6:
0x8d: {  	[tilespmem:s20], [sflag:$0x2] =	stream.indirect.gather [hbm4b:s4+s19], $0x80, s29, s19, $0xb8;
	[tilespmem:$0x1E800] =	vst v63  }
0x8e: {  	s29 =	smov.u32 s28  }
0x8f: {  	p0 =	sne.s32 s28, $0x4800;
	s28 =	sadd.s32 $0x400, s28;
	_ =	swait.ge [sflag:s21], $0x4000  }
0x90: {  	s29 =	sshra.s32 s29, $0x2;
	[sflag:s21] =	ssyncset.done $0x0  }
0x91: {  	s30 =	sadd.s32 $0x1400, s29;
	[sflag:s21] =	ssyncadd.s32 $0xFFFFC000  }
0x92: {  	[spmem:s1] =	stream.indirect.scatter.add.f32 [tilespmem:s16], [sflag:$0x3], $0x80, s30, s19, $0xb8;
	[tilespmem:$0x1E800] =	vst v63  }
0x93: {  	_ =	swait.ge [sflag:s22], $0x4000  }
0x94: {  	[sflag:s22] =	ssyncset.done $0x0  }
0x95: {  	s30 =	sadd.s32 $0x1480, s29;
	[sflag:s22] =	ssyncadd.s32 $0xFFFFC000  }
0x96: {  	[spmem:s1] =	stream.indirect.scatter.add.f32 [tilespmem:s20], [sflag:$0x4], $0x80, s30, s19, $0xb8;
	[tilespmem:$0x1E800] =	vst v63  }
0x97: {  	_ =	swait.ge [sflag:s23], $0x4000  }
0x98: {  	[sflag:s23] =	ssyncset.done $0x0  }
.Ltmp2:
0x99: {  	s30 =	sadd.s32 $0x100, s29;
	[sflag:s23] =	ssyncadd.s32 $0xFFFFC000;
	(pc) =	sbr.rel @p0 .LBB2_6-.Ltmp2, $4  }
0x9a: {  	[tilespmem:s16], [sflag:$0x1] =	stream.indirect.gather [hbm4b:s4+s19], $0x80, s30, s19, $0xb8;
	[tilespmem:$0x1E800] =	vst v63  }
0x9b: {  	_ =	swait.ge [sflag:s24], $0x4000  }
0x9c: {  	[sflag:s24] =	ssyncset.done $0x0  }
0x9d: {  	s29 =	sadd.s32 $0x180, s29;
	[sflag:s24] =	ssyncadd.s32 $0xFFFFC000  }
0x9e: {  	[tilespmem:s20], [sflag:$0x2] =	stream.indirect.gather [hbm4b:s4+s19], $0x80, s29, s19, $0xb8;
	[tilespmem:$0x1E800] =	vst v63  }
0x9f: {  	_ =	swait.ge [sflag:s21], $0x4000  }
0xa0: {  	[sflag:s21] =	ssyncset.done $0x0  }
0xa1: {  	[sflag:s21] =	ssyncadd.s32 $0xFFFFC000  }
0xa2: {  	[spmem:s1] =	stream.indirect.scatter.add.f32 [tilespmem:s16], [sflag:$0x3], $0x80, s25, s19, $0xb8;
	[tilespmem:$0x1E800] =	vst v63  }
0xa3: {  	_ =	swait.ge [sflag:s22], $0x4000  }
0xa4: {  	[sflag:s22] =	ssyncset.done $0x0  }
0xa5: {  	[sflag:s22] =	ssyncadd.s32 $0xFFFFC000  }
0xa6: {  	[spmem:s1] =	stream.indirect.scatter.add.f32 [tilespmem:s20], [sflag:$0x4], $0x80, s26, s19, $0xb8;
	[tilespmem:$0x1E800] =	vst v63  }
0xa7: {  	_ =	swait.ge [sflag:s23], $0x4000  }
0xa8: {  	[sflag:s23] =	ssyncset.done $0x0  }
0xa9: {  	[sflag:s23] =	ssyncadd.s32 $0xFFFFC000  }
0xaa: {  	_ =	swait.ge [sflag:s24], $0x4000  }
0xab: {  	s28 =	sshll.u32 s2, $0x6;
	s3 =	sadd.s32 $0x1, s3;
	[sflag:s24] =	ssyncset.done $0x0  }
0xac: {  	s31 =	sshrl.u32 s5, $0x3;
	p0 =	sne.s32 s3, s11;
	[sflag:s24] =	ssyncadd.s32 $0xFFFFC000  }
.Ltmp3:
0xad: {  	s28 =	sor.u32 $0x1C05, s28;
	[bflag:$0x0] =	sbarrier.arrive $0xFFFF;
	(pc) =	sbr.rel @p0 .LBB2_1-.Ltmp3, $4  }
0xae: {  	[hbm:s10], [sflag:s28] =	dma.local [spmem:s31], $0x2800  }
0xaf: {  	_ =	swait.ge [sflag:s17], $0x2800  }
0xb0: {  	[sflag:s17] =	ssyncset.done $0x0  }
0xb1: {  	[sflag:s17] =	ssyncadd.s32 $0xFFFFD800  }
0xb2: {  	_ =	sfence.sel $0x180000  }
0xb3: {  	[bflag:$0x0] =	sbarrier.arrive $0xFFFF  }
0xb4: {  	p0 =	sne.s32 s2, $0x0;
	_ =	strace $0x90000050  }
0xb5: {  	s0 =	sadd.s32 @!p0 $0x100000, s0;
	[bflag:$0x2] =	sbarrier.arrive $0xFFFF  }
0xb6: {  	[sflag:s0] =	ssyncadd.tile.s32 @!p0 $0x1;
	_ =	shalt  }
.Lfunc_end2:
_tile_overlayer_lowered:
.L_overlay_start_2:
0xb7: {  	(tag) =	ssettag $0x2  }
0xb8: {  	s0 =	rddreg [dreg:$0x0];
	s2 =	stileid.u32  }
0xb9: {  	s1 =	rddreg [dreg:$0x1];
	p0 =	sne.s32 s2, $0x0  }
0xba: {  	s3 =	rddreg [dreg:$0x2];
	[bflag:$0x3] =	sbarrier.arrive $0xFFFF;
	s2 =	simm.s32 @!p0 $0x1C05  }
0xbb: {  	[timem:s3], [sflag:s2] =	dma.local @!p0 [hbm:s0], s1  }
0xbc: {  	s0 =	simm.s32 @!p0 $0x5  }
0xbd: {  	_ =	swait.ge @!p0 [sflag:s0], s1  }
0xbe: {  	s1 =	ssub.s32 @!p0 $0x0, s1;
	[sflag:s0] =	ssyncset.done @!p0 $0x0  }
0xbf: {  	[sflag:s0] =	ssyncadd.s32 @!p0 s1  }
0xc0: {  	[bflag:$0x3] =	sbarrier.arrive $0xFFFF  }
0xc1: {  	_ =	shalt  }

// kernel: kernel.37.cloned.1.call-start
scs
__scs_entry_jumppad:
0x0: {  	(pc) =	sbr.rel $0x88, $3  }
0x1: {  	(tag) =	ssettag $0x0;
	lr =	simm.s32 $0x1  }
0x2: {  	[smem:$0x3F91] =	sst lr;
	_ =	strace $0xD0000000  }
0x3: {  	_ = 	snop  }
0x4: {  	_ = 	snop  }
0x5: {  	_ = 	snop  }
0x6: {  	_ = 	snop  }
0x7: {  	_ = 	snop  }
__scs_overlays_trampoline_lowered:
0x8: {  	[smem:$0x3FA0] =	sst s0  }
0x9: {  	[smem:$0x3FA1] =	sst s1  }
0xa: {  	[smem:$0x3FA2] =	sst s2  }
0xb: {  	[smem:$0x3FA3] =	sst s3  }
0xc: {  	[smem:$0x3FA4] =	sst s4  }
0xd: {  	[smem:$0x3FA5] =	sst s5  }
0xe: {  	[smem:$0x3FA6] =	sst s6  }
0xf: {  	[smem:$0x3FA7] =	sst s7  }
0x10: {  	[smem:$0x3FA8] =	sst s8  }
0x11: {  	[smem:$0x3FA9] =	sst s9;
	s0 =	simm.s32 @!p0 $0x0  }
0x12: {  	s1 =	sld [smem:$0x3F8F];
	s0 =	simm.s32 @p0 $0x1  }
0x13: {  	[smem:$0x3FAA] =	sst s0;
	s0 =	simm.s32 @!p1 $0x0  }
0x14: {  	s2 =	sld [smem:$0x3F8E];
	s0 =	simm.s32 @p1 $0x1  }
0x15: {  	[smem:$0x3FAB] =	sst s0;
	s0 =	simm.s32 @!p2 $0x0  }
0x16: {  	s3 =	sld [smem:$0x3FDB];
	s0 =	simm.s32 @p2 $0x1  }
0x17: {  	s4 =	simm.s32 $0x1BF5;
	[smem:$0x3FAD] =	sst s0  }
0x18: {  	s0 =	sld [smem:$0x3F90];
	_ =	swait.ge [sflag:s4], $0x0  }
0x19: {  	s7 =	sld [smem:$0x3F91]  }
0x1a: {  	s8 =	sadd.s32 $0xFFFFE003, lr  }
0x1b: {  	s9 =	sadd.s32 $0xFFFFFEF7, lr;
	s5 =	simm.s32 $0xFFFFFFFF;
	p2 =	slt.u32 s8, $0xFFFFF086  }
0x1c: {  	p1 =	slt.u32 s9, $0xF7A;
	s5 =	simm.s32 @!p2 $0x0  }
0x1d: {  	s5 =	simm.s32 @p1 $0x1;
	p0 =	seq.s32 s7, s2  }
0x1e: {  	s7 =	smul.u32 @!p0 $0xF7A, s2;
	p2 =	seq.s32 @!p0 s5, $0x0  }
0x1f: {  	s9 =	smul.u32 $0xF7A, s1;
	s8 =	simm.s32 @!p0 $0x1BF5;
	p2 =	por !p2, p0  }
0x20: {  	[sflag:s8] =	ssyncset.s32 @!p0 $0xFFFFF086;
	s6 =	sadd.s32 @!p0 s3, s7;
	s7 =	simm.s32 @!p0 $0x108  }
0x21: {  	s3 =	sadd.s32 s3, s9;
	s6 =	sadd.s32 @!p0 $0x88, s6;
	s7 =	simm.s32 @p2 $0x1082  }
0x22: {  	[simem:s7], [sflag:s8] =	dma.local @!p0 [hbm:s6], $0xF7A  }
0x23: {  	s9 =	sor.u32 $0xD0000000, s2;
	s6 =	simm.s32 $0x108;
	_ =	swait.ge @!p0 [sflag:s8], $0x0  }
0x24: {  	s3 =	sadd.s32 $0x88, s3;
	s6 =	simm.s32 @!p1 $0x1082;
	[sflag:s4] =	ssyncset.s32 $0xFFFFF086  }
0x25: {  	[simem:s6], [sflag:s4] =	dma.local [hbm:s3], $0xF7A  }
0x26: {  	[smem:$0x3F91] =	sst s1;
	(tag) =	ssettag s2;
	_ =	strace s9  }
0x27: {  	s1 =	sld [smem:$0x3FA1]  }
0x28: {  	s2 =	sld [smem:$0x3FA2]  }
0x29: {  	s4 =	sld [smem:$0x3FA4]  }
0x2a: {  	p0 =	seq.s32 s5, $0x0;
	s5 =	sld [smem:$0x3FA5]  }
0x2b: {  	s6 =	sld [smem:$0x3FA6]  }
0x2c: {  	s7 =	sld [smem:$0x3FA7]  }
0x2d: {  	s3 =	simm.s32 $0x108;
	s8 =	sld [smem:$0x3FA8]  }
0x2e: {  	s3 =	simm.s32 @!p0 $0x1082;
	s9 =	sld [smem:$0x3FA9]  }
0x2f: {  	lr =	sadd.s32 s0, s3;
	s0 =	sld [smem:$0x3FA0]  }
0x30: {  	s3 =	sld [smem:$0x3FA3]  }
0x31: {  	[smem:$0x3FAC] =	sst s10  }
0x32: {  	s10 =	sld [smem:$0x3FAA];
	_ =	sdelay $0x3  }
0x33: {  	p0 =	seq.s32 s10, $0x1;
	s10 =	sld [smem:$0x3FAC];
	_ =	sdelay $0x3  }
0x34: {  	[smem:$0x3FAC] =	sst s10  }
0x35: {  	s10 =	sld [smem:$0x3FAB];
	_ =	sdelay $0x3  }
0x36: {  	p1 =	seq.s32 s10, $0x1;
	s10 =	sld [smem:$0x3FAC];
	_ =	sdelay $0x3  }
0x37: {  	[smem:$0x3FAC] =	sst s10  }
0x38: {  	s10 =	sld [smem:$0x3FAD]  }
0x39: {  	_ = 	snop;
	(pc) =	sbr.ind lr, $3  }
0x3a: {  	_ = 	snop  }
0x3b: {  	_ = 	snop  }
0x3c: {  	p2 =	seq.s32 s10, $0x1;
	s10 =	sld [smem:$0x3FAC]  }
0x3d: {  	_ =	shalt  }
0x3e: {  	_ =	shalt  }
0x3f: {  	_ =	shalt  }
0x40: {  	_ =	shalt  }
0x41: {  	_ =	shalt  }
0x42: {  	_ =	shalt  }
0x43: {  	_ =	shalt  }
0x44: {  	_ =	shalt  }
0x45: {  	_ =	shalt  }
0x46: {  	_ =	shalt  }
0x47: {  	_ =	shalt  }
0x48: {  	_ =	shalt  }
0x49: {  	_ =	shalt  }
0x4a: {  	_ =	shalt  }
0x4b: {  	_ =	shalt  }
0x4c: {  	_ =	shalt  }
0x4d: {  	_ =	shalt  }
0x4e: {  	_ =	shalt  }
0x4f: {  	_ =	shalt  }
0x50: {  	_ =	shalt  }
0x51: {  	_ =	shalt  }
0x52: {  	_ =	shalt  }
0x53: {  	_ =	shalt  }
0x54: {  	_ =	shalt  }
0x55: {  	_ =	shalt  }
0x56: {  	_ =	shalt  }
0x57: {  	_ =	shalt  }
0x58: {  	_ =	shalt  }
0x59: {  	_ =	shalt  }
0x5a: {  	_ =	shalt  }
0x5b: {  	_ =	shalt  }
0x5c: {  	_ =	shalt  }
0x5d: {  	_ =	shalt  }
0x5e: {  	_ =	shalt  }
0x5f: {  	_ =	shalt  }
0x60: {  	_ =	shalt  }
0x61: {  	_ =	shalt  }
0x62: {  	_ =	shalt  }
0x63: {  	_ =	shalt  }
0x64: {  	_ =	shalt  }
0x65: {  	_ =	shalt  }
0x66: {  	_ =	shalt  }
0x67: {  	_ =	shalt  }
0x68: {  	_ =	shalt  }
0x69: {  	_ =	shalt  }
0x6a: {  	_ =	shalt  }
0x6b: {  	_ =	shalt  }
0x6c: {  	_ =	shalt  }
0x6d: {  	_ =	shalt  }
0x6e: {  	_ =	shalt  }
0x6f: {  	_ =	shalt  }
0x70: {  	_ =	shalt  }
0x71: {  	_ =	shalt  }
0x72: {  	_ =	shalt  }
0x73: {  	_ =	shalt  }
0x74: {  	_ =	shalt  }
0x75: {  	_ =	shalt  }
0x76: {  	_ =	shalt  }
0x77: {  	_ =	shalt  }
0x78: {  	_ =	shalt  }
0x79: {  	_ =	shalt  }
0x7a: {  	_ =	shalt  }
0x7b: {  	_ =	shalt  }
0x7c: {  	_ =	shalt  }
0x7d: {  	_ =	shalt  }
0x7e: {  	_ =	shalt  }
0x7f: {  	_ =	shalt  }
0x80: {  	_ =	shalt  }
0x81: {  	_ =	shalt  }
0x82: {  	_ =	shalt  }
0x83: {  	_ =	shalt  }
0x84: {  	_ =	shalt  }
0x85: {  	_ =	shalt  }
0x86: {  	_ =	shalt  }
0x87: {  	_ =	shalt  }
.Lfunc_end0:
.L_simem_size_0:
called_computation.4_lowered:
.L_overlay_start_0:
0x88: {  	s2 =	sld [smem:$0x3FD9]  }
0x89: {  	s3 =	sld [smem:$0x3FFE];
	_ =	sdelay $0x1  }
0x8a: {  	s1 =	srdreg.scid  }
0x8b: {  	s0 =	sand.u32 $0x1, s1  }
0x8c: {  	s16 =	sshll.u32 s0, $0xA;
	s2 =	sadd.s32 s3, s2  }
0x8d: {  	s2 =	sadd.s32 s2, s16  }
0x8e: {  	[smem:$0x3FB8] =	sst s2  }
0x8f: {  	_ = 	snop  }
0x90: {  	(tm) =	ssettm $0x1  }
0x91: {  	s17 =	sld [smem:$0x3FFB];
	_ =	sdelay $0x3  }
0x92: {  	_ =	strace s17  }
0x93: {  	s2 =	sld [smem:$0x3FFC];
	_ =	sdelay $0x3  }
0x94: {  	_ =	strace s2  }
0x95: {  	s2 =	sld [smem:$0x3FFD];
	_ =	sdelay $0x3  }
0x96: {  	_ =	strace s2  }
0x97: {  	_ =	strace $0x8FFFFFFF  }
0x98: {  	s18 =	sld [smem:$0x3FDB];
	_ =	sdelay $0x1  }
0x99: {  	s19 =	simm.s32 $_scs_section_size  }
0x9a: {  	s4 =	simm.s32 $_size__tile_overlayer_lowered;
	s5 =	simm.s32 $_tile_overlayer_lowered  }
0x9b: {  	s22 =	simm.s32 $0x1BFF;
	s21 =	sshll.u32 s5, $0x1;
	s2 =	sadd.s32 s19, s18  }
0x9c: {  	s6 =	simm.s32 $0x0;
	s20 =	sshll.u32 s4, $0x1;
	s4 =	sadd.s32 s21, s2  }
0x9d: {  	[timem:s6], [sflag:s22] =	dma.local [hbm:s4], s20  }
0x9e: {  	_ =	swait.ge [sflag:s22], s20  }
0x9f: {  	s3 =	ssub.s32 $0x0, s20;
	[sflag:s22] =	ssyncset.done $0x0  }
0xa0: {  	[sflag:s22] =	ssyncadd.s32 s3;
	_ =	sdelay $0x1  }
0xa1: {  	s23 =	simm.s32 $0x1B8B  }
0xa2: {  	_ =	swait.ge [sflag:s23], $0x1  }
0xa3: {  	[sflag:s23] =	ssyncset.done $0x0  }
0xa4: {  	s25 =	simm.s32 $0x1B8E;
	s24 =	sld [smem:$0x3FFE];
	[sflag:s23] =	ssyncadd.s32 $0xFFFFFFFF  }
0xa5: {  	s26 =	simm.s32 $execute0_lowered;
	[smem:$0x3FD2] =	sst s25  }
0xa6: {  	s4 =	sshll.u32 s26, $0x1;
	_ =	strace $0x80000052;
	[dreg:$0x1] =	wrdreg $0xFFFFFFFF  }
0xa7: {  	s28 =	simm.s32 $_size_execute0_lowered;
	s2 =	sadd.s32 s2, s4;
	[dreg:$0x0] =	wrdreg $0x0  }
0xa8: {  	s4 =	sshll.u32 s28, $0x1;
	[dreg:$0x2] =	wrdreg s2  }
0xa9: {  	[dreg:$0x3] =	wrdreg s4  }
0xaa: {  	[dreg:$0x4] =	wrdreg $0xC0  }
0xab: {  	_ =	task [dreg:s6], $0x5FFFF  }
0xac: {  	[dreg:$0x1] =	wrdreg $0xFFFFFFFF  }
0xad: {  	[dreg:$0x0] =	wrdreg $0x60  }
0xae: {  	[dreg:$0x2] =	wrdreg s24  }
0xaf: {  	[dreg:$0x3] =	wrdreg $0x9  }
0xb0: {  	_ =	task.clear_ibuf [dreg:s6], $0x4FFFF;
	_ =	strace $0x90000052  }
0xb1: {  	s29 =	simm.s32 $0x9;
	_ =	strace $0x80000054  }
0xb2: {  	_ =	swait.ge [sflag:s29], $0x1  }
0xb3: {  	[sflag:s29] =	ssyncadd.s32 $0xFFFFFFFF  }
0xb4: {  	_ =	strace $0x90000054  }
0xb5: {  	_ =	sfence  }
0xb6: {  	s30 =	sld [smem:$0x0];
	_ =	sdelay $0x2  }
0xb7: {  	s31 =	sshll.u32 s1, $0xD;
	s1 =	sshrl.u32 s1, $0x2  }
0xb8: {  	s3 =	sand.u32 $0x4000, s31;
	s1 =	sadd.s32 s1, s30  }
0xb9: {  	s0 =	sor.u32 s3, s0;
	s1 =	sshll.u32 s1, $0x11  }
0xba: {  	s0 =	sor.u32 s1, s0  }
0xbb: {  	s0 =	sadd.s32 $0x8F2B, s0  }
0xbc: {  	[sflag:s0] =	ssyncadd.remote.s32 $0x1  }
0xbd: {  	_ =	sfence.sel $0xFFFF  }
0xbe: {  	[dreg:$0x0] =	wrdreg $0xFFFFFFFF;
	(pc) =	sbr.abs _section_cstart, $3  }
0xbf: {  	[dreg:$0x1] =	wrdreg $0xFFFFFFFF  }
0xc0: {  	_ =	task.clear_ibuf [dreg:s6], $0x2FFFF;
	_ =	strace $0x9FFFFFFF  }
0xc1: {  	(tm) =	ssettm $0x7FFFFFFF  }
tec
execute0_lowered:
.L_overlay_start_1:
0x0: {  	(tag) =	ssettag $0x1  }
0x1: {  	s0 =	srdreg.scid  }
0x2: {  	s3 =	sand.u32 $0x1, s0  }
0x3: {  	s0 =	stileid.u32;
	s1 =	sshll.u32 s3, $0x4  }
0x4: {  	s5 =	rddreg [dreg:$0x0];
	s2 =	simm.s32 $0x0;
	s1 =	sor.u32 s0, s1  }
0x5: {  	s9 =	simm.s32 $0x1;
	s10 =	simm.s32 $0x80;
	s1 =	sshrl.u32 s1, $0x3  }
0x6: {  	s11 =	simm.s32 $0x400;
	s29 =	sshll.u32 s0, $0x7;
	s4 =	smul.u32 $0x14000, s1  }
0x7: {  	s12 =	simm.s32 $0x2800;
	s13 =	simm.s32 $0x7800;
	s6 =	sand.u32 $0x380, s29  }
0x8: {  	[smem:$0x7FF] =	sst s2;
	s30 =	ssub.s32 $0x2, s3;
	s4 =	sor.u32 s6, s4  }
0x9: {  	s3 =	sadd.s32 $0x84600, s5;
	s31 =	sshrl.u32 s30, $0x1;
	s4 =	sshrl.u32 s4, $0x3  }
0xa: {  	s8 =	ssub.s32 s30, s31;
	s1 =	rddreg [dreg:$0x1];
	s7 =	sadd.s32 s4, s5  }
0xb: {  	_ =	strace $0x80000053;
	s4 =	sadd.s32 $0x16600, s7;
	s5 =	sadd.s32 $0x2A600, s7  }
0xc: {  	v0 =	vimm.f32 $0.0e+00;
	s6 =	sadd.s32 $0x84C00, s7;
	s7 =	smax.u32 s8, $0x1;
	s8 =	simm.s32 $0x5000  }
.LBB2_1:
0xd: {  	s14 =	simm.s32 $0x40;
	s15 =	simm.s32 $0x0  }
.LBB2_2:
0xe: {  	p0 =	sne.s32 s14, $0x9FC0;
	[tilespmem:s15+$0x7800] =	vst v0;
	s15 =	smov.u32 s14;
	s14 =	sadd.s32 $0x40, s14  }
.Ltmp0:
0xf: {  	(pc) =	sbr.rel @p0 .LBB2_2-.Ltmp0, $2  }
0x10: {  	_ =	sdelay $0x2  }
0x11: {  	s15 =	sshra.s32 s15, $0x2  }
0x12: {  	[tilespmem:s15+$0x7800] =	vst v0;
	s14 =	simm.s32 $0x0  }
0x13: {  	[tilespmem:s8], [sflag:$0x1] =	stream.linear.gather [hbm4b:s3+s14], $0x2800, $0x38;
	[tilespmem:$0xA000] =	vst v63  }
0x14: {  	_ =	swait.ge [sflag:s9], $0x2800  }
0x15: {  	[sflag:s9] =	ssyncset.done $0x0  }
0x16: {  	[sflag:s9] =	ssyncadd.s32 $0xFFFFD800  }
0x17: {  	[tilespmem:s14], [sflag:$0x1] =	stream.strided.gather [hbm4b:s4+s10], $0x2800, s11, s10, $0x38;
	[tilespmem:$0xA000] =	vst v63  }
0x18: {  	_ =	swait.ge [sflag:s9], $0x2800  }
0x19: {  	[sflag:s9] =	ssyncset.done $0x0  }
0x1a: {  	[sflag:s9] =	ssyncadd.s32 $0xFFFFD800  }
0x1b: {  	[tilespmem:s12], [sflag:$0x1] =	stream.strided.gather [hbm4b:s5+s10], $0x2800, s11, s10, $0x38;
	[tilespmem:$0xA000] =	vst v63  }
0x1c: {  	_ =	swait.ge [sflag:s9], $0x2800  }
0x1d: {  	[sflag:s9] =	ssyncset.done $0x0  }
0x1e: {  	s15 =	simm.s32 $0x0;
	s14 =	simm.s32 $0x40;
	[sflag:s9] =	ssyncadd.s32 $0xFFFFD800  }
.LBB2_4:
0x1f: {  	p0 =	sne.s32 s14, $0x9FC0;
	v1 =	vld [tilespmem:s15+$0x0];
	_ =	sdelay $0x5  }
0x20: {  	v2 =	vld [tilespmem:s15+$0x2800];
	_ =	sdelay $0x1  }
0x21: {  	v1 =	vld.idx.msk [tilespmem:v1+s8+$0x0], $0xffff;
	_ =	sdelay $0x1  }
.Ltmp1:
0x22: {  	(pc) =	sbr.rel @p0 .LBB2_4-.Ltmp1, $2  }
0x23: {  	_ =	sdelay $0x2  }
0x24: {  	s15 =	sshra.s32 s14, $0x2;
	s14 =	sadd.s32 $0x40, s14;
	[tilespmem:v2+s13+$0x0] =	vst.idx.add.f32.msk $0xffff, v1  }
0x25: {  	v1 =	vld [tilespmem:s15+$0x0];
	_ =	sdelay $0x4  }
0x26: {  	v2 =	vld [tilespmem:s15+$0x2800];
	_ =	sdelay $0x2  }
0x27: {  	v1 =	vld.idx.msk [tilespmem:v1+s8+$0x0], $0xffff;
	_ =	sdelay $0x2  }
0x28: {  	s2 =	sadd.s32 $0x1, s2  }
0x29: {  	p0 =	sne.s32 s2, s7  }
.Ltmp2:
0x2a: {  	[tilespmem:v2+s13+$0x0] =	vst.idx.add.f32.msk $0xffff, v1;
	(pc) =	sbr.rel @p0 .LBB2_1-.Ltmp2, $4  }
0x2b: {  	[hbm4b:s6+s10] =	stream.strided.scatter [tilespmem:s13], [sflag:$0x1], $0x2800, s11, s10, $0x38;
	[tilespmem:$0xA000] =	vst v63  }
0x2c: {  	_ =	swait.ge [sflag:s9], $0x2800  }
0x2d: {  	[sflag:s9] =	ssyncset.done $0x0  }
0x2e: {  	[sflag:s9] =	ssyncadd.s32 $0xFFFFD800  }
0x2f: {  	_ =	sfence.sel $0x180000  }
0x30: {  	[bflag:$0x0] =	sbarrier.arrive $0xFFFF  }
0x31: {  	p0 =	sne.s32 s0, $0x0;
	_ =	strace $0x90000053  }
0x32: {  	s0 =	sadd.s32 @!p0 $0x100000, s1;
	[bflag:$0x2] =	sbarrier.arrive $0xFFFF  }
0x33: {  	[sflag:s0] =	ssyncadd.tile.s32 @!p0 $0x1;
	_ =	shalt  }
.Lfunc_end2:
_tile_overlayer_lowered:
.L_overlay_start_2:
0x34: {  	(tag) =	ssettag $0x2  }
0x35: {  	s0 =	rddreg [dreg:$0x0];
	s2 =	stileid.u32  }
0x36: {  	s1 =	rddreg [dreg:$0x1];
	p0 =	sne.s32 s2, $0x0  }
0x37: {  	s3 =	rddreg [dreg:$0x2];
	[bflag:$0x3] =	sbarrier.arrive $0xFFFF;
	s2 =	simm.s32 @!p0 $0x1C01  }
0x38: {  	[timem:s3], [sflag:s2] =	dma.local @!p0 [hbm:s0], s1  }
0x39: {  	s0 =	simm.s32 @!p0 $0x1  }
0x3a: {  	_ =	swait.ge @!p0 [sflag:s0], s1  }
0x3b: {  	s1 =	ssub.s32 @!p0 $0x0, s1;
	[sflag:s0] =	ssyncset.done @!p0 $0x0  }
0x3c: {  	[sflag:s0] =	ssyncadd.s32 @!p0 s1  }
0x3d: {  	[bflag:$0x3] =	sbarrier.arrive $0xFFFF  }
0x3e: {  	_ =	shalt  }

// kernel: kernel.40.cloned.1.call-start
scs
__scs_entry_jumppad:
0x0: {  	(pc) =	sbr.rel $0x88, $3  }
0x1: {  	(tag) =	ssettag $0x0;
	lr =	simm.s32 $0x1  }
0x2: {  	[smem:$0x3F91] =	sst lr;
	_ =	strace $0xD0000000  }
0x3: {  	_ = 	snop  }
0x4: {  	_ = 	snop  }
0x5: {  	_ = 	snop  }
0x6: {  	_ = 	snop  }
0x7: {  	_ = 	snop  }
__scs_overlays_trampoline_lowered:
0x8: {  	[smem:$0x3FA0] =	sst s0  }
0x9: {  	[smem:$0x3FA1] =	sst s1  }
0xa: {  	[smem:$0x3FA2] =	sst s2  }
0xb: {  	[smem:$0x3FA3] =	sst s3  }
0xc: {  	[smem:$0x3FA4] =	sst s4  }
0xd: {  	[smem:$0x3FA5] =	sst s5  }
0xe: {  	[smem:$0x3FA6] =	sst s6  }
0xf: {  	[smem:$0x3FA7] =	sst s7  }
0x10: {  	[smem:$0x3FA8] =	sst s8  }
0x11: {  	[smem:$0x3FA9] =	sst s9;
	s0 =	simm.s32 @!p0 $0x0  }
0x12: {  	s1 =	sld [smem:$0x3F8F];
	s0 =	simm.s32 @p0 $0x1  }
0x13: {  	[smem:$0x3FAA] =	sst s0;
	s0 =	simm.s32 @!p1 $0x0  }
0x14: {  	s2 =	sld [smem:$0x3F8E];
	s0 =	simm.s32 @p1 $0x1  }
0x15: {  	[smem:$0x3FAB] =	sst s0;
	s0 =	simm.s32 @!p2 $0x0  }
0x16: {  	s3 =	sld [smem:$0x3FDB];
	s0 =	simm.s32 @p2 $0x1  }
0x17: {  	s4 =	simm.s32 $0x1BF5;
	[smem:$0x3FAD] =	sst s0  }
0x18: {  	s0 =	sld [smem:$0x3F90];
	_ =	swait.ge [sflag:s4], $0x0  }
0x19: {  	s7 =	sld [smem:$0x3F91]  }
0x1a: {  	s8 =	sadd.s32 $0xFFFFE003, lr  }
0x1b: {  	s9 =	sadd.s32 $0xFFFFFEF7, lr;
	s5 =	simm.s32 $0xFFFFFFFF;
	p2 =	slt.u32 s8, $0xFFFFF086  }
0x1c: {  	p1 =	slt.u32 s9, $0xF7A;
	s5 =	simm.s32 @!p2 $0x0  }
0x1d: {  	s5 =	simm.s32 @p1 $0x1;
	p0 =	seq.s32 s7, s2  }
0x1e: {  	s7 =	smul.u32 @!p0 $0xF7A, s2;
	p2 =	seq.s32 @!p0 s5, $0x0  }
0x1f: {  	s9 =	smul.u32 $0xF7A, s1;
	s8 =	simm.s32 @!p0 $0x1BF5;
	p2 =	por !p2, p0  }
0x20: {  	[sflag:s8] =	ssyncset.s32 @!p0 $0xFFFFF086;
	s6 =	sadd.s32 @!p0 s3, s7;
	s7 =	simm.s32 @!p0 $0x108  }
0x21: {  	s3 =	sadd.s32 s3, s9;
	s6 =	sadd.s32 @!p0 $0x88, s6;
	s7 =	simm.s32 @p2 $0x1082  }
0x22: {  	[simem:s7], [sflag:s8] =	dma.local @!p0 [hbm:s6], $0xF7A  }
0x23: {  	s9 =	sor.u32 $0xD0000000, s2;
	s6 =	simm.s32 $0x108;
	_ =	swait.ge @!p0 [sflag:s8], $0x0  }
0x24: {  	s3 =	sadd.s32 $0x88, s3;
	s6 =	simm.s32 @!p1 $0x1082;
	[sflag:s4] =	ssyncset.s32 $0xFFFFF086  }
0x25: {  	[simem:s6], [sflag:s4] =	dma.local [hbm:s3], $0xF7A  }
0x26: {  	[smem:$0x3F91] =	sst s1;
	(tag) =	ssettag s2;
	_ =	strace s9  }
0x27: {  	s1 =	sld [smem:$0x3FA1]  }
0x28: {  	s2 =	sld [smem:$0x3FA2]  }
0x29: {  	s4 =	sld [smem:$0x3FA4]  }
0x2a: {  	p0 =	seq.s32 s5, $0x0;
	s5 =	sld [smem:$0x3FA5]  }
0x2b: {  	s6 =	sld [smem:$0x3FA6]  }
0x2c: {  	s7 =	sld [smem:$0x3FA7]  }
0x2d: {  	s3 =	simm.s32 $0x108;
	s8 =	sld [smem:$0x3FA8]  }
0x2e: {  	s3 =	simm.s32 @!p0 $0x1082;
	s9 =	sld [smem:$0x3FA9]  }
0x2f: {  	lr =	sadd.s32 s0, s3;
	s0 =	sld [smem:$0x3FA0]  }
0x30: {  	s3 =	sld [smem:$0x3FA3]  }
0x31: {  	[smem:$0x3FAC] =	sst s10  }
0x32: {  	s10 =	sld [smem:$0x3FAA];
	_ =	sdelay $0x3  }
0x33: {  	p0 =	seq.s32 s10, $0x1;
	s10 =	sld [smem:$0x3FAC];
	_ =	sdelay $0x3  }
0x34: {  	[smem:$0x3FAC] =	sst s10  }
0x35: {  	s10 =	sld [smem:$0x3FAB];
	_ =	sdelay $0x3  }
0x36: {  	p1 =	seq.s32 s10, $0x1;
	s10 =	sld [smem:$0x3FAC];
	_ =	sdelay $0x3  }
0x37: {  	[smem:$0x3FAC] =	sst s10  }
0x38: {  	s10 =	sld [smem:$0x3FAD]  }
0x39: {  	_ = 	snop;
	(pc) =	sbr.ind lr, $3  }
0x3a: {  	_ = 	snop  }
0x3b: {  	_ = 	snop  }
0x3c: {  	p2 =	seq.s32 s10, $0x1;
	s10 =	sld [smem:$0x3FAC]  }
0x3d: {  	_ =	shalt  }
0x3e: {  	_ =	shalt  }
0x3f: {  	_ =	shalt  }
0x40: {  	_ =	shalt  }
0x41: {  	_ =	shalt  }
0x42: {  	_ =	shalt  }
0x43: {  	_ =	shalt  }
0x44: {  	_ =	shalt  }
0x45: {  	_ =	shalt  }
0x46: {  	_ =	shalt  }
0x47: {  	_ =	shalt  }
0x48: {  	_ =	shalt  }
0x49: {  	_ =	shalt  }
0x4a: {  	_ =	shalt  }
0x4b: {  	_ =	shalt  }
0x4c: {  	_ =	shalt  }
0x4d: {  	_ =	shalt  }
0x4e: {  	_ =	shalt  }
0x4f: {  	_ =	shalt  }
0x50: {  	_ =	shalt  }
0x51: {  	_ =	shalt  }
0x52: {  	_ =	shalt  }
0x53: {  	_ =	shalt  }
0x54: {  	_ =	shalt  }
0x55: {  	_ =	shalt  }
0x56: {  	_ =	shalt  }
0x57: {  	_ =	shalt  }
0x58: {  	_ =	shalt  }
0x59: {  	_ =	shalt  }
0x5a: {  	_ =	shalt  }
0x5b: {  	_ =	shalt  }
0x5c: {  	_ =	shalt  }
0x5d: {  	_ =	shalt  }
0x5e: {  	_ =	shalt  }
0x5f: {  	_ =	shalt  }
0x60: {  	_ =	shalt  }
0x61: {  	_ =	shalt  }
0x62: {  	_ =	shalt  }
0x63: {  	_ =	shalt  }
0x64: {  	_ =	shalt  }
0x65: {  	_ =	shalt  }
0x66: {  	_ =	shalt  }
0x67: {  	_ =	shalt  }
0x68: {  	_ =	shalt  }
0x69: {  	_ =	shalt  }
0x6a: {  	_ =	shalt  }
0x6b: {  	_ =	shalt  }
0x6c: {  	_ =	shalt  }
0x6d: {  	_ =	shalt  }
0x6e: {  	_ =	shalt  }
0x6f: {  	_ =	shalt  }
0x70: {  	_ =	shalt  }
0x71: {  	_ =	shalt  }
0x72: {  	_ =	shalt  }
0x73: {  	_ =	shalt  }
0x74: {  	_ =	shalt  }
0x75: {  	_ =	shalt  }
0x76: {  	_ =	shalt  }
0x77: {  	_ =	shalt  }
0x78: {  	_ =	shalt  }
0x79: {  	_ =	shalt  }
0x7a: {  	_ =	shalt  }
0x7b: {  	_ =	shalt  }
0x7c: {  	_ =	shalt  }
0x7d: {  	_ =	shalt  }
0x7e: {  	_ =	shalt  }
0x7f: {  	_ =	shalt  }
0x80: {  	_ =	shalt  }
0x81: {  	_ =	shalt  }
0x82: {  	_ =	shalt  }
0x83: {  	_ =	shalt  }
0x84: {  	_ =	shalt  }
0x85: {  	_ =	shalt  }
0x86: {  	_ =	shalt  }
0x87: {  	_ =	shalt  }
.Lfunc_end0:
.L_simem_size_0:
called_computation.5_lowered:
.L_overlay_start_0:
0x88: {  	s2 =	sld [smem:$0x3FD9]  }
0x89: {  	s3 =	sld [smem:$0x3FFE];
	_ =	sdelay $0x1  }
0x8a: {  	s1 =	srdreg.scid  }
0x8b: {  	s0 =	sand.u32 $0x1, s1  }
0x8c: {  	s16 =	sshll.u32 s0, $0xA;
	s2 =	sadd.s32 s3, s2  }
0x8d: {  	s2 =	sadd.s32 s2, s16  }
0x8e: {  	[smem:$0x3FB8] =	sst s2  }
0x8f: {  	_ = 	snop  }
0x90: {  	(tm) =	ssettm $0x1  }
0x91: {  	s17 =	sld [smem:$0x3FFB];
	_ =	sdelay $0x3  }
0x92: {  	_ =	strace s17  }
0x93: {  	s2 =	sld [smem:$0x3FFC];
	_ =	sdelay $0x3  }
0x94: {  	_ =	strace s2  }
0x95: {  	s2 =	sld [smem:$0x3FFD];
	_ =	sdelay $0x3  }
0x96: {  	_ =	strace s2  }
0x97: {  	_ =	strace $0x8FFFFFFF  }
0x98: {  	s18 =	sld [smem:$0x3FDB];
	_ =	sdelay $0x1  }
0x99: {  	s19 =	simm.s32 $_scs_section_size  }
0x9a: {  	s4 =	simm.s32 $_size__tile_overlayer_lowered;
	s5 =	simm.s32 $_tile_overlayer_lowered  }
0x9b: {  	s22 =	simm.s32 $0x1BFF;
	s21 =	sshll.u32 s5, $0x1;
	s2 =	sadd.s32 s19, s18  }
0x9c: {  	s6 =	simm.s32 $0x0;
	s20 =	sshll.u32 s4, $0x1;
	s4 =	sadd.s32 s21, s2  }
0x9d: {  	[timem:s6], [sflag:s22] =	dma.local [hbm:s4], s20  }
0x9e: {  	_ =	swait.ge [sflag:s22], s20  }
0x9f: {  	s3 =	ssub.s32 $0x0, s20;
	[sflag:s22] =	ssyncset.done $0x0  }
0xa0: {  	[sflag:s22] =	ssyncadd.s32 s3;
	_ =	sdelay $0x1  }
0xa1: {  	s23 =	simm.s32 $0x1B8B  }
0xa2: {  	_ =	swait.ge [sflag:s23], $0x1  }
0xa3: {  	[sflag:s23] =	ssyncset.done $0x0  }
0xa4: {  	s25 =	simm.s32 $0x1B8E;
	s24 =	sld [smem:$0x3FFE];
	[sflag:s23] =	ssyncadd.s32 $0xFFFFFFFF  }
0xa5: {  	s26 =	simm.s32 $execute0_lowered;
	[smem:$0x3FD2] =	sst s25  }
0xa6: {  	s4 =	sshll.u32 s26, $0x1;
	_ =	strace $0x80000055;
	[dreg:$0x1] =	wrdreg $0xFFFFFFFF  }
0xa7: {  	s28 =	simm.s32 $_size_execute0_lowered;
	s2 =	sadd.s32 s2, s4;
	[dreg:$0x0] =	wrdreg $0x0  }
0xa8: {  	s4 =	sshll.u32 s28, $0x1;
	[dreg:$0x2] =	wrdreg s2  }
0xa9: {  	[dreg:$0x3] =	wrdreg s4  }
0xaa: {  	[dreg:$0x4] =	wrdreg $0xC0  }
0xab: {  	_ =	task [dreg:s6], $0x5FFFF  }
0xac: {  	[dreg:$0x1] =	wrdreg $0xFFFFFFFF  }
0xad: {  	[dreg:$0x0] =	wrdreg $0x60  }
0xae: {  	[dreg:$0x2] =	wrdreg s24  }
0xaf: {  	[dreg:$0x3] =	wrdreg $0xA8000  }
0xb0: {  	[dreg:$0x4] =	wrdreg $0x9  }
0xb1: {  	_ =	task.clear_ibuf [dreg:s6], $0x5FFFF;
	_ =	strace $0x90000055  }
0xb2: {  	s29 =	simm.s32 $0x9;
	_ =	strace $0x80000057  }
0xb3: {  	_ =	swait.ge [sflag:s29], $0x1  }
0xb4: {  	[sflag:s29] =	ssyncadd.s32 $0xFFFFFFFF  }
0xb5: {  	_ =	strace $0x90000057  }
0xb6: {  	_ =	sfence  }
0xb7: {  	s30 =	sld [smem:$0x0];
	_ =	sdelay $0x2  }
0xb8: {  	s31 =	sshll.u32 s1, $0xD;
	s1 =	sshrl.u32 s1, $0x2  }
0xb9: {  	s3 =	sand.u32 $0x4000, s31;
	s1 =	sadd.s32 s1, s30  }
0xba: {  	s0 =	sor.u32 s3, s0;
	s1 =	sshll.u32 s1, $0x11  }
0xbb: {  	s0 =	sor.u32 s1, s0  }
0xbc: {  	s0 =	sadd.s32 $0x8F2B, s0  }
0xbd: {  	[sflag:s0] =	ssyncadd.remote.s32 $0x1  }
0xbe: {  	_ =	sfence.sel $0xFFFF  }
0xbf: {  	[dreg:$0x0] =	wrdreg $0xFFFFFFFF;
	(pc) =	sbr.abs _section_cstart, $3  }
0xc0: {  	[dreg:$0x1] =	wrdreg $0xFFFFFFFF  }
0xc1: {  	_ =	task.clear_ibuf [dreg:s6], $0x2FFFF;
	_ =	strace $0x9FFFFFFF  }
0xc2: {  	(tm) =	ssettm $0x7FFFFFFF  }
0xc3: {  	_ =	shalt  }
tec
execute0_lowered:
.L_overlay_start_1:
0x0: {  	(tag) =	ssettag $0x1  }
0x1: {  	s5 =	rddreg [dreg:$0x0]  }
0x2: {  	s1 =	rddreg [dreg:$0x1]  }
0x3: {  	s0 =	rddreg [dreg:$0x2]  }
0x4: {  	s3 =	simm.s32 $0x0;
	s2 =	srdreg.scid;
	s16 =	simm.s32 $0x2800  }
0x5: {  	s17 =	simm.s32 $0x5;
	s18 =	simm.s32 $0x1400;
	s19 =	simm.s32 $0x80  }
0x6: {  	s20 =	simm.s32 $0x6800;
	s21 =	simm.s32 $0x1;
	s22 =	simm.s32 $0x2  }
0x7: {  	s23 =	simm.s32 $0x3;
	s24 =	simm.s32 $0x4;
	s25 =	simm.s32 $0x2700  }
0x8: {  	[smem:$0x7FF] =	sst s3;
	s6 =	sand.u32 $0x1, s2;
	s2 =	stileid.u32  }
0x9: {  	s4 =	sadd.s32 $0x84600, s5;
	s11 =	sadd.s32 $0xC600, s5;
	s7 =	smul.u32 $0x28000, s6  }
0xa: {  	s28 =	sadd.s32 $0x20600, s5;
	s8 =	smul.u32 $0x2800, s2;
	s9 =	sshll.u32 s6, $0x4  }
0xb: {  	s10 =	smul.u32 $0x50000, s2;
	s29 =	ssub.s32 $0x2, s6;
	s9 =	sor.u32 s2, s9  }
0xc: {  	_ =	strace $0x80000056;
	s6 =	sshrl.u32 s29, $0x1;
	s26 =	smul.u32 $0x2800, s9  }
0xd: {  	s7 =	sadd.s32 s8, s7;
	s30 =	sshrl.u32 s10, $0x2;
	s13 =	ssub.s32 s29, s6  }
0xe: {  	s12 =	sadd.s32 s7, s5;
	s5 =	sadd.s32 s30, s1;
	s8 =	sshrl.u32 s26, $0x3  }
0xf: {  	s10 =	sadd.s32 $0xFC600, s12;
	s12 =	sadd.s32 $0x4000, s5;
	s14 =	sadd.s32 $0xC000, s5  }
0x10: {  	s15 =	sadd.s32 $0x10000, s5;
	s26 =	simm.s32 $0x2780;
	s31 =	sadd.s32 $0x280, s8  }
0x11: {  	s6 =	sadd.s32 s11, s8;
	s7 =	sadd.s32 s28, s8;
	s8 =	sadd.s32 s11, s31  }
0x12: {  	v0 =	vimm.f32 $0.0e+00;
	s9 =	sadd.s32 s28, s31;
	s11 =	smax.u32 s13, $0x1;
	s13 =	sadd.s32 $0x8000, s5  }
.LBB2_1:
0x13: {  	s28 =	simm.s32 $0x0;
	s29 =	simm.s32 $0x200  }
.LBB2_2:
0x14: {  	p0 =	sne.s32 s29, $0xFE00;
	[tilespmem:s28+$0x2870] =	vst v0  }
0x15: {  	[tilespmem:s28+$0x2800] =	vst v0  }
0x16: {  	[tilespmem:s28+$0x2810] =	vst v0  }
.Ltmp0:
0x17: {  	[tilespmem:s28+$0x2820] =	vst v0;
	(pc) =	sbr.rel @p0 .LBB2_2-.Ltmp0, $4  }
0x18: {  	[tilespmem:s28+$0x2830] =	vst v0  }
0x19: {  	[tilespmem:s28+$0x2840] =	vst v0  }
0x1a: {  	[tilespmem:s28+$0x2850] =	vst v0  }
0x1b: {  	[tilespmem:s28+$0x2860] =	vst v0;
	s28 =	sshra.s32 s29, $0x2;
	s29 =	sadd.s32 $0x200, s29  }
0x1c: {  	[tilespmem:s28+$0x2870] =	vst v0  }
0x1d: {  	[tilespmem:s28+$0x2800] =	vst v0  }
0x1e: {  	[tilespmem:s28+$0x2810] =	vst v0  }
0x1f: {  	[tilespmem:s28+$0x2820] =	vst v0  }
0x20: {  	[tilespmem:s28+$0x2830] =	vst v0  }
0x21: {  	[tilespmem:s28+$0x2840] =	vst v0  }
0x22: {  	[tilespmem:s28+$0x2850] =	vst v0  }
0x23: {  	[tilespmem:s28+$0x2860] =	vst v0  }
0x24: {  	[spmem:s5] =	stream.linear.scatter [tilespmem:s16], [sflag:$0x5], $0x4000, $0x38;
	[tilespmem:$0x1E800] =	vst v63  }
0x25: {  	_ =	swait.ge [sflag:s17], $0x4000  }
0x26: {  	[sflag:s17] =	ssyncset.done $0x0  }
0x27: {  	[sflag:s17] =	ssyncadd.s32 $0xFFFFC000  }
0x28: {  	[spmem:s12] =	stream.linear.scatter [tilespmem:s16], [sflag:$0x5], $0x4000, $0x38;
	[tilespmem:$0x1E800] =	vst v63  }
0x29: {  	_ =	swait.ge [sflag:s17], $0x4000  }
0x2a: {  	[sflag:s17] =	ssyncset.done $0x0  }
0x2b: {  	[sflag:s17] =	ssyncadd.s32 $0xFFFFC000  }
0x2c: {  	[spmem:s13] =	stream.linear.scatter [tilespmem:s16], [sflag:$0x5], $0x4000, $0x38;
	[tilespmem:$0x1E800] =	vst v63  }
0x2d: {  	_ =	swait.ge [sflag:s17], $0x4000  }
0x2e: {  	[sflag:s17] =	ssyncset.done $0x0  }
0x2f: {  	[sflag:s17] =	ssyncadd.s32 $0xFFFFC000  }
0x30: {  	[spmem:s14] =	stream.linear.scatter [tilespmem:s16], [sflag:$0x5], $0x4000, $0x38;
	[tilespmem:$0x1E800] =	vst v63  }
0x31: {  	_ =	swait.ge [sflag:s17], $0x4000  }
0x32: {  	[sflag:s17] =	ssyncset.done $0x0  }
0x33: {  	[sflag:s17] =	ssyncadd.s32 $0xFFFFC000  }
0x34: {  	[spmem:s15] =	stream.linear.scatter [tilespmem:s16], [sflag:$0x5], $0x4000, $0x38;
	[tilespmem:$0x1E800] =	vst v63  }
0x35: {  	_ =	swait.ge [sflag:s17], $0x4000  }
0x36: {  	[sflag:s17] =	ssyncset.done $0x0  }
0x37: {  	[sflag:s17] =	ssyncadd.s32 $0xFFFFC000  }
0x38: {  	s28 =	simm.s32 $0x0;
	[bflag:$0x0] =	sbarrier.arrive $0xFFFF  }
0x39: {  	[tilespmem:s28], [sflag:$0x5] =	stream.linear.gather [hbm4b:s6+s28], $0x1400, $0x38;
	[tilespmem:$0x1E800] =	vst v63  }
0x3a: {  	_ =	swait.ge [sflag:s17], $0x1400  }
0x3b: {  	[sflag:s17] =	ssyncset.done $0x0  }
0x3c: {  	[sflag:s17] =	ssyncadd.s32 $0xFFFFEC00  }
0x3d: {  	[tilespmem:s18], [sflag:$0x5] =	stream.linear.gather [hbm4b:s7+s28], $0x1400, $0x38;
	[tilespmem:$0x1E800] =	vst v63  }
0x3e: {  	_ =	swait.ge [sflag:s17], $0x1400  }
0x3f: {  	[sflag:s17] =	ssyncset.done $0x0  }
0x40: {  	[sflag:s17] =	ssyncadd.s32 $0xFFFFEC00  }
0x41: {  	[tilespmem:s16], [sflag:$0x1] =	stream.indirect.gather [hbm4b:s4+s19], $0x80, s28, s19, $0xb8;
	[tilespmem:$0x1E800] =	vst v63  }
0x42: {  	_ = 	snop  }
0x43: {  	[tilespmem:s20], [sflag:$0x2] =	stream.indirect.gather [hbm4b:s4+s19], $0x80, s19, s19, $0xb8;
	[tilespmem:$0x1E800] =	vst v63  }
0x44: {  	_ =	swait.ge [sflag:s21], $0x4000  }
0x45: {  	[sflag:s21] =	ssyncset.done $0x0  }
0x46: {  	s28 =	simm.s32 $0x1400;
	[sflag:s21] =	ssyncadd.s32 $0xFFFFC000  }
0x47: {  	[spmem:s1] =	stream.indirect.scatter.add.f32 [tilespmem:s16], [sflag:$0x3], $0x80, s28, s19, $0xb8;
	[tilespmem:$0x1E800] =	vst v63  }
0x48: {  	_ =	swait.ge [sflag:s22], $0x4000  }
0x49: {  	[sflag:s22] =	ssyncset.done $0x0  }
0x4a: {  	s28 =	simm.s32 $0x1480;
	[sflag:s22] =	ssyncadd.s32 $0xFFFFC000  }
0x4b: {  	[spmem:s1] =	stream.indirect.scatter.add.f32 [tilespmem:s20], [sflag:$0x4], $0x80, s28, s19, $0xb8;
	[tilespmem:$0x1E800] =	vst v63  }
0x4c: {  	_ =	swait.ge [sflag:s23], $0x4000  }
0x4d: {  	[sflag:s23] =	ssyncset.done $0x0  }
0x4e: {  	s28 =	simm.s32 $0x100;
	[sflag:s23] =	ssyncadd.s32 $0xFFFFC000  }
0x4f: {  	[tilespmem:s16], [sflag:$0x1] =	stream.indirect.gather [hbm4b:s4+s19], $0x80, s28, s19, $0xb8;
	[tilespmem:$0x1E800] =	vst v63  }
0x50: {  	_ =	swait.ge [sflag:s24], $0x4000  }
0x51: {  	[sflag:s24] =	ssyncset.done $0x0  }
0x52: {  	s29 =	simm.s32 $0x180;
	s28 =	simm.s32 $0x400;
	[sflag:s24] =	ssyncadd.s32 $0xFFFFC000  }
.LBB2_4:
0x53: {  	[tilespmem:s20], [sflag:$0x2] =	stream.indirect.gather [hbm4b:s4+s19], $0x80, s29, s19, $0xb8;
	[tilespmem:$0x1E800] =	vst v63  }
0x54: {  	s29 =	smov.u32 s28  }
0x55: {  	p0 =	sne.s32 s28, $0x4800;
	s28 =	sadd.s32 $0x400, s28;
	_ =	swait.ge [sflag:s21], $0x4000  }
0x56: {  	s29 =	sshra.s32 s29, $0x2;
	[sflag:s21] =	ssyncset.done $0x0  }
0x57: {  	s30 =	sadd.s32 $0x1400, s29;
	[sflag:s21] =	ssyncadd.s32 $0xFFFFC000  }
0x58: {  	[spmem:s1] =	stream.indirect.scatter.add.f32 [tilespmem:s16], [sflag:$0x3], $0x80, s30, s19, $0xb8;
	[tilespmem:$0x1E800] =	vst v63  }
0x59: {  	_ =	swait.ge [sflag:s22], $0x4000  }
0x5a: {  	[sflag:s22] =	ssyncset.done $0x0  }
0x5b: {  	s30 =	sadd.s32 $0x1480, s29;
	[sflag:s22] =	ssyncadd.s32 $0xFFFFC000  }
0x5c: {  	[spmem:s1] =	stream.indirect.scatter.add.f32 [tilespmem:s20], [sflag:$0x4], $0x80, s30, s19, $0xb8;
	[tilespmem:$0x1E800] =	vst v63  }
0x5d: {  	_ =	swait.ge [sflag:s23], $0x4000  }
0x5e: {  	[sflag:s23] =	ssyncset.done $0x0  }
.Ltmp1:
0x5f: {  	s30 =	sadd.s32 $0x100, s29;
	[sflag:s23] =	ssyncadd.s32 $0xFFFFC000;
	(pc) =	sbr.rel @p0 .LBB2_4-.Ltmp1, $4  }
0x60: {  	[tilespmem:s16], [sflag:$0x1] =	stream.indirect.gather [hbm4b:s4+s19], $0x80, s30, s19, $0xb8;
	[tilespmem:$0x1E800] =	vst v63  }
0x61: {  	_ =	swait.ge [sflag:s24], $0x4000  }
0x62: {  	[sflag:s24] =	ssyncset.done $0x0  }
0x63: {  	s29 =	sadd.s32 $0x180, s29;
	[sflag:s24] =	ssyncadd.s32 $0xFFFFC000  }
0x64: {  	[tilespmem:s20], [sflag:$0x2] =	stream.indirect.gather [hbm4b:s4+s19], $0x80, s29, s19, $0xb8;
	[tilespmem:$0x1E800] =	vst v63  }
0x65: {  	_ =	swait.ge [sflag:s21], $0x4000  }
0x66: {  	[sflag:s21] =	ssyncset.done $0x0  }
0x67: {  	[sflag:s21] =	ssyncadd.s32 $0xFFFFC000  }
0x68: {  	[spmem:s1] =	stream.indirect.scatter.add.f32 [tilespmem:s16], [sflag:$0x3], $0x80, s25, s19, $0xb8;
	[tilespmem:$0x1E800] =	vst v63  }
0x69: {  	_ =	swait.ge [sflag:s22], $0x4000  }
0x6a: {  	[sflag:s22] =	ssyncset.done $0x0  }
0x6b: {  	[sflag:s22] =	ssyncadd.s32 $0xFFFFC000  }
0x6c: {  	[spmem:s1] =	stream.indirect.scatter.add.f32 [tilespmem:s20], [sflag:$0x4], $0x80, s26, s19, $0xb8;
	[tilespmem:$0x1E800] =	vst v63  }
0x6d: {  	_ =	swait.ge [sflag:s23], $0x4000  }
0x6e: {  	[sflag:s23] =	ssyncset.done $0x0  }
0x6f: {  	[sflag:s23] =	ssyncadd.s32 $0xFFFFC000  }
0x70: {  	_ =	swait.ge [sflag:s24], $0x4000  }
0x71: {  	[sflag:s24] =	ssyncset.done $0x0  }
0x72: {  	s28 =	simm.s32 $0x0;
	[sflag:s24] =	ssyncadd.s32 $0xFFFFC000  }
0x73: {  	[tilespmem:s28], [sflag:$0x5] =	stream.linear.gather [hbm4b:s8+s28], $0x1400, $0x38;
	[tilespmem:$0x1E800] =	vst v63  }
0x74: {  	_ =	swait.ge [sflag:s17], $0x1400  }
0x75: {  	[sflag:s17] =	ssyncset.done $0x0  }
0x76: {  	[sflag:s17] =	ssyncadd.s32 $0xFFFFEC00  }
0x77: {  	[tilespmem:s18], [sflag:$0x5] =	stream.linear.gather [hbm4b:s9+s28], $0x1400, $0x38;
	[tilespmem:$0x1E800] =	vst v63  }
0x78: {  	_ =	swait.ge [sflag:s17], $0x1400  }
0x79: {  	[sflag:s17] =	ssyncset.done $0x0  }
0x7a: {  	[sflag:s17] =	ssyncadd.s32 $0xFFFFEC00  }
0x7b: {  	[tilespmem:s16], [sflag:$0x1] =	stream.indirect.gather [hbm4b:s4+s19], $0x80, s28, s19, $0xb8;
	[tilespmem:$0x1E800] =	vst v63  }
0x7c: {  	_ = 	snop  }
0x7d: {  	[tilespmem:s20], [sflag:$0x2] =	stream.indirect.gather [hbm4b:s4+s19], $0x80, s19, s19, $0xb8;
	[tilespmem:$0x1E800] =	vst v63  }
0x7e: {  	_ =	swait.ge [sflag:s21], $0x4000  }
0x7f: {  	[sflag:s21] =	ssyncset.done $0x0  }
0x80: {  	s28 =	simm.s32 $0x1400;
	[sflag:s21] =	ssyncadd.s32 $0xFFFFC000  }
0x81: {  	[spmem:s1] =	stream.indirect.scatter.add.f32 [tilespmem:s16], [sflag:$0x3], $0x80, s28, s19, $0xb8;
	[tilespmem:$0x1E800] =	vst v63  }
0x82: {  	_ =	swait.ge [sflag:s22], $0x4000  }
0x83: {  	[sflag:s22] =	ssyncset.done $0x0  }
0x84: {  	s28 =	simm.s32 $0x1480;
	[sflag:s22] =	ssyncadd.s32 $0xFFFFC000  }
0x85: {  	[spmem:s1] =	stream.indirect.scatter.add.f32 [tilespmem:s20], [sflag:$0x4], $0x80, s28, s19, $0xb8;
	[tilespmem:$0x1E800] =	vst v63  }
0x86: {  	_ =	swait.ge [sflag:s23], $0x4000  }
0x87: {  	[sflag:s23] =	ssyncset.done $0x0  }
0x88: {  	s28 =	simm.s32 $0x100;
	[sflag:s23] =	ssyncadd.s32 $0xFFFFC000  }
0x89: {  	[tilespmem:s16], [sflag:$0x1] =	stream.indirect.gather [hbm4b:s4+s19], $0x80, s28, s19, $0xb8;
	[tilespmem:$0x1E800] =	vst v63  }
0x8a: {  	_ =	swait.ge [sflag:s24], $0x4000  }
0x8b: {  	[sflag:s24] =	ssyncset.done $0x0  }
0x8c: {  	s29 =	simm.s32 $0x180;
	s28 =	simm.s32 $0x400;
	[sflag:s24] =	ssyncadd.s32 $0xFFFFC000  }
.LBB2_6:
0x8d: {  	[tilespmem:s20], [sflag:$0x2] =	stream.indirect.gather [hbm4b:s4+s19], $0x80, s29, s19, $0xb8;
	[tilespmem:$0x1E800] =	vst v63  }
0x8e: {  	s29 =	smov.u32 s28  }
0x8f: {  	p0 =	sne.s32 s28, $0x4800;
	s28 =	sadd.s32 $0x400, s28;
	_ =	swait.ge [sflag:s21], $0x4000  }
0x90: {  	s29 =	sshra.s32 s29, $0x2;
	[sflag:s21] =	ssyncset.done $0x0  }
0x91: {  	s30 =	sadd.s32 $0x1400, s29;
	[sflag:s21] =	ssyncadd.s32 $0xFFFFC000  }
0x92: {  	[spmem:s1] =	stream.indirect.scatter.add.f32 [tilespmem:s16], [sflag:$0x3], $0x80, s30, s19, $0xb8;
	[tilespmem:$0x1E800] =	vst v63  }
0x93: {  	_ =	swait.ge [sflag:s22], $0x4000  }
0x94: {  	[sflag:s22] =	ssyncset.done $0x0  }
0x95: {  	s30 =	sadd.s32 $0x1480, s29;
	[sflag:s22] =	ssyncadd.s32 $0xFFFFC000  }
0x96: {  	[spmem:s1] =	stream.indirect.scatter.add.f32 [tilespmem:s20], [sflag:$0x4], $0x80, s30, s19, $0xb8;
	[tilespmem:$0x1E800] =	vst v63  }
0x97: {  	_ =	swait.ge [sflag:s23], $0x4000  }
0x98: {  	[sflag:s23] =	ssyncset.done $0x0  }
.Ltmp2:
0x99: {  	s30 =	sadd.s32 $0x100, s29;
	[sflag:s23] =	ssyncadd.s32 $0xFFFFC000;
	(pc) =	sbr.rel @p0 .LBB2_6-.Ltmp2, $4  }
0x9a: {  	[tilespmem:s16], [sflag:$0x1] =	stream.indirect.gather [hbm4b:s4+s19], $0x80, s30, s19, $0xb8;
	[tilespmem:$0x1E800] =	vst v63  }
0x9b: {  	_ =	swait.ge [sflag:s24], $0x4000  }
0x9c: {  	[sflag:s24] =	ssyncset.done $0x0  }
0x9d: {  	s29 =	sadd.s32 $0x180, s29;
	[sflag:s24] =	ssyncadd.s32 $0xFFFFC000  }
0x9e: {  	[tilespmem:s20], [sflag:$0x2] =	stream.indirect.gather [hbm4b:s4+s19], $0x80, s29, s19, $0xb8;
	[tilespmem:$0x1E800] =	vst v63  }
0x9f: {  	_ =	swait.ge [sflag:s21], $0x4000  }
0xa0: {  	[sflag:s21] =	ssyncset.done $0x0  }
0xa1: {  	[sflag:s21] =	ssyncadd.s32 $0xFFFFC000  }
0xa2: {  	[spmem:s1] =	stream.indirect.scatter.add.f32 [tilespmem:s16], [sflag:$0x3], $0x80, s25, s19, $0xb8;
	[tilespmem:$0x1E800] =	vst v63  }
0xa3: {  	_ =	swait.ge [sflag:s22], $0x4000  }
0xa4: {  	[sflag:s22] =	ssyncset.done $0x0  }
0xa5: {  	[sflag:s22] =	ssyncadd.s32 $0xFFFFC000  }
0xa6: {  	[spmem:s1] =	stream.indirect.scatter.add.f32 [tilespmem:s20], [sflag:$0x4], $0x80, s26, s19, $0xb8;
	[tilespmem:$0x1E800] =	vst v63  }
0xa7: {  	_ =	swait.ge [sflag:s23], $0x4000  }
0xa8: {  	[sflag:s23] =	ssyncset.done $0x0  }
0xa9: {  	[sflag:s23] =	ssyncadd.s32 $0xFFFFC000  }
0xaa: {  	_ =	swait.ge [sflag:s24], $0x4000  }
0xab: {  	s28 =	sshll.u32 s2, $0x6;
	s3 =	sadd.s32 $0x1, s3;
	[sflag:s24] =	ssyncset.done $0x0  }
0xac: {  	s31 =	sshrl.u32 s5, $0x3;
	p0 =	sne.s32 s3, s11;
	[sflag:s24] =	ssyncadd.s32 $0xFFFFC000  }
.Ltmp3:
0xad: {  	s28 =	sor.u32 $0x1C05, s28;
	[bflag:$0x0] =	sbarrier.arrive $0xFFFF;
	(pc) =	sbr.rel @p0 .LBB2_1-.Ltmp3, $4  }
0xae: {  	[hbm:s10], [sflag:s28] =	dma.local [spmem:s31], $0x2800  }
0xaf: {  	_ =	swait.ge [sflag:s17], $0x2800  }
0xb0: {  	[sflag:s17] =	ssyncset.done $0x0  }
0xb1: {  	[sflag:s17] =	ssyncadd.s32 $0xFFFFD800  }
0xb2: {  	_ =	sfence.sel $0x180000  }
0xb3: {  	[bflag:$0x0] =	sbarrier.arrive $0xFFFF  }
0xb4: {  	p0 =	sne.s32 s2, $0x0;
	_ =	strace $0x90000056  }
0xb5: {  	s0 =	sadd.s32 @!p0 $0x100000, s0;
	[bflag:$0x2] =	sbarrier.arrive $0xFFFF  }
0xb6: {  	[sflag:s0] =	ssyncadd.tile.s32 @!p0 $0x1;
	_ =	shalt  }
.Lfunc_end2:
_tile_overlayer_lowered:
.L_overlay_start_2:
0xb7: {  	(tag) =	ssettag $0x2  }
0xb8: {  	s0 =	rddreg [dreg:$0x0];
	s2 =	stileid.u32  }
0xb9: {  	s1 =	rddreg [dreg:$0x1];
	p0 =	sne.s32 s2, $0x0  }
0xba: {  	s3 =	rddreg [dreg:$0x2];
	[bflag:$0x3] =	sbarrier.arrive $0xFFFF;
	s2 =	simm.s32 @!p0 $0x1C05  }
0xbb: {  	[timem:s3], [sflag:s2] =	dma.local @!p0 [hbm:s0], s1  }
0xbc: {  	s0 =	simm.s32 @!p0 $0x5  }
0xbd: {  	_ =	swait.ge @!p0 [sflag:s0], s1  }
0xbe: {  	s1 =	ssub.s32 @!p0 $0x0, s1;
	[sflag:s0] =	ssyncset.done @!p0 $0x0  }
0xbf: {  	[sflag:s0] =	ssyncadd.s32 @!p0 s1  }
0xc0: {  	[bflag:$0x3] =	sbarrier.arrive $0xFFFF  }
0xc1: {  	_ =	shalt  }

// kernel: kernel.43.cloned.1.call-start
scs
__scs_entry_jumppad:
0x0: {  	(pc) =	sbr.rel $0x88, $3  }
0x1: {  	(tag) =	ssettag $0x0;
	lr =	simm.s32 $0x1  }
0x2: {  	[smem:$0x3F91] =	sst lr;
	_ =	strace $0xD0000000  }
0x3: {  	_ = 	snop  }
0x4: {  	_ = 	snop  }
0x5: {  	_ = 	snop  }
0x6: {  	_ = 	snop  }
0x7: {  	_ = 	snop  }
__scs_overlays_trampoline_lowered:
0x8: {  	[smem:$0x3FA0] =	sst s0  }
0x9: {  	[smem:$0x3FA1] =	sst s1  }
0xa: {  	[smem:$0x3FA2] =	sst s2  }
0xb: {  	[smem:$0x3FA3] =	sst s3  }
0xc: {  	[smem:$0x3FA4] =	sst s4  }
0xd: {  	[smem:$0x3FA5] =	sst s5  }
0xe: {  	[smem:$0x3FA6] =	sst s6  }
0xf: {  	[smem:$0x3FA7] =	sst s7  }
0x10: {  	[smem:$0x3FA8] =	sst s8  }
0x11: {  	[smem:$0x3FA9] =	sst s9;
	s0 =	simm.s32 @!p0 $0x0  }
0x12: {  	s1 =	sld [smem:$0x3F8F];
	s0 =	simm.s32 @p0 $0x1  }
0x13: {  	[smem:$0x3FAA] =	sst s0;
	s0 =	simm.s32 @!p1 $0x0  }
0x14: {  	s2 =	sld [smem:$0x3F8E];
	s0 =	simm.s32 @p1 $0x1  }
0x15: {  	[smem:$0x3FAB] =	sst s0;
	s0 =	simm.s32 @!p2 $0x0  }
0x16: {  	s3 =	sld [smem:$0x3FDB];
	s0 =	simm.s32 @p2 $0x1  }
0x17: {  	s4 =	simm.s32 $0x1BF5;
	[smem:$0x3FAD] =	sst s0  }
0x18: {  	s0 =	sld [smem:$0x3F90];
	_ =	swait.ge [sflag:s4], $0x0  }
0x19: {  	s7 =	sld [smem:$0x3F91]  }
0x1a: {  	s8 =	sadd.s32 $0xFFFFE003, lr  }
0x1b: {  	s9 =	sadd.s32 $0xFFFFFEF7, lr;
	s5 =	simm.s32 $0xFFFFFFFF;
	p2 =	slt.u32 s8, $0xFFFFF086  }
0x1c: {  	p1 =	slt.u32 s9, $0xF7A;
	s5 =	simm.s32 @!p2 $0x0  }
0x1d: {  	s5 =	simm.s32 @p1 $0x1;
	p0 =	seq.s32 s7, s2  }
0x1e: {  	s7 =	smul.u32 @!p0 $0xF7A, s2;
	p2 =	seq.s32 @!p0 s5, $0x0  }
0x1f: {  	s9 =	smul.u32 $0xF7A, s1;
	s8 =	simm.s32 @!p0 $0x1BF5;
	p2 =	por !p2, p0  }
0x20: {  	[sflag:s8] =	ssyncset.s32 @!p0 $0xFFFFF086;
	s6 =	sadd.s32 @!p0 s3, s7;
	s7 =	simm.s32 @!p0 $0x108  }
0x21: {  	s3 =	sadd.s32 s3, s9;
	s6 =	sadd.s32 @!p0 $0x88, s6;
	s7 =	simm.s32 @p2 $0x1082  }
0x22: {  	[simem:s7], [sflag:s8] =	dma.local @!p0 [hbm:s6], $0xF7A  }
0x23: {  	s9 =	sor.u32 $0xD0000000, s2;
	s6 =	simm.s32 $0x108;
	_ =	swait.ge @!p0 [sflag:s8], $0x0  }
0x24: {  	s3 =	sadd.s32 $0x88, s3;
	s6 =	simm.s32 @!p1 $0x1082;
	[sflag:s4] =	ssyncset.s32 $0xFFFFF086  }
0x25: {  	[simem:s6], [sflag:s4] =	dma.local [hbm:s3], $0xF7A  }
0x26: {  	[smem:$0x3F91] =	sst s1;
	(tag) =	ssettag s2;
	_ =	strace s9  }
0x27: {  	s1 =	sld [smem:$0x3FA1]  }
0x28: {  	s2 =	sld [smem:$0x3FA2]  }
0x29: {  	s4 =	sld [smem:$0x3FA4]  }
0x2a: {  	p0 =	seq.s32 s5, $0x0;
	s5 =	sld [smem:$0x3FA5]  }
0x2b: {  	s6 =	sld [smem:$0x3FA6]  }
0x2c: {  	s7 =	sld [smem:$0x3FA7]  }
0x2d: {  	s3 =	simm.s32 $0x108;
	s8 =	sld [smem:$0x3FA8]  }
0x2e: {  	s3 =	simm.s32 @!p0 $0x1082;
	s9 =	sld [smem:$0x3FA9]  }
0x2f: {  	lr =	sadd.s32 s0, s3;
	s0 =	sld [smem:$0x3FA0]  }
0x30: {  	s3 =	sld [smem:$0x3FA3]  }
0x31: {  	[smem:$0x3FAC] =	sst s10  }
0x32: {  	s10 =	sld [smem:$0x3FAA];
	_ =	sdelay $0x3  }
0x33: {  	p0 =	seq.s32 s10, $0x1;
	s10 =	sld [smem:$0x3FAC];
	_ =	sdelay $0x3  }
0x34: {  	[smem:$0x3FAC] =	sst s10  }
0x35: {  	s10 =	sld [smem:$0x3FAB];
	_ =	sdelay $0x3  }
0x36: {  	p1 =	seq.s32 s10, $0x1;
	s10 =	sld [smem:$0x3FAC];
	_ =	sdelay $0x3  }
0x37: {  	[smem:$0x3FAC] =	sst s10  }
0x38: {  	s10 =	sld [smem:$0x3FAD]  }
0x39: {  	_ = 	snop;
	(pc) =	sbr.ind lr, $3  }
0x3a: {  	_ = 	snop  }
0x3b: {  	_ = 	snop  }
0x3c: {  	p2 =	seq.s32 s10, $0x1;
	s10 =	sld [smem:$0x3FAC]  }
0x3d: {  	_ =	shalt  }
0x3e: {  	_ =	shalt  }
0x3f: {  	_ =	shalt  }
0x40: {  	_ =	shalt  }
0x41: {  	_ =	shalt  }
0x42: {  	_ =	shalt  }
0x43: {  	_ =	shalt  }
0x44: {  	_ =	shalt  }
0x45: {  	_ =	shalt  }
0x46: {  	_ =	shalt  }
0x47: {  	_ =	shalt  }
0x48: {  	_ =	shalt  }
0x49: {  	_ =	shalt  }
0x4a: {  	_ =	shalt  }
0x4b: {  	_ =	shalt  }
0x4c: {  	_ =	shalt  }
0x4d: {  	_ =	shalt  }
0x4e: {  	_ =	shalt  }
0x4f: {  	_ =	shalt  }
0x50: {  	_ =	shalt  }
0x51: {  	_ =	shalt  }
0x52: {  	_ =	shalt  }
0x53: {  	_ =	shalt  }
0x54: {  	_ =	shalt  }
0x55: {  	_ =	shalt  }
0x56: {  	_ =	shalt  }
0x57: {  	_ =	shalt  }
0x58: {  	_ =	shalt  }
0x59: {  	_ =	shalt  }
0x5a: {  	_ =	shalt  }
0x5b: {  	_ =	shalt  }
0x5c: {  	_ =	shalt  }
0x5d: {  	_ =	shalt  }
0x5e: {  	_ =	shalt  }
0x5f: {  	_ =	shalt  }
0x60: {  	_ =	shalt  }
0x61: {  	_ =	shalt  }
0x62: {  	_ =	shalt  }
0x63: {  	_ =	shalt  }
0x64: {  	_ =	shalt  }
0x65: {  	_ =	shalt  }
0x66: {  	_ =	shalt  }
0x67: {  	_ =	shalt  }
0x68: {  	_ =	shalt  }
0x69: {  	_ =	shalt  }
0x6a: {  	_ =	shalt  }
0x6b: {  	_ =	shalt  }
0x6c: {  	_ =	shalt  }
0x6d: {  	_ =	shalt  }
0x6e: {  	_ =	shalt  }
0x6f: {  	_ =	shalt  }
0x70: {  	_ =	shalt  }
0x71: {  	_ =	shalt  }
0x72: {  	_ =	shalt  }
0x73: {  	_ =	shalt  }
0x74: {  	_ =	shalt  }
0x75: {  	_ =	shalt  }
0x76: {  	_ =	shalt  }
0x77: {  	_ =	shalt  }
0x78: {  	_ =	shalt  }
0x79: {  	_ =	shalt  }
0x7a: {  	_ =	shalt  }
0x7b: {  	_ =	shalt  }
0x7c: {  	_ =	shalt  }
0x7d: {  	_ =	shalt  }
0x7e: {  	_ =	shalt  }
0x7f: {  	_ =	shalt  }
0x80: {  	_ =	shalt  }
0x81: {  	_ =	shalt  }
0x82: {  	_ =	shalt  }
0x83: {  	_ =	shalt  }
0x84: {  	_ =	shalt  }
0x85: {  	_ =	shalt  }
0x86: {  	_ =	shalt  }
0x87: {  	_ =	shalt  }
.Lfunc_end0:
.L_simem_size_0:
called_computation.6_lowered:
.L_overlay_start_0:
0x88: {  	s2 =	sld [smem:$0x3FD9]  }
0x89: {  	s3 =	sld [smem:$0x3FFE];
	_ =	sdelay $0x1  }
0x8a: {  	s1 =	srdreg.scid  }
0x8b: {  	s0 =	sand.u32 $0x1, s1  }
0x8c: {  	s16 =	sshll.u32 s0, $0xA;
	s2 =	sadd.s32 s3, s2  }
0x8d: {  	s2 =	sadd.s32 s2, s16  }
0x8e: {  	[smem:$0x3FB8] =	sst s2  }
0x8f: {  	_ = 	snop  }
0x90: {  	(tm) =	ssettm $0x1  }
0x91: {  	s17 =	sld [smem:$0x3FFB];
	_ =	sdelay $0x3  }
0x92: {  	_ =	strace s17  }
0x93: {  	s2 =	sld [smem:$0x3FFC];
	_ =	sdelay $0x3  }
0x94: {  	_ =	strace s2  }
0x95: {  	s2 =	sld [smem:$0x3FFD];
	_ =	sdelay $0x3  }
0x96: {  	_ =	strace s2  }
0x97: {  	_ =	strace $0x8FFFFFFF  }
0x98: {  	s18 =	sld [smem:$0x3FDB];
	_ =	sdelay $0x1  }
0x99: {  	s19 =	simm.s32 $_scs_section_size  }
0x9a: {  	s4 =	simm.s32 $_size__tile_overlayer_lowered;
	s5 =	simm.s32 $_tile_overlayer_lowered  }
0x9b: {  	s22 =	simm.s32 $0x1BFF;
	s21 =	sshll.u32 s5, $0x1;
	s2 =	sadd.s32 s19, s18  }
0x9c: {  	s6 =	simm.s32 $0x0;
	s20 =	sshll.u32 s4, $0x1;
	s4 =	sadd.s32 s21, s2  }
0x9d: {  	[timem:s6], [sflag:s22] =	dma.local [hbm:s4], s20  }
0x9e: {  	_ =	swait.ge [sflag:s22], s20  }
0x9f: {  	s3 =	ssub.s32 $0x0, s20;
	[sflag:s22] =	ssyncset.done $0x0  }
0xa0: {  	[sflag:s22] =	ssyncadd.s32 s3;
	_ =	sdelay $0x1  }
0xa1: {  	s23 =	simm.s32 $0x1B8B  }
0xa2: {  	_ =	swait.ge [sflag:s23], $0x1  }
0xa3: {  	[sflag:s23] =	ssyncset.done $0x0  }
0xa4: {  	s25 =	simm.s32 $0x1B8E;
	s24 =	sld [smem:$0x3FFE];
	[sflag:s23] =	ssyncadd.s32 $0xFFFFFFFF  }
0xa5: {  	s26 =	simm.s32 $execute0_lowered;
	[smem:$0x3FD2] =	sst s25  }
0xa6: {  	s4 =	sshll.u32 s26, $0x1;
	_ =	strace $0x80000058;
	[dreg:$0x1] =	wrdreg $0xFFFFFFFF  }
0xa7: {  	s28 =	simm.s32 $_size_execute0_lowered;
	s2 =	sadd.s32 s2, s4;
	[dreg:$0x0] =	wrdreg $0x0  }
0xa8: {  	s4 =	sshll.u32 s28, $0x1;
	[dreg:$0x2] =	wrdreg s2  }
0xa9: {  	[dreg:$0x3] =	wrdreg s4  }
0xaa: {  	[dreg:$0x4] =	wrdreg $0xC0  }
0xab: {  	_ =	task [dreg:s6], $0x5FFFF  }
0xac: {  	[dreg:$0x1] =	wrdreg $0xFFFFFFFF  }
0xad: {  	[dreg:$0x0] =	wrdreg $0x60  }
0xae: {  	[dreg:$0x2] =	wrdreg s24  }
0xaf: {  	[dreg:$0x3] =	wrdreg $0x9  }
0xb0: {  	_ =	task.clear_ibuf [dreg:s6], $0x4FFFF;
	_ =	strace $0x90000058  }
0xb1: {  	s29 =	simm.s32 $0x9;
	_ =	strace $0x8000005A  }
0xb2: {  	_ =	swait.ge [sflag:s29], $0x1  }
0xb3: {  	[sflag:s29] =	ssyncadd.s32 $0xFFFFFFFF  }
0xb4: {  	_ =	strace $0x9000005A  }
0xb5: {  	_ =	sfence  }
0xb6: {  	s30 =	sld [smem:$0x0];
	_ =	sdelay $0x2  }
0xb7: {  	s31 =	sshll.u32 s1, $0xD;
	s1 =	sshrl.u32 s1, $0x2  }
0xb8: {  	s3 =	sand.u32 $0x4000, s31;
	s1 =	sadd.s32 s1, s30  }
0xb9: {  	s0 =	sor.u32 s3, s0;
	s1 =	sshll.u32 s1, $0x11  }
0xba: {  	s0 =	sor.u32 s1, s0  }
0xbb: {  	s0 =	sadd.s32 $0x8F2B, s0  }
0xbc: {  	[sflag:s0] =	ssyncadd.remote.s32 $0x1  }
0xbd: {  	_ =	sfence.sel $0xFFFF  }
0xbe: {  	[dreg:$0x0] =	wrdreg $0xFFFFFFFF;
	(pc) =	sbr.abs _section_cstart, $3  }
0xbf: {  	[dreg:$0x1] =	wrdreg $0xFFFFFFFF  }
0xc0: {  	_ =	task.clear_ibuf [dreg:s6], $0x2FFFF;
	_ =	strace $0x9FFFFFFF  }
0xc1: {  	(tm) =	ssettm $0x7FFFFFFF  }
tec
execute0_lowered:
.L_overlay_start_1:
0x0: {  	(tag) =	ssettag $0x1  }
0x1: {  	s0 =	srdreg.scid  }
0x2: {  	s3 =	sand.u32 $0x1, s0  }
0x3: {  	s0 =	stileid.u32;
	s1 =	sshll.u32 s3, $0x4  }
0x4: {  	s5 =	rddreg [dreg:$0x0];
	s2 =	simm.s32 $0x0;
	s1 =	sor.u32 s0, s1  }
0x5: {  	s9 =	simm.s32 $0x1;
	s10 =	simm.s32 $0x80;
	s1 =	sshrl.u32 s1, $0x3  }
0x6: {  	s11 =	simm.s32 $0x400;
	s29 =	sshll.u32 s0, $0x7;
	s4 =	smul.u32 $0x14000, s1  }
0x7: {  	s12 =	simm.s32 $0x2800;
	s13 =	simm.s32 $0x7800;
	s6 =	sand.u32 $0x380, s29  }
0x8: {  	[smem:$0x7FF] =	sst s2;
	s30 =	ssub.s32 $0x2, s3;
	s4 =	sor.u32 s6, s4  }
0x9: {  	s3 =	sadd.s32 $0x84600, s5;
	s31 =	sshrl.u32 s30, $0x1;
	s4 =	sshrl.u32 s4, $0x3  }
0xa: {  	s8 =	ssub.s32 s30, s31;
	s1 =	rddreg [dreg:$0x1];
	s7 =	sadd.s32 s4, s5  }
0xb: {  	_ =	strace $0x80000059;
	s4 =	sadd.s32 $0x16600, s7;
	s5 =	sadd.s32 $0x2A600, s7  }
0xc: {  	v0 =	vimm.f32 $0.0e+00;
	s6 =	sadd.s32 $0x84C00, s7;
	s7 =	smax.u32 s8, $0x1;
	s8 =	simm.s32 $0x5000  }
.LBB2_1:
0xd: {  	s14 =	simm.s32 $0x40;
	s15 =	simm.s32 $0x0  }
.LBB2_2:
0xe: {  	p0 =	sne.s32 s14, $0x9FC0;
	[tilespmem:s15+$0x7800] =	vst v0;
	s15 =	smov.u32 s14;
	s14 =	sadd.s32 $0x40, s14  }
.Ltmp0:
0xf: {  	(pc) =	sbr.rel @p0 .LBB2_2-.Ltmp0, $2  }
0x10: {  	_ =	sdelay $0x2  }
0x11: {  	s15 =	sshra.s32 s15, $0x2  }
0x12: {  	[tilespmem:s15+$0x7800] =	vst v0;
	s14 =	simm.s32 $0x0  }
0x13: {  	[tilespmem:s8], [sflag:$0x1] =	stream.linear.gather [hbm4b:s3+s14], $0x2800, $0x38;
	[tilespmem:$0xA000] =	vst v63  }
0x14: {  	_ =	swait.ge [sflag:s9], $0x2800  }
0x15: {  	[sflag:s9] =	ssyncset.done $0x0  }
0x16: {  	[sflag:s9] =	ssyncadd.s32 $0xFFFFD800  }
0x17: {  	[tilespmem:s14], [sflag:$0x1] =	stream.strided.gather [hbm4b:s4+s10], $0x2800, s11, s10, $0x38;
	[tilespmem:$0xA000] =	vst v63  }
0x18: {  	_ =	swait.ge [sflag:s9], $0x2800  }
0x19: {  	[sflag:s9] =	ssyncset.done $0x0  }
0x1a: {  	[sflag:s9] =	ssyncadd.s32 $0xFFFFD800  }
0x1b: {  	[tilespmem:s12], [sflag:$0x1] =	stream.strided.gather [hbm4b:s5+s10], $0x2800, s11, s10, $0x38;
	[tilespmem:$0xA000] =	vst v63  }
0x1c: {  	_ =	swait.ge [sflag:s9], $0x2800  }
0x1d: {  	[sflag:s9] =	ssyncset.done $0x0  }
0x1e: {  	s15 =	simm.s32 $0x0;
	s14 =	simm.s32 $0x40;
	[sflag:s9] =	ssyncadd.s32 $0xFFFFD800  }
.LBB2_4:
0x1f: {  	p0 =	sne.s32 s14, $0x9FC0;
	v1 =	vld [tilespmem:s15+$0x0];
	_ =	sdelay $0x5  }
0x20: {  	v2 =	vld [tilespmem:s15+$0x2800];
	_ =	sdelay $0x1  }
0x21: {  	v1 =	vld.idx.msk [tilespmem:v1+s8+$0x0], $0xffff;
	_ =	sdelay $0x1  }
.Ltmp1:
0x22: {  	(pc) =	sbr.rel @p0 .LBB2_4-.Ltmp1, $2  }
0x23: {  	_ =	sdelay $0x2  }
0x24: {  	s15 =	sshra.s32 s14, $0x2;
	s14 =	sadd.s32 $0x40, s14;
	[tilespmem:v2+s13+$0x0] =	vst.idx.add.f32.msk $0xffff, v1  }
0x25: {  	v1 =	vld [tilespmem:s15+$0x0];
	_ =	sdelay $0x4  }
0x26: {  	v2 =	vld [tilespmem:s15+$0x2800];
	_ =	sdelay $0x2  }
0x27: {  	v1 =	vld.idx.msk [tilespmem:v1+s8+$0x0], $0xffff;
	_ =	sdelay $0x2  }
0x28: {  	s2 =	sadd.s32 $0x1, s2  }
0x29: {  	p0 =	sne.s32 s2, s7  }
.Ltmp2:
0x2a: {  	[tilespmem:v2+s13+$0x0] =	vst.idx.add.f32.msk $0xffff, v1;
	(pc) =	sbr.rel @p0 .LBB2_1-.Ltmp2, $4  }
0x2b: {  	[hbm4b:s6+s10] =	stream.strided.scatter [tilespmem:s13], [sflag:$0x1], $0x2800, s11, s10, $0x38;
	[tilespmem:$0xA000] =	vst v63  }
0x2c: {  	_ =	swait.ge [sflag:s9], $0x2800  }
0x2d: {  	[sflag:s9] =	ssyncset.done $0x0  }
0x2e: {  	[sflag:s9] =	ssyncadd.s32 $0xFFFFD800  }
0x2f: {  	_ =	sfence.sel $0x180000  }
0x30: {  	[bflag:$0x0] =	sbarrier.arrive $0xFFFF  }
0x31: {  	p0 =	sne.s32 s0, $0x0;
	_ =	strace $0x90000059  }
0x32: {  	s0 =	sadd.s32 @!p0 $0x100000, s1;
	[bflag:$0x2] =	sbarrier.arrive $0xFFFF  }
0x33: {  	[sflag:s0] =	ssyncadd.tile.s32 @!p0 $0x1;
	_ =	shalt  }
.Lfunc_end2:
_tile_overlayer_lowered:
.L_overlay_start_2:
0x34: {  	(tag) =	ssettag $0x2  }
0x35: {  	s0 =	rddreg [dreg:$0x0];
	s2 =	stileid.u32  }
0x36: {  	s1 =	rddreg [dreg:$0x1];
	p0 =	sne.s32 s2, $0x0  }
0x37: {  	s3 =	rddreg [dreg:$0x2];
	[bflag:$0x3] =	sbarrier.arrive $0xFFFF;
	s2 =	simm.s32 @!p0 $0x1C01  }
0x38: {  	[timem:s3], [sflag:s2] =	dma.local @!p0 [hbm:s0], s1  }
0x39: {  	s0 =	simm.s32 @!p0 $0x1  }
0x3a: {  	_ =	swait.ge @!p0 [sflag:s0], s1  }
0x3b: {  	s1 =	ssub.s32 @!p0 $0x0, s1;
	[sflag:s0] =	ssyncset.done @!p0 $0x0  }
0x3c: {  	[sflag:s0] =	ssyncadd.s32 @!p0 s1  }
0x3d: {  	[bflag:$0x3] =	sbarrier.arrive $0xFFFF  }
0x3e: {  	_ =	shalt  }

// kernel: kernel.46.cloned.1.call-start
scs
__scs_entry_jumppad:
0x0: {  	(pc) =	sbr.rel $0x88, $3  }
0x1: {  	(tag) =	ssettag $0x0;
	lr =	simm.s32 $0x1  }
0x2: {  	[smem:$0x3F91] =	sst lr;
	_ =	strace $0xD0000000  }
0x3: {  	_ = 	snop  }
0x4: {  	_ = 	snop  }
0x5: {  	_ = 	snop  }
0x6: {  	_ = 	snop  }
0x7: {  	_ = 	snop  }
__scs_overlays_trampoline_lowered:
0x8: {  	[smem:$0x3FA0] =	sst s0  }
0x9: {  	[smem:$0x3FA1] =	sst s1  }
0xa: {  	[smem:$0x3FA2] =	sst s2  }
0xb: {  	[smem:$0x3FA3] =	sst s3  }
0xc: {  	[smem:$0x3FA4] =	sst s4  }
0xd: {  	[smem:$0x3FA5] =	sst s5  }
0xe: {  	[smem:$0x3FA6] =	sst s6  }
0xf: {  	[smem:$0x3FA7] =	sst s7  }
0x10: {  	[smem:$0x3FA8] =	sst s8  }
0x11: {  	[smem:$0x3FA9] =	sst s9;
	s0 =	simm.s32 @!p0 $0x0  }
0x12: {  	s1 =	sld [smem:$0x3F8F];
	s0 =	simm.s32 @p0 $0x1  }
0x13: {  	[smem:$0x3FAA] =	sst s0;
	s0 =	simm.s32 @!p1 $0x0  }
0x14: {  	s2 =	sld [smem:$0x3F8E];
	s0 =	simm.s32 @p1 $0x1  }
0x15: {  	[smem:$0x3FAB] =	sst s0;
	s0 =	simm.s32 @!p2 $0x0  }
0x16: {  	s3 =	sld [smem:$0x3FDB];
	s0 =	simm.s32 @p2 $0x1  }
0x17: {  	s4 =	simm.s32 $0x1BF5;
	[smem:$0x3FAD] =	sst s0  }
0x18: {  	s0 =	sld [smem:$0x3F90];
	_ =	swait.ge [sflag:s4], $0x0  }
0x19: {  	s7 =	sld [smem:$0x3F91]  }
0x1a: {  	s8 =	sadd.s32 $0xFFFFE003, lr  }
0x1b: {  	s9 =	sadd.s32 $0xFFFFFEF7, lr;
	s5 =	simm.s32 $0xFFFFFFFF;
	p2 =	slt.u32 s8, $0xFFFFF086  }
0x1c: {  	p1 =	slt.u32 s9, $0xF7A;
	s5 =	simm.s32 @!p2 $0x0  }
0x1d: {  	s5 =	simm.s32 @p1 $0x1;
	p0 =	seq.s32 s7, s2  }
0x1e: {  	s7 =	smul.u32 @!p0 $0xF7A, s2;
	p2 =	seq.s32 @!p0 s5, $0x0  }
0x1f: {  	s9 =	smul.u32 $0xF7A, s1;
	s8 =	simm.s32 @!p0 $0x1BF5;
	p2 =	por !p2, p0  }
0x20: {  	[sflag:s8] =	ssyncset.s32 @!p0 $0xFFFFF086;
	s6 =	sadd.s32 @!p0 s3, s7;
	s7 =	simm.s32 @!p0 $0x108  }
0x21: {  	s3 =	sadd.s32 s3, s9;
	s6 =	sadd.s32 @!p0 $0x88, s6;
	s7 =	simm.s32 @p2 $0x1082  }
0x22: {  	[simem:s7], [sflag:s8] =	dma.local @!p0 [hbm:s6], $0xF7A  }
0x23: {  	s9 =	sor.u32 $0xD0000000, s2;
	s6 =	simm.s32 $0x108;
	_ =	swait.ge @!p0 [sflag:s8], $0x0  }
0x24: {  	s3 =	sadd.s32 $0x88, s3;
	s6 =	simm.s32 @!p1 $0x1082;
	[sflag:s4] =	ssyncset.s32 $0xFFFFF086  }
0x25: {  	[simem:s6], [sflag:s4] =	dma.local [hbm:s3], $0xF7A  }
0x26: {  	[smem:$0x3F91] =	sst s1;
	(tag) =	ssettag s2;
	_ =	strace s9  }
0x27: {  	s1 =	sld [smem:$0x3FA1]  }
0x28: {  	s2 =	sld [smem:$0x3FA2]  }
0x29: {  	s4 =	sld [smem:$0x3FA4]  }
0x2a: {  	p0 =	seq.s32 s5, $0x0;
	s5 =	sld [smem:$0x3FA5]  }
0x2b: {  	s6 =	sld [smem:$0x3FA6]  }
0x2c: {  	s7 =	sld [smem:$0x3FA7]  }
0x2d: {  	s3 =	simm.s32 $0x108;
	s8 =	sld [smem:$0x3FA8]  }
0x2e: {  	s3 =	simm.s32 @!p0 $0x1082;
	s9 =	sld [smem:$0x3FA9]  }
0x2f: {  	lr =	sadd.s32 s0, s3;
	s0 =	sld [smem:$0x3FA0]  }
0x30: {  	s3 =	sld [smem:$0x3FA3]  }
0x31: {  	[smem:$0x3FAC] =	sst s10  }
0x32: {  	s10 =	sld [smem:$0x3FAA];
	_ =	sdelay $0x3  }
0x33: {  	p0 =	seq.s32 s10, $0x1;
	s10 =	sld [smem:$0x3FAC];
	_ =	sdelay $0x3  }
0x34: {  	[smem:$0x3FAC] =	sst s10  }
0x35: {  	s10 =	sld [smem:$0x3FAB];
	_ =	sdelay $0x3  }
0x36: {  	p1 =	seq.s32 s10, $0x1;
	s10 =	sld [smem:$0x3FAC];
	_ =	sdelay $0x3  }
0x37: {  	[smem:$0x3FAC] =	sst s10  }
0x38: {  	s10 =	sld [smem:$0x3FAD]  }
0x39: {  	_ = 	snop;
	(pc) =	sbr.ind lr, $3  }
0x3a: {  	_ = 	snop  }
0x3b: {  	_ = 	snop  }
0x3c: {  	p2 =	seq.s32 s10, $0x1;
	s10 =	sld [smem:$0x3FAC]  }
0x3d: {  	_ =	shalt  }
0x3e: {  	_ =	shalt  }
0x3f: {  	_ =	shalt  }
0x40: {  	_ =	shalt  }
0x41: {  	_ =	shalt  }
0x42: {  	_ =	shalt  }
0x43: {  	_ =	shalt  }
0x44: {  	_ =	shalt  }
0x45: {  	_ =	shalt  }
0x46: {  	_ =	shalt  }
0x47: {  	_ =	shalt  }
0x48: {  	_ =	shalt  }
0x49: {  	_ =	shalt  }
0x4a: {  	_ =	shalt  }
0x4b: {  	_ =	shalt  }
0x4c: {  	_ =	shalt  }
0x4d: {  	_ =	shalt  }
0x4e: {  	_ =	shalt  }
0x4f: {  	_ =	shalt  }
0x50: {  	_ =	shalt  }
0x51: {  	_ =	shalt  }
0x52: {  	_ =	shalt  }
0x53: {  	_ =	shalt  }
0x54: {  	_ =	shalt  }
0x55: {  	_ =	shalt  }
0x56: {  	_ =	shalt  }
0x57: {  	_ =	shalt  }
0x58: {  	_ =	shalt  }
0x59: {  	_ =	shalt  }
0x5a: {  	_ =	shalt  }
0x5b: {  	_ =	shalt  }
0x5c: {  	_ =	shalt  }
0x5d: {  	_ =	shalt  }
0x5e: {  	_ =	shalt  }
0x5f: {  	_ =	shalt  }
0x60: {  	_ =	shalt  }
0x61: {  	_ =	shalt  }
0x62: {  	_ =	shalt  }
0x63: {  	_ =	shalt  }
0x64: {  	_ =	shalt  }
0x65: {  	_ =	shalt  }
0x66: {  	_ =	shalt  }
0x67: {  	_ =	shalt  }
0x68: {  	_ =	shalt  }
0x69: {  	_ =	shalt  }
0x6a: {  	_ =	shalt  }
0x6b: {  	_ =	shalt  }
0x6c: {  	_ =	shalt  }
0x6d: {  	_ =	shalt  }
0x6e: {  	_ =	shalt  }
0x6f: {  	_ =	shalt  }
0x70: {  	_ =	shalt  }
0x71: {  	_ =	shalt  }
0x72: {  	_ =	shalt  }
0x73: {  	_ =	shalt  }
0x74: {  	_ =	shalt  }
0x75: {  	_ =	shalt  }
0x76: {  	_ =	shalt  }
0x77: {  	_ =	shalt  }
0x78: {  	_ =	shalt  }
0x79: {  	_ =	shalt  }
0x7a: {  	_ =	shalt  }
0x7b: {  	_ =	shalt  }
0x7c: {  	_ =	shalt  }
0x7d: {  	_ =	shalt  }
0x7e: {  	_ =	shalt  }
0x7f: {  	_ =	shalt  }
0x80: {  	_ =	shalt  }
0x81: {  	_ =	shalt  }
0x82: {  	_ =	shalt  }
0x83: {  	_ =	shalt  }
0x84: {  	_ =	shalt  }
0x85: {  	_ =	shalt  }
0x86: {  	_ =	shalt  }
0x87: {  	_ =	shalt  }
.Lfunc_end0:
.L_simem_size_0:
called_computation.7_lowered:
.L_overlay_start_0:
0x88: {  	s2 =	sld [smem:$0x3FD9]  }
0x89: {  	s3 =	sld [smem:$0x3FFE];
	_ =	sdelay $0x1  }
0x8a: {  	s1 =	srdreg.scid  }
0x8b: {  	s0 =	sand.u32 $0x1, s1  }
0x8c: {  	s16 =	sshll.u32 s0, $0xA;
	s2 =	sadd.s32 s3, s2  }
0x8d: {  	s2 =	sadd.s32 s2, s16  }
0x8e: {  	[smem:$0x3FB8] =	sst s2  }
0x8f: {  	_ = 	snop  }
0x90: {  	(tm) =	ssettm $0x1  }
0x91: {  	s17 =	sld [smem:$0x3FFB];
	_ =	sdelay $0x3  }
0x92: {  	_ =	strace s17  }
0x93: {  	s2 =	sld [smem:$0x3FFC];
	_ =	sdelay $0x3  }
0x94: {  	_ =	strace s2  }
0x95: {  	s2 =	sld [smem:$0x3FFD];
	_ =	sdelay $0x3  }
0x96: {  	_ =	strace s2  }
0x97: {  	_ =	strace $0x8FFFFFFF  }
0x98: {  	s18 =	sld [smem:$0x3FDB];
	_ =	sdelay $0x1  }
0x99: {  	s19 =	simm.s32 $_scs_section_size  }
0x9a: {  	s4 =	simm.s32 $_size__tile_overlayer_lowered;
	s5 =	simm.s32 $_tile_overlayer_lowered  }
0x9b: {  	s22 =	simm.s32 $0x1BFF;
	s21 =	sshll.u32 s5, $0x1;
	s2 =	sadd.s32 s19, s18  }
0x9c: {  	s6 =	simm.s32 $0x0;
	s20 =	sshll.u32 s4, $0x1;
	s4 =	sadd.s32 s21, s2  }
0x9d: {  	[timem:s6], [sflag:s22] =	dma.local [hbm:s4], s20  }
0x9e: {  	_ =	swait.ge [sflag:s22], s20  }
0x9f: {  	s3 =	ssub.s32 $0x0, s20;
	[sflag:s22] =	ssyncset.done $0x0  }
0xa0: {  	[sflag:s22] =	ssyncadd.s32 s3;
	_ =	sdelay $0x1  }
0xa1: {  	s23 =	simm.s32 $0x1B8B  }
0xa2: {  	_ =	swait.ge [sflag:s23], $0x1  }
0xa3: {  	[sflag:s23] =	ssyncset.done $0x0  }
0xa4: {  	s25 =	simm.s32 $0x1B8E;
	s24 =	sld [smem:$0x3FFE];
	[sflag:s23] =	ssyncadd.s32 $0xFFFFFFFF  }
0xa5: {  	s26 =	simm.s32 $execute0_lowered;
	[smem:$0x3FD2] =	sst s25  }
0xa6: {  	s4 =	sshll.u32 s26, $0x1;
	_ =	strace $0x8000005B;
	[dreg:$0x1] =	wrdreg $0xFFFFFFFF  }
0xa7: {  	s28 =	simm.s32 $_size_execute0_lowered;
	s2 =	sadd.s32 s2, s4;
	[dreg:$0x0] =	wrdreg $0x0  }
0xa8: {  	s4 =	sshll.u32 s28, $0x1;
	[dreg:$0x2] =	wrdreg s2  }
0xa9: {  	[dreg:$0x3] =	wrdreg s4  }
0xaa: {  	[dreg:$0x4] =	wrdreg $0xC0  }
0xab: {  	_ =	task [dreg:s6], $0x5FFFF  }
0xac: {  	[dreg:$0x1] =	wrdreg $0xFFFFFFFF  }
0xad: {  	[dreg:$0x0] =	wrdreg $0x60  }
0xae: {  	[dreg:$0x2] =	wrdreg s24  }
0xaf: {  	[dreg:$0x3] =	wrdreg $0xA8000  }
0xb0: {  	[dreg:$0x4] =	wrdreg $0x9  }
0xb1: {  	_ =	task.clear_ibuf [dreg:s6], $0x5FFFF;
	_ =	strace $0x9000005B  }
0xb2: {  	s29 =	simm.s32 $0x9;
	_ =	strace $0x8000005D  }
0xb3: {  	_ =	swait.ge [sflag:s29], $0x1  }
0xb4: {  	[sflag:s29] =	ssyncadd.s32 $0xFFFFFFFF  }
0xb5: {  	_ =	strace $0x9000005D  }
0xb6: {  	_ =	sfence  }
0xb7: {  	s30 =	sld [smem:$0x0];
	_ =	sdelay $0x2  }
0xb8: {  	s31 =	sshll.u32 s1, $0xD;
	s1 =	sshrl.u32 s1, $0x2  }
0xb9: {  	s3 =	sand.u32 $0x4000, s31;
	s1 =	sadd.s32 s1, s30  }
0xba: {  	s0 =	sor.u32 s3, s0;
	s1 =	sshll.u32 s1, $0x11  }
0xbb: {  	s0 =	sor.u32 s1, s0  }
0xbc: {  	s0 =	sadd.s32 $0x8F2B, s0  }
0xbd: {  	[sflag:s0] =	ssyncadd.remote.s32 $0x1  }
0xbe: {  	_ =	sfence.sel $0xFFFF  }
0xbf: {  	[dreg:$0x0] =	wrdreg $0xFFFFFFFF;
	(pc) =	sbr.abs _section_cstart, $3  }
0xc0: {  	[dreg:$0x1] =	wrdreg $0xFFFFFFFF  }
0xc1: {  	_ =	task.clear_ibuf [dreg:s6], $0x2FFFF;
	_ =	strace $0x9FFFFFFF  }
0xc2: {  	(tm) =	ssettm $0x7FFFFFFF  }
0xc3: {  	_ =	shalt  }
tec
execute0_lowered:
.L_overlay_start_1:
0x0: {  	(tag) =	ssettag $0x1  }
0x1: {  	s5 =	rddreg [dreg:$0x0]  }
0x2: {  	s1 =	rddreg [dreg:$0x1]  }
0x3: {  	s0 =	rddreg [dreg:$0x2]  }
0x4: {  	s3 =	simm.s32 $0x0;
	s2 =	srdreg.scid;
	s16 =	simm.s32 $0x2800  }
0x5: {  	s17 =	simm.s32 $0x5;
	s18 =	simm.s32 $0x1400;
	s19 =	simm.s32 $0x80  }
0x6: {  	s20 =	simm.s32 $0x6800;
	s21 =	simm.s32 $0x1;
	s22 =	simm.s32 $0x2  }
0x7: {  	s23 =	simm.s32 $0x3;
	s24 =	simm.s32 $0x4;
	s25 =	simm.s32 $0x2700  }
0x8: {  	[smem:$0x7FF] =	sst s3;
	s6 =	sand.u32 $0x1, s2;
	s2 =	stileid.u32  }
0x9: {  	s4 =	sadd.s32 $0x84600, s5;
	s11 =	sadd.s32 $0xC600, s5;
	s7 =	smul.u32 $0x28000, s6  }
0xa: {  	s28 =	sadd.s32 $0x20600, s5;
	s8 =	smul.u32 $0x2800, s2;
	s9 =	sshll.u32 s6, $0x4  }
0xb: {  	s10 =	smul.u32 $0x50000, s2;
	s29 =	ssub.s32 $0x2, s6;
	s9 =	sor.u32 s2, s9  }
0xc: {  	_ =	strace $0x8000005C;
	s6 =	sshrl.u32 s29, $0x1;
	s26 =	smul.u32 $0x2800, s9  }
0xd: {  	s7 =	sadd.s32 s8, s7;
	s30 =	sshrl.u32 s10, $0x2;
	s13 =	ssub.s32 s29, s6  }
0xe: {  	s12 =	sadd.s32 s7, s5;
	s5 =	sadd.s32 s30, s1;
	s8 =	sshrl.u32 s26, $0x3  }
0xf: {  	s10 =	sadd.s32 $0xAC600, s12;
	s12 =	sadd.s32 $0x4000, s5;
	s14 =	sadd.s32 $0xC000, s5  }
0x10: {  	s15 =	sadd.s32 $0x10000, s5;
	s26 =	simm.s32 $0x2780;
	s31 =	sadd.s32 $0x280, s8  }
0x11: {  	s6 =	sadd.s32 s11, s8;
	s7 =	sadd.s32 s28, s8;
	s8 =	sadd.s32 s11, s31  }
0x12: {  	v0 =	vimm.f32 $0.0e+00;
	s9 =	sadd.s32 s28, s31;
	s11 =	smax.u32 s13, $0x1;
	s13 =	sadd.s32 $0x8000, s5  }
.LBB2_1:
0x13: {  	s28 =	simm.s32 $0x0;
	s29 =	simm.s32 $0x200  }
.LBB2_2:
0x14: {  	p0 =	sne.s32 s29, $0xFE00;
	[tilespmem:s28+$0x2870] =	vst v0  }
0x15: {  	[tilespmem:s28+$0x2800] =	vst v0  }
0x16: {  	[tilespmem:s28+$0x2810] =	vst v0  }
.Ltmp0:
0x17: {  	[tilespmem:s28+$0x2820] =	vst v0;
	(pc) =	sbr.rel @p0 .LBB2_2-.Ltmp0, $4  }
0x18: {  	[tilespmem:s28+$0x2830] =	vst v0  }
0x19: {  	[tilespmem:s28+$0x2840] =	vst v0  }
0x1a: {  	[tilespmem:s28+$0x2850] =	vst v0  }
0x1b: {  	[tilespmem:s28+$0x2860] =	vst v0;
	s28 =	sshra.s32 s29, $0x2;
	s29 =	sadd.s32 $0x200, s29  }
0x1c: {  	[tilespmem:s28+$0x2870] =	vst v0  }
0x1d: {  	[tilespmem:s28+$0x2800] =	vst v0  }
0x1e: {  	[tilespmem:s28+$0x2810] =	vst v0  }
0x1f: {  	[tilespmem:s28+$0x2820] =	vst v0  }
0x20: {  	[tilespmem:s28+$0x2830] =	vst v0  }
0x21: {  	[tilespmem:s28+$0x2840] =	vst v0  }
0x22: {  	[tilespmem:s28+$0x2850] =	vst v0  }
0x23: {  	[tilespmem:s28+$0x2860] =	vst v0  }
0x24: {  	[spmem:s5] =	stream.linear.scatter [tilespmem:s16], [sflag:$0x5], $0x4000, $0x38;
	[tilespmem:$0x1E800] =	vst v63  }
0x25: {  	_ =	swait.ge [sflag:s17], $0x4000  }
0x26: {  	[sflag:s17] =	ssyncset.done $0x0  }
0x27: {  	[sflag:s17] =	ssyncadd.s32 $0xFFFFC000  }
0x28: {  	[spmem:s12] =	stream.linear.scatter [tilespmem:s16], [sflag:$0x5], $0x4000, $0x38;
	[tilespmem:$0x1E800] =	vst v63  }
0x29: {  	_ =	swait.ge [sflag:s17], $0x4000  }
0x2a: {  	[sflag:s17] =	ssyncset.done $0x0  }
0x2b: {  	[sflag:s17] =	ssyncadd.s32 $0xFFFFC000  }
0x2c: {  	[spmem:s13] =	stream.linear.scatter [tilespmem:s16], [sflag:$0x5], $0x4000, $0x38;
	[tilespmem:$0x1E800] =	vst v63  }
0x2d: {  	_ =	swait.ge [sflag:s17], $0x4000  }
0x2e: {  	[sflag:s17] =	ssyncset.done $0x0  }
0x2f: {  	[sflag:s17] =	ssyncadd.s32 $0xFFFFC000  }
0x30: {  	[spmem:s14] =	stream.linear.scatter [tilespmem:s16], [sflag:$0x5], $0x4000, $0x38;
	[tilespmem:$0x1E800] =	vst v63  }
0x31: {  	_ =	swait.ge [sflag:s17], $0x4000  }
0x32: {  	[sflag:s17] =	ssyncset.done $0x0  }
0x33: {  	[sflag:s17] =	ssyncadd.s32 $0xFFFFC000  }
0x34: {  	[spmem:s15] =	stream.linear.scatter [tilespmem:s16], [sflag:$0x5], $0x4000, $0x38;
	[tilespmem:$0x1E800] =	vst v63  }
0x35: {  	_ =	swait.ge [sflag:s17], $0x4000  }
0x36: {  	[sflag:s17] =	ssyncset.done $0x0  }
0x37: {  	[sflag:s17] =	ssyncadd.s32 $0xFFFFC000  }
0x38: {  	s28 =	simm.s32 $0x0;
	[bflag:$0x0] =	sbarrier.arrive $0xFFFF  }
0x39: {  	[tilespmem:s28], [sflag:$0x5] =	stream.linear.gather [hbm4b:s6+s28], $0x1400, $0x38;
	[tilespmem:$0x1E800] =	vst v63  }
0x3a: {  	_ =	swait.ge [sflag:s17], $0x1400  }
0x3b: {  	[sflag:s17] =	ssyncset.done $0x0  }
0x3c: {  	[sflag:s17] =	ssyncadd.s32 $0xFFFFEC00  }
0x3d: {  	[tilespmem:s18], [sflag:$0x5] =	stream.linear.gather [hbm4b:s7+s28], $0x1400, $0x38;
	[tilespmem:$0x1E800] =	vst v63  }
0x3e: {  	_ =	swait.ge [sflag:s17], $0x1400  }
0x3f: {  	[sflag:s17] =	ssyncset.done $0x0  }
0x40: {  	[sflag:s17] =	ssyncadd.s32 $0xFFFFEC00  }
0x41: {  	[tilespmem:s16], [sflag:$0x1] =	stream.indirect.gather [hbm4b:s4+s19], $0x80, s28, s19, $0xb8;
	[tilespmem:$0x1E800] =	vst v63  }
0x42: {  	_ = 	snop  }
0x43: {  	[tilespmem:s20], [sflag:$0x2] =	stream.indirect.gather [hbm4b:s4+s19], $0x80, s19, s19, $0xb8;
	[tilespmem:$0x1E800] =	vst v63  }
0x44: {  	_ =	swait.ge [sflag:s21], $0x4000  }
0x45: {  	[sflag:s21] =	ssyncset.done $0x0  }
0x46: {  	s28 =	simm.s32 $0x1400;
	[sflag:s21] =	ssyncadd.s32 $0xFFFFC000  }
0x47: {  	[spmem:s1] =	stream.indirect.scatter.add.f32 [tilespmem:s16], [sflag:$0x3], $0x80, s28, s19, $0xb8;
	[tilespmem:$0x1E800] =	vst v63  }
0x48: {  	_ =	swait.ge [sflag:s22], $0x4000  }
0x49: {  	[sflag:s22] =	ssyncset.done $0x0  }
0x4a: {  	s28 =	simm.s32 $0x1480;
	[sflag:s22] =	ssyncadd.s32 $0xFFFFC000  }
0x4b: {  	[spmem:s1] =	stream.indirect.scatter.add.f32 [tilespmem:s20], [sflag:$0x4], $0x80, s28, s19, $0xb8;
	[tilespmem:$0x1E800] =	vst v63  }
0x4c: {  	_ =	swait.ge [sflag:s23], $0x4000  }
0x4d: {  	[sflag:s23] =	ssyncset.done $0x0  }
0x4e: {  	s28 =	simm.s32 $0x100;
	[sflag:s23] =	ssyncadd.s32 $0xFFFFC000  }
0x4f: {  	[tilespmem:s16], [sflag:$0x1] =	stream.indirect.gather [hbm4b:s4+s19], $0x80, s28, s19, $0xb8;
	[tilespmem:$0x1E800] =	vst v63  }
0x50: {  	_ =	swait.ge [sflag:s24], $0x4000  }
0x51: {  	[sflag:s24] =	ssyncset.done $0x0  }
0x52: {  	s29 =	simm.s32 $0x180;
	s28 =	simm.s32 $0x400;
	[sflag:s24] =	ssyncadd.s32 $0xFFFFC000  }
.LBB2_4:
0x53: {  	[tilespmem:s20], [sflag:$0x2] =	stream.indirect.gather [hbm4b:s4+s19], $0x80, s29, s19, $0xb8;
	[tilespmem:$0x1E800] =	vst v63  }
0x54: {  	s29 =	smov.u32 s28  }
0x55: {  	p0 =	sne.s32 s28, $0x4800;
	s28 =	sadd.s32 $0x400, s28;
	_ =	swait.ge [sflag:s21], $0x4000  }
0x56: {  	s29 =	sshra.s32 s29, $0x2;
	[sflag:s21] =	ssyncset.done $0x0  }
0x57: {  	s30 =	sadd.s32 $0x1400, s29;
	[sflag:s21] =	ssyncadd.s32 $0xFFFFC000  }
0x58: {  	[spmem:s1] =	stream.indirect.scatter.add.f32 [tilespmem:s16], [sflag:$0x3], $0x80, s30, s19, $0xb8;
	[tilespmem:$0x1E800] =	vst v63  }
0x59: {  	_ =	swait.ge [sflag:s22], $0x4000  }
0x5a: {  	[sflag:s22] =	ssyncset.done $0x0  }
0x5b: {  	s30 =	sadd.s32 $0x1480, s29;
	[sflag:s22] =	ssyncadd.s32 $0xFFFFC000  }
0x5c: {  	[spmem:s1] =	stream.indirect.scatter.add.f32 [tilespmem:s20], [sflag:$0x4], $0x80, s30, s19, $0xb8;
	[tilespmem:$0x1E800] =	vst v63  }
0x5d: {  	_ =	swait.ge [sflag:s23], $0x4000  }
0x5e: {  	[sflag:s23] =	ssyncset.done $0x0  }
.Ltmp1:
0x5f: {  	s30 =	sadd.s32 $0x100, s29;
	[sflag:s23] =	ssyncadd.s32 $0xFFFFC000;
	(pc) =	sbr.rel @p0 .LBB2_4-.Ltmp1, $4  }
0x60: {  	[tilespmem:s16], [sflag:$0x1] =	stream.indirect.gather [hbm4b:s4+s19], $0x80, s30, s19, $0xb8;
	[tilespmem:$0x1E800] =	vst v63  }
0x61: {  	_ =	swait.ge [sflag:s24], $0x4000  }
0x62: {  	[sflag:s24] =	ssyncset.done $0x0  }
0x63: {  	s29 =	sadd.s32 $0x180, s29;
	[sflag:s24] =	ssyncadd.s32 $0xFFFFC000  }
0x64: {  	[tilespmem:s20], [sflag:$0x2] =	stream.indirect.gather [hbm4b:s4+s19], $0x80, s29, s19, $0xb8;
	[tilespmem:$0x1E800] =	vst v63  }
0x65: {  	_ =	swait.ge [sflag:s21], $0x4000  }
0x66: {  	[sflag:s21] =	ssyncset.done $0x0  }
0x67: {  	[sflag:s21] =	ssyncadd.s32 $0xFFFFC000  }
0x68: {  	[spmem:s1] =	stream.indirect.scatter.add.f32 [tilespmem:s16], [sflag:$0x3], $0x80, s25, s19, $0xb8;
	[tilespmem:$0x1E800] =	vst v63  }
0x69: {  	_ =	swait.ge [sflag:s22], $0x4000  }
0x6a: {  	[sflag:s22] =	ssyncset.done $0x0  }
0x6b: {  	[sflag:s22] =	ssyncadd.s32 $0xFFFFC000  }
0x6c: {  	[spmem:s1] =	stream.indirect.scatter.add.f32 [tilespmem:s20], [sflag:$0x4], $0x80, s26, s19, $0xb8;
	[tilespmem:$0x1E800] =	vst v63  }
0x6d: {  	_ =	swait.ge [sflag:s23], $0x4000  }
0x6e: {  	[sflag:s23] =	ssyncset.done $0x0  }
0x6f: {  	[sflag:s23] =	ssyncadd.s32 $0xFFFFC000  }
0x70: {  	_ =	swait.ge [sflag:s24], $0x4000  }
0x71: {  	[sflag:s24] =	ssyncset.done $0x0  }
0x72: {  	s28 =	simm.s32 $0x0;
	[sflag:s24] =	ssyncadd.s32 $0xFFFFC000  }
0x73: {  	[tilespmem:s28], [sflag:$0x5] =	stream.linear.gather [hbm4b:s8+s28], $0x1400, $0x38;
	[tilespmem:$0x1E800] =	vst v63  }
0x74: {  	_ =	swait.ge [sflag:s17], $0x1400  }
0x75: {  	[sflag:s17] =	ssyncset.done $0x0  }
0x76: {  	[sflag:s17] =	ssyncadd.s32 $0xFFFFEC00  }
0x77: {  	[tilespmem:s18], [sflag:$0x5] =	stream.linear.gather [hbm4b:s9+s28], $0x1400, $0x38;
	[tilespmem:$0x1E800] =	vst v63  }
0x78: {  	_ =	swait.ge [sflag:s17], $0x1400  }
0x79: {  	[sflag:s17] =	ssyncset.done $0x0  }
0x7a: {  	[sflag:s17] =	ssyncadd.s32 $0xFFFFEC00  }
0x7b: {  	[tilespmem:s16], [sflag:$0x1] =	stream.indirect.gather [hbm4b:s4+s19], $0x80, s28, s19, $0xb8;
	[tilespmem:$0x1E800] =	vst v63  }
0x7c: {  	_ = 	snop  }
0x7d: {  	[tilespmem:s20], [sflag:$0x2] =	stream.indirect.gather [hbm4b:s4+s19], $0x80, s19, s19, $0xb8;
	[tilespmem:$0x1E800] =	vst v63  }
0x7e: {  	_ =	swait.ge [sflag:s21], $0x4000  }
0x7f: {  	[sflag:s21] =	ssyncset.done $0x0  }
0x80: {  	s28 =	simm.s32 $0x1400;
	[sflag:s21] =	ssyncadd.s32 $0xFFFFC000  }
0x81: {  	[spmem:s1] =	stream.indirect.scatter.add.f32 [tilespmem:s16], [sflag:$0x3], $0x80, s28, s19, $0xb8;
	[tilespmem:$0x1E800] =	vst v63  }
0x82: {  	_ =	swait.ge [sflag:s22], $0x4000  }
0x83: {  	[sflag:s22] =	ssyncset.done $0x0  }
0x84: {  	s28 =	simm.s32 $0x1480;
	[sflag:s22] =	ssyncadd.s32 $0xFFFFC000  }
0x85: {  	[spmem:s1] =	stream.indirect.scatter.add.f32 [tilespmem:s20], [sflag:$0x4], $0x80, s28, s19, $0xb8;
	[tilespmem:$0x1E800] =	vst v63  }
0x86: {  	_ =	swait.ge [sflag:s23], $0x4000  }
0x87: {  	[sflag:s23] =	ssyncset.done $0x0  }
0x88: {  	s28 =	simm.s32 $0x100;
	[sflag:s23] =	ssyncadd.s32 $0xFFFFC000  }
0x89: {  	[tilespmem:s16], [sflag:$0x1] =	stream.indirect.gather [hbm4b:s4+s19], $0x80, s28, s19, $0xb8;
	[tilespmem:$0x1E800] =	vst v63  }
0x8a: {  	_ =	swait.ge [sflag:s24], $0x4000  }
0x8b: {  	[sflag:s24] =	ssyncset.done $0x0  }
0x8c: {  	s29 =	simm.s32 $0x180;
	s28 =	simm.s32 $0x400;
	[sflag:s24] =	ssyncadd.s32 $0xFFFFC000  }
.LBB2_6:
0x8d: {  	[tilespmem:s20], [sflag:$0x2] =	stream.indirect.gather [hbm4b:s4+s19], $0x80, s29, s19, $0xb8;
	[tilespmem:$0x1E800] =	vst v63  }
0x8e: {  	s29 =	smov.u32 s28  }
0x8f: {  	p0 =	sne.s32 s28, $0x4800;
	s28 =	sadd.s32 $0x400, s28;
	_ =	swait.ge [sflag:s21], $0x4000  }
0x90: {  	s29 =	sshra.s32 s29, $0x2;
	[sflag:s21] =	ssyncset.done $0x0  }
0x91: {  	s30 =	sadd.s32 $0x1400, s29;
	[sflag:s21] =	ssyncadd.s32 $0xFFFFC000  }
0x92: {  	[spmem:s1] =	stream.indirect.scatter.add.f32 [tilespmem:s16], [sflag:$0x3], $0x80, s30, s19, $0xb8;
	[tilespmem:$0x1E800] =	vst v63  }
0x93: {  	_ =	swait.ge [sflag:s22], $0x4000  }
0x94: {  	[sflag:s22] =	ssyncset.done $0x0  }
0x95: {  	s30 =	sadd.s32 $0x1480, s29;
	[sflag:s22] =	ssyncadd.s32 $0xFFFFC000  }
0x96: {  	[spmem:s1] =	stream.indirect.scatter.add.f32 [tilespmem:s20], [sflag:$0x4], $0x80, s30, s19, $0xb8;
	[tilespmem:$0x1E800] =	vst v63  }
0x97: {  	_ =	swait.ge [sflag:s23], $0x4000  }
0x98: {  	[sflag:s23] =	ssyncset.done $0x0  }
.Ltmp2:
0x99: {  	s30 =	sadd.s32 $0x100, s29;
	[sflag:s23] =	ssyncadd.s32 $0xFFFFC000;
	(pc) =	sbr.rel @p0 .LBB2_6-.Ltmp2, $4  }
0x9a: {  	[tilespmem:s16], [sflag:$0x1] =	stream.indirect.gather [hbm4b:s4+s19], $0x80, s30, s19, $0xb8;
	[tilespmem:$0x1E800] =	vst v63  }
0x9b: {  	_ =	swait.ge [sflag:s24], $0x4000  }
0x9c: {  	[sflag:s24] =	ssyncset.done $0x0  }
0x9d: {  	s29 =	sadd.s32 $0x180, s29;
	[sflag:s24] =	ssyncadd.s32 $0xFFFFC000  }
0x9e: {  	[tilespmem:s20], [sflag:$0x2] =	stream.indirect.gather [hbm4b:s4+s19], $0x80, s29, s19, $0xb8;
	[tilespmem:$0x1E800] =	vst v63  }
0x9f: {  	_ =	swait.ge [sflag:s21], $0x4000  }
0xa0: {  	[sflag:s21] =	ssyncset.done $0x0  }
0xa1: {  	[sflag:s21] =	ssyncadd.s32 $0xFFFFC000  }
0xa2: {  	[spmem:s1] =	stream.indirect.scatter.add.f32 [tilespmem:s16], [sflag:$0x3], $0x80, s25, s19, $0xb8;
	[tilespmem:$0x1E800] =	vst v63  }
0xa3: {  	_ =	swait.ge [sflag:s22], $0x4000  }
0xa4: {  	[sflag:s22] =	ssyncset.done $0x0  }
0xa5: {  	[sflag:s22] =	ssyncadd.s32 $0xFFFFC000  }
0xa6: {  	[spmem:s1] =	stream.indirect.scatter.add.f32 [tilespmem:s20], [sflag:$0x4], $0x80, s26, s19, $0xb8;
	[tilespmem:$0x1E800] =	vst v63  }
0xa7: {  	_ =	swait.ge [sflag:s23], $0x4000  }
0xa8: {  	[sflag:s23] =	ssyncset.done $0x0  }
0xa9: {  	[sflag:s23] =	ssyncadd.s32 $0xFFFFC000  }
0xaa: {  	_ =	swait.ge [sflag:s24], $0x4000  }
0xab: {  	s28 =	sshll.u32 s2, $0x6;
	s3 =	sadd.s32 $0x1, s3;
	[sflag:s24] =	ssyncset.done $0x0  }
0xac: {  	s31 =	sshrl.u32 s5, $0x3;
	p0 =	sne.s32 s3, s11;
	[sflag:s24] =	ssyncadd.s32 $0xFFFFC000  }
.Ltmp3:
0xad: {  	s28 =	sor.u32 $0x1C05, s28;
	[bflag:$0x0] =	sbarrier.arrive $0xFFFF;
	(pc) =	sbr.rel @p0 .LBB2_1-.Ltmp3, $4  }
0xae: {  	[hbm:s10], [sflag:s28] =	dma.local [spmem:s31], $0x2800  }
0xaf: {  	_ =	swait.ge [sflag:s17], $0x2800  }
0xb0: {  	[sflag:s17] =	ssyncset.done $0x0  }
0xb1: {  	[sflag:s17] =	ssyncadd.s32 $0xFFFFD800  }
0xb2: {  	_ =	sfence.sel $0x180000  }
0xb3: {  	[bflag:$0x0] =	sbarrier.arrive $0xFFFF  }
0xb4: {  	p0 =	sne.s32 s2, $0x0;
	_ =	strace $0x9000005C  }
0xb5: {  	s0 =	sadd.s32 @!p0 $0x100000, s0;
	[bflag:$0x2] =	sbarrier.arrive $0xFFFF  }
0xb6: {  	[sflag:s0] =	ssyncadd.tile.s32 @!p0 $0x1;
	_ =	shalt  }
.Lfunc_end2:
_tile_overlayer_lowered:
.L_overlay_start_2:
0xb7: {  	(tag) =	ssettag $0x2  }
0xb8: {  	s0 =	rddreg [dreg:$0x0];
	s2 =	stileid.u32  }
0xb9: {  	s1 =	rddreg [dreg:$0x1];
	p0 =	sne.s32 s2, $0x0  }
0xba: {  	s3 =	rddreg [dreg:$0x2];
	[bflag:$0x3] =	sbarrier.arrive $0xFFFF;
	s2 =	simm.s32 @!p0 $0x1C05  }
0xbb: {  	[timem:s3], [sflag:s2] =	dma.local @!p0 [hbm:s0], s1  }
0xbc: {  	s0 =	simm.s32 @!p0 $0x5  }
0xbd: {  	_ =	swait.ge @!p0 [sflag:s0], s1  }
0xbe: {  	s1 =	ssub.s32 @!p0 $0x0, s1;
	[sflag:s0] =	ssyncset.done @!p0 $0x0  }
0xbf: {  	[sflag:s0] =	ssyncadd.s32 @!p0 s1  }
0xc0: {  	[bflag:$0x3] =	sbarrier.arrive $0xFFFF  }
0xc1: {  	_ =	shalt  }

</sc_bundles>
